<compile_context>
chip_gen: v7x
topology: tpu7x:2x2x1
jax: 0.10.2.dev20260603
libtpu: 0.0.44.dev20260713+nightly
codegen_flags: <defaults>
</compile_context>

<pallas_src>
import functools

import jax
import jax.numpy as jnp
from jax import lax
from jax.experimental import pallas as pl
from jax.experimental.pallas import tpu as pltpu
from jax.experimental.pallas import tpu_sc as plsc

NU = 50000
NI = 50000
NN = NU + NI
NNP = 100096
P = NNP // 8
EDG = 1600000
K = 32
KH = 16
NL = 3

NC = 2
NS = 16

CH = 800
PER_TEC = EDG // NS
N_CH = PER_TEC // CH
ROWS_PER_TEC = NNP // NS

CH_D = 1000
PER_TEC_D = EDG // (NC * NS)
N_CH_D = PER_TEC_D // CH_D

_mesh = plsc.VectorSubcoreMesh(core_axis_name="c", subcore_axis_name="s")


@functools.partial(
    pl.kernel,
    out_type=jax.ShapeDtypeStruct((NC, NNP, KH), jnp.float32),
    mesh=_mesh,
    scratch_types=[
        pltpu.VMEM((3, CH), jnp.int32),
        pltpu.VMEM((3, CH), jnp.int32),
        pltpu.VMEM((2, CH, KH), jnp.float32),
        pltpu.VMEM_SHARED((NNP, KH), jnp.float32),
        pltpu.SemaphoreType.DMA,
        pltpu.SemaphoreType.DMA((2,)),
        pltpu.SemaphoreType.DMA,
    ],
    compiler_params=pltpu.CompilerParams(use_tc_tiling_on_sc=False),
)
def _sc_spmm(xcat, coli, rowi, out, colv, rowv, gat, acc, semi, semg, sems):
    c = lax.axis_index("c")
    s = lax.axis_index("s")
    slab = pl.ds(s * ROWS_PER_TEC, ROWS_PER_TEC)

    def fill_zero(j, carry):
        gat[0, j, :] = jnp.zeros((16,), jnp.float32)
        return carry

    lax.fori_loop(0, CH, fill_zero, 0)
    for r in range(7):
        pltpu.sync_copy(
            gat.at[0],
            acc.at[pl.ds(s * ROWS_PER_TEC + r * CH, CH)])
    pltpu.sync_copy(
        gat.at[0, pl.ds(0, 656)],
        acc.at[pl.ds(s * ROWS_PER_TEC + 7 * CH, 656)])
    plsc.subcore_barrier()

    base0 = s * PER_TEC

    def start_idx(g, b):
        pltpu.async_copy(coli.at[pl.ds(base0 + g * CH, CH)], colv.at[b], semi)
        pltpu.async_copy(rowi.at[pl.ds(base0 + g * CH, CH)], rowv.at[b], semi)

    def wait_idx(b):
        pltpu.make_async_copy(coli.at[pl.ds(base0, CH)], colv.at[b], semi).wait()
        pltpu.make_async_copy(rowi.at[pl.ds(base0, CH)], rowv.at[b], semi).wait()

    def start_gather(b3, b2):
        pltpu.async_copy(xcat.at[c].at[colv.at[b3]], gat.at[b2], semg.at[b2])

    def wait_gather(b3, b2):
        pltpu.make_async_copy(xcat.at[c].at[colv.at[b3]], gat.at[b2],
                              semg.at[b2]).wait()

    def start_scatter(b2, b3):
        pltpu.async_copy(gat.at[b2], acc.at[rowv.at[b3]], sems, add=True)

    def wait_scatter(b2, b3):
        pltpu.make_async_copy(gat.at[b2], acc.at[rowv.at[b3]], sems).wait()

    start_idx(0, 0)
    wait_idx(0)
    start_idx(1, 1)
    start_gather(0, 0)

    def body(g, carry):
        pg = lax.rem(g, 2)
        qg = 1 - pg
        b0 = lax.rem(g, 3)
        b1 = lax.rem(g + 1, 3)
        b2 = lax.rem(g + 2, 3)

        @pl.when(g >= 1)
        def _():
            wait_scatter(qg, b2)

        @pl.when(g + 1 < N_CH)
        def _():
            wait_idx(b1)
            start_gather(b1, qg)

        wait_gather(b0, pg)
        start_scatter(pg, b0)

        @pl.when(g + 2 < N_CH)
        def _():
            start_idx(g + 2, b2)

        return carry

    lax.fori_loop(0, N_CH, body, 0)
    wait_scatter(lax.rem(N_CH - 1, 2), lax.rem(N_CH - 1, 3))
    plsc.subcore_barrier()
    pltpu.sync_copy(acc.at[slab], out.at[c, slab])


@functools.partial(
    pl.kernel,
    out_type=jax.ShapeDtypeStruct((NC, NNP, KH), jnp.float32),
    mesh=_mesh,
    scratch_types=[
        pltpu.VMEM((4, CH_D), jnp.int32),
        pltpu.VMEM((CH_D, KH), jnp.float32),
        pltpu.VMEM_SHARED((NNP, KH), jnp.float32),
        pltpu.SemaphoreType.DMA,
        pltpu.SemaphoreType.DMA((2,)),
    ],
    compiler_params=pltpu.CompilerParams(use_tc_tiling_on_sc=False),
)
def _sc_deg(rowi, out, rowv, onev, acc, semi, sems):
    c = lax.axis_index("c")
    s = lax.axis_index("s")
    slab = pl.ds(s * ROWS_PER_TEC, ROWS_PER_TEC)

    def fill(j, val):
        onev[j, :] = jnp.full((16,), val, jnp.float32)
        return val

    lax.fori_loop(0, CH_D, lambda j, v: fill(j, 0.0), 0.0)
    for r in range(6):
        pltpu.sync_copy(
            onev, acc.at[pl.ds(s * ROWS_PER_TEC + r * CH_D, CH_D)])
    pltpu.sync_copy(
        onev.at[pl.ds(0, 256)],
        acc.at[pl.ds(s * ROWS_PER_TEC + 6 * CH_D, 256)])
    lax.fori_loop(0, CH_D, lambda j, v: fill(j, 1.0), 1.0)
    plsc.subcore_barrier()

    base0 = (c * NS + s) * PER_TEC_D

    def start_idx(g, b):
        pltpu.async_copy(rowi.at[pl.ds(base0 + g * CH_D, CH_D)],
                         rowv.at[b], semi)

    def wait_idx(b):
        pltpu.make_async_copy(rowi.at[pl.ds(base0, CH_D)],
                              rowv.at[b], semi).wait()

    def start_scatter(b, p):
        pltpu.async_copy(onev, acc.at[rowv.at[b]], sems.at[p], add=True)

    def wait_scatter(b, p):
        pltpu.make_async_copy(onev, acc.at[rowv.at[b]], sems.at[p]).wait()

    start_idx(0, 0)
    start_idx(1, 1)

    def body(g, carry):
        p = lax.rem(g, 2)
        b0 = lax.rem(g, 4)
        b2 = lax.rem(g + 2, 4)

        @pl.when(g >= 2)
        def _():
            wait_scatter(b2, p)

        wait_idx(b0)
        start_scatter(b0, p)

        @pl.when(g + 2 < N_CH_D)
        def _():
            start_idx(g + 2, b2)

        return carry

    lax.fori_loop(0, N_CH_D, body, 0)
    wait_scatter(lax.rem(N_CH_D - 2, 4), lax.rem(N_CH_D - 2, 2))
    wait_scatter(lax.rem(N_CH_D - 1, 4), lax.rem(N_CH_D - 1, 2))
    plsc.subcore_barrier()
    pltpu.sync_copy(acc.at[slab], out.at[c, slab])


BLK_P = 3128
GRID = P // BLK_P


def _tc_body(xh, agg, degp, bd, out):
    invd = 1.0 / (degp[0] + degp[1] + 1e-7)
    hl = 2.0 * xh[0] - agg[0] * invd
    hr = 2.0 * xh[1] - agg[1] * invd
    yl = jax.nn.sigmoid(
        jnp.dot(hl, bd[0, 0], preferred_element_type=jnp.float32)
        + jnp.dot(hr, bd[1, 0], preferred_element_type=jnp.float32))
    yr = jax.nn.sigmoid(
        jnp.dot(hl, bd[0, 1], preferred_element_type=jnp.float32)
        + jnp.dot(hr, bd[1, 1], preferred_element_type=jnp.float32))
    out[0] = yl
    out[1] = yr


def _tc_dense(xh, agg, degp, bd):
    spec3 = pl.BlockSpec((NC, BLK_P, 128), lambda i: (0, i, 0))
    return pl.pallas_call(
        _tc_body,
        out_shape=jax.ShapeDtypeStruct((NC, P, 128), jnp.float32),
        grid=(GRID,),
        in_specs=[spec3, spec3, spec3,
                  pl.BlockSpec((2, 2, 128, 128), lambda i: (0, 0, 0, 0))],
        out_specs=spec3,
    )(xh, agg, degp, bd)


def kernel(Gu, Gi, filters, edge_index):
    rowi = edge_index[0]
    coli = edge_index[1]
    x0 = jnp.concatenate(
        [Gu, Gi, jnp.zeros((NNP - NN, K), jnp.float32)], axis=0)
    yp = jnp.stack([x0[:, :KH].reshape(P, 128),
                    x0[:, KH:].reshape(P, 128)])

    eye8 = jnp.eye(8, dtype=jnp.float32)
    bds = jnp.stack([
        jnp.stack([
            jnp.stack([jnp.kron(eye8, filters[k][:KH, :KH]),
                       jnp.kron(eye8, filters[k][:KH, KH:])]),
            jnp.stack([jnp.kron(eye8, filters[k][KH:, :KH]),
                       jnp.kron(eye8, filters[k][KH:, KH:])]),
        ]) for k in range(NL)])

    degp = _sc_deg(rowi).reshape(NC, P, 128)

    pieces = [yp]
    for k in range(NL):
        agg = _sc_spmm(yp.reshape(NC, NNP, KH), coli,
                       rowi).reshape(NC, P, 128)
        yp = _tc_dense(yp, agg, degp, bds[k])
        pieces.append(yp)

    emb = jnp.concatenate(
        [p[h].reshape(NNP, KH) for p in pieces for h in (0, 1)], axis=1)
    return emb[:NU], emb[NU:NN]

# --- scband reference (transcript-rebuilt; emitter-appended) ---
"""Pipeline reference for scband-spectral-cfmodel-6287832122036 (READ-ONLY COPY).

The authoritative reference and input builder live on the scoring server;
editing this copy changes nothing except your own understanding.
"""

import jax, jax.numpy as jnp
import numpy as np

NUM_USERS = 50000
NUM_ITEMS = 50000
N = NUM_USERS + NUM_ITEMS
E = 1600000
EMBED_K = 32
N_LAYERS = 3


def setup_inputs(seed: int = 0) -> dict:
    key = jax.random.key(seed)
    k1, k2, k3, k4 = jax.random.split(key, 4)
    # graph structure (CONSTANT int input): adjacency in COO form, values implicitly 1.0
    edge_index = jax.random.randint(k1, (2, E), 0, N, dtype=jnp.int32)
    # learned parameters, sized per init_kwargs
    lim_u = float(np.sqrt(6.0 / (NUM_USERS + EMBED_K)))
    lim_i = float(np.sqrt(6.0 / (NUM_ITEMS + EMBED_K)))
    Gu = jax.random.uniform(k2, (NUM_USERS, EMBED_K), jnp.float32, -lim_u, lim_u)
    Gi = jax.random.uniform(k3, (NUM_ITEMS, EMBED_K), jnp.float32, -lim_i, lim_i)
    filters = 0.01 + 0.02 * jax.random.normal(k4, (N_LAYERS, EMBED_K, EMBED_K), jnp.float32)
    return {"Gu": Gu, "Gi": Gi, "filters": filters, "edge_index": edge_index}


def reference(Gu, Gi, filters, edge_index):
    row = edge_index[0]
    col = edge_index[1]
    vals = jnp.ones((edge_index.shape[1],), jnp.float32)
    # row-normalized adjacency A_tilde = D^{-1} A
    deg = jax.ops.segment_sum(vals, row, num_segments=N) + 1e-07
    a_vals = vals / deg[row]
    # A_hat = I + L = I + (I - A_tilde) = 2I - A_tilde
    x = jnp.concatenate([Gu, Gi], axis=0)
    embeddings_list = [x]
    for k in range(N_LAYERS):
        # sparse.mm(A_hat, x) = 2*x - A_tilde @ x  via gather + scatter-add
        msg = a_vals[:, None] * jnp.take(x, col, axis=0)
        agg = jax.ops.segment_sum(msg, row, num_segments=N)
        x = 2.0 * x - agg
        x = jax.nn.sigmoid(x @ filters[k])
        embeddings_list.append(x)
    new_embeddings = jnp.concatenate(embeddings_list, axis=1)
    user_all_embeddings = new_embeddings[:NUM_USERS]
    item_all_embeddings = new_embeddings[NUM_USERS:]
    return (user_all_embeddings, item_all_embeddings)

if __name__ == "__main__":
    import jax
    _d = setup_inputs()
    print(jax.jit(kernel)(*tuple(_d.values())))

</pallas_src>

<mosaic_0001>
#map = affine_map<(d0, d1) -> (0, 0, 0)>
#map1 = affine_map<(d0, d1) -> (0)>
module attributes {stable_mosaic.version = 14 : i64} {
  func.func @_sc_spmm(%arg0: i32, %arg1: i32, %arg2: memref<2x100096x16xf32, #tpu.memory_space<hbm>>, %arg3: memref<1600000xi32, #tpu.memory_space<hbm>>, %arg4: memref<1600000xi32, #tpu.memory_space<hbm>>, %arg5: memref<2x100096x16xf32, #tpu.memory_space<hbm>>, %arg6: memref<3x800xi32, #tpu.memory_space<vmem>>, %arg7: memref<3x800xi32, #tpu.memory_space<vmem>>, %arg8: memref<2x800x16xf32, #tpu.memory_space<vmem>>, %arg9: memref<100096x16xf32, #tpu.memory_space<vmem_shared>>, %arg10: memref<!tpu.dma_semaphore, #tpu.memory_space<semaphore_mem>>, %arg11: memref<2x!tpu.dma_semaphore, #tpu.memory_space<semaphore_mem>>, %arg12: memref<!tpu.dma_semaphore, #tpu.memory_space<semaphore_mem>>) attributes {dimension_semantics = [#tpu.dimension_semantics<core_parallel>, #tpu.dimension_semantics<subcore_parallel>], iteration_bounds = array<i64: 2, 16>, scalar_prefetch = 0 : i64, scratch_operands = 7 : i64, tpu.core_type = #tpu.core_type<sc_vector_subcore>, window_params = [{transform_indices = #map}, {transform_indices = #map1}, {transform_indices = #map1}, {transform_indices = #map}]} {
    %mul3A = arith.constant 6256 : i32
    %mul3A_0 = arith.muli %arg1, %mul3A : i32
    %scan3A = arith.constant 0 : i32
    %scan3A_1 = arith.constant 0 : i32
    %scan3A_2 = arith.constant 800 : i32
    %scan3A_3 = arith.addi %scan3A_1, %scan3A_2 : i32
    %scan3A_4 = arith.constant 1 : i32
    scf.for %scan3A_147 = %scan3A_1 to %scan3A_3 step %scan3A_4  : i32 {
      %broadcast_in_dim3A = arith.constant 0.000000e+00 : f32
      %broadcast_in_dim3A_148 = vector.broadcast %broadcast_in_dim3A : f32 to vector<16xf32>
      %swap3A = arith.constant 0 : i32
      %swap3A_149 = arith.index_cast %swap3A : i32 to index
      %swap3A_150 = arith.index_cast %scan3A_147 : i32 to index
      %swap3A_151 = arith.constant 0 : index
      %swap3A_152 = tpu.vector_load %arg8[%swap3A_149, %swap3A_150, %swap3A_151] {strides = array<i32>} : memref<2x800x16xf32, #tpu.memory_space<vmem>>, vector<1x1x16xf32>,
      %swap3A_153 = vector.shape_cast %swap3A_152 : vector<1x1x16xf32> to vector<16xf32>
      %swap3A_154 = vector.shape_cast %broadcast_in_dim3A_148 : vector<16xf32> to vector<1x1x16xf32>
      tpu.vector_store %arg8[%swap3A_149, %swap3A_150, %swap3A_151], %swap3A_154 {strides = array<i32>} : memref<2x800x16xf32, #tpu.memory_space<vmem>>, vector<1x1x16xf32>,
    }
    %scan3A_5 = arith.constant 800 : i32
    %mul3A_6 = arith.constant 6256 : i32
    %mul3A_7 = arith.muli %arg1, %mul3A_6 : i32
    %add3A = arith.constant 0 : i32
    %add3A_8 = arith.addi %mul3A_7, %add3A : i32
    %run_scoped3A = arith.constant 0 : i32
    "tpu.region"() ({
      %run_scoped3A_147 = tpu.sem_alloc : memref<!tpu.dma_semaphore, #tpu.memory_space<semaphore_mem>>
      %dma_start3A_148 = arith.constant 0 : i32
      %dma_start3A_149 = arith.constant 0 : i32
      %dma_start3A_150 = tpu.memref_slice %arg8[%run_scoped3A, %dma_start3A_148, %dma_start3A_149] : memref<2x800x16xf32, #tpu.memory_space<vmem>> -> memref<1x800x16xf32, #tpu.memory_space<vmem>>
      %dma_start3A_151 = tpu.memref_squeeze %dma_start3A_150 : memref<1x800x16xf32, #tpu.memory_space<vmem>> -> memref<800x16xf32, #tpu.memory_space<vmem>>
      %dma_start3A_152 = arith.constant 0 : i32
      %dma_start3A_153 = tpu.memref_slice %arg9[%add3A_8, %dma_start3A_152] : memref<100096x16xf32, #tpu.memory_space<vmem_shared>> -> memref<800x16xf32, #tpu.memory_space<vmem_shared>>
      %dma_start3A_154 = arith.constant 0 : i32
      %dma_start3A_155 = tpu.memref_slice %arg9[%add3A_8, %dma_start3A_154] : memref<100096x16xf32, #tpu.memory_space<vmem_shared>> -> memref<800x16xf32, #tpu.memory_space<vmem_shared>>
      %dma_start3A_156 = arith.constant 0 : i32
      %dma_start3A_157 = arith.constant 0 : i32
      %dma_start3A_158 = tpu.memref_slice %arg8[%run_scoped3A, %dma_start3A_156, %dma_start3A_157] : memref<2x800x16xf32, #tpu.memory_space<vmem>> -> memref<1x800x16xf32, #tpu.memory_space<vmem>>
      %dma_start3A_159 = tpu.memref_squeeze %dma_start3A_158 : memref<1x800x16xf32, #tpu.memory_space<vmem>> -> memref<800x16xf32, #tpu.memory_space<vmem>>
      tpu.enqueue_dma source(%dma_start3A_159 : memref<800x16xf32, #tpu.memory_space<vmem>>) target(%dma_start3A_155 : memref<800x16xf32, #tpu.memory_space<vmem_shared>>) target_semaphore(%run_scoped3A_147 : memref<!tpu.dma_semaphore, #tpu.memory_space<semaphore_mem>>)
      %dma_wait3A_160 = arith.constant 0 : i32
      %dma_wait3A_161 = arith.constant 0 : i32
      %dma_wait3A_162 = tpu.memref_slice %arg8[%run_scoped3A, %dma_wait3A_160, %dma_wait3A_161] : memref<2x800x16xf32, #tpu.memory_space<vmem>> -> memref<1x800x16xf32, #tpu.memory_space<vmem>>
      %dma_wait3A_163 = tpu.memref_squeeze %dma_wait3A_162 : memref<1x800x16xf32, #tpu.memory_space<vmem>> -> memref<800x16xf32, #tpu.memory_space<vmem>>
      %dma_wait3A_164 = arith.constant 0 : i32
      %dma_wait3A_165 = tpu.memref_slice %arg9[%add3A_8, %dma_wait3A_164] : memref<100096x16xf32, #tpu.memory_space<vmem_shared>> -> memref<800x16xf32, #tpu.memory_space<vmem_shared>>
      %dma_wait3A_166 = arith.constant 0 : i32
      %dma_wait3A_167 = tpu.memref_slice %arg9[%add3A_8, %dma_wait3A_166] : memref<100096x16xf32, #tpu.memory_space<vmem_shared>> -> memref<800x16xf32, #tpu.memory_space<vmem_shared>>
      %dma_wait3A_168 = arith.constant 0 : i32
      %dma_wait3A_169 = arith.constant 0 : i32
      %dma_wait3A_170 = tpu.memref_slice %arg8[%run_scoped3A, %dma_wait3A_168, %dma_wait3A_169] : memref<2x800x16xf32, #tpu.memory_space<vmem>> -> memref<1x800x16xf32, #tpu.memory_space<vmem>>
      %dma_wait3A_171 = tpu.memref_squeeze %dma_wait3A_170 : memref<1x800x16xf32, #tpu.memory_space<vmem>> -> memref<800x16xf32, #tpu.memory_space<vmem>>
      tpu.wait_dma2 semaphore(%run_scoped3A_147 : memref<!tpu.dma_semaphore, #tpu.memory_space<semaphore_mem>>) src(%dma_wait3A_171 : memref<800x16xf32, #tpu.memory_space<vmem>>) dst(%dma_wait3A_167 : memref<800x16xf32, #tpu.memory_space<vmem_shared>>)
      tpu.yield
    }) : () -> ()
    %mul3A_9 = arith.constant 6256 : i32
    %mul3A_10 = arith.muli %arg1, %mul3A_9 : i32
    %add3A_11 = arith.constant 800 : i32
    %add3A_12 = arith.addi %mul3A_10, %add3A_11 : i32
    %run_scoped3A_13 = arith.constant 0 : i32
    "tpu.region"() ({
      %run_scoped3A_147 = tpu.sem_alloc : memref<!tpu.dma_semaphore, #tpu.memory_space<semaphore_mem>>
      %dma_start3A_148 = arith.constant 0 : i32
      %dma_start3A_149 = arith.constant 0 : i32
      %dma_start3A_150 = tpu.memref_slice %arg8[%run_scoped3A_13, %dma_start3A_148, %dma_start3A_149] : memref<2x800x16xf32, #tpu.memory_space<vmem>> -> memref<1x800x16xf32, #tpu.memory_space<vmem>>
      %dma_start3A_151 = tpu.memref_squeeze %dma_start3A_150 : memref<1x800x16xf32, #tpu.memory_space<vmem>> -> memref<800x16xf32, #tpu.memory_space<vmem>>
      %dma_start3A_152 = arith.constant 0 : i32
      %dma_start3A_153 = tpu.memref_slice %arg9[%add3A_12, %dma_start3A_152] : memref<100096x16xf32, #tpu.memory_space<vmem_shared>> -> memref<800x16xf32, #tpu.memory_space<vmem_shared>>
      %dma_start3A_154 = arith.constant 0 : i32
      %dma_start3A_155 = tpu.memref_slice %arg9[%add3A_12, %dma_start3A_154] : memref<100096x16xf32, #tpu.memory_space<vmem_shared>> -> memref<800x16xf32, #tpu.memory_space<vmem_shared>>
      %dma_start3A_156 = arith.constant 0 : i32
      %dma_start3A_157 = arith.constant 0 : i32
      %dma_start3A_158 = tpu.memref_slice %arg8[%run_scoped3A_13, %dma_start3A_156, %dma_start3A_157] : memref<2x800x16xf32, #tpu.memory_space<vmem>> -> memref<1x800x16xf32, #tpu.memory_space<vmem>>
      %dma_start3A_159 = tpu.memref_squeeze %dma_start3A_158 : memref<1x800x16xf32, #tpu.memory_space<vmem>> -> memref<800x16xf32, #tpu.memory_space<vmem>>
      tpu.enqueue_dma source(%dma_start3A_159 : memref<800x16xf32, #tpu.memory_space<vmem>>) target(%dma_start3A_155 : memref<800x16xf32, #tpu.memory_space<vmem_shared>>) target_semaphore(%run_scoped3A_147 : memref<!tpu.dma_semaphore, #tpu.memory_space<semaphore_mem>>)
      %dma_wait3A_160 = arith.constant 0 : i32
      %dma_wait3A_161 = arith.constant 0 : i32
      %dma_wait3A_162 = tpu.memref_slice %arg8[%run_scoped3A_13, %dma_wait3A_160, %dma_wait3A_161] : memref<2x800x16xf32, #tpu.memory_space<vmem>> -> memref<1x800x16xf32, #tpu.memory_space<vmem>>
      %dma_wait3A_163 = tpu.memref_squeeze %dma_wait3A_162 : memref<1x800x16xf32, #tpu.memory_space<vmem>> -> memref<800x16xf32, #tpu.memory_space<vmem>>
      %dma_wait3A_164 = arith.constant 0 : i32
      %dma_wait3A_165 = tpu.memref_slice %arg9[%add3A_12, %dma_wait3A_164] : memref<100096x16xf32, #tpu.memory_space<vmem_shared>> -> memref<800x16xf32, #tpu.memory_space<vmem_shared>>
      %dma_wait3A_166 = arith.constant 0 : i32
      %dma_wait3A_167 = tpu.memref_slice %arg9[%add3A_12, %dma_wait3A_166] : memref<100096x16xf32, #tpu.memory_space<vmem_shared>> -> memref<800x16xf32, #tpu.memory_space<vmem_shared>>
      %dma_wait3A_168 = arith.constant 0 : i32
      %dma_wait3A_169 = arith.constant 0 : i32
      %dma_wait3A_170 = tpu.memref_slice %arg8[%run_scoped3A_13, %dma_wait3A_168, %dma_wait3A_169] : memref<2x800x16xf32, #tpu.memory_space<vmem>> -> memref<1x800x16xf32, #tpu.memory_space<vmem>>
      %dma_wait3A_171 = tpu.memref_squeeze %dma_wait3A_170 : memref<1x800x16xf32, #tpu.memory_space<vmem>> -> memref<800x16xf32, #tpu.memory_space<vmem>>
      tpu.wait_dma2 semaphore(%run_scoped3A_147 : memref<!tpu.dma_semaphore, #tpu.memory_space<semaphore_mem>>) src(%dma_wait3A_171 : memref<800x16xf32, #tpu.memory_space<vmem>>) dst(%dma_wait3A_167 : memref<800x16xf32, #tpu.memory_space<vmem_shared>>)
      tpu.yield
    }) : () -> ()
    %mul3A_14 = arith.constant 6256 : i32
    %mul3A_15 = arith.muli %arg1, %mul3A_14 : i32
    %add3A_16 = arith.constant 1600 : i32
    %add3A_17 = arith.addi %mul3A_15, %add3A_16 : i32
    %run_scoped3A_18 = arith.constant 0 : i32
    "tpu.region"() ({
      %run_scoped3A_147 = tpu.sem_alloc : memref<!tpu.dma_semaphore, #tpu.memory_space<semaphore_mem>>
      %dma_start3A_148 = arith.constant 0 : i32
      %dma_start3A_149 = arith.constant 0 : i32
      %dma_start3A_150 = tpu.memref_slice %arg8[%run_scoped3A_18, %dma_start3A_148, %dma_start3A_149] : memref<2x800x16xf32, #tpu.memory_space<vmem>> -> memref<1x800x16xf32, #tpu.memory_space<vmem>>
      %dma_start3A_151 = tpu.memref_squeeze %dma_start3A_150 : memref<1x800x16xf32, #tpu.memory_space<vmem>> -> memref<800x16xf32, #tpu.memory_space<vmem>>
      %dma_start3A_152 = arith.constant 0 : i32
      %dma_start3A_153 = tpu.memref_slice %arg9[%add3A_17, %dma_start3A_152] : memref<100096x16xf32, #tpu.memory_space<vmem_shared>> -> memref<800x16xf32, #tpu.memory_space<vmem_shared>>
      %dma_start3A_154 = arith.constant 0 : i32
      %dma_start3A_155 = tpu.memref_slice %arg9[%add3A_17, %dma_start3A_154] : memref<100096x16xf32, #tpu.memory_space<vmem_shared>> -> memref<800x16xf32, #tpu.memory_space<vmem_shared>>
      %dma_start3A_156 = arith.constant 0 : i32
      %dma_start3A_157 = arith.constant 0 : i32
      %dma_start3A_158 = tpu.memref_slice %arg8[%run_scoped3A_18, %dma_start3A_156, %dma_start3A_157] : memref<2x800x16xf32, #tpu.memory_space<vmem>> -> memref<1x800x16xf32, #tpu.memory_space<vmem>>
      %dma_start3A_159 = tpu.memref_squeeze %dma_start3A_158 : memref<1x800x16xf32, #tpu.memory_space<vmem>> -> memref<800x16xf32, #tpu.memory_space<vmem>>
      tpu.enqueue_dma source(%dma_start3A_159 : memref<800x16xf32, #tpu.memory_space<vmem>>) target(%dma_start3A_155 : memref<800x16xf32, #tpu.memory_space<vmem_shared>>) target_semaphore(%run_scoped3A_147 : memref<!tpu.dma_semaphore, #tpu.memory_space<semaphore_mem>>)
      %dma_wait3A_160 = arith.constant 0 : i32
      %dma_wait3A_161 = arith.constant 0 : i32
      %dma_wait3A_162 = tpu.memref_slice %arg8[%run_scoped3A_18, %dma_wait3A_160, %dma_wait3A_161] : memref<2x800x16xf32, #tpu.memory_space<vmem>> -> memref<1x800x16xf32, #tpu.memory_space<vmem>>
      %dma_wait3A_163 = tpu.memref_squeeze %dma_wait3A_162 : memref<1x800x16xf32, #tpu.memory_space<vmem>> -> memref<800x16xf32, #tpu.memory_space<vmem>>
      %dma_wait3A_164 = arith.constant 0 : i32
      %dma_wait3A_165 = tpu.memref_slice %arg9[%add3A_17, %dma_wait3A_164] : memref<100096x16xf32, #tpu.memory_space<vmem_shared>> -> memref<800x16xf32, #tpu.memory_space<vmem_shared>>
      %dma_wait3A_166 = arith.constant 0 : i32
      %dma_wait3A_167 = tpu.memref_slice %arg9[%add3A_17, %dma_wait3A_166] : memref<100096x16xf32, #tpu.memory_space<vmem_shared>> -> memref<800x16xf32, #tpu.memory_space<vmem_shared>>
      %dma_wait3A_168 = arith.constant 0 : i32
      %dma_wait3A_169 = arith.constant 0 : i32
      %dma_wait3A_170 = tpu.memref_slice %arg8[%run_scoped3A_18, %dma_wait3A_168, %dma_wait3A_169] : memref<2x800x16xf32, #tpu.memory_space<vmem>> -> memref<1x800x16xf32, #tpu.memory_space<vmem>>
      %dma_wait3A_171 = tpu.memref_squeeze %dma_wait3A_170 : memref<1x800x16xf32, #tpu.memory_space<vmem>> -> memref<800x16xf32, #tpu.memory_space<vmem>>
      tpu.wait_dma2 semaphore(%run_scoped3A_147 : memref<!tpu.dma_semaphore, #tpu.memory_space<semaphore_mem>>) src(%dma_wait3A_171 : memref<800x16xf32, #tpu.memory_space<vmem>>) dst(%dma_wait3A_167 : memref<800x16xf32, #tpu.memory_space<vmem_shared>>)
      tpu.yield
    }) : () -> ()
    %mul3A_19 = arith.constant 6256 : i32
    %mul3A_20 = arith.muli %arg1, %mul3A_19 : i32
    %add3A_21 = arith.constant 2400 : i32
    %add3A_22 = arith.addi %mul3A_20, %add3A_21 : i32
    %run_scoped3A_23 = arith.constant 0 : i32
    "tpu.region"() ({
      %run_scoped3A_147 = tpu.sem_alloc : memref<!tpu.dma_semaphore, #tpu.memory_space<semaphore_mem>>
      %dma_start3A_148 = arith.constant 0 : i32
      %dma_start3A_149 = arith.constant 0 : i32
      %dma_start3A_150 = tpu.memref_slice %arg8[%run_scoped3A_23, %dma_start3A_148, %dma_start3A_149] : memref<2x800x16xf32, #tpu.memory_space<vmem>> -> memref<1x800x16xf32, #tpu.memory_space<vmem>>
      %dma_start3A_151 = tpu.memref_squeeze %dma_start3A_150 : memref<1x800x16xf32, #tpu.memory_space<vmem>> -> memref<800x16xf32, #tpu.memory_space<vmem>>
      %dma_start3A_152 = arith.constant 0 : i32
      %dma_start3A_153 = tpu.memref_slice %arg9[%add3A_22, %dma_start3A_152] : memref<100096x16xf32, #tpu.memory_space<vmem_shared>> -> memref<800x16xf32, #tpu.memory_space<vmem_shared>>
      %dma_start3A_154 = arith.constant 0 : i32
      %dma_start3A_155 = tpu.memref_slice %arg9[%add3A_22, %dma_start3A_154] : memref<100096x16xf32, #tpu.memory_space<vmem_shared>> -> memref<800x16xf32, #tpu.memory_space<vmem_shared>>
      %dma_start3A_156 = arith.constant 0 : i32
      %dma_start3A_157 = arith.constant 0 : i32
      %dma_start3A_158 = tpu.memref_slice %arg8[%run_scoped3A_23, %dma_start3A_156, %dma_start3A_157] : memref<2x800x16xf32, #tpu.memory_space<vmem>> -> memref<1x800x16xf32, #tpu.memory_space<vmem>>
      %dma_start3A_159 = tpu.memref_squeeze %dma_start3A_158 : memref<1x800x16xf32, #tpu.memory_space<vmem>> -> memref<800x16xf32, #tpu.memory_space<vmem>>
      tpu.enqueue_dma source(%dma_start3A_159 : memref<800x16xf32, #tpu.memory_space<vmem>>) target(%dma_start3A_155 : memref<800x16xf32, #tpu.memory_space<vmem_shared>>) target_semaphore(%run_scoped3A_147 : memref<!tpu.dma_semaphore, #tpu.memory_space<semaphore_mem>>)
      %dma_wait3A_160 = arith.constant 0 : i32
      %dma_wait3A_161 = arith.constant 0 : i32
      %dma_wait3A_162 = tpu.memref_slice %arg8[%run_scoped3A_23, %dma_wait3A_160, %dma_wait3A_161] : memref<2x800x16xf32, #tpu.memory_space<vmem>> -> memref<1x800x16xf32, #tpu.memory_space<vmem>>
      %dma_wait3A_163 = tpu.memref_squeeze %dma_wait3A_162 : memref<1x800x16xf32, #tpu.memory_space<vmem>> -> memref<800x16xf32, #tpu.memory_space<vmem>>
      %dma_wait3A_164 = arith.constant 0 : i32
      %dma_wait3A_165 = tpu.memref_slice %arg9[%add3A_22, %dma_wait3A_164] : memref<100096x16xf32, #tpu.memory_space<vmem_shared>> -> memref<800x16xf32, #tpu.memory_space<vmem_shared>>
      %dma_wait3A_166 = arith.constant 0 : i32
      %dma_wait3A_167 = tpu.memref_slice %arg9[%add3A_22, %dma_wait3A_166] : memref<100096x16xf32, #tpu.memory_space<vmem_shared>> -> memref<800x16xf32, #tpu.memory_space<vmem_shared>>
      %dma_wait3A_168 = arith.constant 0 : i32
      %dma_wait3A_169 = arith.constant 0 : i32
      %dma_wait3A_170 = tpu.memref_slice %arg8[%run_scoped3A_23, %dma_wait3A_168, %dma_wait3A_169] : memref<2x800x16xf32, #tpu.memory_space<vmem>> -> memref<1x800x16xf32, #tpu.memory_space<vmem>>
      %dma_wait3A_171 = tpu.memref_squeeze %dma_wait3A_170 : memref<1x800x16xf32, #tpu.memory_space<vmem>> -> memref<800x16xf32, #tpu.memory_space<vmem>>
      tpu.wait_dma2 semaphore(%run_scoped3A_147 : memref<!tpu.dma_semaphore, #tpu.memory_space<semaphore_mem>>) src(%dma_wait3A_171 : memref<800x16xf32, #tpu.memory_space<vmem>>) dst(%dma_wait3A_167 : memref<800x16xf32, #tpu.memory_space<vmem_shared>>)
      tpu.yield
    }) : () -> ()
    %mul3A_24 = arith.constant 6256 : i32
    %mul3A_25 = arith.muli %arg1, %mul3A_24 : i32
    %add3A_26 = arith.constant 3200 : i32
    %add3A_27 = arith.addi %mul3A_25, %add3A_26 : i32
    %run_scoped3A_28 = arith.constant 0 : i32
    "tpu.region"() ({
      %run_scoped3A_147 = tpu.sem_alloc : memref<!tpu.dma_semaphore, #tpu.memory_space<semaphore_mem>>
      %dma_start3A_148 = arith.constant 0 : i32
      %dma_start3A_149 = arith.constant 0 : i32
      %dma_start3A_150 = tpu.memref_slice %arg8[%run_scoped3A_28, %dma_start3A_148, %dma_start3A_149] : memref<2x800x16xf32, #tpu.memory_space<vmem>> -> memref<1x800x16xf32, #tpu.memory_space<vmem>>
      %dma_start3A_151 = tpu.memref_squeeze %dma_start3A_150 : memref<1x800x16xf32, #tpu.memory_space<vmem>> -> memref<800x16xf32, #tpu.memory_space<vmem>>
      %dma_start3A_152 = arith.constant 0 : i32
      %dma_start3A_153 = tpu.memref_slice %arg9[%add3A_27, %dma_start3A_152] : memref<100096x16xf32, #tpu.memory_space<vmem_shared>> -> memref<800x16xf32, #tpu.memory_space<vmem_shared>>
      %dma_start3A_154 = arith.constant 0 : i32
      %dma_start3A_155 = tpu.memref_slice %arg9[%add3A_27, %dma_start3A_154] : memref<100096x16xf32, #tpu.memory_space<vmem_shared>> -> memref<800x16xf32, #tpu.memory_space<vmem_shared>>
      %dma_start3A_156 = arith.constant 0 : i32
      %dma_start3A_157 = arith.constant 0 : i32
      %dma_start3A_158 = tpu.memref_slice %arg8[%run_scoped3A_28, %dma_start3A_156, %dma_start3A_157] : memref<2x800x16xf32, #tpu.memory_space<vmem>> -> memref<1x800x16xf32, #tpu.memory_space<vmem>>
      %dma_start3A_159 = tpu.memref_squeeze %dma_start3A_158 : memref<1x800x16xf32, #tpu.memory_space<vmem>> -> memref<800x16xf32, #tpu.memory_space<vmem>>
      tpu.enqueue_dma source(%dma_start3A_159 : memref<800x16xf32, #tpu.memory_space<vmem>>) target(%dma_start3A_155 : memref<800x16xf32, #tpu.memory_space<vmem_shared>>) target_semaphore(%run_scoped3A_147 : memref<!tpu.dma_semaphore, #tpu.memory_space<semaphore_mem>>)
      %dma_wait3A_160 = arith.constant 0 : i32
      %dma_wait3A_161 = arith.constant 0 : i32
      %dma_wait3A_162 = tpu.memref_slice %arg8[%run_scoped3A_28, %dma_wait3A_160, %dma_wait3A_161] : memref<2x800x16xf32, #tpu.memory_space<vmem>> -> memref<1x800x16xf32, #tpu.memory_space<vmem>>
      %dma_wait3A_163 = tpu.memref_squeeze %dma_wait3A_162 : memref<1x800x16xf32, #tpu.memory_space<vmem>> -> memref<800x16xf32, #tpu.memory_space<vmem>>
      %dma_wait3A_164 = arith.constant 0 : i32
      %dma_wait3A_165 = tpu.memref_slice %arg9[%add3A_27, %dma_wait3A_164] : memref<100096x16xf32, #tpu.memory_space<vmem_shared>> -> memref<800x16xf32, #tpu.memory_space<vmem_shared>>
      %dma_wait3A_166 = arith.constant 0 : i32
      %dma_wait3A_167 = tpu.memref_slice %arg9[%add3A_27, %dma_wait3A_166] : memref<100096x16xf32, #tpu.memory_space<vmem_shared>> -> memref<800x16xf32, #tpu.memory_space<vmem_shared>>
      %dma_wait3A_168 = arith.constant 0 : i32
      %dma_wait3A_169 = arith.constant 0 : i32
      %dma_wait3A_170 = tpu.memref_slice %arg8[%run_scoped3A_28, %dma_wait3A_168, %dma_wait3A_169] : memref<2x800x16xf32, #tpu.memory_space<vmem>> -> memref<1x800x16xf32, #tpu.memory_space<vmem>>
      %dma_wait3A_171 = tpu.memref_squeeze %dma_wait3A_170 : memref<1x800x16xf32, #tpu.memory_space<vmem>> -> memref<800x16xf32, #tpu.memory_space<vmem>>
      tpu.wait_dma2 semaphore(%run_scoped3A_147 : memref<!tpu.dma_semaphore, #tpu.memory_space<semaphore_mem>>) src(%dma_wait3A_171 : memref<800x16xf32, #tpu.memory_space<vmem>>) dst(%dma_wait3A_167 : memref<800x16xf32, #tpu.memory_space<vmem_shared>>)
      tpu.yield
    }) : () -> ()
    %mul3A_29 = arith.constant 6256 : i32
    %mul3A_30 = arith.muli %arg1, %mul3A_29 : i32
    %add3A_31 = arith.constant 4000 : i32
    %add3A_32 = arith.addi %mul3A_30, %add3A_31 : i32
    %run_scoped3A_33 = arith.constant 0 : i32
    "tpu.region"() ({
      %run_scoped3A_147 = tpu.sem_alloc : memref<!tpu.dma_semaphore, #tpu.memory_space<semaphore_mem>>
      %dma_start3A_148 = arith.constant 0 : i32
      %dma_start3A_149 = arith.constant 0 : i32
      %dma_start3A_150 = tpu.memref_slice %arg8[%run_scoped3A_33, %dma_start3A_148, %dma_start3A_149] : memref<2x800x16xf32, #tpu.memory_space<vmem>> -> memref<1x800x16xf32, #tpu.memory_space<vmem>>
      %dma_start3A_151 = tpu.memref_squeeze %dma_start3A_150 : memref<1x800x16xf32, #tpu.memory_space<vmem>> -> memref<800x16xf32, #tpu.memory_space<vmem>>
      %dma_start3A_152 = arith.constant 0 : i32
      %dma_start3A_153 = tpu.memref_slice %arg9[%add3A_32, %dma_start3A_152] : memref<100096x16xf32, #tpu.memory_space<vmem_shared>> -> memref<800x16xf32, #tpu.memory_space<vmem_shared>>
      %dma_start3A_154 = arith.constant 0 : i32
      %dma_start3A_155 = tpu.memref_slice %arg9[%add3A_32, %dma_start3A_154] : memref<100096x16xf32, #tpu.memory_space<vmem_shared>> -> memref<800x16xf32, #tpu.memory_space<vmem_shared>>
      %dma_start3A_156 = arith.constant 0 : i32
      %dma_start3A_157 = arith.constant 0 : i32
      %dma_start3A_158 = tpu.memref_slice %arg8[%run_scoped3A_33, %dma_start3A_156, %dma_start3A_157] : memref<2x800x16xf32, #tpu.memory_space<vmem>> -> memref<1x800x16xf32, #tpu.memory_space<vmem>>
      %dma_start3A_159 = tpu.memref_squeeze %dma_start3A_158 : memref<1x800x16xf32, #tpu.memory_space<vmem>> -> memref<800x16xf32, #tpu.memory_space<vmem>>
      tpu.enqueue_dma source(%dma_start3A_159 : memref<800x16xf32, #tpu.memory_space<vmem>>) target(%dma_start3A_155 : memref<800x16xf32, #tpu.memory_space<vmem_shared>>) target_semaphore(%run_scoped3A_147 : memref<!tpu.dma_semaphore, #tpu.memory_space<semaphore_mem>>)
      %dma_wait3A_160 = arith.constant 0 : i32
      %dma_wait3A_161 = arith.constant 0 : i32
      %dma_wait3A_162 = tpu.memref_slice %arg8[%run_scoped3A_33, %dma_wait3A_160, %dma_wait3A_161] : memref<2x800x16xf32, #tpu.memory_space<vmem>> -> memref<1x800x16xf32, #tpu.memory_space<vmem>>
      %dma_wait3A_163 = tpu.memref_squeeze %dma_wait3A_162 : memref<1x800x16xf32, #tpu.memory_space<vmem>> -> memref<800x16xf32, #tpu.memory_space<vmem>>
      %dma_wait3A_164 = arith.constant 0 : i32
      %dma_wait3A_165 = tpu.memref_slice %arg9[%add3A_32, %dma_wait3A_164] : memref<100096x16xf32, #tpu.memory_space<vmem_shared>> -> memref<800x16xf32, #tpu.memory_space<vmem_shared>>
      %dma_wait3A_166 = arith.constant 0 : i32
      %dma_wait3A_167 = tpu.memref_slice %arg9[%add3A_32, %dma_wait3A_166] : memref<100096x16xf32, #tpu.memory_space<vmem_shared>> -> memref<800x16xf32, #tpu.memory_space<vmem_shared>>
      %dma_wait3A_168 = arith.constant 0 : i32
      %dma_wait3A_169 = arith.constant 0 : i32
      %dma_wait3A_170 = tpu.memref_slice %arg8[%run_scoped3A_33, %dma_wait3A_168, %dma_wait3A_169] : memref<2x800x16xf32, #tpu.memory_space<vmem>> -> memref<1x800x16xf32, #tpu.memory_space<vmem>>
      %dma_wait3A_171 = tpu.memref_squeeze %dma_wait3A_170 : memref<1x800x16xf32, #tpu.memory_space<vmem>> -> memref<800x16xf32, #tpu.memory_space<vmem>>
      tpu.wait_dma2 semaphore(%run_scoped3A_147 : memref<!tpu.dma_semaphore, #tpu.memory_space<semaphore_mem>>) src(%dma_wait3A_171 : memref<800x16xf32, #tpu.memory_space<vmem>>) dst(%dma_wait3A_167 : memref<800x16xf32, #tpu.memory_space<vmem_shared>>)
      tpu.yield
    }) : () -> ()
    %mul3A_34 = arith.constant 6256 : i32
    %mul3A_35 = arith.muli %arg1, %mul3A_34 : i32
    %add3A_36 = arith.constant 4800 : i32
    %add3A_37 = arith.addi %mul3A_35, %add3A_36 : i32
    %run_scoped3A_38 = arith.constant 0 : i32
    "tpu.region"() ({
      %run_scoped3A_147 = tpu.sem_alloc : memref<!tpu.dma_semaphore, #tpu.memory_space<semaphore_mem>>
      %dma_start3A_148 = arith.constant 0 : i32
      %dma_start3A_149 = arith.constant 0 : i32
      %dma_start3A_150 = tpu.memref_slice %arg8[%run_scoped3A_38, %dma_start3A_148, %dma_start3A_149] : memref<2x800x16xf32, #tpu.memory_space<vmem>> -> memref<1x800x16xf32, #tpu.memory_space<vmem>>
      %dma_start3A_151 = tpu.memref_squeeze %dma_start3A_150 : memref<1x800x16xf32, #tpu.memory_space<vmem>> -> memref<800x16xf32, #tpu.memory_space<vmem>>
      %dma_start3A_152 = arith.constant 0 : i32
      %dma_start3A_153 = tpu.memref_slice %arg9[%add3A_37, %dma_start3A_152] : memref<100096x16xf32, #tpu.memory_space<vmem_shared>> -> memref<800x16xf32, #tpu.memory_space<vmem_shared>>
      %dma_start3A_154 = arith.constant 0 : i32
      %dma_start3A_155 = tpu.memref_slice %arg9[%add3A_37, %dma_start3A_154] : memref<100096x16xf32, #tpu.memory_space<vmem_shared>> -> memref<800x16xf32, #tpu.memory_space<vmem_shared>>
      %dma_start3A_156 = arith.constant 0 : i32
      %dma_start3A_157 = arith.constant 0 : i32
      %dma_start3A_158 = tpu.memref_slice %arg8[%run_scoped3A_38, %dma_start3A_156, %dma_start3A_157] : memref<2x800x16xf32, #tpu.memory_space<vmem>> -> memref<1x800x16xf32, #tpu.memory_space<vmem>>
      %dma_start3A_159 = tpu.memref_squeeze %dma_start3A_158 : memref<1x800x16xf32, #tpu.memory_space<vmem>> -> memref<800x16xf32, #tpu.memory_space<vmem>>
      tpu.enqueue_dma source(%dma_start3A_159 : memref<800x16xf32, #tpu.memory_space<vmem>>) target(%dma_start3A_155 : memref<800x16xf32, #tpu.memory_space<vmem_shared>>) target_semaphore(%run_scoped3A_147 : memref<!tpu.dma_semaphore, #tpu.memory_space<semaphore_mem>>)
      %dma_wait3A_160 = arith.constant 0 : i32
      %dma_wait3A_161 = arith.constant 0 : i32
      %dma_wait3A_162 = tpu.memref_slice %arg8[%run_scoped3A_38, %dma_wait3A_160, %dma_wait3A_161] : memref<2x800x16xf32, #tpu.memory_space<vmem>> -> memref<1x800x16xf32, #tpu.memory_space<vmem>>
      %dma_wait3A_163 = tpu.memref_squeeze %dma_wait3A_162 : memref<1x800x16xf32, #tpu.memory_space<vmem>> -> memref<800x16xf32, #tpu.memory_space<vmem>>
      %dma_wait3A_164 = arith.constant 0 : i32
      %dma_wait3A_165 = tpu.memref_slice %arg9[%add3A_37, %dma_wait3A_164] : memref<100096x16xf32, #tpu.memory_space<vmem_shared>> -> memref<800x16xf32, #tpu.memory_space<vmem_shared>>
      %dma_wait3A_166 = arith.constant 0 : i32
      %dma_wait3A_167 = tpu.memref_slice %arg9[%add3A_37, %dma_wait3A_166] : memref<100096x16xf32, #tpu.memory_space<vmem_shared>> -> memref<800x16xf32, #tpu.memory_space<vmem_shared>>
      %dma_wait3A_168 = arith.constant 0 : i32
      %dma_wait3A_169 = arith.constant 0 : i32
      %dma_wait3A_170 = tpu.memref_slice %arg8[%run_scoped3A_38, %dma_wait3A_168, %dma_wait3A_169] : memref<2x800x16xf32, #tpu.memory_space<vmem>> -> memref<1x800x16xf32, #tpu.memory_space<vmem>>
      %dma_wait3A_171 = tpu.memref_squeeze %dma_wait3A_170 : memref<1x800x16xf32, #tpu.memory_space<vmem>> -> memref<800x16xf32, #tpu.memory_space<vmem>>
      tpu.wait_dma2 semaphore(%run_scoped3A_147 : memref<!tpu.dma_semaphore, #tpu.memory_space<semaphore_mem>>) src(%dma_wait3A_171 : memref<800x16xf32, #tpu.memory_space<vmem>>) dst(%dma_wait3A_167 : memref<800x16xf32, #tpu.memory_space<vmem_shared>>)
      tpu.yield
    }) : () -> ()
    %mul3A_39 = arith.constant 6256 : i32
    %mul3A_40 = arith.muli %arg1, %mul3A_39 : i32
    %add3A_41 = arith.constant 5600 : i32
    %add3A_42 = arith.addi %mul3A_40, %add3A_41 : i32
    %run_scoped3A_43 = arith.constant 0 : i32
    "tpu.region"() ({
      %run_scoped3A_147 = tpu.sem_alloc : memref<!tpu.dma_semaphore, #tpu.memory_space<semaphore_mem>>
      %dma_start3A_148 = arith.constant 0 : i32
      %dma_start3A_149 = arith.constant 0 : i32
      %dma_start3A_150 = tpu.memref_slice %arg8[%run_scoped3A_43, %dma_start3A_148, %dma_start3A_149] : memref<2x800x16xf32, #tpu.memory_space<vmem>> -> memref<1x656x16xf32, #tpu.memory_space<vmem>>
      %dma_start3A_151 = tpu.memref_squeeze %dma_start3A_150 : memref<1x656x16xf32, #tpu.memory_space<vmem>> -> memref<656x16xf32, #tpu.memory_space<vmem>>
      %dma_start3A_152 = arith.constant 0 : i32
      %dma_start3A_153 = tpu.memref_slice %arg9[%add3A_42, %dma_start3A_152] : memref<100096x16xf32, #tpu.memory_space<vmem_shared>> -> memref<656x16xf32, #tpu.memory_space<vmem_shared>>
      %dma_start3A_154 = arith.constant 0 : i32
      %dma_start3A_155 = tpu.memref_slice %arg9[%add3A_42, %dma_start3A_154] : memref<100096x16xf32, #tpu.memory_space<vmem_shared>> -> memref<656x16xf32, #tpu.memory_space<vmem_shared>>
      %dma_start3A_156 = arith.constant 0 : i32
      %dma_start3A_157 = arith.constant 0 : i32
      %dma_start3A_158 = tpu.memref_slice %arg8[%run_scoped3A_43, %dma_start3A_156, %dma_start3A_157] : memref<2x800x16xf32, #tpu.memory_space<vmem>> -> memref<1x656x16xf32, #tpu.memory_space<vmem>>
      %dma_start3A_159 = tpu.memref_squeeze %dma_start3A_158 : memref<1x656x16xf32, #tpu.memory_space<vmem>> -> memref<656x16xf32, #tpu.memory_space<vmem>>
      tpu.enqueue_dma source(%dma_start3A_159 : memref<656x16xf32, #tpu.memory_space<vmem>>) target(%dma_start3A_155 : memref<656x16xf32, #tpu.memory_space<vmem_shared>>) target_semaphore(%run_scoped3A_147 : memref<!tpu.dma_semaphore, #tpu.memory_space<semaphore_mem>>)
      %dma_wait3A_160 = arith.constant 0 : i32
      %dma_wait3A_161 = arith.constant 0 : i32
      %dma_wait3A_162 = tpu.memref_slice %arg8[%run_scoped3A_43, %dma_wait3A_160, %dma_wait3A_161] : memref<2x800x16xf32, #tpu.memory_space<vmem>> -> memref<1x656x16xf32, #tpu.memory_space<vmem>>
      %dma_wait3A_163 = tpu.memref_squeeze %dma_wait3A_162 : memref<1x656x16xf32, #tpu.memory_space<vmem>> -> memref<656x16xf32, #tpu.memory_space<vmem>>
      %dma_wait3A_164 = arith.constant 0 : i32
      %dma_wait3A_165 = tpu.memref_slice %arg9[%add3A_42, %dma_wait3A_164] : memref<100096x16xf32, #tpu.memory_space<vmem_shared>> -> memref<656x16xf32, #tpu.memory_space<vmem_shared>>
      %dma_wait3A_166 = arith.constant 0 : i32
      %dma_wait3A_167 = tpu.memref_slice %arg9[%add3A_42, %dma_wait3A_166] : memref<100096x16xf32, #tpu.memory_space<vmem_shared>> -> memref<656x16xf32, #tpu.memory_space<vmem_shared>>
      %dma_wait3A_168 = arith.constant 0 : i32
      %dma_wait3A_169 = arith.constant 0 : i32
      %dma_wait3A_170 = tpu.memref_slice %arg8[%run_scoped3A_43, %dma_wait3A_168, %dma_wait3A_169] : memref<2x800x16xf32, #tpu.memory_space<vmem>> -> memref<1x656x16xf32, #tpu.memory_space<vmem>>
      %dma_wait3A_171 = tpu.memref_squeeze %dma_wait3A_170 : memref<1x656x16xf32, #tpu.memory_space<vmem>> -> memref<656x16xf32, #tpu.memory_space<vmem>>
      tpu.wait_dma2 semaphore(%run_scoped3A_147 : memref<!tpu.dma_semaphore, #tpu.memory_space<semaphore_mem>>) src(%dma_wait3A_171 : memref<656x16xf32, #tpu.memory_space<vmem>>) dst(%dma_wait3A_167 : memref<656x16xf32, #tpu.memory_space<vmem_shared>>)
      tpu.yield
    }) : () -> ()
    %barrier3A = arith.constant 0 : index
    tpu.barrier barrier_id(%barrier3A)
    %mul3A_44 = arith.constant 100000 : i32
    %mul3A_45 = arith.muli %arg1, %mul3A_44 : i32
    %add3A_46 = arith.constant 0 : i32
    %add3A_47 = arith.addi %mul3A_45, %add3A_46 : i32
    %dma_start3A = arith.constant 0 : i32
    %dma_start3A_48 = arith.constant 0 : i32
    %dma_start3A_49 = tpu.memref_slice %arg6[%dma_start3A, %dma_start3A_48] : memref<3x800xi32, #tpu.memory_space<vmem>> -> memref<1x800xi32, #tpu.memory_space<vmem>>
    %dma_start3A_50 = tpu.memref_squeeze %dma_start3A_49 : memref<1x800xi32, #tpu.memory_space<vmem>> -> memref<800xi32, #tpu.memory_space<vmem>>
    %dma_start3A_51 = tpu.memref_slice %arg3[%add3A_47] : memref<1600000xi32, #tpu.memory_space<hbm>> -> memref<800xi32, #tpu.memory_space<hbm>>
    %dma_start3A_52 = arith.constant 0 : i32
    %dma_start3A_53 = tpu.memref_slice %arg6[%dma_start3A, %dma_start3A_52] : memref<3x800xi32, #tpu.memory_space<vmem>> -> memref<1x800xi32, #tpu.memory_space<vmem>>
    %dma_start3A_54 = tpu.memref_squeeze %dma_start3A_53 : memref<1x800xi32, #tpu.memory_space<vmem>> -> memref<800xi32, #tpu.memory_space<vmem>>
    %dma_start3A_55 = tpu.memref_slice %arg3[%add3A_47] : memref<1600000xi32, #tpu.memory_space<hbm>> -> memref<800xi32, #tpu.memory_space<hbm>>
    tpu.enqueue_dma source(%dma_start3A_55 : memref<800xi32, #tpu.memory_space<hbm>>) target(%dma_start3A_54 : memref<800xi32, #tpu.memory_space<vmem>>) target_semaphore(%arg10 : memref<!tpu.dma_semaphore, #tpu.memory_space<semaphore_mem>>)
    %add3A_56 = arith.constant 0 : i32
    %add3A_57 = arith.addi %mul3A_45, %add3A_56 : i32
    %dma_start3A_58 = arith.constant 0 : i32
    %dma_start3A_59 = arith.constant 0 : i32
    %dma_start3A_60 = tpu.memref_slice %arg7[%dma_start3A_58, %dma_start3A_59] : memref<3x800xi32, #tpu.memory_space<vmem>> -> memref<1x800xi32, #tpu.memory_space<vmem>>
    %dma_start3A_61 = tpu.memref_squeeze %dma_start3A_60 : memref<1x800xi32, #tpu.memory_space<vmem>> -> memref<800xi32, #tpu.memory_space<vmem>>
    %dma_start3A_62 = tpu.memref_slice %arg4[%add3A_57] : memref<1600000xi32, #tpu.memory_space<hbm>> -> memref<800xi32, #tpu.memory_space<hbm>>
    %dma_start3A_63 = arith.constant 0 : i32
    %dma_start3A_64 = tpu.memref_slice %arg7[%dma_start3A_58, %dma_start3A_63] : memref<3x800xi32, #tpu.memory_space<vmem>> -> memref<1x800xi32, #tpu.memory_space<vmem>>
    %dma_start3A_65 = tpu.memref_squeeze %dma_start3A_64 : memref<1x800xi32, #tpu.memory_space<vmem>> -> memref<800xi32, #tpu.memory_space<vmem>>
    %dma_start3A_66 = tpu.memref_slice %arg4[%add3A_57] : memref<1600000xi32, #tpu.memory_space<hbm>> -> memref<800xi32, #tpu.memory_space<hbm>>
    tpu.enqueue_dma source(%dma_start3A_66 : memref<800xi32, #tpu.memory_space<hbm>>) target(%dma_start3A_65 : memref<800xi32, #tpu.memory_space<vmem>>) target_semaphore(%arg10 : memref<!tpu.dma_semaphore, #tpu.memory_space<semaphore_mem>>)
    %dma_wait3A = arith.constant 0 : i32
    %dma_wait3A_67 = arith.constant 0 : i32
    %dma_wait3A_68 = tpu.memref_slice %arg6[%dma_wait3A, %dma_wait3A_67] : memref<3x800xi32, #tpu.memory_space<vmem>> -> memref<1x800xi32, #tpu.memory_space<vmem>>
    %dma_wait3A_69 = tpu.memref_squeeze %dma_wait3A_68 : memref<1x800xi32, #tpu.memory_space<vmem>> -> memref<800xi32, #tpu.memory_space<vmem>>
    %dma_wait3A_70 = tpu.memref_slice %arg3[%mul3A_45] : memref<1600000xi32, #tpu.memory_space<hbm>> -> memref<800xi32, #tpu.memory_space<hbm>>
    %dma_wait3A_71 = arith.constant 0 : i32
    %dma_wait3A_72 = tpu.memref_slice %arg6[%dma_wait3A, %dma_wait3A_71] : memref<3x800xi32, #tpu.memory_space<vmem>> -> memref<1x800xi32, #tpu.memory_space<vmem>>
    %dma_wait3A_73 = tpu.memref_squeeze %dma_wait3A_72 : memref<1x800xi32, #tpu.memory_space<vmem>> -> memref<800xi32, #tpu.memory_space<vmem>>
    %dma_wait3A_74 = tpu.memref_slice %arg3[%mul3A_45] : memref<1600000xi32, #tpu.memory_space<hbm>> -> memref<800xi32, #tpu.memory_space<hbm>>
    tpu.wait_dma2 semaphore(%arg10 : memref<!tpu.dma_semaphore, #tpu.memory_space<semaphore_mem>>) src(%dma_wait3A_74 : memref<800xi32, #tpu.memory_space<hbm>>) dst(%dma_wait3A_73 : memref<800xi32, #tpu.memory_space<vmem>>)
    %dma_wait3A_75 = arith.constant 0 : i32
    %dma_wait3A_76 = arith.constant 0 : i32
    %dma_wait3A_77 = tpu.memref_slice %arg7[%dma_wait3A_75, %dma_wait3A_76] : memref<3x800xi32, #tpu.memory_space<vmem>> -> memref<1x800xi32, #tpu.memory_space<vmem>>
    %dma_wait3A_78 = tpu.memref_squeeze %dma_wait3A_77 : memref<1x800xi32, #tpu.memory_space<vmem>> -> memref<800xi32, #tpu.memory_space<vmem>>
    %dma_wait3A_79 = tpu.memref_slice %arg4[%mul3A_45] : memref<1600000xi32, #tpu.memory_space<hbm>> -> memref<800xi32, #tpu.memory_space<hbm>>
    %dma_wait3A_80 = arith.constant 0 : i32
    %dma_wait3A_81 = tpu.memref_slice %arg7[%dma_wait3A_75, %dma_wait3A_80] : memref<3x800xi32, #tpu.memory_space<vmem>> -> memref<1x800xi32, #tpu.memory_space<vmem>>
    %dma_wait3A_82 = tpu.memref_squeeze %dma_wait3A_81 : memref<1x800xi32, #tpu.memory_space<vmem>> -> memref<800xi32, #tpu.memory_space<vmem>>
    %dma_wait3A_83 = tpu.memref_slice %arg4[%mul3A_45] : memref<1600000xi32, #tpu.memory_space<hbm>> -> memref<800xi32, #tpu.memory_space<hbm>>
    tpu.wait_dma2 semaphore(%arg10 : memref<!tpu.dma_semaphore, #tpu.memory_space<semaphore_mem>>) src(%dma_wait3A_83 : memref<800xi32, #tpu.memory_space<hbm>>) dst(%dma_wait3A_82 : memref<800xi32, #tpu.memory_space<vmem>>)
    %add3A_84 = arith.constant 800 : i32
    %add3A_85 = arith.addi %mul3A_45, %add3A_84 : i32
    %dma_start3A_86 = arith.constant 1 : i32
    %dma_start3A_87 = arith.constant 0 : i32
    %dma_start3A_88 = tpu.memref_slice %arg6[%dma_start3A_86, %dma_start3A_87] : memref<3x800xi32, #tpu.memory_space<vmem>> -> memref<1x800xi32, #tpu.memory_space<vmem>>
    %dma_start3A_89 = tpu.memref_squeeze %dma_start3A_88 : memref<1x800xi32, #tpu.memory_space<vmem>> -> memref<800xi32, #tpu.memory_space<vmem>>
    %dma_start3A_90 = tpu.memref_slice %arg3[%add3A_85] : memref<1600000xi32, #tpu.memory_space<hbm>> -> memref<800xi32, #tpu.memory_space<hbm>>
    %dma_start3A_91 = arith.constant 0 : i32
    %dma_start3A_92 = tpu.memref_slice %arg6[%dma_start3A_86, %dma_start3A_91] : memref<3x800xi32, #tpu.memory_space<vmem>> -> memref<1x800xi32, #tpu.memory_space<vmem>>
    %dma_start3A_93 = tpu.memref_squeeze %dma_start3A_92 : memref<1x800xi32, #tpu.memory_space<vmem>> -> memref<800xi32, #tpu.memory_space<vmem>>
    %dma_start3A_94 = tpu.memref_slice %arg3[%add3A_85] : memref<1600000xi32, #tpu.memory_space<hbm>> -> memref<800xi32, #tpu.memory_space<hbm>>
    tpu.enqueue_dma source(%dma_start3A_94 : memref<800xi32, #tpu.memory_space<hbm>>) target(%dma_start3A_93 : memref<800xi32, #tpu.memory_space<vmem>>) target_semaphore(%arg10 : memref<!tpu.dma_semaphore, #tpu.memory_space<semaphore_mem>>)
    %add3A_95 = arith.constant 800 : i32
    %add3A_96 = arith.addi %mul3A_45, %add3A_95 : i32
    %dma_start3A_97 = arith.constant 1 : i32
    %dma_start3A_98 = arith.constant 0 : i32
    %dma_start3A_99 = tpu.memref_slice %arg7[%dma_start3A_97, %dma_start3A_98] : memref<3x800xi32, #tpu.memory_space<vmem>> -> memref<1x800xi32, #tpu.memory_space<vmem>>
    %dma_start3A_100 = tpu.memref_squeeze %dma_start3A_99 : memref<1x800xi32, #tpu.memory_space<vmem>> -> memref<800xi32, #tpu.memory_space<vmem>>
    %dma_start3A_101 = tpu.memref_slice %arg4[%add3A_96] : memref<1600000xi32, #tpu.memory_space<hbm>> -> memref<800xi32, #tpu.memory_space<hbm>>
    %dma_start3A_102 = arith.constant 0 : i32
    %dma_start3A_103 = tpu.memref_slice %arg7[%dma_start3A_97, %dma_start3A_102] : memref<3x800xi32, #tpu.memory_space<vmem>> -> memref<1x800xi32, #tpu.memory_space<vmem>>
    %dma_start3A_104 = tpu.memref_squeeze %dma_start3A_103 : memref<1x800xi32, #tpu.memory_space<vmem>> -> memref<800xi32, #tpu.memory_space<vmem>>
    %dma_start3A_105 = tpu.memref_slice %arg4[%add3A_96] : memref<1600000xi32, #tpu.memory_space<hbm>> -> memref<800xi32, #tpu.memory_space<hbm>>
    tpu.enqueue_dma source(%dma_start3A_105 : memref<800xi32, #tpu.memory_space<hbm>>) target(%dma_start3A_104 : memref<800xi32, #tpu.memory_space<vmem>>) target_semaphore(%arg10 : memref<!tpu.dma_semaphore, #tpu.memory_space<semaphore_mem>>)
    %dma_start3A_106 = arith.constant 0 : i32
    %dma_start3A_107 = arith.constant 0 : i32
    %dma_start3A_108 = arith.constant 0 : i32
    %dma_start3A_109 = arith.constant 0 : i32
    %dma_start3A_110 = arith.constant 0 : i32
    %dma_start3A_111 = tpu.memref_slice %arg8[%dma_start3A_107, %dma_start3A_109, %dma_start3A_110] : memref<2x800x16xf32, #tpu.memory_space<vmem>> -> memref<1x800x16xf32, #tpu.memory_space<vmem>>
    %dma_start3A_112 = tpu.memref_squeeze %dma_start3A_111 : memref<1x800x16xf32, #tpu.memory_space<vmem>> -> memref<800x16xf32, #tpu.memory_space<vmem>>
    %dma_start3A_113 = arith.constant 0 : i32
    %dma_start3A_114 = tpu.memref_slice %arg6[%dma_start3A_106, %dma_start3A_113] : memref<3x800xi32, #tpu.memory_space<vmem>> -> memref<1x800xi32, #tpu.memory_space<vmem>>
    %dma_start3A_115 = tpu.memref_squeeze %dma_start3A_114 : memref<1x800xi32, #tpu.memory_space<vmem>> -> memref<800xi32, #tpu.memory_space<vmem>>
    %dma_start3A_116 = arith.constant 0 : i32
    %dma_start3A_117 = arith.constant 0 : i32
    %dma_start3A_118 = tpu.memref_slice %arg2[%arg0, %dma_start3A_116, %dma_start3A_117] : memref<2x100096x16xf32, #tpu.memory_space<hbm>> -> memref<1x100096x16xf32, #tpu.memory_space<hbm>>
    %dma_start3A_119 = tpu.memref_squeeze %dma_start3A_118 : memref<1x100096x16xf32, #tpu.memory_space<hbm>> -> memref<100096x16xf32, #tpu.memory_space<hbm>>
    %dma_start3A_120 = arith.constant 0 : i32
    %dma_start3A_121 = arith.constant 0 : i32
    %dma_start3A_122 = tpu.memref_slice %dma_start3A_119[%dma_start3A_120, %dma_start3A_121] : memref<100096x16xf32, #tpu.memory_space<hbm>> -> memref<100096x16xf32, #tpu.memory_space<hbm>>
    %dma_start3A_123 = tpu.memref_slice %arg11[%dma_start3A_108] : memref<2x!tpu.dma_semaphore, #tpu.memory_space<semaphore_mem>> -> memref<1x!tpu.dma_semaphore, #tpu.memory_space<semaphore_mem>>
    %dma_start3A_124 = tpu.memref_squeeze %dma_start3A_123 : memref<1x!tpu.dma_semaphore, #tpu.memory_space<semaphore_mem>> -> memref<!tpu.dma_semaphore, #tpu.memory_space<semaphore_mem>>
    tpu.enqueue_indirect_dma source(%dma_start3A_122 : memref<100096x16xf32, #tpu.memory_space<hbm>>) target(%dma_start3A_112 : memref<800x16xf32, #tpu.memory_space<vmem>>) offsets(%dma_start3A_115 : memref<800xi32, #tpu.memory_space<vmem>>) semaphore(%dma_start3A_124 : memref<!tpu.dma_semaphore, #tpu.memory_space<semaphore_mem>>)
    %scan3A_125 = arith.constant 0 : i32
    %scan3A_126 = arith.constant 0 : i32
    %scan3A_127 = arith.constant 125 : i32
    %scan3A_128 = arith.addi %scan3A_126, %scan3A_127 : i32
    %scan3A_129 = arith.constant 1 : i32
    scf.for %scan3A_147 = %scan3A_126 to %scan3A_128 step %scan3A_129  : i32 {
      %rem3A_148 = arith.constant 2 : i32
      %rem3A_149 = arith.remsi %scan3A_147, %rem3A_148 : i32
      %sub3A = arith.constant 1 : i32
      %sub3A_150 = arith.subi %sub3A, %rem3A_149 : i32
      %rem3A_151 = arith.constant 3 : i32
      %rem3A_152 = arith.remsi %scan3A_147, %rem3A_151 : i32
      %add3A_153 = arith.constant 1 : i32
      %add3A_154 = arith.addi %scan3A_147, %add3A_153 : i32
      %rem3A_155 = arith.constant 3 : i32
      %rem3A_156 = arith.remsi %add3A_154, %rem3A_155 : i32
      %add3A_157 = arith.constant 2 : i32
      %add3A_158 = arith.addi %scan3A_147, %add3A_157 : i32
      %rem3A_159 = arith.constant 3 : i32
      %rem3A_160 = arith.remsi %add3A_158, %rem3A_159 : i32
      %ge3A = arith.constant 1 : i32
      %ge3A_161 = arith.cmpi sge, %scan3A_147, %ge3A : i32
      %convert_element_type3A = arith.extui %ge3A_161 : i1 to i32
      %cond3A = arith.constant 0 : i32
      %cond3A_162 = arith.cmpi ne, %convert_element_type3A, %cond3A : i32
      scf.if %cond3A_162 {
        %dma_wait3A_202 = arith.constant 0 : i32
        %dma_wait3A_203 = arith.constant 0 : i32
        %dma_wait3A_204 = tpu.memref_slice %arg8[%sub3A_150, %dma_wait3A_202, %dma_wait3A_203] : memref<2x800x16xf32, #tpu.memory_space<vmem>> -> memref<1x800x16xf32, #tpu.memory_space<vmem>>
        %dma_wait3A_205 = tpu.memref_squeeze %dma_wait3A_204 : memref<1x800x16xf32, #tpu.memory_space<vmem>> -> memref<800x16xf32, #tpu.memory_space<vmem>>
        %dma_wait3A_206 = arith.constant 0 : i32
        %dma_wait3A_207 = tpu.memref_slice %arg7[%rem3A_160, %dma_wait3A_206] : memref<3x800xi32, #tpu.memory_space<vmem>> -> memref<1x800xi32, #tpu.memory_space<vmem>>
        %dma_wait3A_208 = tpu.memref_squeeze %dma_wait3A_207 : memref<1x800xi32, #tpu.memory_space<vmem>> -> memref<800xi32, #tpu.memory_space<vmem>>
        %dma_wait3A_209 = arith.constant 0 : i32
        %dma_wait3A_210 = arith.constant 0 : i32
        %dma_wait3A_211 = tpu.memref_slice %arg9[%dma_wait3A_209, %dma_wait3A_210] : memref<100096x16xf32, #tpu.memory_space<vmem_shared>> -> memref<100096x16xf32, #tpu.memory_space<vmem_shared>>
        tpu.wait_indirect_dma semaphore(%arg12 : memref<!tpu.dma_semaphore, #tpu.memory_space<semaphore_mem>>) src(%dma_wait3A_205 : memref<800x16xf32, #tpu.memory_space<vmem>>) dst(%dma_wait3A_211 : memref<100096x16xf32, #tpu.memory_space<vmem_shared>>)
      } else {
      }
      %add3A_163 = arith.constant 1 : i32
      %add3A_164 = arith.addi %scan3A_147, %add3A_163 : i32
      %lt3A = arith.constant 125 : i32
      %lt3A_165 = arith.cmpi slt, %add3A_164, %lt3A : i32
      %convert_element_type3A_166 = arith.extui %lt3A_165 : i1 to i32
      %cond3A_167 = arith.constant 0 : i32
      %cond3A_168 = arith.cmpi ne, %convert_element_type3A_166, %cond3A_167 : i32
      scf.if %cond3A_168 {
        %dma_wait3A_202 = arith.constant 0 : i32
        %dma_wait3A_203 = tpu.memref_slice %arg6[%rem3A_156, %dma_wait3A_202] : memref<3x800xi32, #tpu.memory_space<vmem>> -> memref<1x800xi32, #tpu.memory_space<vmem>>
        %dma_wait3A_204 = tpu.memref_squeeze %dma_wait3A_203 : memref<1x800xi32, #tpu.memory_space<vmem>> -> memref<800xi32, #tpu.memory_space<vmem>>
        %dma_wait3A_205 = tpu.memref_slice %arg3[%mul3A_45] : memref<1600000xi32, #tpu.memory_space<hbm>> -> memref<800xi32, #tpu.memory_space<hbm>>
        %dma_wait3A_206 = arith.constant 0 : i32
        %dma_wait3A_207 = tpu.memref_slice %arg6[%rem3A_156, %dma_wait3A_206] : memref<3x800xi32, #tpu.memory_space<vmem>> -> memref<1x800xi32, #tpu.memory_space<vmem>>
        %dma_wait3A_208 = tpu.memref_squeeze %dma_wait3A_207 : memref<1x800xi32, #tpu.memory_space<vmem>> -> memref<800xi32, #tpu.memory_space<vmem>>
        %dma_wait3A_209 = tpu.memref_slice %arg3[%mul3A_45] : memref<1600000xi32, #tpu.memory_space<hbm>> -> memref<800xi32, #tpu.memory_space<hbm>>
        tpu.wait_dma2 semaphore(%arg10 : memref<!tpu.dma_semaphore, #tpu.memory_space<semaphore_mem>>) src(%dma_wait3A_209 : memref<800xi32, #tpu.memory_space<hbm>>) dst(%dma_wait3A_208 : memref<800xi32, #tpu.memory_space<vmem>>)
        %dma_wait3A_210 = arith.constant 0 : i32
        %dma_wait3A_211 = tpu.memref_slice %arg7[%rem3A_156, %dma_wait3A_210] : memref<3x800xi32, #tpu.memory_space<vmem>> -> memref<1x800xi32, #tpu.memory_space<vmem>>
        %dma_wait3A_212 = tpu.memref_squeeze %dma_wait3A_211 : memref<1x800xi32, #tpu.memory_space<vmem>> -> memref<800xi32, #tpu.memory_space<vmem>>
        %dma_wait3A_213 = tpu.memref_slice %arg4[%mul3A_45] : memref<1600000xi32, #tpu.memory_space<hbm>> -> memref<800xi32, #tpu.memory_space<hbm>>
        %dma_wait3A_214 = arith.constant 0 : i32
        %dma_wait3A_215 = tpu.memref_slice %arg7[%rem3A_156, %dma_wait3A_214] : memref<3x800xi32, #tpu.memory_space<vmem>> -> memref<1x800xi32, #tpu.memory_space<vmem>>
        %dma_wait3A_216 = tpu.memref_squeeze %dma_wait3A_215 : memref<1x800xi32, #tpu.memory_space<vmem>> -> memref<800xi32, #tpu.memory_space<vmem>>
        %dma_wait3A_217 = tpu.memref_slice %arg4[%mul3A_45] : memref<1600000xi32, #tpu.memory_space<hbm>> -> memref<800xi32, #tpu.memory_space<hbm>>
        tpu.wait_dma2 semaphore(%arg10 : memref<!tpu.dma_semaphore, #tpu.memory_space<semaphore_mem>>) src(%dma_wait3A_217 : memref<800xi32, #tpu.memory_space<hbm>>) dst(%dma_wait3A_216 : memref<800xi32, #tpu.memory_space<vmem>>)
        %dma_start3A_218 = arith.constant 0 : i32
        %dma_start3A_219 = arith.constant 0 : i32
        %dma_start3A_220 = tpu.memref_slice %arg8[%sub3A_150, %dma_start3A_218, %dma_start3A_219] : memref<2x800x16xf32, #tpu.memory_space<vmem>> -> memref<1x800x16xf32, #tpu.memory_space<vmem>>
        %dma_start3A_221 = tpu.memref_squeeze %dma_start3A_220 : memref<1x800x16xf32, #tpu.memory_space<vmem>> -> memref<800x16xf32, #tpu.memory_space<vmem>>
        %dma_start3A_222 = arith.constant 0 : i32
        %dma_start3A_223 = tpu.memref_slice %arg6[%rem3A_156, %dma_start3A_222] : memref<3x800xi32, #tpu.memory_space<vmem>> -> memref<1x800xi32, #tpu.memory_space<vmem>>
        %dma_start3A_224 = tpu.memref_squeeze %dma_start3A_223 : memref<1x800xi32, #tpu.memory_space<vmem>> -> memref<800xi32, #tpu.memory_space<vmem>>
        %dma_start3A_225 = arith.constant 0 : i32
        %dma_start3A_226 = arith.constant 0 : i32
        %dma_start3A_227 = tpu.memref_slice %arg2[%arg0, %dma_start3A_225, %dma_start3A_226] : memref<2x100096x16xf32, #tpu.memory_space<hbm>> -> memref<1x100096x16xf32, #tpu.memory_space<hbm>>
        %dma_start3A_228 = tpu.memref_squeeze %dma_start3A_227 : memref<1x100096x16xf32, #tpu.memory_space<hbm>> -> memref<100096x16xf32, #tpu.memory_space<hbm>>
        %dma_start3A_229 = arith.constant 0 : i32
        %dma_start3A_230 = arith.constant 0 : i32
        %dma_start3A_231 = tpu.memref_slice %dma_start3A_228[%dma_start3A_229, %dma_start3A_230] : memref<100096x16xf32, #tpu.memory_space<hbm>> -> memref<100096x16xf32, #tpu.memory_space<hbm>>
        %dma_start3A_232 = tpu.memref_slice %arg11[%sub3A_150] : memref<2x!tpu.dma_semaphore, #tpu.memory_space<semaphore_mem>> -> memref<1x!tpu.dma_semaphore, #tpu.memory_space<semaphore_mem>>
        %dma_start3A_233 = tpu.memref_squeeze %dma_start3A_232 : memref<1x!tpu.dma_semaphore, #tpu.memory_space<semaphore_mem>> -> memref<!tpu.dma_semaphore, #tpu.memory_space<semaphore_mem>>
        tpu.enqueue_indirect_dma source(%dma_start3A_231 : memref<100096x16xf32, #tpu.memory_space<hbm>>) target(%dma_start3A_221 : memref<800x16xf32, #tpu.memory_space<vmem>>) offsets(%dma_start3A_224 : memref<800xi32, #tpu.memory_space<vmem>>) semaphore(%dma_start3A_233 : memref<!tpu.dma_semaphore, #tpu.memory_space<semaphore_mem>>)
      } else {
      }
      %dma_wait3A_169 = arith.constant 0 : i32
      %dma_wait3A_170 = arith.constant 0 : i32
      %dma_wait3A_171 = tpu.memref_slice %arg8[%rem3A_149, %dma_wait3A_169, %dma_wait3A_170] : memref<2x800x16xf32, #tpu.memory_space<vmem>> -> memref<1x800x16xf32, #tpu.memory_space<vmem>>
      %dma_wait3A_172 = tpu.memref_squeeze %dma_wait3A_171 : memref<1x800x16xf32, #tpu.memory_space<vmem>> -> memref<800x16xf32, #tpu.memory_space<vmem>>
      %dma_wait3A_173 = arith.constant 0 : i32
      %dma_wait3A_174 = tpu.memref_slice %arg6[%rem3A_152, %dma_wait3A_173] : memref<3x800xi32, #tpu.memory_space<vmem>> -> memref<1x800xi32, #tpu.memory_space<vmem>>
      %dma_wait3A_175 = tpu.memref_squeeze %dma_wait3A_174 : memref<1x800xi32, #tpu.memory_space<vmem>> -> memref<800xi32, #tpu.memory_space<vmem>>
      %dma_wait3A_176 = arith.constant 0 : i32
      %dma_wait3A_177 = arith.constant 0 : i32
      %dma_wait3A_178 = tpu.memref_slice %arg2[%arg0, %dma_wait3A_176, %dma_wait3A_177] : memref<2x100096x16xf32, #tpu.memory_space<hbm>> -> memref<1x100096x16xf32, #tpu.memory_space<hbm>>
      %dma_wait3A_179 = tpu.memref_squeeze %dma_wait3A_178 : memref<1x100096x16xf32, #tpu.memory_space<hbm>> -> memref<100096x16xf32, #tpu.memory_space<hbm>>
      %dma_wait3A_180 = arith.constant 0 : i32
      %dma_wait3A_181 = arith.constant 0 : i32
      %dma_wait3A_182 = tpu.memref_slice %dma_wait3A_179[%dma_wait3A_180, %dma_wait3A_181] : memref<100096x16xf32, #tpu.memory_space<hbm>> -> memref<100096x16xf32, #tpu.memory_space<hbm>>
      %dma_wait3A_183 = tpu.memref_slice %arg11[%rem3A_149] : memref<2x!tpu.dma_semaphore, #tpu.memory_space<semaphore_mem>> -> memref<1x!tpu.dma_semaphore, #tpu.memory_space<semaphore_mem>>
      %dma_wait3A_184 = tpu.memref_squeeze %dma_wait3A_183 : memref<1x!tpu.dma_semaphore, #tpu.memory_space<semaphore_mem>> -> memref<!tpu.dma_semaphore, #tpu.memory_space<semaphore_mem>>
      tpu.wait_indirect_dma semaphore(%dma_wait3A_184 : memref<!tpu.dma_semaphore, #tpu.memory_space<semaphore_mem>>) src(%dma_wait3A_182 : memref<100096x16xf32, #tpu.memory_space<hbm>>) dst(%dma_wait3A_172 : memref<800x16xf32, #tpu.memory_space<vmem>>)
      %dma_start3A_185 = arith.constant 0 : i32
      %dma_start3A_186 = arith.constant 0 : i32
      %dma_start3A_187 = tpu.memref_slice %arg8[%rem3A_149, %dma_start3A_185, %dma_start3A_186] : memref<2x800x16xf32, #tpu.memory_space<vmem>> -> memref<1x800x16xf32, #tpu.memory_space<vmem>>
      %dma_start3A_188 = tpu.memref_squeeze %dma_start3A_187 : memref<1x800x16xf32, #tpu.memory_space<vmem>> -> memref<800x16xf32, #tpu.memory_space<vmem>>
      %dma_start3A_189 = arith.constant 0 : i32
      %dma_start3A_190 = tpu.memref_slice %arg7[%rem3A_152, %dma_start3A_189] : memref<3x800xi32, #tpu.memory_space<vmem>> -> memref<1x800xi32, #tpu.memory_space<vmem>>
      %dma_start3A_191 = tpu.memref_squeeze %dma_start3A_190 : memref<1x800xi32, #tpu.memory_space<vmem>> -> memref<800xi32, #tpu.memory_space<vmem>>
      %dma_start3A_192 = arith.constant 0 : i32
      %dma_start3A_193 = arith.constant 0 : i32
      %dma_start3A_194 = tpu.memref_slice %arg9[%dma_start3A_192, %dma_start3A_193] : memref<100096x16xf32, #tpu.memory_space<vmem_shared>> -> memref<100096x16xf32, #tpu.memory_space<vmem_shared>>
      tpu.enqueue_indirect_dma source(%dma_start3A_188 : memref<800x16xf32, #tpu.memory_space<vmem>>) target(%dma_start3A_194 : memref<100096x16xf32, #tpu.memory_space<vmem_shared>>) offsets(%dma_start3A_191 : memref<800xi32, #tpu.memory_space<vmem>>) semaphore(%arg12 : memref<!tpu.dma_semaphore, #tpu.memory_space<semaphore_mem>>) {add = true}
      %add3A_195 = arith.constant 2 : i32
      %add3A_196 = arith.addi %scan3A_147, %add3A_195 : i32
      %lt3A_197 = arith.constant 125 : i32
      %lt3A_198 = arith.cmpi slt, %add3A_196, %lt3A_197 : i32
      %convert_element_type3A_199 = arith.extui %lt3A_198 : i1 to i32
      %cond3A_200 = arith.constant 0 : i32
      %cond3A_201 = arith.cmpi ne, %convert_element_type3A_199, %cond3A_200 : i32
      scf.if %cond3A_201 {
        %add3A_202 = arith.constant 2 : i32
        %add3A_203 = arith.addi %scan3A_147, %add3A_202 : i32
        %mul3A_204 = arith.constant 800 : i32
        %mul3A_205 = arith.muli %add3A_203, %mul3A_204 : i32
        %add3A_206 = arith.addi %mul3A_45, %mul3A_205 : i32
        %dma_start3A_207 = arith.constant 0 : i32
        %dma_start3A_208 = tpu.memref_slice %arg6[%rem3A_160, %dma_start3A_207] : memref<3x800xi32, #tpu.memory_space<vmem>> -> memref<1x800xi32, #tpu.memory_space<vmem>>
        %dma_start3A_209 = tpu.memref_squeeze %dma_start3A_208 : memref<1x800xi32, #tpu.memory_space<vmem>> -> memref<800xi32, #tpu.memory_space<vmem>>
        %dma_start3A_210 = tpu.memref_slice %arg3[%add3A_206] : memref<1600000xi32, #tpu.memory_space<hbm>> -> memref<800xi32, #tpu.memory_space<hbm>>
        %dma_start3A_211 = arith.constant 0 : i32
        %dma_start3A_212 = tpu.memref_slice %arg6[%rem3A_160, %dma_start3A_211] : memref<3x800xi32, #tpu.memory_space<vmem>> -> memref<1x800xi32, #tpu.memory_space<vmem>>
        %dma_start3A_213 = tpu.memref_squeeze %dma_start3A_212 : memref<1x800xi32, #tpu.memory_space<vmem>> -> memref<800xi32, #tpu.memory_space<vmem>>
        %dma_start3A_214 = tpu.memref_slice %arg3[%add3A_206] : memref<1600000xi32, #tpu.memory_space<hbm>> -> memref<800xi32, #tpu.memory_space<hbm>>
        tpu.enqueue_dma source(%dma_start3A_214 : memref<800xi32, #tpu.memory_space<hbm>>) target(%dma_start3A_213 : memref<800xi32, #tpu.memory_space<vmem>>) target_semaphore(%arg10 : memref<!tpu.dma_semaphore, #tpu.memory_space<semaphore_mem>>)
        %mul3A_215 = arith.constant 800 : i32
        %mul3A_216 = arith.muli %add3A_203, %mul3A_215 : i32
        %add3A_217 = arith.addi %mul3A_45, %mul3A_216 : i32
        %dma_start3A_218 = arith.constant 0 : i32
        %dma_start3A_219 = tpu.memref_slice %arg7[%rem3A_160, %dma_start3A_218] : memref<3x800xi32, #tpu.memory_space<vmem>> -> memref<1x800xi32, #tpu.memory_space<vmem>>
        %dma_start3A_220 = tpu.memref_squeeze %dma_start3A_219 : memref<1x800xi32, #tpu.memory_space<vmem>> -> memref<800xi32, #tpu.memory_space<vmem>>
        %dma_start3A_221 = tpu.memref_slice %arg4[%add3A_217] : memref<1600000xi32, #tpu.memory_space<hbm>> -> memref<800xi32, #tpu.memory_space<hbm>>
        %dma_start3A_222 = arith.constant 0 : i32
        %dma_start3A_223 = tpu.memref_slice %arg7[%rem3A_160, %dma_start3A_222] : memref<3x800xi32, #tpu.memory_space<vmem>> -> memref<1x800xi32, #tpu.memory_space<vmem>>
        %dma_start3A_224 = tpu.memref_squeeze %dma_start3A_223 : memref<1x800xi32, #tpu.memory_space<vmem>> -> memref<800xi32, #tpu.memory_space<vmem>>
        %dma_start3A_225 = tpu.memref_slice %arg4[%add3A_217] : memref<1600000xi32, #tpu.memory_space<hbm>> -> memref<800xi32, #tpu.memory_space<hbm>>
        tpu.enqueue_dma source(%dma_start3A_225 : memref<800xi32, #tpu.memory_space<hbm>>) target(%dma_start3A_224 : memref<800xi32, #tpu.memory_space<vmem>>) target_semaphore(%arg10 : memref<!tpu.dma_semaphore, #tpu.memory_space<semaphore_mem>>)
      } else {
      }
    }
    %scan3A_130 = arith.constant 125 : i32
    %rem3A = arith.constant 124 : i32
    %rem3A_131 = arith.constant 2 : i32
    %rem3A_132 = arith.remsi %rem3A, %rem3A_131 : i32
    %rem3A_133 = arith.constant 124 : i32
    %rem3A_134 = arith.constant 3 : i32
    %rem3A_135 = arith.remsi %rem3A_133, %rem3A_134 : i32
    %dma_wait3A_136 = arith.constant 0 : i32
    %dma_wait3A_137 = arith.constant 0 : i32
    %dma_wait3A_138 = tpu.memref_slice %arg8[%rem3A_132, %dma_wait3A_136, %dma_wait3A_137] : memref<2x800x16xf32, #tpu.memory_space<vmem>> -> memref<1x800x16xf32, #tpu.memory_space<vmem>>
    %dma_wait3A_139 = tpu.memref_squeeze %dma_wait3A_138 : memref<1x800x16xf32, #tpu.memory_space<vmem>> -> memref<800x16xf32, #tpu.memory_space<vmem>>
    %dma_wait3A_140 = arith.constant 0 : i32
    %dma_wait3A_141 = tpu.memref_slice %arg7[%rem3A_135, %dma_wait3A_140] : memref<3x800xi32, #tpu.memory_space<vmem>> -> memref<1x800xi32, #tpu.memory_space<vmem>>
    %dma_wait3A_142 = tpu.memref_squeeze %dma_wait3A_141 : memref<1x800xi32, #tpu.memory_space<vmem>> -> memref<800xi32, #tpu.memory_space<vmem>>
    %dma_wait3A_143 = arith.constant 0 : i32
    %dma_wait3A_144 = arith.constant 0 : i32
    %dma_wait3A_145 = tpu.memref_slice %arg9[%dma_wait3A_143, %dma_wait3A_144] : memref<100096x16xf32, #tpu.memory_space<vmem_shared>> -> memref<100096x16xf32, #tpu.memory_space<vmem_shared>>
    tpu.wait_indirect_dma semaphore(%arg12 : memref<!tpu.dma_semaphore, #tpu.memory_space<semaphore_mem>>) src(%dma_wait3A_139 : memref<800x16xf32, #tpu.memory_space<vmem>>) dst(%dma_wait3A_145 : memref<100096x16xf32, #tpu.memory_space<vmem_shared>>)
    %barrier3A_146 = arith.constant 0 : index
    tpu.barrier barrier_id(%barrier3A_146)
    "tpu.region"() ({
      %run_scoped3A_147 = tpu.sem_alloc : memref<!tpu.dma_semaphore, #tpu.memory_space<semaphore_mem>>
      %dma_start3A_148 = arith.constant 0 : i32
      %dma_start3A_149 = tpu.memref_slice %arg5[%arg0, %mul3A_0, %dma_start3A_148] : memref<2x100096x16xf32, #tpu.memory_space<hbm>> -> memref<1x6256x16xf32, #tpu.memory_space<hbm>>
      %dma_start3A_150 = tpu.memref_squeeze %dma_start3A_149 : memref<1x6256x16xf32, #tpu.memory_space<hbm>> -> memref<6256x16xf32, #tpu.memory_space<hbm>>
      %dma_start3A_151 = arith.constant 0 : i32
      %dma_start3A_152 = tpu.memref_slice %arg9[%mul3A_0, %dma_start3A_151] : memref<100096x16xf32, #tpu.memory_space<vmem_shared>> -> memref<6256x16xf32, #tpu.memory_space<vmem_shared>>
      tpu.enqueue_dma source(%dma_start3A_152 : memref<6256x16xf32, #tpu.memory_space<vmem_shared>>) target(%dma_start3A_150 : memref<6256x16xf32, #tpu.memory_space<hbm>>) target_semaphore(%run_scoped3A_147 : memref<!tpu.dma_semaphore, #tpu.memory_space<semaphore_mem>>)
      %dma_wait3A_153 = arith.constant 0 : i32
      %dma_wait3A_154 = tpu.memref_slice %arg5[%arg0, %mul3A_0, %dma_wait3A_153] : memref<2x100096x16xf32, #tpu.memory_space<hbm>> -> memref<1x6256x16xf32, #tpu.memory_space<hbm>>
      %dma_wait3A_155 = tpu.memref_squeeze %dma_wait3A_154 : memref<1x6256x16xf32, #tpu.memory_space<hbm>> -> memref<6256x16xf32, #tpu.memory_space<hbm>>
      %dma_wait3A_156 = arith.constant 0 : i32
      %dma_wait3A_157 = tpu.memref_slice %arg9[%mul3A_0, %dma_wait3A_156] : memref<100096x16xf32, #tpu.memory_space<vmem_shared>> -> memref<6256x16xf32, #tpu.memory_space<vmem_shared>>
      tpu.wait_dma2 semaphore(%run_scoped3A_147 : memref<!tpu.dma_semaphore, #tpu.memory_space<semaphore_mem>>) src(%dma_wait3A_157 : memref<6256x16xf32, #tpu.memory_space<vmem_shared>>) dst(%dma_wait3A_155 : memref<6256x16xf32, #tpu.memory_space<hbm>>)
      tpu.yield
    }) : () -> ()
    return
  }
}

#map = affine_map<(d0, d1) -> (0)>
#map1 = affine_map<(d0, d1) -> (0, 0, 0)>
module attributes {stable_mosaic.version = 14 : i64} {
  func.func @_sc_deg(%arg0: i32, %arg1: i32, %arg2: memref<1600000xi32, #tpu.memory_space<hbm>>, %arg3: memref<2x100096x16xf32, #tpu.memory_space<hbm>>, %arg4: memref<4x1000xi32, #tpu.memory_space<vmem>>, %arg5: memref<1000x16xf32, #tpu.memory_space<vmem>>, %arg6: memref<100096x16xf32, #tpu.memory_space<vmem_shared>>, %arg7: memref<!tpu.dma_semaphore, #tpu.memory_space<semaphore_mem>>, %arg8: memref<2x!tpu.dma_semaphore, #tpu.memory_space<semaphore_mem>>) attributes {dimension_semantics = [#tpu.dimension_semantics<core_parallel>, #tpu.dimension_semantics<subcore_parallel>], iteration_bounds = array<i64: 2, 16>, scalar_prefetch = 0 : i64, scratch_operands = 5 : i64, tpu.core_type = #tpu.core_type<sc_vector_subcore>, window_params = [{transform_indices = #map}, {transform_indices = #map1}]} {
    %mul3A = arith.constant 6256 : i32
    %mul3A_0 = arith.muli %arg1, %mul3A : i32
    %scan3A = arith.constant 0.000000e+00 : f32
    %scan3A_1 = arith.constant 0 : i32
    %scan3A_2 = arith.constant 1000 : i32
    %scan3A_3 = arith.addi %scan3A_1, %scan3A_2 : i32
    %scan3A_4 = arith.constant 1 : i32
    %scan3A_5 = scf.for %scan3A_100 = %scan3A_1 to %scan3A_3 step %scan3A_4 iter_args(%scan3A_101 = %scan3A) -> (f32)  : i32 {
      %broadcast_in_dim3A = arith.constant 0.000000e+00 : f32
      %broadcast_in_dim3A_102 = vector.broadcast %broadcast_in_dim3A : f32 to vector<16xf32>
      %swap3A = arith.index_cast %scan3A_100 : i32 to index
      %swap3A_103 = arith.constant 0 : index
      %swap3A_104 = tpu.vector_load %arg5[%swap3A, %swap3A_103] {strides = array<i32>} : memref<1000x16xf32, #tpu.memory_space<vmem>>, vector<1x16xf32>,
      %swap3A_105 = vector.shape_cast %swap3A_104 : vector<1x16xf32> to vector<16xf32>
      %swap3A_106 = vector.shape_cast %broadcast_in_dim3A_102 : vector<16xf32> to vector<1x16xf32>
      tpu.vector_store %arg5[%swap3A, %swap3A_103], %swap3A_106 {strides = array<i32>} : memref<1000x16xf32, #tpu.memory_space<vmem>>, vector<1x16xf32>,
      %scan3A_107 = arith.constant 0.000000e+00 : f32
      scf.yield %scan3A_107 : f32
    }
    %scan3A_6 = arith.constant 1000 : i32
    %mul3A_7 = arith.constant 6256 : i32
    %mul3A_8 = arith.muli %arg1, %mul3A_7 : i32
    %add3A = arith.constant 0 : i32
    %add3A_9 = arith.addi %mul3A_8, %add3A : i32
    "tpu.region"() ({
      %run_scoped3A = tpu.sem_alloc : memref<!tpu.dma_semaphore, #tpu.memory_space<semaphore_mem>>
      %dma_start3A_100 = arith.constant 0 : i32
      %dma_start3A_101 = tpu.memref_slice %arg6[%add3A_9, %dma_start3A_100] : memref<100096x16xf32, #tpu.memory_space<vmem_shared>> -> memref<1000x16xf32, #tpu.memory_space<vmem_shared>>
      %dma_start3A_102 = arith.constant 0 : i32
      %dma_start3A_103 = tpu.memref_slice %arg6[%add3A_9, %dma_start3A_102] : memref<100096x16xf32, #tpu.memory_space<vmem_shared>> -> memref<1000x16xf32, #tpu.memory_space<vmem_shared>>
      tpu.enqueue_dma source(%arg5 : memref<1000x16xf32, #tpu.memory_space<vmem>>) target(%dma_start3A_103 : memref<1000x16xf32, #tpu.memory_space<vmem_shared>>) target_semaphore(%run_scoped3A : memref<!tpu.dma_semaphore, #tpu.memory_space<semaphore_mem>>)
      %dma_wait3A_104 = arith.constant 0 : i32
      %dma_wait3A_105 = tpu.memref_slice %arg6[%add3A_9, %dma_wait3A_104] : memref<100096x16xf32, #tpu.memory_space<vmem_shared>> -> memref<1000x16xf32, #tpu.memory_space<vmem_shared>>
      %dma_wait3A_106 = arith.constant 0 : i32
      %dma_wait3A_107 = tpu.memref_slice %arg6[%add3A_9, %dma_wait3A_106] : memref<100096x16xf32, #tpu.memory_space<vmem_shared>> -> memref<1000x16xf32, #tpu.memory_space<vmem_shared>>
      tpu.wait_dma2 semaphore(%run_scoped3A : memref<!tpu.dma_semaphore, #tpu.memory_space<semaphore_mem>>) src(%arg5 : memref<1000x16xf32, #tpu.memory_space<vmem>>) dst(%dma_wait3A_107 : memref<1000x16xf32, #tpu.memory_space<vmem_shared>>)
      tpu.yield
    }) : () -> ()
    %mul3A_10 = arith.constant 6256 : i32
    %mul3A_11 = arith.muli %arg1, %mul3A_10 : i32
    %add3A_12 = arith.constant 1000 : i32
    %add3A_13 = arith.addi %mul3A_11, %add3A_12 : i32
    "tpu.region"() ({
      %run_scoped3A = tpu.sem_alloc : memref<!tpu.dma_semaphore, #tpu.memory_space<semaphore_mem>>
      %dma_start3A_100 = arith.constant 0 : i32
      %dma_start3A_101 = tpu.memref_slice %arg6[%add3A_13, %dma_start3A_100] : memref<100096x16xf32, #tpu.memory_space<vmem_shared>> -> memref<1000x16xf32, #tpu.memory_space<vmem_shared>>
      %dma_start3A_102 = arith.constant 0 : i32
      %dma_start3A_103 = tpu.memref_slice %arg6[%add3A_13, %dma_start3A_102] : memref<100096x16xf32, #tpu.memory_space<vmem_shared>> -> memref<1000x16xf32, #tpu.memory_space<vmem_shared>>
      tpu.enqueue_dma source(%arg5 : memref<1000x16xf32, #tpu.memory_space<vmem>>) target(%dma_start3A_103 : memref<1000x16xf32, #tpu.memory_space<vmem_shared>>) target_semaphore(%run_scoped3A : memref<!tpu.dma_semaphore, #tpu.memory_space<semaphore_mem>>)
      %dma_wait3A_104 = arith.constant 0 : i32
      %dma_wait3A_105 = tpu.memref_slice %arg6[%add3A_13, %dma_wait3A_104] : memref<100096x16xf32, #tpu.memory_space<vmem_shared>> -> memref<1000x16xf32, #tpu.memory_space<vmem_shared>>
      %dma_wait3A_106 = arith.constant 0 : i32
      %dma_wait3A_107 = tpu.memref_slice %arg6[%add3A_13, %dma_wait3A_106] : memref<100096x16xf32, #tpu.memory_space<vmem_shared>> -> memref<1000x16xf32, #tpu.memory_space<vmem_shared>>
      tpu.wait_dma2 semaphore(%run_scoped3A : memref<!tpu.dma_semaphore, #tpu.memory_space<semaphore_mem>>) src(%arg5 : memref<1000x16xf32, #tpu.memory_space<vmem>>) dst(%dma_wait3A_107 : memref<1000x16xf32, #tpu.memory_space<vmem_shared>>)
      tpu.yield
    }) : () -> ()
    %mul3A_14 = arith.constant 6256 : i32
    %mul3A_15 = arith.muli %arg1, %mul3A_14 : i32
    %add3A_16 = arith.constant 2000 : i32
    %add3A_17 = arith.addi %mul3A_15, %add3A_16 : i32
    "tpu.region"() ({
      %run_scoped3A = tpu.sem_alloc : memref<!tpu.dma_semaphore, #tpu.memory_space<semaphore_mem>>
      %dma_start3A_100 = arith.constant 0 : i32
      %dma_start3A_101 = tpu.memref_slice %arg6[%add3A_17, %dma_start3A_100] : memref<100096x16xf32, #tpu.memory_space<vmem_shared>> -> memref<1000x16xf32, #tpu.memory_space<vmem_shared>>
      %dma_start3A_102 = arith.constant 0 : i32
      %dma_start3A_103 = tpu.memref_slice %arg6[%add3A_17, %dma_start3A_102] : memref<100096x16xf32, #tpu.memory_space<vmem_shared>> -> memref<1000x16xf32, #tpu.memory_space<vmem_shared>>
      tpu.enqueue_dma source(%arg5 : memref<1000x16xf32, #tpu.memory_space<vmem>>) target(%dma_start3A_103 : memref<1000x16xf32, #tpu.memory_space<vmem_shared>>) target_semaphore(%run_scoped3A : memref<!tpu.dma_semaphore, #tpu.memory_space<semaphore_mem>>)
      %dma_wait3A_104 = arith.constant 0 : i32
      %dma_wait3A_105 = tpu.memref_slice %arg6[%add3A_17, %dma_wait3A_104] : memref<100096x16xf32, #tpu.memory_space<vmem_shared>> -> memref<1000x16xf32, #tpu.memory_space<vmem_shared>>
      %dma_wait3A_106 = arith.constant 0 : i32
      %dma_wait3A_107 = tpu.memref_slice %arg6[%add3A_17, %dma_wait3A_106] : memref<100096x16xf32, #tpu.memory_space<vmem_shared>> -> memref<1000x16xf32, #tpu.memory_space<vmem_shared>>
      tpu.wait_dma2 semaphore(%run_scoped3A : memref<!tpu.dma_semaphore, #tpu.memory_space<semaphore_mem>>) src(%arg5 : memref<1000x16xf32, #tpu.memory_space<vmem>>) dst(%dma_wait3A_107 : memref<1000x16xf32, #tpu.memory_space<vmem_shared>>)
      tpu.yield
    }) : () -> ()
    %mul3A_18 = arith.constant 6256 : i32
    %mul3A_19 = arith.muli %arg1, %mul3A_18 : i32
    %add3A_20 = arith.constant 3000 : i32
    %add3A_21 = arith.addi %mul3A_19, %add3A_20 : i32
    "tpu.region"() ({
      %run_scoped3A = tpu.sem_alloc : memref<!tpu.dma_semaphore, #tpu.memory_space<semaphore_mem>>
      %dma_start3A_100 = arith.constant 0 : i32
      %dma_start3A_101 = tpu.memref_slice %arg6[%add3A_21, %dma_start3A_100] : memref<100096x16xf32, #tpu.memory_space<vmem_shared>> -> memref<1000x16xf32, #tpu.memory_space<vmem_shared>>
      %dma_start3A_102 = arith.constant 0 : i32
      %dma_start3A_103 = tpu.memref_slice %arg6[%add3A_21, %dma_start3A_102] : memref<100096x16xf32, #tpu.memory_space<vmem_shared>> -> memref<1000x16xf32, #tpu.memory_space<vmem_shared>>
      tpu.enqueue_dma source(%arg5 : memref<1000x16xf32, #tpu.memory_space<vmem>>) target(%dma_start3A_103 : memref<1000x16xf32, #tpu.memory_space<vmem_shared>>) target_semaphore(%run_scoped3A : memref<!tpu.dma_semaphore, #tpu.memory_space<semaphore_mem>>)
      %dma_wait3A_104 = arith.constant 0 : i32
      %dma_wait3A_105 = tpu.memref_slice %arg6[%add3A_21, %dma_wait3A_104] : memref<100096x16xf32, #tpu.memory_space<vmem_shared>> -> memref<1000x16xf32, #tpu.memory_space<vmem_shared>>
      %dma_wait3A_106 = arith.constant 0 : i32
      %dma_wait3A_107 = tpu.memref_slice %arg6[%add3A_21, %dma_wait3A_106] : memref<100096x16xf32, #tpu.memory_space<vmem_shared>> -> memref<1000x16xf32, #tpu.memory_space<vmem_shared>>
      tpu.wait_dma2 semaphore(%run_scoped3A : memref<!tpu.dma_semaphore, #tpu.memory_space<semaphore_mem>>) src(%arg5 : memref<1000x16xf32, #tpu.memory_space<vmem>>) dst(%dma_wait3A_107 : memref<1000x16xf32, #tpu.memory_space<vmem_shared>>)
      tpu.yield
    }) : () -> ()
    %mul3A_22 = arith.constant 6256 : i32
    %mul3A_23 = arith.muli %arg1, %mul3A_22 : i32
    %add3A_24 = arith.constant 4000 : i32
    %add3A_25 = arith.addi %mul3A_23, %add3A_24 : i32
    "tpu.region"() ({
      %run_scoped3A = tpu.sem_alloc : memref<!tpu.dma_semaphore, #tpu.memory_space<semaphore_mem>>
      %dma_start3A_100 = arith.constant 0 : i32
      %dma_start3A_101 = tpu.memref_slice %arg6[%add3A_25, %dma_start3A_100] : memref<100096x16xf32, #tpu.memory_space<vmem_shared>> -> memref<1000x16xf32, #tpu.memory_space<vmem_shared>>
      %dma_start3A_102 = arith.constant 0 : i32
      %dma_start3A_103 = tpu.memref_slice %arg6[%add3A_25, %dma_start3A_102] : memref<100096x16xf32, #tpu.memory_space<vmem_shared>> -> memref<1000x16xf32, #tpu.memory_space<vmem_shared>>
      tpu.enqueue_dma source(%arg5 : memref<1000x16xf32, #tpu.memory_space<vmem>>) target(%dma_start3A_103 : memref<1000x16xf32, #tpu.memory_space<vmem_shared>>) target_semaphore(%run_scoped3A : memref<!tpu.dma_semaphore, #tpu.memory_space<semaphore_mem>>)
      %dma_wait3A_104 = arith.constant 0 : i32
      %dma_wait3A_105 = tpu.memref_slice %arg6[%add3A_25, %dma_wait3A_104] : memref<100096x16xf32, #tpu.memory_space<vmem_shared>> -> memref<1000x16xf32, #tpu.memory_space<vmem_shared>>
      %dma_wait3A_106 = arith.constant 0 : i32
      %dma_wait3A_107 = tpu.memref_slice %arg6[%add3A_25, %dma_wait3A_106] : memref<100096x16xf32, #tpu.memory_space<vmem_shared>> -> memref<1000x16xf32, #tpu.memory_space<vmem_shared>>
      tpu.wait_dma2 semaphore(%run_scoped3A : memref<!tpu.dma_semaphore, #tpu.memory_space<semaphore_mem>>) src(%arg5 : memref<1000x16xf32, #tpu.memory_space<vmem>>) dst(%dma_wait3A_107 : memref<1000x16xf32, #tpu.memory_space<vmem_shared>>)
      tpu.yield
    }) : () -> ()
    %mul3A_26 = arith.constant 6256 : i32
    %mul3A_27 = arith.muli %arg1, %mul3A_26 : i32
    %add3A_28 = arith.constant 5000 : i32
    %add3A_29 = arith.addi %mul3A_27, %add3A_28 : i32
    "tpu.region"() ({
      %run_scoped3A = tpu.sem_alloc : memref<!tpu.dma_semaphore, #tpu.memory_space<semaphore_mem>>
      %dma_start3A_100 = arith.constant 0 : i32
      %dma_start3A_101 = tpu.memref_slice %arg6[%add3A_29, %dma_start3A_100] : memref<100096x16xf32, #tpu.memory_space<vmem_shared>> -> memref<1000x16xf32, #tpu.memory_space<vmem_shared>>
      %dma_start3A_102 = arith.constant 0 : i32
      %dma_start3A_103 = tpu.memref_slice %arg6[%add3A_29, %dma_start3A_102] : memref<100096x16xf32, #tpu.memory_space<vmem_shared>> -> memref<1000x16xf32, #tpu.memory_space<vmem_shared>>
      tpu.enqueue_dma source(%arg5 : memref<1000x16xf32, #tpu.memory_space<vmem>>) target(%dma_start3A_103 : memref<1000x16xf32, #tpu.memory_space<vmem_shared>>) target_semaphore(%run_scoped3A : memref<!tpu.dma_semaphore, #tpu.memory_space<semaphore_mem>>)
      %dma_wait3A_104 = arith.constant 0 : i32
      %dma_wait3A_105 = tpu.memref_slice %arg6[%add3A_29, %dma_wait3A_104] : memref<100096x16xf32, #tpu.memory_space<vmem_shared>> -> memref<1000x16xf32, #tpu.memory_space<vmem_shared>>
      %dma_wait3A_106 = arith.constant 0 : i32
      %dma_wait3A_107 = tpu.memref_slice %arg6[%add3A_29, %dma_wait3A_106] : memref<100096x16xf32, #tpu.memory_space<vmem_shared>> -> memref<1000x16xf32, #tpu.memory_space<vmem_shared>>
      tpu.wait_dma2 semaphore(%run_scoped3A : memref<!tpu.dma_semaphore, #tpu.memory_space<semaphore_mem>>) src(%arg5 : memref<1000x16xf32, #tpu.memory_space<vmem>>) dst(%dma_wait3A_107 : memref<1000x16xf32, #tpu.memory_space<vmem_shared>>)
      tpu.yield
    }) : () -> ()
    %mul3A_30 = arith.constant 6256 : i32
    %mul3A_31 = arith.muli %arg1, %mul3A_30 : i32
    %add3A_32 = arith.constant 6000 : i32
    %add3A_33 = arith.addi %mul3A_31, %add3A_32 : i32
    "tpu.region"() ({
      %run_scoped3A = tpu.sem_alloc : memref<!tpu.dma_semaphore, #tpu.memory_space<semaphore_mem>>
      %dma_start3A_100 = arith.constant 0 : i32
      %dma_start3A_101 = arith.constant 0 : i32
      %dma_start3A_102 = tpu.memref_slice %arg5[%dma_start3A_100, %dma_start3A_101] : memref<1000x16xf32, #tpu.memory_space<vmem>> -> memref<256x16xf32, #tpu.memory_space<vmem>>
      %dma_start3A_103 = arith.constant 0 : i32
      %dma_start3A_104 = tpu.memref_slice %arg6[%add3A_33, %dma_start3A_103] : memref<100096x16xf32, #tpu.memory_space<vmem_shared>> -> memref<256x16xf32, #tpu.memory_space<vmem_shared>>
      %dma_start3A_105 = arith.constant 0 : i32
      %dma_start3A_106 = tpu.memref_slice %arg6[%add3A_33, %dma_start3A_105] : memref<100096x16xf32, #tpu.memory_space<vmem_shared>> -> memref<256x16xf32, #tpu.memory_space<vmem_shared>>
      %dma_start3A_107 = arith.constant 0 : i32
      %dma_start3A_108 = arith.constant 0 : i32
      %dma_start3A_109 = tpu.memref_slice %arg5[%dma_start3A_107, %dma_start3A_108] : memref<1000x16xf32, #tpu.memory_space<vmem>> -> memref<256x16xf32, #tpu.memory_space<vmem>>
      tpu.enqueue_dma source(%dma_start3A_109 : memref<256x16xf32, #tpu.memory_space<vmem>>) target(%dma_start3A_106 : memref<256x16xf32, #tpu.memory_space<vmem_shared>>) target_semaphore(%run_scoped3A : memref<!tpu.dma_semaphore, #tpu.memory_space<semaphore_mem>>)
      %dma_wait3A_110 = arith.constant 0 : i32
      %dma_wait3A_111 = arith.constant 0 : i32
      %dma_wait3A_112 = tpu.memref_slice %arg5[%dma_wait3A_110, %dma_wait3A_111] : memref<1000x16xf32, #tpu.memory_space<vmem>> -> memref<256x16xf32, #tpu.memory_space<vmem>>
      %dma_wait3A_113 = arith.constant 0 : i32
      %dma_wait3A_114 = tpu.memref_slice %arg6[%add3A_33, %dma_wait3A_113] : memref<100096x16xf32, #tpu.memory_space<vmem_shared>> -> memref<256x16xf32, #tpu.memory_space<vmem_shared>>
      %dma_wait3A_115 = arith.constant 0 : i32
      %dma_wait3A_116 = tpu.memref_slice %arg6[%add3A_33, %dma_wait3A_115] : memref<100096x16xf32, #tpu.memory_space<vmem_shared>> -> memref<256x16xf32, #tpu.memory_space<vmem_shared>>
      %dma_wait3A_117 = arith.constant 0 : i32
      %dma_wait3A_118 = arith.constant 0 : i32
      %dma_wait3A_119 = tpu.memref_slice %arg5[%dma_wait3A_117, %dma_wait3A_118] : memref<1000x16xf32, #tpu.memory_space<vmem>> -> memref<256x16xf32, #tpu.memory_space<vmem>>
      tpu.wait_dma2 semaphore(%run_scoped3A : memref<!tpu.dma_semaphore, #tpu.memory_space<semaphore_mem>>) src(%dma_wait3A_119 : memref<256x16xf32, #tpu.memory_space<vmem>>) dst(%dma_wait3A_116 : memref<256x16xf32, #tpu.memory_space<vmem_shared>>)
      tpu.yield
    }) : () -> ()
    %scan3A_34 = arith.constant 1.000000e+00 : f32
    %scan3A_35 = arith.constant 0 : i32
    %scan3A_36 = arith.constant 1000 : i32
    %scan3A_37 = arith.addi %scan3A_35, %scan3A_36 : i32
    %scan3A_38 = arith.constant 1 : i32
    %scan3A_39 = scf.for %scan3A_100 = %scan3A_35 to %scan3A_37 step %scan3A_38 iter_args(%scan3A_101 = %scan3A_34) -> (f32)  : i32 {
      %broadcast_in_dim3A = arith.constant 1.000000e+00 : f32
      %broadcast_in_dim3A_102 = vector.broadcast %broadcast_in_dim3A : f32 to vector<16xf32>
      %swap3A = arith.index_cast %scan3A_100 : i32 to index
      %swap3A_103 = arith.constant 0 : index
      %swap3A_104 = tpu.vector_load %arg5[%swap3A, %swap3A_103] {strides = array<i32>} : memref<1000x16xf32, #tpu.memory_space<vmem>>, vector<1x16xf32>,
      %swap3A_105 = vector.shape_cast %swap3A_104 : vector<1x16xf32> to vector<16xf32>
      %swap3A_106 = vector.shape_cast %broadcast_in_dim3A_102 : vector<16xf32> to vector<1x16xf32>
      tpu.vector_store %arg5[%swap3A, %swap3A_103], %swap3A_106 {strides = array<i32>} : memref<1000x16xf32, #tpu.memory_space<vmem>>, vector<1x16xf32>,
      %scan3A_107 = arith.constant 1.000000e+00 : f32
      scf.yield %scan3A_107 : f32
    }
    %scan3A_40 = arith.constant 1000 : i32
    %barrier3A = arith.constant 0 : index
    tpu.barrier barrier_id(%barrier3A)
    %mul3A_41 = arith.constant 16 : i32
    %mul3A_42 = arith.muli %arg0, %mul3A_41 : i32
    %add3A_43 = arith.addi %mul3A_42, %arg1 : i32
    %mul3A_44 = arith.constant 50000 : i32
    %mul3A_45 = arith.muli %add3A_43, %mul3A_44 : i32
    %add3A_46 = arith.constant 0 : i32
    %add3A_47 = arith.addi %mul3A_45, %add3A_46 : i32
    %dma_start3A = arith.constant 0 : i32
    %dma_start3A_48 = arith.constant 0 : i32
    %dma_start3A_49 = tpu.memref_slice %arg4[%dma_start3A, %dma_start3A_48] : memref<4x1000xi32, #tpu.memory_space<vmem>> -> memref<1x1000xi32, #tpu.memory_space<vmem>>
    %dma_start3A_50 = tpu.memref_squeeze %dma_start3A_49 : memref<1x1000xi32, #tpu.memory_space<vmem>> -> memref<1000xi32, #tpu.memory_space<vmem>>
    %dma_start3A_51 = tpu.memref_slice %arg2[%add3A_47] : memref<1600000xi32, #tpu.memory_space<hbm>> -> memref<1000xi32, #tpu.memory_space<hbm>>
    %dma_start3A_52 = arith.constant 0 : i32
    %dma_start3A_53 = tpu.memref_slice %arg4[%dma_start3A, %dma_start3A_52] : memref<4x1000xi32, #tpu.memory_space<vmem>> -> memref<1x1000xi32, #tpu.memory_space<vmem>>
    %dma_start3A_54 = tpu.memref_squeeze %dma_start3A_53 : memref<1x1000xi32, #tpu.memory_space<vmem>> -> memref<1000xi32, #tpu.memory_space<vmem>>
    %dma_start3A_55 = tpu.memref_slice %arg2[%add3A_47] : memref<1600000xi32, #tpu.memory_space<hbm>> -> memref<1000xi32, #tpu.memory_space<hbm>>
    tpu.enqueue_dma source(%dma_start3A_55 : memref<1000xi32, #tpu.memory_space<hbm>>) target(%dma_start3A_54 : memref<1000xi32, #tpu.memory_space<vmem>>) target_semaphore(%arg7 : memref<!tpu.dma_semaphore, #tpu.memory_space<semaphore_mem>>)
    %add3A_56 = arith.constant 1000 : i32
    %add3A_57 = arith.addi %mul3A_45, %add3A_56 : i32
    %dma_start3A_58 = arith.constant 1 : i32
    %dma_start3A_59 = arith.constant 0 : i32
    %dma_start3A_60 = tpu.memref_slice %arg4[%dma_start3A_58, %dma_start3A_59] : memref<4x1000xi32, #tpu.memory_space<vmem>> -> memref<1x1000xi32, #tpu.memory_space<vmem>>
    %dma_start3A_61 = tpu.memref_squeeze %dma_start3A_60 : memref<1x1000xi32, #tpu.memory_space<vmem>> -> memref<1000xi32, #tpu.memory_space<vmem>>
    %dma_start3A_62 = tpu.memref_slice %arg2[%add3A_57] : memref<1600000xi32, #tpu.memory_space<hbm>> -> memref<1000xi32, #tpu.memory_space<hbm>>
    %dma_start3A_63 = arith.constant 0 : i32
    %dma_start3A_64 = tpu.memref_slice %arg4[%dma_start3A_58, %dma_start3A_63] : memref<4x1000xi32, #tpu.memory_space<vmem>> -> memref<1x1000xi32, #tpu.memory_space<vmem>>
    %dma_start3A_65 = tpu.memref_squeeze %dma_start3A_64 : memref<1x1000xi32, #tpu.memory_space<vmem>> -> memref<1000xi32, #tpu.memory_space<vmem>>
    %dma_start3A_66 = tpu.memref_slice %arg2[%add3A_57] : memref<1600000xi32, #tpu.memory_space<hbm>> -> memref<1000xi32, #tpu.memory_space<hbm>>
    tpu.enqueue_dma source(%dma_start3A_66 : memref<1000xi32, #tpu.memory_space<hbm>>) target(%dma_start3A_65 : memref<1000xi32, #tpu.memory_space<vmem>>) target_semaphore(%arg7 : memref<!tpu.dma_semaphore, #tpu.memory_space<semaphore_mem>>)
    %scan3A_67 = arith.constant 0 : i32
    %scan3A_68 = arith.constant 0 : i32
    %scan3A_69 = arith.constant 50 : i32
    %scan3A_70 = arith.addi %scan3A_68, %scan3A_69 : i32
    %scan3A_71 = arith.constant 1 : i32
    scf.for %scan3A_100 = %scan3A_68 to %scan3A_70 step %scan3A_71  : i32 {
      %rem3A_101 = arith.constant 2 : i32
      %rem3A_102 = arith.remsi %scan3A_100, %rem3A_101 : i32
      %rem3A_103 = arith.constant 4 : i32
      %rem3A_104 = arith.remsi %scan3A_100, %rem3A_103 : i32
      %add3A_105 = arith.constant 2 : i32
      %add3A_106 = arith.addi %scan3A_100, %add3A_105 : i32
      %rem3A_107 = arith.constant 4 : i32
      %rem3A_108 = arith.remsi %add3A_106, %rem3A_107 : i32
      %ge3A = arith.constant 2 : i32
      %ge3A_109 = arith.cmpi sge, %scan3A_100, %ge3A : i32
      %convert_element_type3A = arith.extui %ge3A_109 : i1 to i32
      %cond3A = arith.constant 0 : i32
      %cond3A_110 = arith.cmpi ne, %convert_element_type3A, %cond3A : i32
      scf.if %cond3A_110 {
        %dma_wait3A_133 = arith.constant 0 : i32
        %dma_wait3A_134 = tpu.memref_slice %arg4[%rem3A_108, %dma_wait3A_133] : memref<4x1000xi32, #tpu.memory_space<vmem>> -> memref<1x1000xi32, #tpu.memory_space<vmem>>
        %dma_wait3A_135 = tpu.memref_squeeze %dma_wait3A_134 : memref<1x1000xi32, #tpu.memory_space<vmem>> -> memref<1000xi32, #tpu.memory_space<vmem>>
        %dma_wait3A_136 = arith.constant 0 : i32
        %dma_wait3A_137 = arith.constant 0 : i32
        %dma_wait3A_138 = tpu.memref_slice %arg6[%dma_wait3A_136, %dma_wait3A_137] : memref<100096x16xf32, #tpu.memory_space<vmem_shared>> -> memref<100096x16xf32, #tpu.memory_space<vmem_shared>>
        %dma_wait3A_139 = tpu.memref_slice %arg8[%rem3A_102] : memref<2x!tpu.dma_semaphore, #tpu.memory_space<semaphore_mem>> -> memref<1x!tpu.dma_semaphore, #tpu.memory_space<semaphore_mem>>
        %dma_wait3A_140 = tpu.memref_squeeze %dma_wait3A_139 : memref<1x!tpu.dma_semaphore, #tpu.memory_space<semaphore_mem>> -> memref<!tpu.dma_semaphore, #tpu.memory_space<semaphore_mem>>
        tpu.wait_indirect_dma semaphore(%dma_wait3A_140 : memref<!tpu.dma_semaphore, #tpu.memory_space<semaphore_mem>>) src(%arg5 : memref<1000x16xf32, #tpu.memory_space<vmem>>) dst(%dma_wait3A_138 : memref<100096x16xf32, #tpu.memory_space<vmem_shared>>)
      } else {
      }
      %dma_wait3A_111 = arith.constant 0 : i32
      %dma_wait3A_112 = tpu.memref_slice %arg4[%rem3A_104, %dma_wait3A_111] : memref<4x1000xi32, #tpu.memory_space<vmem>> -> memref<1x1000xi32, #tpu.memory_space<vmem>>
      %dma_wait3A_113 = tpu.memref_squeeze %dma_wait3A_112 : memref<1x1000xi32, #tpu.memory_space<vmem>> -> memref<1000xi32, #tpu.memory_space<vmem>>
      %dma_wait3A_114 = tpu.memref_slice %arg2[%mul3A_45] : memref<1600000xi32, #tpu.memory_space<hbm>> -> memref<1000xi32, #tpu.memory_space<hbm>>
      %dma_wait3A_115 = arith.constant 0 : i32
      %dma_wait3A_116 = tpu.memref_slice %arg4[%rem3A_104, %dma_wait3A_115] : memref<4x1000xi32, #tpu.memory_space<vmem>> -> memref<1x1000xi32, #tpu.memory_space<vmem>>
      %dma_wait3A_117 = tpu.memref_squeeze %dma_wait3A_116 : memref<1x1000xi32, #tpu.memory_space<vmem>> -> memref<1000xi32, #tpu.memory_space<vmem>>
      %dma_wait3A_118 = tpu.memref_slice %arg2[%mul3A_45] : memref<1600000xi32, #tpu.memory_space<hbm>> -> memref<1000xi32, #tpu.memory_space<hbm>>
      tpu.wait_dma2 semaphore(%arg7 : memref<!tpu.dma_semaphore, #tpu.memory_space<semaphore_mem>>) src(%dma_wait3A_118 : memref<1000xi32, #tpu.memory_space<hbm>>) dst(%dma_wait3A_117 : memref<1000xi32, #tpu.memory_space<vmem>>)
      %dma_start3A_119 = arith.constant 0 : i32
      %dma_start3A_120 = tpu.memref_slice %arg4[%rem3A_104, %dma_start3A_119] : memref<4x1000xi32, #tpu.memory_space<vmem>> -> memref<1x1000xi32, #tpu.memory_space<vmem>>
      %dma_start3A_121 = tpu.memref_squeeze %dma_start3A_120 : memref<1x1000xi32, #tpu.memory_space<vmem>> -> memref<1000xi32, #tpu.memory_space<vmem>>
      %dma_start3A_122 = arith.constant 0 : i32
      %dma_start3A_123 = arith.constant 0 : i32
      %dma_start3A_124 = tpu.memref_slice %arg6[%dma_start3A_122, %dma_start3A_123] : memref<100096x16xf32, #tpu.memory_space<vmem_shared>> -> memref<100096x16xf32, #tpu.memory_space<vmem_shared>>
      %dma_start3A_125 = tpu.memref_slice %arg8[%rem3A_102] : memref<2x!tpu.dma_semaphore, #tpu.memory_space<semaphore_mem>> -> memref<1x!tpu.dma_semaphore, #tpu.memory_space<semaphore_mem>>
      %dma_start3A_126 = tpu.memref_squeeze %dma_start3A_125 : memref<1x!tpu.dma_semaphore, #tpu.memory_space<semaphore_mem>> -> memref<!tpu.dma_semaphore, #tpu.memory_space<semaphore_mem>>
      tpu.enqueue_indirect_dma source(%arg5 : memref<1000x16xf32, #tpu.memory_space<vmem>>) target(%dma_start3A_124 : memref<100096x16xf32, #tpu.memory_space<vmem_shared>>) offsets(%dma_start3A_121 : memref<1000xi32, #tpu.memory_space<vmem>>) semaphore(%dma_start3A_126 : memref<!tpu.dma_semaphore, #tpu.memory_space<semaphore_mem>>) {add = true}
      %add3A_127 = arith.constant 2 : i32
      %add3A_128 = arith.addi %scan3A_100, %add3A_127 : i32
      %lt3A = arith.constant 50 : i32
      %lt3A_129 = arith.cmpi slt, %add3A_128, %lt3A : i32
      %convert_element_type3A_130 = arith.extui %lt3A_129 : i1 to i32
      %cond3A_131 = arith.constant 0 : i32
      %cond3A_132 = arith.cmpi ne, %convert_element_type3A_130, %cond3A_131 : i32
      scf.if %cond3A_132 {
        %add3A_133 = arith.constant 2 : i32
        %add3A_134 = arith.addi %scan3A_100, %add3A_133 : i32
        %mul3A_135 = arith.constant 1000 : i32
        %mul3A_136 = arith.muli %add3A_134, %mul3A_135 : i32
        %add3A_137 = arith.addi %mul3A_45, %mul3A_136 : i32
        %dma_start3A_138 = arith.constant 0 : i32
        %dma_start3A_139 = tpu.memref_slice %arg4[%rem3A_108, %dma_start3A_138] : memref<4x1000xi32, #tpu.memory_space<vmem>> -> memref<1x1000xi32, #tpu.memory_space<vmem>>
        %dma_start3A_140 = tpu.memref_squeeze %dma_start3A_139 : memref<1x1000xi32, #tpu.memory_space<vmem>> -> memref<1000xi32, #tpu.memory_space<vmem>>
        %dma_start3A_141 = tpu.memref_slice %arg2[%add3A_137] : memref<1600000xi32, #tpu.memory_space<hbm>> -> memref<1000xi32, #tpu.memory_space<hbm>>
        %dma_start3A_142 = arith.constant 0 : i32
        %dma_start3A_143 = tpu.memref_slice %arg4[%rem3A_108, %dma_start3A_142] : memref<4x1000xi32, #tpu.memory_space<vmem>> -> memref<1x1000xi32, #tpu.memory_space<vmem>>
        %dma_start3A_144 = tpu.memref_squeeze %dma_start3A_143 : memref<1x1000xi32, #tpu.memory_space<vmem>> -> memref<1000xi32, #tpu.memory_space<vmem>>
        %dma_start3A_145 = tpu.memref_slice %arg2[%add3A_137] : memref<1600000xi32, #tpu.memory_space<hbm>> -> memref<1000xi32, #tpu.memory_space<hbm>>
        tpu.enqueue_dma source(%dma_start3A_145 : memref<1000xi32, #tpu.memory_space<hbm>>) target(%dma_start3A_144 : memref<1000xi32, #tpu.memory_space<vmem>>) target_semaphore(%arg7 : memref<!tpu.dma_semaphore, #tpu.memory_space<semaphore_mem>>)
      } else {
      }
    }
    %scan3A_72 = arith.constant 50 : i32
    %rem3A = arith.constant 48 : i32
    %rem3A_73 = arith.constant 4 : i32
    %rem3A_74 = arith.remsi %rem3A, %rem3A_73 : i32
    %rem3A_75 = arith.constant 48 : i32
    %rem3A_76 = arith.constant 2 : i32
    %rem3A_77 = arith.remsi %rem3A_75, %rem3A_76 : i32
    %dma_wait3A = arith.constant 0 : i32
    %dma_wait3A_78 = tpu.memref_slice %arg4[%rem3A_74, %dma_wait3A] : memref<4x1000xi32, #tpu.memory_space<vmem>> -> memref<1x1000xi32, #tpu.memory_space<vmem>>
    %dma_wait3A_79 = tpu.memref_squeeze %dma_wait3A_78 : memref<1x1000xi32, #tpu.memory_space<vmem>> -> memref<1000xi32, #tpu.memory_space<vmem>>
    %dma_wait3A_80 = arith.constant 0 : i32
    %dma_wait3A_81 = arith.constant 0 : i32
    %dma_wait3A_82 = tpu.memref_slice %arg6[%dma_wait3A_80, %dma_wait3A_81] : memref<100096x16xf32, #tpu.memory_space<vmem_shared>> -> memref<100096x16xf32, #tpu.memory_space<vmem_shared>>
    %dma_wait3A_83 = tpu.memref_slice %arg8[%rem3A_77] : memref<2x!tpu.dma_semaphore, #tpu.memory_space<semaphore_mem>> -> memref<1x!tpu.dma_semaphore, #tpu.memory_space<semaphore_mem>>
    %dma_wait3A_84 = tpu.memref_squeeze %dma_wait3A_83 : memref<1x!tpu.dma_semaphore, #tpu.memory_space<semaphore_mem>> -> memref<!tpu.dma_semaphore, #tpu.memory_space<semaphore_mem>>
    tpu.wait_indirect_dma semaphore(%dma_wait3A_84 : memref<!tpu.dma_semaphore, #tpu.memory_space<semaphore_mem>>) src(%arg5 : memref<1000x16xf32, #tpu.memory_space<vmem>>) dst(%dma_wait3A_82 : memref<100096x16xf32, #tpu.memory_space<vmem_shared>>)
    %rem3A_85 = arith.constant 49 : i32
    %rem3A_86 = arith.constant 4 : i32
    %rem3A_87 = arith.remsi %rem3A_85, %rem3A_86 : i32
    %rem3A_88 = arith.constant 49 : i32
    %rem3A_89 = arith.constant 2 : i32
    %rem3A_90 = arith.remsi %rem3A_88, %rem3A_89 : i32
    %dma_wait3A_91 = arith.constant 0 : i32
    %dma_wait3A_92 = tpu.memref_slice %arg4[%rem3A_87, %dma_wait3A_91] : memref<4x1000xi32, #tpu.memory_space<vmem>> -> memref<1x1000xi32, #tpu.memory_space<vmem>>
    %dma_wait3A_93 = tpu.memref_squeeze %dma_wait3A_92 : memref<1x1000xi32, #tpu.memory_space<vmem>> -> memref<1000xi32, #tpu.memory_space<vmem>>
    %dma_wait3A_94 = arith.constant 0 : i32
    %dma_wait3A_95 = arith.constant 0 : i32
    %dma_wait3A_96 = tpu.memref_slice %arg6[%dma_wait3A_94, %dma_wait3A_95] : memref<100096x16xf32, #tpu.memory_space<vmem_shared>> -> memref<100096x16xf32, #tpu.memory_space<vmem_shared>>
    %dma_wait3A_97 = tpu.memref_slice %arg8[%rem3A_90] : memref<2x!tpu.dma_semaphore, #tpu.memory_space<semaphore_mem>> -> memref<1x!tpu.dma_semaphore, #tpu.memory_space<semaphore_mem>>
    %dma_wait3A_98 = tpu.memref_squeeze %dma_wait3A_97 : memref<1x!tpu.dma_semaphore, #tpu.memory_space<semaphore_mem>> -> memref<!tpu.dma_semaphore, #tpu.memory_space<semaphore_mem>>
    tpu.wait_indirect_dma semaphore(%dma_wait3A_98 : memref<!tpu.dma_semaphore, #tpu.memory_space<semaphore_mem>>) src(%arg5 : memref<1000x16xf32, #tpu.memory_space<vmem>>) dst(%dma_wait3A_96 : memref<100096x16xf32, #tpu.memory_space<vmem_shared>>)
    %barrier3A_99 = arith.constant 0 : index
    tpu.barrier barrier_id(%barrier3A_99)
    "tpu.region"() ({
      %run_scoped3A = tpu.sem_alloc : memref<!tpu.dma_semaphore, #tpu.memory_space<semaphore_mem>>
      %dma_start3A_100 = arith.constant 0 : i32
      %dma_start3A_101 = tpu.memref_slice %arg3[%arg0, %mul3A_0, %dma_start3A_100] : memref<2x100096x16xf32, #tpu.memory_space<hbm>> -> memref<1x6256x16xf32, #tpu.memory_space<hbm>>
      %dma_start3A_102 = tpu.memref_squeeze %dma_start3A_101 : memref<1x6256x16xf32, #tpu.memory_space<hbm>> -> memref<6256x16xf32, #tpu.memory_space<hbm>>
      %dma_start3A_103 = arith.constant 0 : i32
      %dma_start3A_104 = tpu.memref_slice %arg6[%mul3A_0, %dma_start3A_103] : memref<100096x16xf32, #tpu.memory_space<vmem_shared>> -> memref<6256x16xf32, #tpu.memory_space<vmem_shared>>
      tpu.enqueue_dma source(%dma_start3A_104 : memref<6256x16xf32, #tpu.memory_space<vmem_shared>>) target(%dma_start3A_102 : memref<6256x16xf32, #tpu.memory_space<hbm>>) target_semaphore(%run_scoped3A : memref<!tpu.dma_semaphore, #tpu.memory_space<semaphore_mem>>)
      %dma_wait3A_105 = arith.constant 0 : i32
      %dma_wait3A_106 = tpu.memref_slice %arg3[%arg0, %mul3A_0, %dma_wait3A_105] : memref<2x100096x16xf32, #tpu.memory_space<hbm>> -> memref<1x6256x16xf32, #tpu.memory_space<hbm>>
      %dma_wait3A_107 = tpu.memref_squeeze %dma_wait3A_106 : memref<1x6256x16xf32, #tpu.memory_space<hbm>> -> memref<6256x16xf32, #tpu.memory_space<hbm>>
      %dma_wait3A_108 = arith.constant 0 : i32
      %dma_wait3A_109 = tpu.memref_slice %arg6[%mul3A_0, %dma_wait3A_108] : memref<100096x16xf32, #tpu.memory_space<vmem_shared>> -> memref<6256x16xf32, #tpu.memory_space<vmem_shared>>
      tpu.wait_dma2 semaphore(%run_scoped3A : memref<!tpu.dma_semaphore, #tpu.memory_space<semaphore_mem>>) src(%dma_wait3A_109 : memref<6256x16xf32, #tpu.memory_space<vmem_shared>>) dst(%dma_wait3A_107 : memref<6256x16xf32, #tpu.memory_space<hbm>>)
      tpu.yield
    }) : () -> ()
    return
  }
}

#map = affine_map<(d0, d1) -> (0, 0, 0)>
#map1 = affine_map<(d0, d1) -> (0)>
module attributes {stable_mosaic.version = 14 : i64} {
  func.func @_sc_spmm(%arg0: i32, %arg1: i32, %arg2: memref<2x100096x16xf32, #tpu.memory_space<hbm>>, %arg3: memref<1600000xi32, #tpu.memory_space<hbm>>, %arg4: memref<1600000xi32, #tpu.memory_space<hbm>>, %arg5: memref<2x100096x16xf32, #tpu.memory_space<hbm>>, %arg6: memref<3x800xi32, #tpu.memory_space<vmem>>, %arg7: memref<3x800xi32, #tpu.memory_space<vmem>>, %arg8: memref<2x800x16xf32, #tpu.memory_space<vmem>>, %arg9: memref<100096x16xf32, #tpu.memory_space<vmem_shared>>, %arg10: memref<!tpu.dma_semaphore, #tpu.memory_space<semaphore_mem>>, %arg11: memref<2x!tpu.dma_semaphore, #tpu.memory_space<semaphore_mem>>, %arg12: memref<!tpu.dma_semaphore, #tpu.memory_space<semaphore_mem>>) attributes {dimension_semantics = [#tpu.dimension_semantics<core_parallel>, #tpu.dimension_semantics<subcore_parallel>], iteration_bounds = array<i64: 2, 16>, scalar_prefetch = 0 : i64, scratch_operands = 7 : i64, tpu.core_type = #tpu.core_type<sc_vector_subcore>, window_params = [{transform_indices = #map}, {transform_indices = #map1}, {transform_indices = #map1}, {transform_indices = #map}]} {
    %mul3A = arith.constant 6256 : i32
    %mul3A_0 = arith.muli %arg1, %mul3A : i32
    %scan3A = arith.constant 0 : i32
    %scan3A_1 = arith.constant 0 : i32
    %scan3A_2 = arith.constant 800 : i32
    %scan3A_3 = arith.addi %scan3A_1, %scan3A_2 : i32
    %scan3A_4 = arith.constant 1 : i32
    scf.for %scan3A_147 = %scan3A_1 to %scan3A_3 step %scan3A_4  : i32 {
      %broadcast_in_dim3A = arith.constant 0.000000e+00 : f32
      %broadcast_in_dim3A_148 = vector.broadcast %broadcast_in_dim3A : f32 to vector<16xf32>
      %swap3A = arith.constant 0 : i32
      %swap3A_149 = arith.index_cast %swap3A : i32 to index
      %swap3A_150 = arith.index_cast %scan3A_147 : i32 to index
      %swap3A_151 = arith.constant 0 : index
      %swap3A_152 = tpu.vector_load %arg8[%swap3A_149, %swap3A_150, %swap3A_151] {strides = array<i32>} : memref<2x800x16xf32, #tpu.memory_space<vmem>>, vector<1x1x16xf32>,
      %swap3A_153 = vector.shape_cast %swap3A_152 : vector<1x1x16xf32> to vector<16xf32>
      %swap3A_154 = vector.shape_cast %broadcast_in_dim3A_148 : vector<16xf32> to vector<1x1x16xf32>
      tpu.vector_store %arg8[%swap3A_149, %swap3A_150, %swap3A_151], %swap3A_154 {strides = array<i32>} : memref<2x800x16xf32, #tpu.memory_space<vmem>>, vector<1x1x16xf32>,
    }
    %scan3A_5 = arith.constant 800 : i32
    %mul3A_6 = arith.constant 6256 : i32
    %mul3A_7 = arith.muli %arg1, %mul3A_6 : i32
    %add3A = arith.constant 0 : i32
    %add3A_8 = arith.addi %mul3A_7, %add3A : i32
    %run_scoped3A = arith.constant 0 : i32
    "tpu.region"() ({
      %run_scoped3A_147 = tpu.sem_alloc : memref<!tpu.dma_semaphore, #tpu.memory_space<semaphore_mem>>
      %dma_start3A_148 = arith.constant 0 : i32
      %dma_start3A_149 = arith.constant 0 : i32
      %dma_start3A_150 = tpu.memref_slice %arg8[%run_scoped3A, %dma_start3A_148, %dma_start3A_149] : memref<2x800x16xf32, #tpu.memory_space<vmem>> -> memref<1x800x16xf32, #tpu.memory_space<vmem>>
      %dma_start3A_151 = tpu.memref_squeeze %dma_start3A_150 : memref<1x800x16xf32, #tpu.memory_space<vmem>> -> memref<800x16xf32, #tpu.memory_space<vmem>>
      %dma_start3A_152 = arith.constant 0 : i32
      %dma_start3A_153 = tpu.memref_slice %arg9[%add3A_8, %dma_start3A_152] : memref<100096x16xf32, #tpu.memory_space<vmem_shared>> -> memref<800x16xf32, #tpu.memory_space<vmem_shared>>
      %dma_start3A_154 = arith.constant 0 : i32
      %dma_start3A_155 = tpu.memref_slice %arg9[%add3A_8, %dma_start3A_154] : memref<100096x16xf32, #tpu.memory_space<vmem_shared>> -> memref<800x16xf32, #tpu.memory_space<vmem_shared>>
      %dma_start3A_156 = arith.constant 0 : i32
      %dma_start3A_157 = arith.constant 0 : i32
      %dma_start3A_158 = tpu.memref_slice %arg8[%run_scoped3A, %dma_start3A_156, %dma_start3A_157] : memref<2x800x16xf32, #tpu.memory_space<vmem>> -> memref<1x800x16xf32, #tpu.memory_space<vmem>>
      %dma_start3A_159 = tpu.memref_squeeze %dma_start3A_158 : memref<1x800x16xf32, #tpu.memory_space<vmem>> -> memref<800x16xf32, #tpu.memory_space<vmem>>
      tpu.enqueue_dma source(%dma_start3A_159 : memref<800x16xf32, #tpu.memory_space<vmem>>) target(%dma_start3A_155 : memref<800x16xf32, #tpu.memory_space<vmem_shared>>) target_semaphore(%run_scoped3A_147 : memref<!tpu.dma_semaphore, #tpu.memory_space<semaphore_mem>>)
      %dma_wait3A_160 = arith.constant 0 : i32
      %dma_wait3A_161 = arith.constant 0 : i32
      %dma_wait3A_162 = tpu.memref_slice %arg8[%run_scoped3A, %dma_wait3A_160, %dma_wait3A_161] : memref<2x800x16xf32, #tpu.memory_space<vmem>> -> memref<1x800x16xf32, #tpu.memory_space<vmem>>
      %dma_wait3A_163 = tpu.memref_squeeze %dma_wait3A_162 : memref<1x800x16xf32, #tpu.memory_space<vmem>> -> memref<800x16xf32, #tpu.memory_space<vmem>>
      %dma_wait3A_164 = arith.constant 0 : i32
      %dma_wait3A_165 = tpu.memref_slice %arg9[%add3A_8, %dma_wait3A_164] : memref<100096x16xf32, #tpu.memory_space<vmem_shared>> -> memref<800x16xf32, #tpu.memory_space<vmem_shared>>
      %dma_wait3A_166 = arith.constant 0 : i32
      %dma_wait3A_167 = tpu.memref_slice %arg9[%add3A_8, %dma_wait3A_166] : memref<100096x16xf32, #tpu.memory_space<vmem_shared>> -> memref<800x16xf32, #tpu.memory_space<vmem_shared>>
      %dma_wait3A_168 = arith.constant 0 : i32
      %dma_wait3A_169 = arith.constant 0 : i32
      %dma_wait3A_170 = tpu.memref_slice %arg8[%run_scoped3A, %dma_wait3A_168, %dma_wait3A_169] : memref<2x800x16xf32, #tpu.memory_space<vmem>> -> memref<1x800x16xf32, #tpu.memory_space<vmem>>
      %dma_wait3A_171 = tpu.memref_squeeze %dma_wait3A_170 : memref<1x800x16xf32, #tpu.memory_space<vmem>> -> memref<800x16xf32, #tpu.memory_space<vmem>>
      tpu.wait_dma2 semaphore(%run_scoped3A_147 : memref<!tpu.dma_semaphore, #tpu.memory_space<semaphore_mem>>) src(%dma_wait3A_171 : memref<800x16xf32, #tpu.memory_space<vmem>>) dst(%dma_wait3A_167 : memref<800x16xf32, #tpu.memory_space<vmem_shared>>)
      tpu.yield
    }) : () -> ()
    %mul3A_9 = arith.constant 6256 : i32
    %mul3A_10 = arith.muli %arg1, %mul3A_9 : i32
    %add3A_11 = arith.constant 800 : i32
    %add3A_12 = arith.addi %mul3A_10, %add3A_11 : i32
    %run_scoped3A_13 = arith.constant 0 : i32
    "tpu.region"() ({
      %run_scoped3A_147 = tpu.sem_alloc : memref<!tpu.dma_semaphore, #tpu.memory_space<semaphore_mem>>
      %dma_start3A_148 = arith.constant 0 : i32
      %dma_start3A_149 = arith.constant 0 : i32
      %dma_start3A_150 = tpu.memref_slice %arg8[%run_scoped3A_13, %dma_start3A_148, %dma_start3A_149] : memref<2x800x16xf32, #tpu.memory_space<vmem>> -> memref<1x800x16xf32, #tpu.memory_space<vmem>>
      %dma_start3A_151 = tpu.memref_squeeze %dma_start3A_150 : memref<1x800x16xf32, #tpu.memory_space<vmem>> -> memref<800x16xf32, #tpu.memory_space<vmem>>
      %dma_start3A_152 = arith.constant 0 : i32
      %dma_start3A_153 = tpu.memref_slice %arg9[%add3A_12, %dma_start3A_152] : memref<100096x16xf32, #tpu.memory_space<vmem_shared>> -> memref<800x16xf32, #tpu.memory_space<vmem_shared>>
      %dma_start3A_154 = arith.constant 0 : i32
      %dma_start3A_155 = tpu.memref_slice %arg9[%add3A_12, %dma_start3A_154] : memref<100096x16xf32, #tpu.memory_space<vmem_shared>> -> memref<800x16xf32, #tpu.memory_space<vmem_shared>>
      %dma_start3A_156 = arith.constant 0 : i32
      %dma_start3A_157 = arith.constant 0 : i32
      %dma_start3A_158 = tpu.memref_slice %arg8[%run_scoped3A_13, %dma_start3A_156, %dma_start3A_157] : memref<2x800x16xf32, #tpu.memory_space<vmem>> -> memref<1x800x16xf32, #tpu.memory_space<vmem>>
      %dma_start3A_159 = tpu.memref_squeeze %dma_start3A_158 : memref<1x800x16xf32, #tpu.memory_space<vmem>> -> memref<800x16xf32, #tpu.memory_space<vmem>>
      tpu.enqueue_dma source(%dma_start3A_159 : memref<800x16xf32, #tpu.memory_space<vmem>>) target(%dma_start3A_155 : memref<800x16xf32, #tpu.memory_space<vmem_shared>>) target_semaphore(%run_scoped3A_147 : memref<!tpu.dma_semaphore, #tpu.memory_space<semaphore_mem>>)
      %dma_wait3A_160 = arith.constant 0 : i32
      %dma_wait3A_161 = arith.constant 0 : i32
      %dma_wait3A_162 = tpu.memref_slice %arg8[%run_scoped3A_13, %dma_wait3A_160, %dma_wait3A_161] : memref<2x800x16xf32, #tpu.memory_space<vmem>> -> memref<1x800x16xf32, #tpu.memory_space<vmem>>
      %dma_wait3A_163 = tpu.memref_squeeze %dma_wait3A_162 : memref<1x800x16xf32, #tpu.memory_space<vmem>> -> memref<800x16xf32, #tpu.memory_space<vmem>>
      %dma_wait3A_164 = arith.constant 0 : i32
      %dma_wait3A_165 = tpu.memref_slice %arg9[%add3A_12, %dma_wait3A_164] : memref<100096x16xf32, #tpu.memory_space<vmem_shared>> -> memref<800x16xf32, #tpu.memory_space<vmem_shared>>
      %dma_wait3A_166 = arith.constant 0 : i32
      %dma_wait3A_167 = tpu.memref_slice %arg9[%add3A_12, %dma_wait3A_166] : memref<100096x16xf32, #tpu.memory_space<vmem_shared>> -> memref<800x16xf32, #tpu.memory_space<vmem_shared>>
      %dma_wait3A_168 = arith.constant 0 : i32
      %dma_wait3A_169 = arith.constant 0 : i32
      %dma_wait3A_170 = tpu.memref_slice %arg8[%run_scoped3A_13, %dma_wait3A_168, %dma_wait3A_169] : memref<2x800x16xf32, #tpu.memory_space<vmem>> -> memref<1x800x16xf32, #tpu.memory_space<vmem>>
      %dma_wait3A_171 = tpu.memref_squeeze %dma_wait3A_170 : memref<1x800x16xf32, #tpu.memory_space<vmem>> -> memref<800x16xf32, #tpu.memory_space<vmem>>
      tpu.wait_dma2 semaphore(%run_scoped3A_147 : memref<!tpu.dma_semaphore, #tpu.memory_space<semaphore_mem>>) src(%dma_wait3A_171 : memref<800x16xf32, #tpu.memory_space<vmem>>) dst(%dma_wait3A_167 : memref<800x16xf32, #tpu.memory_space<vmem_shared>>)
      tpu.yield
    }) : () -> ()
    %mul3A_14 = arith.constant 6256 : i32
    %mul3A_15 = arith.muli %arg1, %mul3A_14 : i32
    %add3A_16 = arith.constant 1600 : i32
    %add3A_17 = arith.addi %mul3A_15, %add3A_16 : i32
    %run_scoped3A_18 = arith.constant 0 : i32
    "tpu.region"() ({
      %run_scoped3A_147 = tpu.sem_alloc : memref<!tpu.dma_semaphore, #tpu.memory_space<semaphore_mem>>
      %dma_start3A_148 = arith.constant 0 : i32
      %dma_start3A_149 = arith.constant 0 : i32
      %dma_start3A_150 = tpu.memref_slice %arg8[%run_scoped3A_18, %dma_start3A_148, %dma_start3A_149] : memref<2x800x16xf32, #tpu.memory_space<vmem>> -> memref<1x800x16xf32, #tpu.memory_space<vmem>>
      %dma_start3A_151 = tpu.memref_squeeze %dma_start3A_150 : memref<1x800x16xf32, #tpu.memory_space<vmem>> -> memref<800x16xf32, #tpu.memory_space<vmem>>
      %dma_start3A_152 = arith.constant 0 : i32
      %dma_start3A_153 = tpu.memref_slice %arg9[%add3A_17, %dma_start3A_152] : memref<100096x16xf32, #tpu.memory_space<vmem_shared>> -> memref<800x16xf32, #tpu.memory_space<vmem_shared>>
      %dma_start3A_154 = arith.constant 0 : i32
      %dma_start3A_155 = tpu.memref_slice %arg9[%add3A_17, %dma_start3A_154] : memref<100096x16xf32, #tpu.memory_space<vmem_shared>> -> memref<800x16xf32, #tpu.memory_space<vmem_shared>>
      %dma_start3A_156 = arith.constant 0 : i32
      %dma_start3A_157 = arith.constant 0 : i32
      %dma_start3A_158 = tpu.memref_slice %arg8[%run_scoped3A_18, %dma_start3A_156, %dma_start3A_157] : memref<2x800x16xf32, #tpu.memory_space<vmem>> -> memref<1x800x16xf32, #tpu.memory_space<vmem>>
      %dma_start3A_159 = tpu.memref_squeeze %dma_start3A_158 : memref<1x800x16xf32, #tpu.memory_space<vmem>> -> memref<800x16xf32, #tpu.memory_space<vmem>>
      tpu.enqueue_dma source(%dma_start3A_159 : memref<800x16xf32, #tpu.memory_space<vmem>>) target(%dma_start3A_155 : memref<800x16xf32, #tpu.memory_space<vmem_shared>>) target_semaphore(%run_scoped3A_147 : memref<!tpu.dma_semaphore, #tpu.memory_space<semaphore_mem>>)
      %dma_wait3A_160 = arith.constant 0 : i32
      %dma_wait3A_161 = arith.constant 0 : i32
      %dma_wait3A_162 = tpu.memref_slice %arg8[%run_scoped3A_18, %dma_wait3A_160, %dma_wait3A_161] : memref<2x800x16xf32, #tpu.memory_space<vmem>> -> memref<1x800x16xf32, #tpu.memory_space<vmem>>
      %dma_wait3A_163 = tpu.memref_squeeze %dma_wait3A_162 : memref<1x800x16xf32, #tpu.memory_space<vmem>> -> memref<800x16xf32, #tpu.memory_space<vmem>>
      %dma_wait3A_164 = arith.constant 0 : i32
      %dma_wait3A_165 = tpu.memref_slice %arg9[%add3A_17, %dma_wait3A_164] : memref<100096x16xf32, #tpu.memory_space<vmem_shared>> -> memref<800x16xf32, #tpu.memory_space<vmem_shared>>
      %dma_wait3A_166 = arith.constant 0 : i32
      %dma_wait3A_167 = tpu.memref_slice %arg9[%add3A_17, %dma_wait3A_166] : memref<100096x16xf32, #tpu.memory_space<vmem_shared>> -> memref<800x16xf32, #tpu.memory_space<vmem_shared>>
      %dma_wait3A_168 = arith.constant 0 : i32
      %dma_wait3A_169 = arith.constant 0 : i32
      %dma_wait3A_170 = tpu.memref_slice %arg8[%run_scoped3A_18, %dma_wait3A_168, %dma_wait3A_169] : memref<2x800x16xf32, #tpu.memory_space<vmem>> -> memref<1x800x16xf32, #tpu.memory_space<vmem>>
      %dma_wait3A_171 = tpu.memref_squeeze %dma_wait3A_170 : memref<1x800x16xf32, #tpu.memory_space<vmem>> -> memref<800x16xf32, #tpu.memory_space<vmem>>
      tpu.wait_dma2 semaphore(%run_scoped3A_147 : memref<!tpu.dma_semaphore, #tpu.memory_space<semaphore_mem>>) src(%dma_wait3A_171 : memref<800x16xf32, #tpu.memory_space<vmem>>) dst(%dma_wait3A_167 : memref<800x16xf32, #tpu.memory_space<vmem_shared>>)
      tpu.yield
    }) : () -> ()
    %mul3A_19 = arith.constant 6256 : i32
    %mul3A_20 = arith.muli %arg1, %mul3A_19 : i32
    %add3A_21 = arith.constant 2400 : i32
    %add3A_22 = arith.addi %mul3A_20, %add3A_21 : i32
    %run_scoped3A_23 = arith.constant 0 : i32
    "tpu.region"() ({
      %run_scoped3A_147 = tpu.sem_alloc : memref<!tpu.dma_semaphore, #tpu.memory_space<semaphore_mem>>
      %dma_start3A_148 = arith.constant 0 : i32
      %dma_start3A_149 = arith.constant 0 : i32
      %dma_start3A_150 = tpu.memref_slice %arg8[%run_scoped3A_23, %dma_start3A_148, %dma_start3A_149] : memref<2x800x16xf32, #tpu.memory_space<vmem>> -> memref<1x800x16xf32, #tpu.memory_space<vmem>>
      %dma_start3A_151 = tpu.memref_squeeze %dma_start3A_150 : memref<1x800x16xf32, #tpu.memory_space<vmem>> -> memref<800x16xf32, #tpu.memory_space<vmem>>
      %dma_start3A_152 = arith.constant 0 : i32
      %dma_start3A_153 = tpu.memref_slice %arg9[%add3A_22, %dma_start3A_152] : memref<100096x16xf32, #tpu.memory_space<vmem_shared>> -> memref<800x16xf32, #tpu.memory_space<vmem_shared>>
      %dma_start3A_154 = arith.constant 0 : i32
      %dma_start3A_155 = tpu.memref_slice %arg9[%add3A_22, %dma_start3A_154] : memref<100096x16xf32, #tpu.memory_space<vmem_shared>> -> memref<800x16xf32, #tpu.memory_space<vmem_shared>>
      %dma_start3A_156 = arith.constant 0 : i32
      %dma_start3A_157 = arith.constant 0 : i32
      %dma_start3A_158 = tpu.memref_slice %arg8[%run_scoped3A_23, %dma_start3A_156, %dma_start3A_157] : memref<2x800x16xf32, #tpu.memory_space<vmem>> -> memref<1x800x16xf32, #tpu.memory_space<vmem>>
      %dma_start3A_159 = tpu.memref_squeeze %dma_start3A_158 : memref<1x800x16xf32, #tpu.memory_space<vmem>> -> memref<800x16xf32, #tpu.memory_space<vmem>>
      tpu.enqueue_dma source(%dma_start3A_159 : memref<800x16xf32, #tpu.memory_space<vmem>>) target(%dma_start3A_155 : memref<800x16xf32, #tpu.memory_space<vmem_shared>>) target_semaphore(%run_scoped3A_147 : memref<!tpu.dma_semaphore, #tpu.memory_space<semaphore_mem>>)
      %dma_wait3A_160 = arith.constant 0 : i32
      %dma_wait3A_161 = arith.constant 0 : i32
      %dma_wait3A_162 = tpu.memref_slice %arg8[%run_scoped3A_23, %dma_wait3A_160, %dma_wait3A_161] : memref<2x800x16xf32, #tpu.memory_space<vmem>> -> memref<1x800x16xf32, #tpu.memory_space<vmem>>
      %dma_wait3A_163 = tpu.memref_squeeze %dma_wait3A_162 : memref<1x800x16xf32, #tpu.memory_space<vmem>> -> memref<800x16xf32, #tpu.memory_space<vmem>>
      %dma_wait3A_164 = arith.constant 0 : i32
      %dma_wait3A_165 = tpu.memref_slice %arg9[%add3A_22, %dma_wait3A_164] : memref<100096x16xf32, #tpu.memory_space<vmem_shared>> -> memref<800x16xf32, #tpu.memory_space<vmem_shared>>
      %dma_wait3A_166 = arith.constant 0 : i32
      %dma_wait3A_167 = tpu.memref_slice %arg9[%add3A_22, %dma_wait3A_166] : memref<100096x16xf32, #tpu.memory_space<vmem_shared>> -> memref<800x16xf32, #tpu.memory_space<vmem_shared>>
      %dma_wait3A_168 = arith.constant 0 : i32
      %dma_wait3A_169 = arith.constant 0 : i32
      %dma_wait3A_170 = tpu.memref_slice %arg8[%run_scoped3A_23, %dma_wait3A_168, %dma_wait3A_169] : memref<2x800x16xf32, #tpu.memory_space<vmem>> -> memref<1x800x16xf32, #tpu.memory_space<vmem>>
      %dma_wait3A_171 = tpu.memref_squeeze %dma_wait3A_170 : memref<1x800x16xf32, #tpu.memory_space<vmem>> -> memref<800x16xf32, #tpu.memory_space<vmem>>
      tpu.wait_dma2 semaphore(%run_scoped3A_147 : memref<!tpu.dma_semaphore, #tpu.memory_space<semaphore_mem>>) src(%dma_wait3A_171 : memref<800x16xf32, #tpu.memory_space<vmem>>) dst(%dma_wait3A_167 : memref<800x16xf32, #tpu.memory_space<vmem_shared>>)
      tpu.yield
    }) : () -> ()
    %mul3A_24 = arith.constant 6256 : i32
    %mul3A_25 = arith.muli %arg1, %mul3A_24 : i32
    %add3A_26 = arith.constant 3200 : i32
    %add3A_27 = arith.addi %mul3A_25, %add3A_26 : i32
    %run_scoped3A_28 = arith.constant 0 : i32
    "tpu.region"() ({
      %run_scoped3A_147 = tpu.sem_alloc : memref<!tpu.dma_semaphore, #tpu.memory_space<semaphore_mem>>
      %dma_start3A_148 = arith.constant 0 : i32
      %dma_start3A_149 = arith.constant 0 : i32
      %dma_start3A_150 = tpu.memref_slice %arg8[%run_scoped3A_28, %dma_start3A_148, %dma_start3A_149] : memref<2x800x16xf32, #tpu.memory_space<vmem>> -> memref<1x800x16xf32, #tpu.memory_space<vmem>>
      %dma_start3A_151 = tpu.memref_squeeze %dma_start3A_150 : memref<1x800x16xf32, #tpu.memory_space<vmem>> -> memref<800x16xf32, #tpu.memory_space<vmem>>
      %dma_start3A_152 = arith.constant 0 : i32
      %dma_start3A_153 = tpu.memref_slice %arg9[%add3A_27, %dma_start3A_152] : memref<100096x16xf32, #tpu.memory_space<vmem_shared>> -> memref<800x16xf32, #tpu.memory_space<vmem_shared>>
      %dma_start3A_154 = arith.constant 0 : i32
      %dma_start3A_155 = tpu.memref_slice %arg9[%add3A_27, %dma_start3A_154] : memref<100096x16xf32, #tpu.memory_space<vmem_shared>> -> memref<800x16xf32, #tpu.memory_space<vmem_shared>>
      %dma_start3A_156 = arith.constant 0 : i32
      %dma_start3A_157 = arith.constant 0 : i32
      %dma_start3A_158 = tpu.memref_slice %arg8[%run_scoped3A_28, %dma_start3A_156, %dma_start3A_157] : memref<2x800x16xf32, #tpu.memory_space<vmem>> -> memref<1x800x16xf32, #tpu.memory_space<vmem>>
      %dma_start3A_159 = tpu.memref_squeeze %dma_start3A_158 : memref<1x800x16xf32, #tpu.memory_space<vmem>> -> memref<800x16xf32, #tpu.memory_space<vmem>>
      tpu.enqueue_dma source(%dma_start3A_159 : memref<800x16xf32, #tpu.memory_space<vmem>>) target(%dma_start3A_155 : memref<800x16xf32, #tpu.memory_space<vmem_shared>>) target_semaphore(%run_scoped3A_147 : memref<!tpu.dma_semaphore, #tpu.memory_space<semaphore_mem>>)
      %dma_wait3A_160 = arith.constant 0 : i32
      %dma_wait3A_161 = arith.constant 0 : i32
      %dma_wait3A_162 = tpu.memref_slice %arg8[%run_scoped3A_28, %dma_wait3A_160, %dma_wait3A_161] : memref<2x800x16xf32, #tpu.memory_space<vmem>> -> memref<1x800x16xf32, #tpu.memory_space<vmem>>
      %dma_wait3A_163 = tpu.memref_squeeze %dma_wait3A_162 : memref<1x800x16xf32, #tpu.memory_space<vmem>> -> memref<800x16xf32, #tpu.memory_space<vmem>>
      %dma_wait3A_164 = arith.constant 0 : i32
      %dma_wait3A_165 = tpu.memref_slice %arg9[%add3A_27, %dma_wait3A_164] : memref<100096x16xf32, #tpu.memory_space<vmem_shared>> -> memref<800x16xf32, #tpu.memory_space<vmem_shared>>
      %dma_wait3A_166 = arith.constant 0 : i32
      %dma_wait3A_167 = tpu.memref_slice %arg9[%add3A_27, %dma_wait3A_166] : memref<100096x16xf32, #tpu.memory_space<vmem_shared>> -> memref<800x16xf32, #tpu.memory_space<vmem_shared>>
      %dma_wait3A_168 = arith.constant 0 : i32
      %dma_wait3A_169 = arith.constant 0 : i32
      %dma_wait3A_170 = tpu.memref_slice %arg8[%run_scoped3A_28, %dma_wait3A_168, %dma_wait3A_169] : memref<2x800x16xf32, #tpu.memory_space<vmem>> -> memref<1x800x16xf32, #tpu.memory_space<vmem>>
      %dma_wait3A_171 = tpu.memref_squeeze %dma_wait3A_170 : memref<1x800x16xf32, #tpu.memory_space<vmem>> -> memref<800x16xf32, #tpu.memory_space<vmem>>
      tpu.wait_dma2 semaphore(%run_scoped3A_147 : memref<!tpu.dma_semaphore, #tpu.memory_space<semaphore_mem>>) src(%dma_wait3A_171 : memref<800x16xf32, #tpu.memory_space<vmem>>) dst(%dma_wait3A_167 : memref<800x16xf32, #tpu.memory_space<vmem_shared>>)
      tpu.yield
    }) : () -> ()
    %mul3A_29 = arith.constant 6256 : i32
    %mul3A_30 = arith.muli %arg1, %mul3A_29 : i32
    %add3A_31 = arith.constant 4000 : i32
    %add3A_32 = arith.addi %mul3A_30, %add3A_31 : i32
    %run_scoped3A_33 = arith.constant 0 : i32
    "tpu.region"() ({
      %run_scoped3A_147 = tpu.sem_alloc : memref<!tpu.dma_semaphore, #tpu.memory_space<semaphore_mem>>
      %dma_start3A_148 = arith.constant 0 : i32
      %dma_start3A_149 = arith.constant 0 : i32
      %dma_start3A_150 = tpu.memref_slice %arg8[%run_scoped3A_33, %dma_start3A_148, %dma_start3A_149] : memref<2x800x16xf32, #tpu.memory_space<vmem>> -> memref<1x800x16xf32, #tpu.memory_space<vmem>>
      %dma_start3A_151 = tpu.memref_squeeze %dma_start3A_150 : memref<1x800x16xf32, #tpu.memory_space<vmem>> -> memref<800x16xf32, #tpu.memory_space<vmem>>
      %dma_start3A_152 = arith.constant 0 : i32
      %dma_start3A_153 = tpu.memref_slice %arg9[%add3A_32, %dma_start3A_152] : memref<100096x16xf32, #tpu.memory_space<vmem_shared>> -> memref<800x16xf32, #tpu.memory_space<vmem_shared>>
      %dma_start3A_154 = arith.constant 0 : i32
      %dma_start3A_155 = tpu.memref_slice %arg9[%add3A_32, %dma_start3A_154] : memref<100096x16xf32, #tpu.memory_space<vmem_shared>> -> memref<800x16xf32, #tpu.memory_space<vmem_shared>>
      %dma_start3A_156 = arith.constant 0 : i32
      %dma_start3A_157 = arith.constant 0 : i32
      %dma_start3A_158 = tpu.memref_slice %arg8[%run_scoped3A_33, %dma_start3A_156, %dma_start3A_157] : memref<2x800x16xf32, #tpu.memory_space<vmem>> -> memref<1x800x16xf32, #tpu.memory_space<vmem>>
      %dma_start3A_159 = tpu.memref_squeeze %dma_start3A_158 : memref<1x800x16xf32, #tpu.memory_space<vmem>> -> memref<800x16xf32, #tpu.memory_space<vmem>>
      tpu.enqueue_dma source(%dma_start3A_159 : memref<800x16xf32, #tpu.memory_space<vmem>>) target(%dma_start3A_155 : memref<800x16xf32, #tpu.memory_space<vmem_shared>>) target_semaphore(%run_scoped3A_147 : memref<!tpu.dma_semaphore, #tpu.memory_space<semaphore_mem>>)
      %dma_wait3A_160 = arith.constant 0 : i32
      %dma_wait3A_161 = arith.constant 0 : i32
      %dma_wait3A_162 = tpu.memref_slice %arg8[%run_scoped3A_33, %dma_wait3A_160, %dma_wait3A_161] : memref<2x800x16xf32, #tpu.memory_space<vmem>> -> memref<1x800x16xf32, #tpu.memory_space<vmem>>
      %dma_wait3A_163 = tpu.memref_squeeze %dma_wait3A_162 : memref<1x800x16xf32, #tpu.memory_space<vmem>> -> memref<800x16xf32, #tpu.memory_space<vmem>>
      %dma_wait3A_164 = arith.constant 0 : i32
      %dma_wait3A_165 = tpu.memref_slice %arg9[%add3A_32, %dma_wait3A_164] : memref<100096x16xf32, #tpu.memory_space<vmem_shared>> -> memref<800x16xf32, #tpu.memory_space<vmem_shared>>
      %dma_wait3A_166 = arith.constant 0 : i32
      %dma_wait3A_167 = tpu.memref_slice %arg9[%add3A_32, %dma_wait3A_166] : memref<100096x16xf32, #tpu.memory_space<vmem_shared>> -> memref<800x16xf32, #tpu.memory_space<vmem_shared>>
      %dma_wait3A_168 = arith.constant 0 : i32
      %dma_wait3A_169 = arith.constant 0 : i32
      %dma_wait3A_170 = tpu.memref_slice %arg8[%run_scoped3A_33, %dma_wait3A_168, %dma_wait3A_169] : memref<2x800x16xf32, #tpu.memory_space<vmem>> -> memref<1x800x16xf32, #tpu.memory_space<vmem>>
      %dma_wait3A_171 = tpu.memref_squeeze %dma_wait3A_170 : memref<1x800x16xf32, #tpu.memory_space<vmem>> -> memref<800x16xf32, #tpu.memory_space<vmem>>
      tpu.wait_dma2 semaphore(%run_scoped3A_147 : memref<!tpu.dma_semaphore, #tpu.memory_space<semaphore_mem>>) src(%dma_wait3A_171 : memref<800x16xf32, #tpu.memory_space<vmem>>) dst(%dma_wait3A_167 : memref<800x16xf32, #tpu.memory_space<vmem_shared>>)
      tpu.yield
    }) : () -> ()
    %mul3A_34 = arith.constant 6256 : i32
    %mul3A_35 = arith.muli %arg1, %mul3A_34 : i32
    %add3A_36 = arith.constant 4800 : i32
    %add3A_37 = arith.addi %mul3A_35, %add3A_36 : i32
    %run_scoped3A_38 = arith.constant 0 : i32
    "tpu.region"() ({
      %run_scoped3A_147 = tpu.sem_alloc : memref<!tpu.dma_semaphore, #tpu.memory_space<semaphore_mem>>
      %dma_start3A_148 = arith.constant 0 : i32
      %dma_start3A_149 = arith.constant 0 : i32
      %dma_start3A_150 = tpu.memref_slice %arg8[%run_scoped3A_38, %dma_start3A_148, %dma_start3A_149] : memref<2x800x16xf32, #tpu.memory_space<vmem>> -> memref<1x800x16xf32, #tpu.memory_space<vmem>>
      %dma_start3A_151 = tpu.memref_squeeze %dma_start3A_150 : memref<1x800x16xf32, #tpu.memory_space<vmem>> -> memref<800x16xf32, #tpu.memory_space<vmem>>
      %dma_start3A_152 = arith.constant 0 : i32
      %dma_start3A_153 = tpu.memref_slice %arg9[%add3A_37, %dma_start3A_152] : memref<100096x16xf32, #tpu.memory_space<vmem_shared>> -> memref<800x16xf32, #tpu.memory_space<vmem_shared>>
      %dma_start3A_154 = arith.constant 0 : i32
      %dma_start3A_155 = tpu.memref_slice %arg9[%add3A_37, %dma_start3A_154] : memref<100096x16xf32, #tpu.memory_space<vmem_shared>> -> memref<800x16xf32, #tpu.memory_space<vmem_shared>>
      %dma_start3A_156 = arith.constant 0 : i32
      %dma_start3A_157 = arith.constant 0 : i32
      %dma_start3A_158 = tpu.memref_slice %arg8[%run_scoped3A_38, %dma_start3A_156, %dma_start3A_157] : memref<2x800x16xf32, #tpu.memory_space<vmem>> -> memref<1x800x16xf32, #tpu.memory_space<vmem>>
      %dma_start3A_159 = tpu.memref_squeeze %dma_start3A_158 : memref<1x800x16xf32, #tpu.memory_space<vmem>> -> memref<800x16xf32, #tpu.memory_space<vmem>>
      tpu.enqueue_dma source(%dma_start3A_159 : memref<800x16xf32, #tpu.memory_space<vmem>>) target(%dma_start3A_155 : memref<800x16xf32, #tpu.memory_space<vmem_shared>>) target_semaphore(%run_scoped3A_147 : memref<!tpu.dma_semaphore, #tpu.memory_space<semaphore_mem>>)
      %dma_wait3A_160 = arith.constant 0 : i32
      %dma_wait3A_161 = arith.constant 0 : i32
      %dma_wait3A_162 = tpu.memref_slice %arg8[%run_scoped3A_38, %dma_wait3A_160, %dma_wait3A_161] : memref<2x800x16xf32, #tpu.memory_space<vmem>> -> memref<1x800x16xf32, #tpu.memory_space<vmem>>
      %dma_wait3A_163 = tpu.memref_squeeze %dma_wait3A_162 : memref<1x800x16xf32, #tpu.memory_space<vmem>> -> memref<800x16xf32, #tpu.memory_space<vmem>>
      %dma_wait3A_164 = arith.constant 0 : i32
      %dma_wait3A_165 = tpu.memref_slice %arg9[%add3A_37, %dma_wait3A_164] : memref<100096x16xf32, #tpu.memory_space<vmem_shared>> -> memref<800x16xf32, #tpu.memory_space<vmem_shared>>
      %dma_wait3A_166 = arith.constant 0 : i32
      %dma_wait3A_167 = tpu.memref_slice %arg9[%add3A_37, %dma_wait3A_166] : memref<100096x16xf32, #tpu.memory_space<vmem_shared>> -> memref<800x16xf32, #tpu.memory_space<vmem_shared>>
      %dma_wait3A_168 = arith.constant 0 : i32
      %dma_wait3A_169 = arith.constant 0 : i32
      %dma_wait3A_170 = tpu.memref_slice %arg8[%run_scoped3A_38, %dma_wait3A_168, %dma_wait3A_169] : memref<2x800x16xf32, #tpu.memory_space<vmem>> -> memref<1x800x16xf32, #tpu.memory_space<vmem>>
      %dma_wait3A_171 = tpu.memref_squeeze %dma_wait3A_170 : memref<1x800x16xf32, #tpu.memory_space<vmem>> -> memref<800x16xf32, #tpu.memory_space<vmem>>
      tpu.wait_dma2 semaphore(%run_scoped3A_147 : memref<!tpu.dma_semaphore, #tpu.memory_space<semaphore_mem>>) src(%dma_wait3A_171 : memref<800x16xf32, #tpu.memory_space<vmem>>) dst(%dma_wait3A_167 : memref<800x16xf32, #tpu.memory_space<vmem_shared>>)
      tpu.yield
    }) : () -> ()
    %mul3A_39 = arith.constant 6256 : i32
    %mul3A_40 = arith.muli %arg1, %mul3A_39 : i32
    %add3A_41 = arith.constant 5600 : i32
    %add3A_42 = arith.addi %mul3A_40, %add3A_41 : i32
    %run_scoped3A_43 = arith.constant 0 : i32
    "tpu.region"() ({
      %run_scoped3A_147 = tpu.sem_alloc : memref<!tpu.dma_semaphore, #tpu.memory_space<semaphore_mem>>
      %dma_start3A_148 = arith.constant 0 : i32
      %dma_start3A_149 = arith.constant 0 : i32
      %dma_start3A_150 = tpu.memref_slice %arg8[%run_scoped3A_43, %dma_start3A_148, %dma_start3A_149] : memref<2x800x16xf32, #tpu.memory_space<vmem>> -> memref<1x656x16xf32, #tpu.memory_space<vmem>>
      %dma_start3A_151 = tpu.memref_squeeze %dma_start3A_150 : memref<1x656x16xf32, #tpu.memory_space<vmem>> -> memref<656x16xf32, #tpu.memory_space<vmem>>
      %dma_start3A_152 = arith.constant 0 : i32
      %dma_start3A_153 = tpu.memref_slice %arg9[%add3A_42, %dma_start3A_152] : memref<100096x16xf32, #tpu.memory_space<vmem_shared>> -> memref<656x16xf32, #tpu.memory_space<vmem_shared>>
      %dma_start3A_154 = arith.constant 0 : i32
      %dma_start3A_155 = tpu.memref_slice %arg9[%add3A_42, %dma_start3A_154] : memref<100096x16xf32, #tpu.memory_space<vmem_shared>> -> memref<656x16xf32, #tpu.memory_space<vmem_shared>>
      %dma_start3A_156 = arith.constant 0 : i32
      %dma_start3A_157 = arith.constant 0 : i32
      %dma_start3A_158 = tpu.memref_slice %arg8[%run_scoped3A_43, %dma_start3A_156, %dma_start3A_157] : memref<2x800x16xf32, #tpu.memory_space<vmem>> -> memref<1x656x16xf32, #tpu.memory_space<vmem>>
      %dma_start3A_159 = tpu.memref_squeeze %dma_start3A_158 : memref<1x656x16xf32, #tpu.memory_space<vmem>> -> memref<656x16xf32, #tpu.memory_space<vmem>>
      tpu.enqueue_dma source(%dma_start3A_159 : memref<656x16xf32, #tpu.memory_space<vmem>>) target(%dma_start3A_155 : memref<656x16xf32, #tpu.memory_space<vmem_shared>>) target_semaphore(%run_scoped3A_147 : memref<!tpu.dma_semaphore, #tpu.memory_space<semaphore_mem>>)
      %dma_wait3A_160 = arith.constant 0 : i32
      %dma_wait3A_161 = arith.constant 0 : i32
      %dma_wait3A_162 = tpu.memref_slice %arg8[%run_scoped3A_43, %dma_wait3A_160, %dma_wait3A_161] : memref<2x800x16xf32, #tpu.memory_space<vmem>> -> memref<1x656x16xf32, #tpu.memory_space<vmem>>
      %dma_wait3A_163 = tpu.memref_squeeze %dma_wait3A_162 : memref<1x656x16xf32, #tpu.memory_space<vmem>> -> memref<656x16xf32, #tpu.memory_space<vmem>>
      %dma_wait3A_164 = arith.constant 0 : i32
      %dma_wait3A_165 = tpu.memref_slice %arg9[%add3A_42, %dma_wait3A_164] : memref<100096x16xf32, #tpu.memory_space<vmem_shared>> -> memref<656x16xf32, #tpu.memory_space<vmem_shared>>
      %dma_wait3A_166 = arith.constant 0 : i32
      %dma_wait3A_167 = tpu.memref_slice %arg9[%add3A_42, %dma_wait3A_166] : memref<100096x16xf32, #tpu.memory_space<vmem_shared>> -> memref<656x16xf32, #tpu.memory_space<vmem_shared>>
      %dma_wait3A_168 = arith.constant 0 : i32
      %dma_wait3A_169 = arith.constant 0 : i32
      %dma_wait3A_170 = tpu.memref_slice %arg8[%run_scoped3A_43, %dma_wait3A_168, %dma_wait3A_169] : memref<2x800x16xf32, #tpu.memory_space<vmem>> -> memref<1x656x16xf32, #tpu.memory_space<vmem>>
      %dma_wait3A_171 = tpu.memref_squeeze %dma_wait3A_170 : memref<1x656x16xf32, #tpu.memory_space<vmem>> -> memref<656x16xf32, #tpu.memory_space<vmem>>
      tpu.wait_dma2 semaphore(%run_scoped3A_147 : memref<!tpu.dma_semaphore, #tpu.memory_space<semaphore_mem>>) src(%dma_wait3A_171 : memref<656x16xf32, #tpu.memory_space<vmem>>) dst(%dma_wait3A_167 : memref<656x16xf32, #tpu.memory_space<vmem_shared>>)
      tpu.yield
    }) : () -> ()
    %barrier3A = arith.constant 0 : index
    tpu.barrier barrier_id(%barrier3A)
    %mul3A_44 = arith.constant 100000 : i32
    %mul3A_45 = arith.muli %arg1, %mul3A_44 : i32
    %add3A_46 = arith.constant 0 : i32
    %add3A_47 = arith.addi %mul3A_45, %add3A_46 : i32
    %dma_start3A = arith.constant 0 : i32
    %dma_start3A_48 = arith.constant 0 : i32
    %dma_start3A_49 = tpu.memref_slice %arg6[%dma_start3A, %dma_start3A_48] : memref<3x800xi32, #tpu.memory_space<vmem>> -> memref<1x800xi32, #tpu.memory_space<vmem>>
    %dma_start3A_50 = tpu.memref_squeeze %dma_start3A_49 : memref<1x800xi32, #tpu.memory_space<vmem>> -> memref<800xi32, #tpu.memory_space<vmem>>
    %dma_start3A_51 = tpu.memref_slice %arg3[%add3A_47] : memref<1600000xi32, #tpu.memory_space<hbm>> -> memref<800xi32, #tpu.memory_space<hbm>>
    %dma_start3A_52 = arith.constant 0 : i32
    %dma_start3A_53 = tpu.memref_slice %arg6[%dma_start3A, %dma_start3A_52] : memref<3x800xi32, #tpu.memory_space<vmem>> -> memref<1x800xi32, #tpu.memory_space<vmem>>
    %dma_start3A_54 = tpu.memref_squeeze %dma_start3A_53 : memref<1x800xi32, #tpu.memory_space<vmem>> -> memref<800xi32, #tpu.memory_space<vmem>>
    %dma_start3A_55 = tpu.memref_slice %arg3[%add3A_47] : memref<1600000xi32, #tpu.memory_space<hbm>> -> memref<800xi32, #tpu.memory_space<hbm>>
    tpu.enqueue_dma source(%dma_start3A_55 : memref<800xi32, #tpu.memory_space<hbm>>) target(%dma_start3A_54 : memref<800xi32, #tpu.memory_space<vmem>>) target_semaphore(%arg10 : memref<!tpu.dma_semaphore, #tpu.memory_space<semaphore_mem>>)
    %add3A_56 = arith.constant 0 : i32
    %add3A_57 = arith.addi %mul3A_45, %add3A_56 : i32
    %dma_start3A_58 = arith.constant 0 : i32
    %dma_start3A_59 = arith.constant 0 : i32
    %dma_start3A_60 = tpu.memref_slice %arg7[%dma_start3A_58, %dma_start3A_59] : memref<3x800xi32, #tpu.memory_space<vmem>> -> memref<1x800xi32, #tpu.memory_space<vmem>>
    %dma_start3A_61 = tpu.memref_squeeze %dma_start3A_60 : memref<1x800xi32, #tpu.memory_space<vmem>> -> memref<800xi32, #tpu.memory_space<vmem>>
    %dma_start3A_62 = tpu.memref_slice %arg4[%add3A_57] : memref<1600000xi32, #tpu.memory_space<hbm>> -> memref<800xi32, #tpu.memory_space<hbm>>
    %dma_start3A_63 = arith.constant 0 : i32
    %dma_start3A_64 = tpu.memref_slice %arg7[%dma_start3A_58, %dma_start3A_63] : memref<3x800xi32, #tpu.memory_space<vmem>> -> memref<1x800xi32, #tpu.memory_space<vmem>>
    %dma_start3A_65 = tpu.memref_squeeze %dma_start3A_64 : memref<1x800xi32, #tpu.memory_space<vmem>> -> memref<800xi32, #tpu.memory_space<vmem>>
    %dma_start3A_66 = tpu.memref_slice %arg4[%add3A_57] : memref<1600000xi32, #tpu.memory_space<hbm>> -> memref<800xi32, #tpu.memory_space<hbm>>
    tpu.enqueue_dma source(%dma_start3A_66 : memref<800xi32, #tpu.memory_space<hbm>>) target(%dma_start3A_65 : memref<800xi32, #tpu.memory_space<vmem>>) target_semaphore(%arg10 : memref<!tpu.dma_semaphore, #tpu.memory_space<semaphore_mem>>)
    %dma_wait3A = arith.constant 0 : i32
    %dma_wait3A_67 = arith.constant 0 : i32
    %dma_wait3A_68 = tpu.memref_slice %arg6[%dma_wait3A, %dma_wait3A_67] : memref<3x800xi32, #tpu.memory_space<vmem>> -> memref<1x800xi32, #tpu.memory_space<vmem>>
    %dma_wait3A_69 = tpu.memref_squeeze %dma_wait3A_68 : memref<1x800xi32, #tpu.memory_space<vmem>> -> memref<800xi32, #tpu.memory_space<vmem>>
    %dma_wait3A_70 = tpu.memref_slice %arg3[%mul3A_45] : memref<1600000xi32, #tpu.memory_space<hbm>> -> memref<800xi32, #tpu.memory_space<hbm>>
    %dma_wait3A_71 = arith.constant 0 : i32
    %dma_wait3A_72 = tpu.memref_slice %arg6[%dma_wait3A, %dma_wait3A_71] : memref<3x800xi32, #tpu.memory_space<vmem>> -> memref<1x800xi32, #tpu.memory_space<vmem>>
    %dma_wait3A_73 = tpu.memref_squeeze %dma_wait3A_72 : memref<1x800xi32, #tpu.memory_space<vmem>> -> memref<800xi32, #tpu.memory_space<vmem>>
    %dma_wait3A_74 = tpu.memref_slice %arg3[%mul3A_45] : memref<1600000xi32, #tpu.memory_space<hbm>> -> memref<800xi32, #tpu.memory_space<hbm>>
    tpu.wait_dma2 semaphore(%arg10 : memref<!tpu.dma_semaphore, #tpu.memory_space<semaphore_mem>>) src(%dma_wait3A_74 : memref<800xi32, #tpu.memory_space<hbm>>) dst(%dma_wait3A_73 : memref<800xi32, #tpu.memory_space<vmem>>)
    %dma_wait3A_75 = arith.constant 0 : i32
    %dma_wait3A_76 = arith.constant 0 : i32
    %dma_wait3A_77 = tpu.memref_slice %arg7[%dma_wait3A_75, %dma_wait3A_76] : memref<3x800xi32, #tpu.memory_space<vmem>> -> memref<1x800xi32, #tpu.memory_space<vmem>>
    %dma_wait3A_78 = tpu.memref_squeeze %dma_wait3A_77 : memref<1x800xi32, #tpu.memory_space<vmem>> -> memref<800xi32, #tpu.memory_space<vmem>>
    %dma_wait3A_79 = tpu.memref_slice %arg4[%mul3A_45] : memref<1600000xi32, #tpu.memory_space<hbm>> -> memref<800xi32, #tpu.memory_space<hbm>>
    %dma_wait3A_80 = arith.constant 0 : i32
    %dma_wait3A_81 = tpu.memref_slice %arg7[%dma_wait3A_75, %dma_wait3A_80] : memref<3x800xi32, #tpu.memory_space<vmem>> -> memref<1x800xi32, #tpu.memory_space<vmem>>
    %dma_wait3A_82 = tpu.memref_squeeze %dma_wait3A_81 : memref<1x800xi32, #tpu.memory_space<vmem>> -> memref<800xi32, #tpu.memory_space<vmem>>
    %dma_wait3A_83 = tpu.memref_slice %arg4[%mul3A_45] : memref<1600000xi32, #tpu.memory_space<hbm>> -> memref<800xi32, #tpu.memory_space<hbm>>
    tpu.wait_dma2 semaphore(%arg10 : memref<!tpu.dma_semaphore, #tpu.memory_space<semaphore_mem>>) src(%dma_wait3A_83 : memref<800xi32, #tpu.memory_space<hbm>>) dst(%dma_wait3A_82 : memref<800xi32, #tpu.memory_space<vmem>>)
    %add3A_84 = arith.constant 800 : i32
    %add3A_85 = arith.addi %mul3A_45, %add3A_84 : i32
    %dma_start3A_86 = arith.constant 1 : i32
    %dma_start3A_87 = arith.constant 0 : i32
    %dma_start3A_88 = tpu.memref_slice %arg6[%dma_start3A_86, %dma_start3A_87] : memref<3x800xi32, #tpu.memory_space<vmem>> -> memref<1x800xi32, #tpu.memory_space<vmem>>
    %dma_start3A_89 = tpu.memref_squeeze %dma_start3A_88 : memref<1x800xi32, #tpu.memory_space<vmem>> -> memref<800xi32, #tpu.memory_space<vmem>>
    %dma_start3A_90 = tpu.memref_slice %arg3[%add3A_85] : memref<1600000xi32, #tpu.memory_space<hbm>> -> memref<800xi32, #tpu.memory_space<hbm>>
    %dma_start3A_91 = arith.constant 0 : i32
    %dma_start3A_92 = tpu.memref_slice %arg6[%dma_start3A_86, %dma_start3A_91] : memref<3x800xi32, #tpu.memory_space<vmem>> -> memref<1x800xi32, #tpu.memory_space<vmem>>
    %dma_start3A_93 = tpu.memref_squeeze %dma_start3A_92 : memref<1x800xi32, #tpu.memory_space<vmem>> -> memref<800xi32, #tpu.memory_space<vmem>>
    %dma_start3A_94 = tpu.memref_slice %arg3[%add3A_85] : memref<1600000xi32, #tpu.memory_space<hbm>> -> memref<800xi32, #tpu.memory_space<hbm>>
    tpu.enqueue_dma source(%dma_start3A_94 : memref<800xi32, #tpu.memory_space<hbm>>) target(%dma_start3A_93 : memref<800xi32, #tpu.memory_space<vmem>>) target_semaphore(%arg10 : memref<!tpu.dma_semaphore, #tpu.memory_space<semaphore_mem>>)
    %add3A_95 = arith.constant 800 : i32
    %add3A_96 = arith.addi %mul3A_45, %add3A_95 : i32
    %dma_start3A_97 = arith.constant 1 : i32
    %dma_start3A_98 = arith.constant 0 : i32
    %dma_start3A_99 = tpu.memref_slice %arg7[%dma_start3A_97, %dma_start3A_98] : memref<3x800xi32, #tpu.memory_space<vmem>> -> memref<1x800xi32, #tpu.memory_space<vmem>>
    %dma_start3A_100 = tpu.memref_squeeze %dma_start3A_99 : memref<1x800xi32, #tpu.memory_space<vmem>> -> memref<800xi32, #tpu.memory_space<vmem>>
    %dma_start3A_101 = tpu.memref_slice %arg4[%add3A_96] : memref<1600000xi32, #tpu.memory_space<hbm>> -> memref<800xi32, #tpu.memory_space<hbm>>
    %dma_start3A_102 = arith.constant 0 : i32
    %dma_start3A_103 = tpu.memref_slice %arg7[%dma_start3A_97, %dma_start3A_102] : memref<3x800xi32, #tpu.memory_space<vmem>> -> memref<1x800xi32, #tpu.memory_space<vmem>>
    %dma_start3A_104 = tpu.memref_squeeze %dma_start3A_103 : memref<1x800xi32, #tpu.memory_space<vmem>> -> memref<800xi32, #tpu.memory_space<vmem>>
    %dma_start3A_105 = tpu.memref_slice %arg4[%add3A_96] : memref<1600000xi32, #tpu.memory_space<hbm>> -> memref<800xi32, #tpu.memory_space<hbm>>
    tpu.enqueue_dma source(%dma_start3A_105 : memref<800xi32, #tpu.memory_space<hbm>>) target(%dma_start3A_104 : memref<800xi32, #tpu.memory_space<vmem>>) target_semaphore(%arg10 : memref<!tpu.dma_semaphore, #tpu.memory_space<semaphore_mem>>)
    %dma_start3A_106 = arith.constant 0 : i32
    %dma_start3A_107 = arith.constant 0 : i32
    %dma_start3A_108 = arith.constant 0 : i32
    %dma_start3A_109 = arith.constant 0 : i32
    %dma_start3A_110 = arith.constant 0 : i32
    %dma_start3A_111 = tpu.memref_slice %arg8[%dma_start3A_107, %dma_start3A_109, %dma_start3A_110] : memref<2x800x16xf32, #tpu.memory_space<vmem>> -> memref<1x800x16xf32, #tpu.memory_space<vmem>>
    %dma_start3A_112 = tpu.memref_squeeze %dma_start3A_111 : memref<1x800x16xf32, #tpu.memory_space<vmem>> -> memref<800x16xf32, #tpu.memory_space<vmem>>
    %dma_start3A_113 = arith.constant 0 : i32
    %dma_start3A_114 = tpu.memref_slice %arg6[%dma_start3A_106, %dma_start3A_113] : memref<3x800xi32, #tpu.memory_space<vmem>> -> memref<1x800xi32, #tpu.memory_space<vmem>>
    %dma_start3A_115 = tpu.memref_squeeze %dma_start3A_114 : memref<1x800xi32, #tpu.memory_space<vmem>> -> memref<800xi32, #tpu.memory_space<vmem>>
    %dma_start3A_116 = arith.constant 0 : i32
    %dma_start3A_117 = arith.constant 0 : i32
    %dma_start3A_118 = tpu.memref_slice %arg2[%arg0, %dma_start3A_116, %dma_start3A_117] : memref<2x100096x16xf32, #tpu.memory_space<hbm>> -> memref<1x100096x16xf32, #tpu.memory_space<hbm>>
    %dma_start3A_119 = tpu.memref_squeeze %dma_start3A_118 : memref<1x100096x16xf32, #tpu.memory_space<hbm>> -> memref<100096x16xf32, #tpu.memory_space<hbm>>
    %dma_start3A_120 = arith.constant 0 : i32
    %dma_start3A_121 = arith.constant 0 : i32
    %dma_start3A_122 = tpu.memref_slice %dma_start3A_119[%dma_start3A_120, %dma_start3A_121] : memref<100096x16xf32, #tpu.memory_space<hbm>> -> memref<100096x16xf32, #tpu.memory_space<hbm>>
    %dma_start3A_123 = tpu.memref_slice %arg11[%dma_start3A_108] : memref<2x!tpu.dma_semaphore, #tpu.memory_space<semaphore_mem>> -> memref<1x!tpu.dma_semaphore, #tpu.memory_space<semaphore_mem>>
    %dma_start3A_124 = tpu.memref_squeeze %dma_start3A_123 : memref<1x!tpu.dma_semaphore, #tpu.memory_space<semaphore_mem>> -> memref<!tpu.dma_semaphore, #tpu.memory_space<semaphore_mem>>
    tpu.enqueue_indirect_dma source(%dma_start3A_122 : memref<100096x16xf32, #tpu.memory_space<hbm>>) target(%dma_start3A_112 : memref<800x16xf32, #tpu.memory_space<vmem>>) offsets(%dma_start3A_115 : memref<800xi32, #tpu.memory_space<vmem>>) semaphore(%dma_start3A_124 : memref<!tpu.dma_semaphore, #tpu.memory_space<semaphore_mem>>)
    %scan3A_125 = arith.constant 0 : i32
    %scan3A_126 = arith.constant 0 : i32
    %scan3A_127 = arith.constant 125 : i32
    %scan3A_128 = arith.addi %scan3A_126, %scan3A_127 : i32
    %scan3A_129 = arith.constant 1 : i32
    scf.for %scan3A_147 = %scan3A_126 to %scan3A_128 step %scan3A_129  : i32 {
      %rem3A_148 = arith.constant 2 : i32
      %rem3A_149 = arith.remsi %scan3A_147, %rem3A_148 : i32
      %sub3A = arith.constant 1 : i32
      %sub3A_150 = arith.subi %sub3A, %rem3A_149 : i32
      %rem3A_151 = arith.constant 3 : i32
      %rem3A_152 = arith.remsi %scan3A_147, %rem3A_151 : i32
      %add3A_153 = arith.constant 1 : i32
      %add3A_154 = arith.addi %scan3A_147, %add3A_153 : i32
      %rem3A_155 = arith.constant 3 : i32
      %rem3A_156 = arith.remsi %add3A_154, %rem3A_155 : i32
      %add3A_157 = arith.constant 2 : i32
      %add3A_158 = arith.addi %scan3A_147, %add3A_157 : i32
      %rem3A_159 = arith.constant 3 : i32
      %rem3A_160 = arith.remsi %add3A_158, %rem3A_159 : i32
      %ge3A = arith.constant 1 : i32
      %ge3A_161 = arith.cmpi sge, %scan3A_147, %ge3A : i32
      %convert_element_type3A = arith.extui %ge3A_161 : i1 to i32
      %cond3A = arith.constant 0 : i32
      %cond3A_162 = arith.cmpi ne, %convert_element_type3A, %cond3A : i32
      scf.if %cond3A_162 {
        %dma_wait3A_202 = arith.constant 0 : i32
        %dma_wait3A_203 = arith.constant 0 : i32
        %dma_wait3A_204 = tpu.memref_slice %arg8[%sub3A_150, %dma_wait3A_202, %dma_wait3A_203] : memref<2x800x16xf32, #tpu.memory_space<vmem>> -> memref<1x800x16xf32, #tpu.memory_space<vmem>>
        %dma_wait3A_205 = tpu.memref_squeeze %dma_wait3A_204 : memref<1x800x16xf32, #tpu.memory_space<vmem>> -> memref<800x16xf32, #tpu.memory_space<vmem>>
        %dma_wait3A_206 = arith.constant 0 : i32
        %dma_wait3A_207 = tpu.memref_slice %arg7[%rem3A_160, %dma_wait3A_206] : memref<3x800xi32, #tpu.memory_space<vmem>> -> memref<1x800xi32, #tpu.memory_space<vmem>>
        %dma_wait3A_208 = tpu.memref_squeeze %dma_wait3A_207 : memref<1x800xi32, #tpu.memory_space<vmem>> -> memref<800xi32, #tpu.memory_space<vmem>>
        %dma_wait3A_209 = arith.constant 0 : i32
        %dma_wait3A_210 = arith.constant 0 : i32
        %dma_wait3A_211 = tpu.memref_slice %arg9[%dma_wait3A_209, %dma_wait3A_210] : memref<100096x16xf32, #tpu.memory_space<vmem_shared>> -> memref<100096x16xf32, #tpu.memory_space<vmem_shared>>
        tpu.wait_indirect_dma semaphore(%arg12 : memref<!tpu.dma_semaphore, #tpu.memory_space<semaphore_mem>>) src(%dma_wait3A_205 : memref<800x16xf32, #tpu.memory_space<vmem>>) dst(%dma_wait3A_211 : memref<100096x16xf32, #tpu.memory_space<vmem_shared>>)
      } else {
      }
      %add3A_163 = arith.constant 1 : i32
      %add3A_164 = arith.addi %scan3A_147, %add3A_163 : i32
      %lt3A = arith.constant 125 : i32
      %lt3A_165 = arith.cmpi slt, %add3A_164, %lt3A : i32
      %convert_element_type3A_166 = arith.extui %lt3A_165 : i1 to i32
      %cond3A_167 = arith.constant 0 : i32
      %cond3A_168 = arith.cmpi ne, %convert_element_type3A_166, %cond3A_167 : i32
      scf.if %cond3A_168 {
        %dma_wait3A_202 = arith.constant 0 : i32
        %dma_wait3A_203 = tpu.memref_slice %arg6[%rem3A_156, %dma_wait3A_202] : memref<3x800xi32, #tpu.memory_space<vmem>> -> memref<1x800xi32, #tpu.memory_space<vmem>>
        %dma_wait3A_204 = tpu.memref_squeeze %dma_wait3A_203 : memref<1x800xi32, #tpu.memory_space<vmem>> -> memref<800xi32, #tpu.memory_space<vmem>>
        %dma_wait3A_205 = tpu.memref_slice %arg3[%mul3A_45] : memref<1600000xi32, #tpu.memory_space<hbm>> -> memref<800xi32, #tpu.memory_space<hbm>>
        %dma_wait3A_206 = arith.constant 0 : i32
        %dma_wait3A_207 = tpu.memref_slice %arg6[%rem3A_156, %dma_wait3A_206] : memref<3x800xi32, #tpu.memory_space<vmem>> -> memref<1x800xi32, #tpu.memory_space<vmem>>
        %dma_wait3A_208 = tpu.memref_squeeze %dma_wait3A_207 : memref<1x800xi32, #tpu.memory_space<vmem>> -> memref<800xi32, #tpu.memory_space<vmem>>
        %dma_wait3A_209 = tpu.memref_slice %arg3[%mul3A_45] : memref<1600000xi32, #tpu.memory_space<hbm>> -> memref<800xi32, #tpu.memory_space<hbm>>
        tpu.wait_dma2 semaphore(%arg10 : memref<!tpu.dma_semaphore, #tpu.memory_space<semaphore_mem>>) src(%dma_wait3A_209 : memref<800xi32, #tpu.memory_space<hbm>>) dst(%dma_wait3A_208 : memref<800xi32, #tpu.memory_space<vmem>>)
        %dma_wait3A_210 = arith.constant 0 : i32
        %dma_wait3A_211 = tpu.memref_slice %arg7[%rem3A_156, %dma_wait3A_210] : memref<3x800xi32, #tpu.memory_space<vmem>> -> memref<1x800xi32, #tpu.memory_space<vmem>>
        %dma_wait3A_212 = tpu.memref_squeeze %dma_wait3A_211 : memref<1x800xi32, #tpu.memory_space<vmem>> -> memref<800xi32, #tpu.memory_space<vmem>>
        %dma_wait3A_213 = tpu.memref_slice %arg4[%mul3A_45] : memref<1600000xi32, #tpu.memory_space<hbm>> -> memref<800xi32, #tpu.memory_space<hbm>>
        %dma_wait3A_214 = arith.constant 0 : i32
        %dma_wait3A_215 = tpu.memref_slice %arg7[%rem3A_156, %dma_wait3A_214] : memref<3x800xi32, #tpu.memory_space<vmem>> -> memref<1x800xi32, #tpu.memory_space<vmem>>
        %dma_wait3A_216 = tpu.memref_squeeze %dma_wait3A_215 : memref<1x800xi32, #tpu.memory_space<vmem>> -> memref<800xi32, #tpu.memory_space<vmem>>
        %dma_wait3A_217 = tpu.memref_slice %arg4[%mul3A_45] : memref<1600000xi32, #tpu.memory_space<hbm>> -> memref<800xi32, #tpu.memory_space<hbm>>
        tpu.wait_dma2 semaphore(%arg10 : memref<!tpu.dma_semaphore, #tpu.memory_space<semaphore_mem>>) src(%dma_wait3A_217 : memref<800xi32, #tpu.memory_space<hbm>>) dst(%dma_wait3A_216 : memref<800xi32, #tpu.memory_space<vmem>>)
        %dma_start3A_218 = arith.constant 0 : i32
        %dma_start3A_219 = arith.constant 0 : i32
        %dma_start3A_220 = tpu.memref_slice %arg8[%sub3A_150, %dma_start3A_218, %dma_start3A_219] : memref<2x800x16xf32, #tpu.memory_space<vmem>> -> memref<1x800x16xf32, #tpu.memory_space<vmem>>
        %dma_start3A_221 = tpu.memref_squeeze %dma_start3A_220 : memref<1x800x16xf32, #tpu.memory_space<vmem>> -> memref<800x16xf32, #tpu.memory_space<vmem>>
        %dma_start3A_222 = arith.constant 0 : i32
        %dma_start3A_223 = tpu.memref_slice %arg6[%rem3A_156, %dma_start3A_222] : memref<3x800xi32, #tpu.memory_space<vmem>> -> memref<1x800xi32, #tpu.memory_space<vmem>>
        %dma_start3A_224 = tpu.memref_squeeze %dma_start3A_223 : memref<1x800xi32, #tpu.memory_space<vmem>> -> memref<800xi32, #tpu.memory_space<vmem>>
        %dma_start3A_225 = arith.constant 0 : i32
        %dma_start3A_226 = arith.constant 0 : i32
        %dma_start3A_227 = tpu.memref_slice %arg2[%arg0, %dma_start3A_225, %dma_start3A_226] : memref<2x100096x16xf32, #tpu.memory_space<hbm>> -> memref<1x100096x16xf32, #tpu.memory_space<hbm>>
        %dma_start3A_228 = tpu.memref_squeeze %dma_start3A_227 : memref<1x100096x16xf32, #tpu.memory_space<hbm>> -> memref<100096x16xf32, #tpu.memory_space<hbm>>
        %dma_start3A_229 = arith.constant 0 : i32
        %dma_start3A_230 = arith.constant 0 : i32
        %dma_start3A_231 = tpu.memref_slice %dma_start3A_228[%dma_start3A_229, %dma_start3A_230] : memref<100096x16xf32, #tpu.memory_space<hbm>> -> memref<100096x16xf32, #tpu.memory_space<hbm>>
        %dma_start3A_232 = tpu.memref_slice %arg11[%sub3A_150] : memref<2x!tpu.dma_semaphore, #tpu.memory_space<semaphore_mem>> -> memref<1x!tpu.dma_semaphore, #tpu.memory_space<semaphore_mem>>
        %dma_start3A_233 = tpu.memref_squeeze %dma_start3A_232 : memref<1x!tpu.dma_semaphore, #tpu.memory_space<semaphore_mem>> -> memref<!tpu.dma_semaphore, #tpu.memory_space<semaphore_mem>>
        tpu.enqueue_indirect_dma source(%dma_start3A_231 : memref<100096x16xf32, #tpu.memory_space<hbm>>) target(%dma_start3A_221 : memref<800x16xf32, #tpu.memory_space<vmem>>) offsets(%dma_start3A_224 : memref<800xi32, #tpu.memory_space<vmem>>) semaphore(%dma_start3A_233 : memref<!tpu.dma_semaphore, #tpu.memory_space<semaphore_mem>>)
      } else {
      }
      %dma_wait3A_169 = arith.constant 0 : i32
      %dma_wait3A_170 = arith.constant 0 : i32
      %dma_wait3A_171 = tpu.memref_slice %arg8[%rem3A_149, %dma_wait3A_169, %dma_wait3A_170] : memref<2x800x16xf32, #tpu.memory_space<vmem>> -> memref<1x800x16xf32, #tpu.memory_space<vmem>>
      %dma_wait3A_172 = tpu.memref_squeeze %dma_wait3A_171 : memref<1x800x16xf32, #tpu.memory_space<vmem>> -> memref<800x16xf32, #tpu.memory_space<vmem>>
      %dma_wait3A_173 = arith.constant 0 : i32
      %dma_wait3A_174 = tpu.memref_slice %arg6[%rem3A_152, %dma_wait3A_173] : memref<3x800xi32, #tpu.memory_space<vmem>> -> memref<1x800xi32, #tpu.memory_space<vmem>>
      %dma_wait3A_175 = tpu.memref_squeeze %dma_wait3A_174 : memref<1x800xi32, #tpu.memory_space<vmem>> -> memref<800xi32, #tpu.memory_space<vmem>>
      %dma_wait3A_176 = arith.constant 0 : i32
      %dma_wait3A_177 = arith.constant 0 : i32
      %dma_wait3A_178 = tpu.memref_slice %arg2[%arg0, %dma_wait3A_176, %dma_wait3A_177] : memref<2x100096x16xf32, #tpu.memory_space<hbm>> -> memref<1x100096x16xf32, #tpu.memory_space<hbm>>
      %dma_wait3A_179 = tpu.memref_squeeze %dma_wait3A_178 : memref<1x100096x16xf32, #tpu.memory_space<hbm>> -> memref<100096x16xf32, #tpu.memory_space<hbm>>
      %dma_wait3A_180 = arith.constant 0 : i32
      %dma_wait3A_181 = arith.constant 0 : i32
      %dma_wait3A_182 = tpu.memref_slice %dma_wait3A_179[%dma_wait3A_180, %dma_wait3A_181] : memref<100096x16xf32, #tpu.memory_space<hbm>> -> memref<100096x16xf32, #tpu.memory_space<hbm>>
      %dma_wait3A_183 = tpu.memref_slice %arg11[%rem3A_149] : memref<2x!tpu.dma_semaphore, #tpu.memory_space<semaphore_mem>> -> memref<1x!tpu.dma_semaphore, #tpu.memory_space<semaphore_mem>>
      %dma_wait3A_184 = tpu.memref_squeeze %dma_wait3A_183 : memref<1x!tpu.dma_semaphore, #tpu.memory_space<semaphore_mem>> -> memref<!tpu.dma_semaphore, #tpu.memory_space<semaphore_mem>>
      tpu.wait_indirect_dma semaphore(%dma_wait3A_184 : memref<!tpu.dma_semaphore, #tpu.memory_space<semaphore_mem>>) src(%dma_wait3A_182 : memref<100096x16xf32, #tpu.memory_space<hbm>>) dst(%dma_wait3A_172 : memref<800x16xf32, #tpu.memory_space<vmem>>)
      %dma_start3A_185 = arith.constant 0 : i32
      %dma_start3A_186 = arith.constant 0 : i32
      %dma_start3A_187 = tpu.memref_slice %arg8[%rem3A_149, %dma_start3A_185, %dma_start3A_186] : memref<2x800x16xf32, #tpu.memory_space<vmem>> -> memref<1x800x16xf32, #tpu.memory_space<vmem>>
      %dma_start3A_188 = tpu.memref_squeeze %dma_start3A_187 : memref<1x800x16xf32, #tpu.memory_space<vmem>> -> memref<800x16xf32, #tpu.memory_space<vmem>>
      %dma_start3A_189 = arith.constant 0 : i32
      %dma_start3A_190 = tpu.memref_slice %arg7[%rem3A_152, %dma_start3A_189] : memref<3x800xi32, #tpu.memory_space<vmem>> -> memref<1x800xi32, #tpu.memory_space<vmem>>
      %dma_start3A_191 = tpu.memref_squeeze %dma_start3A_190 : memref<1x800xi32, #tpu.memory_space<vmem>> -> memref<800xi32, #tpu.memory_space<vmem>>
      %dma_start3A_192 = arith.constant 0 : i32
      %dma_start3A_193 = arith.constant 0 : i32
      %dma_start3A_194 = tpu.memref_slice %arg9[%dma_start3A_192, %dma_start3A_193] : memref<100096x16xf32, #tpu.memory_space<vmem_shared>> -> memref<100096x16xf32, #tpu.memory_space<vmem_shared>>
      tpu.enqueue_indirect_dma source(%dma_start3A_188 : memref<800x16xf32, #tpu.memory_space<vmem>>) target(%dma_start3A_194 : memref<100096x16xf32, #tpu.memory_space<vmem_shared>>) offsets(%dma_start3A_191 : memref<800xi32, #tpu.memory_space<vmem>>) semaphore(%arg12 : memref<!tpu.dma_semaphore, #tpu.memory_space<semaphore_mem>>) {add = true}
      %add3A_195 = arith.constant 2 : i32
      %add3A_196 = arith.addi %scan3A_147, %add3A_195 : i32
      %lt3A_197 = arith.constant 125 : i32
      %lt3A_198 = arith.cmpi slt, %add3A_196, %lt3A_197 : i32
      %convert_element_type3A_199 = arith.extui %lt3A_198 : i1 to i32
      %cond3A_200 = arith.constant 0 : i32
      %cond3A_201 = arith.cmpi ne, %convert_element_type3A_199, %cond3A_200 : i32
      scf.if %cond3A_201 {
        %add3A_202 = arith.constant 2 : i32
        %add3A_203 = arith.addi %scan3A_147, %add3A_202 : i32
        %mul3A_204 = arith.constant 800 : i32
        %mul3A_205 = arith.muli %add3A_203, %mul3A_204 : i32
        %add3A_206 = arith.addi %mul3A_45, %mul3A_205 : i32
        %dma_start3A_207 = arith.constant 0 : i32
        %dma_start3A_208 = tpu.memref_slice %arg6[%rem3A_160, %dma_start3A_207] : memref<3x800xi32, #tpu.memory_space<vmem>> -> memref<1x800xi32, #tpu.memory_space<vmem>>
        %dma_start3A_209 = tpu.memref_squeeze %dma_start3A_208 : memref<1x800xi32, #tpu.memory_space<vmem>> -> memref<800xi32, #tpu.memory_space<vmem>>
        %dma_start3A_210 = tpu.memref_slice %arg3[%add3A_206] : memref<1600000xi32, #tpu.memory_space<hbm>> -> memref<800xi32, #tpu.memory_space<hbm>>
        %dma_start3A_211 = arith.constant 0 : i32
        %dma_start3A_212 = tpu.memref_slice %arg6[%rem3A_160, %dma_start3A_211] : memref<3x800xi32, #tpu.memory_space<vmem>> -> memref<1x800xi32, #tpu.memory_space<vmem>>
        %dma_start3A_213 = tpu.memref_squeeze %dma_start3A_212 : memref<1x800xi32, #tpu.memory_space<vmem>> -> memref<800xi32, #tpu.memory_space<vmem>>
        %dma_start3A_214 = tpu.memref_slice %arg3[%add3A_206] : memref<1600000xi32, #tpu.memory_space<hbm>> -> memref<800xi32, #tpu.memory_space<hbm>>
        tpu.enqueue_dma source(%dma_start3A_214 : memref<800xi32, #tpu.memory_space<hbm>>) target(%dma_start3A_213 : memref<800xi32, #tpu.memory_space<vmem>>) target_semaphore(%arg10 : memref<!tpu.dma_semaphore, #tpu.memory_space<semaphore_mem>>)
        %mul3A_215 = arith.constant 800 : i32
        %mul3A_216 = arith.muli %add3A_203, %mul3A_215 : i32
        %add3A_217 = arith.addi %mul3A_45, %mul3A_216 : i32
        %dma_start3A_218 = arith.constant 0 : i32
        %dma_start3A_219 = tpu.memref_slice %arg7[%rem3A_160, %dma_start3A_218] : memref<3x800xi32, #tpu.memory_space<vmem>> -> memref<1x800xi32, #tpu.memory_space<vmem>>
        %dma_start3A_220 = tpu.memref_squeeze %dma_start3A_219 : memref<1x800xi32, #tpu.memory_space<vmem>> -> memref<800xi32, #tpu.memory_space<vmem>>
        %dma_start3A_221 = tpu.memref_slice %arg4[%add3A_217] : memref<1600000xi32, #tpu.memory_space<hbm>> -> memref<800xi32, #tpu.memory_space<hbm>>
        %dma_start3A_222 = arith.constant 0 : i32
        %dma_start3A_223 = tpu.memref_slice %arg7[%rem3A_160, %dma_start3A_222] : memref<3x800xi32, #tpu.memory_space<vmem>> -> memref<1x800xi32, #tpu.memory_space<vmem>>
        %dma_start3A_224 = tpu.memref_squeeze %dma_start3A_223 : memref<1x800xi32, #tpu.memory_space<vmem>> -> memref<800xi32, #tpu.memory_space<vmem>>
        %dma_start3A_225 = tpu.memref_slice %arg4[%add3A_217] : memref<1600000xi32, #tpu.memory_space<hbm>> -> memref<800xi32, #tpu.memory_space<hbm>>
        tpu.enqueue_dma source(%dma_start3A_225 : memref<800xi32, #tpu.memory_space<hbm>>) target(%dma_start3A_224 : memref<800xi32, #tpu.memory_space<vmem>>) target_semaphore(%arg10 : memref<!tpu.dma_semaphore, #tpu.memory_space<semaphore_mem>>)
      } else {
      }
    }
    %scan3A_130 = arith.constant 125 : i32
    %rem3A = arith.constant 124 : i32
    %rem3A_131 = arith.constant 2 : i32
    %rem3A_132 = arith.remsi %rem3A, %rem3A_131 : i32
    %rem3A_133 = arith.constant 124 : i32
    %rem3A_134 = arith.constant 3 : i32
    %rem3A_135 = arith.remsi %rem3A_133, %rem3A_134 : i32
    %dma_wait3A_136 = arith.constant 0 : i32
    %dma_wait3A_137 = arith.constant 0 : i32
    %dma_wait3A_138 = tpu.memref_slice %arg8[%rem3A_132, %dma_wait3A_136, %dma_wait3A_137] : memref<2x800x16xf32, #tpu.memory_space<vmem>> -> memref<1x800x16xf32, #tpu.memory_space<vmem>>
    %dma_wait3A_139 = tpu.memref_squeeze %dma_wait3A_138 : memref<1x800x16xf32, #tpu.memory_space<vmem>> -> memref<800x16xf32, #tpu.memory_space<vmem>>
    %dma_wait3A_140 = arith.constant 0 : i32
    %dma_wait3A_141 = tpu.memref_slice %arg7[%rem3A_135, %dma_wait3A_140] : memref<3x800xi32, #tpu.memory_space<vmem>> -> memref<1x800xi32, #tpu.memory_space<vmem>>
    %dma_wait3A_142 = tpu.memref_squeeze %dma_wait3A_141 : memref<1x800xi32, #tpu.memory_space<vmem>> -> memref<800xi32, #tpu.memory_space<vmem>>
    %dma_wait3A_143 = arith.constant 0 : i32
    %dma_wait3A_144 = arith.constant 0 : i32
    %dma_wait3A_145 = tpu.memref_slice %arg9[%dma_wait3A_143, %dma_wait3A_144] : memref<100096x16xf32, #tpu.memory_space<vmem_shared>> -> memref<100096x16xf32, #tpu.memory_space<vmem_shared>>
    tpu.wait_indirect_dma semaphore(%arg12 : memref<!tpu.dma_semaphore, #tpu.memory_space<semaphore_mem>>) src(%dma_wait3A_139 : memref<800x16xf32, #tpu.memory_space<vmem>>) dst(%dma_wait3A_145 : memref<100096x16xf32, #tpu.memory_space<vmem_shared>>)
    %barrier3A_146 = arith.constant 0 : index
    tpu.barrier barrier_id(%barrier3A_146)
    "tpu.region"() ({
      %run_scoped3A_147 = tpu.sem_alloc : memref<!tpu.dma_semaphore, #tpu.memory_space<semaphore_mem>>
      %dma_start3A_148 = arith.constant 0 : i32
      %dma_start3A_149 = tpu.memref_slice %arg5[%arg0, %mul3A_0, %dma_start3A_148] : memref<2x100096x16xf32, #tpu.memory_space<hbm>> -> memref<1x6256x16xf32, #tpu.memory_space<hbm>>
      %dma_start3A_150 = tpu.memref_squeeze %dma_start3A_149 : memref<1x6256x16xf32, #tpu.memory_space<hbm>> -> memref<6256x16xf32, #tpu.memory_space<hbm>>
      %dma_start3A_151 = arith.constant 0 : i32
      %dma_start3A_152 = tpu.memref_slice %arg9[%mul3A_0, %dma_start3A_151] : memref<100096x16xf32, #tpu.memory_space<vmem_shared>> -> memref<6256x16xf32, #tpu.memory_space<vmem_shared>>
      tpu.enqueue_dma source(%dma_start3A_152 : memref<6256x16xf32, #tpu.memory_space<vmem_shared>>) target(%dma_start3A_150 : memref<6256x16xf32, #tpu.memory_space<hbm>>) target_semaphore(%run_scoped3A_147 : memref<!tpu.dma_semaphore, #tpu.memory_space<semaphore_mem>>)
      %dma_wait3A_153 = arith.constant 0 : i32
      %dma_wait3A_154 = tpu.memref_slice %arg5[%arg0, %mul3A_0, %dma_wait3A_153] : memref<2x100096x16xf32, #tpu.memory_space<hbm>> -> memref<1x6256x16xf32, #tpu.memory_space<hbm>>
      %dma_wait3A_155 = tpu.memref_squeeze %dma_wait3A_154 : memref<1x6256x16xf32, #tpu.memory_space<hbm>> -> memref<6256x16xf32, #tpu.memory_space<hbm>>
      %dma_wait3A_156 = arith.constant 0 : i32
      %dma_wait3A_157 = tpu.memref_slice %arg9[%mul3A_0, %dma_wait3A_156] : memref<100096x16xf32, #tpu.memory_space<vmem_shared>> -> memref<6256x16xf32, #tpu.memory_space<vmem_shared>>
      tpu.wait_dma2 semaphore(%run_scoped3A_147 : memref<!tpu.dma_semaphore, #tpu.memory_space<semaphore_mem>>) src(%dma_wait3A_157 : memref<6256x16xf32, #tpu.memory_space<vmem_shared>>) dst(%dma_wait3A_155 : memref<6256x16xf32, #tpu.memory_space<hbm>>)
      tpu.yield
    }) : () -> ()
    return
  }
}

#map = affine_map<(d0, d1) -> (0, 0, 0)>
#map1 = affine_map<(d0, d1) -> (0)>
module attributes {stable_mosaic.version = 14 : i64} {
  func.func @_sc_spmm(%arg0: i32, %arg1: i32, %arg2: memref<2x100096x16xf32, #tpu.memory_space<hbm>>, %arg3: memref<1600000xi32, #tpu.memory_space<hbm>>, %arg4: memref<1600000xi32, #tpu.memory_space<hbm>>, %arg5: memref<2x100096x16xf32, #tpu.memory_space<hbm>>, %arg6: memref<3x800xi32, #tpu.memory_space<vmem>>, %arg7: memref<3x800xi32, #tpu.memory_space<vmem>>, %arg8: memref<2x800x16xf32, #tpu.memory_space<vmem>>, %arg9: memref<100096x16xf32, #tpu.memory_space<vmem_shared>>, %arg10: memref<!tpu.dma_semaphore, #tpu.memory_space<semaphore_mem>>, %arg11: memref<2x!tpu.dma_semaphore, #tpu.memory_space<semaphore_mem>>, %arg12: memref<!tpu.dma_semaphore, #tpu.memory_space<semaphore_mem>>) attributes {dimension_semantics = [#tpu.dimension_semantics<core_parallel>, #tpu.dimension_semantics<subcore_parallel>], iteration_bounds = array<i64: 2, 16>, scalar_prefetch = 0 : i64, scratch_operands = 7 : i64, tpu.core_type = #tpu.core_type<sc_vector_subcore>, window_params = [{transform_indices = #map}, {transform_indices = #map1}, {transform_indices = #map1}, {transform_indices = #map}]} {
    %mul3A = arith.constant 6256 : i32
    %mul3A_0 = arith.muli %arg1, %mul3A : i32
    %scan3A = arith.constant 0 : i32
    %scan3A_1 = arith.constant 0 : i32
    %scan3A_2 = arith.constant 800 : i32
    %scan3A_3 = arith.addi %scan3A_1, %scan3A_2 : i32
    %scan3A_4 = arith.constant 1 : i32
    scf.for %scan3A_147 = %scan3A_1 to %scan3A_3 step %scan3A_4  : i32 {
      %broadcast_in_dim3A = arith.constant 0.000000e+00 : f32
      %broadcast_in_dim3A_148 = vector.broadcast %broadcast_in_dim3A : f32 to vector<16xf32>
      %swap3A = arith.constant 0 : i32
      %swap3A_149 = arith.index_cast %swap3A : i32 to index
      %swap3A_150 = arith.index_cast %scan3A_147 : i32 to index
      %swap3A_151 = arith.constant 0 : index
      %swap3A_152 = tpu.vector_load %arg8[%swap3A_149, %swap3A_150, %swap3A_151] {strides = array<i32>} : memref<2x800x16xf32, #tpu.memory_space<vmem>>, vector<1x1x16xf32>,
      %swap3A_153 = vector.shape_cast %swap3A_152 : vector<1x1x16xf32> to vector<16xf32>
      %swap3A_154 = vector.shape_cast %broadcast_in_dim3A_148 : vector<16xf32> to vector<1x1x16xf32>
      tpu.vector_store %arg8[%swap3A_149, %swap3A_150, %swap3A_151], %swap3A_154 {strides = array<i32>} : memref<2x800x16xf32, #tpu.memory_space<vmem>>, vector<1x1x16xf32>,
    }
    %scan3A_5 = arith.constant 800 : i32
    %mul3A_6 = arith.constant 6256 : i32
    %mul3A_7 = arith.muli %arg1, %mul3A_6 : i32
    %add3A = arith.constant 0 : i32
    %add3A_8 = arith.addi %mul3A_7, %add3A : i32
    %run_scoped3A = arith.constant 0 : i32
    "tpu.region"() ({
      %run_scoped3A_147 = tpu.sem_alloc : memref<!tpu.dma_semaphore, #tpu.memory_space<semaphore_mem>>
      %dma_start3A_148 = arith.constant 0 : i32
      %dma_start3A_149 = arith.constant 0 : i32
      %dma_start3A_150 = tpu.memref_slice %arg8[%run_scoped3A, %dma_start3A_148, %dma_start3A_149] : memref<2x800x16xf32, #tpu.memory_space<vmem>> -> memref<1x800x16xf32, #tpu.memory_space<vmem>>
      %dma_start3A_151 = tpu.memref_squeeze %dma_start3A_150 : memref<1x800x16xf32, #tpu.memory_space<vmem>> -> memref<800x16xf32, #tpu.memory_space<vmem>>
      %dma_start3A_152 = arith.constant 0 : i32
      %dma_start3A_153 = tpu.memref_slice %arg9[%add3A_8, %dma_start3A_152] : memref<100096x16xf32, #tpu.memory_space<vmem_shared>> -> memref<800x16xf32, #tpu.memory_space<vmem_shared>>
      %dma_start3A_154 = arith.constant 0 : i32
      %dma_start3A_155 = tpu.memref_slice %arg9[%add3A_8, %dma_start3A_154] : memref<100096x16xf32, #tpu.memory_space<vmem_shared>> -> memref<800x16xf32, #tpu.memory_space<vmem_shared>>
      %dma_start3A_156 = arith.constant 0 : i32
      %dma_start3A_157 = arith.constant 0 : i32
      %dma_start3A_158 = tpu.memref_slice %arg8[%run_scoped3A, %dma_start3A_156, %dma_start3A_157] : memref<2x800x16xf32, #tpu.memory_space<vmem>> -> memref<1x800x16xf32, #tpu.memory_space<vmem>>
      %dma_start3A_159 = tpu.memref_squeeze %dma_start3A_158 : memref<1x800x16xf32, #tpu.memory_space<vmem>> -> memref<800x16xf32, #tpu.memory_space<vmem>>
      tpu.enqueue_dma source(%dma_start3A_159 : memref<800x16xf32, #tpu.memory_space<vmem>>) target(%dma_start3A_155 : memref<800x16xf32, #tpu.memory_space<vmem_shared>>) target_semaphore(%run_scoped3A_147 : memref<!tpu.dma_semaphore, #tpu.memory_space<semaphore_mem>>)
      %dma_wait3A_160 = arith.constant 0 : i32
      %dma_wait3A_161 = arith.constant 0 : i32
      %dma_wait3A_162 = tpu.memref_slice %arg8[%run_scoped3A, %dma_wait3A_160, %dma_wait3A_161] : memref<2x800x16xf32, #tpu.memory_space<vmem>> -> memref<1x800x16xf32, #tpu.memory_space<vmem>>
      %dma_wait3A_163 = tpu.memref_squeeze %dma_wait3A_162 : memref<1x800x16xf32, #tpu.memory_space<vmem>> -> memref<800x16xf32, #tpu.memory_space<vmem>>
      %dma_wait3A_164 = arith.constant 0 : i32
      %dma_wait3A_165 = tpu.memref_slice %arg9[%add3A_8, %dma_wait3A_164] : memref<100096x16xf32, #tpu.memory_space<vmem_shared>> -> memref<800x16xf32, #tpu.memory_space<vmem_shared>>
      %dma_wait3A_166 = arith.constant 0 : i32
      %dma_wait3A_167 = tpu.memref_slice %arg9[%add3A_8, %dma_wait3A_166] : memref<100096x16xf32, #tpu.memory_space<vmem_shared>> -> memref<800x16xf32, #tpu.memory_space<vmem_shared>>
      %dma_wait3A_168 = arith.constant 0 : i32
      %dma_wait3A_169 = arith.constant 0 : i32
      %dma_wait3A_170 = tpu.memref_slice %arg8[%run_scoped3A, %dma_wait3A_168, %dma_wait3A_169] : memref<2x800x16xf32, #tpu.memory_space<vmem>> -> memref<1x800x16xf32, #tpu.memory_space<vmem>>
      %dma_wait3A_171 = tpu.memref_squeeze %dma_wait3A_170 : memref<1x800x16xf32, #tpu.memory_space<vmem>> -> memref<800x16xf32, #tpu.memory_space<vmem>>
      tpu.wait_dma2 semaphore(%run_scoped3A_147 : memref<!tpu.dma_semaphore, #tpu.memory_space<semaphore_mem>>) src(%dma_wait3A_171 : memref<800x16xf32, #tpu.memory_space<vmem>>) dst(%dma_wait3A_167 : memref<800x16xf32, #tpu.memory_space<vmem_shared>>)
      tpu.yield
    }) : () -> ()
    %mul3A_9 = arith.constant 6256 : i32
    %mul3A_10 = arith.muli %arg1, %mul3A_9 : i32
    %add3A_11 = arith.constant 800 : i32
    %add3A_12 = arith.addi %mul3A_10, %add3A_11 : i32
    %run_scoped3A_13 = arith.constant 0 : i32
    "tpu.region"() ({
      %run_scoped3A_147 = tpu.sem_alloc : memref<!tpu.dma_semaphore, #tpu.memory_space<semaphore_mem>>
      %dma_start3A_148 = arith.constant 0 : i32
      %dma_start3A_149 = arith.constant 0 : i32
      %dma_start3A_150 = tpu.memref_slice %arg8[%run_scoped3A_13, %dma_start3A_148, %dma_start3A_149] : memref<2x800x16xf32, #tpu.memory_space<vmem>> -> memref<1x800x16xf32, #tpu.memory_space<vmem>>
      %dma_start3A_151 = tpu.memref_squeeze %dma_start3A_150 : memref<1x800x16xf32, #tpu.memory_space<vmem>> -> memref<800x16xf32, #tpu.memory_space<vmem>>
      %dma_start3A_152 = arith.constant 0 : i32
      %dma_start3A_153 = tpu.memref_slice %arg9[%add3A_12, %dma_start3A_152] : memref<100096x16xf32, #tpu.memory_space<vmem_shared>> -> memref<800x16xf32, #tpu.memory_space<vmem_shared>>
      %dma_start3A_154 = arith.constant 0 : i32
      %dma_start3A_155 = tpu.memref_slice %arg9[%add3A_12, %dma_start3A_154] : memref<100096x16xf32, #tpu.memory_space<vmem_shared>> -> memref<800x16xf32, #tpu.memory_space<vmem_shared>>
      %dma_start3A_156 = arith.constant 0 : i32
      %dma_start3A_157 = arith.constant 0 : i32
      %dma_start3A_158 = tpu.memref_slice %arg8[%run_scoped3A_13, %dma_start3A_156, %dma_start3A_157] : memref<2x800x16xf32, #tpu.memory_space<vmem>> -> memref<1x800x16xf32, #tpu.memory_space<vmem>>
      %dma_start3A_159 = tpu.memref_squeeze %dma_start3A_158 : memref<1x800x16xf32, #tpu.memory_space<vmem>> -> memref<800x16xf32, #tpu.memory_space<vmem>>
      tpu.enqueue_dma source(%dma_start3A_159 : memref<800x16xf32, #tpu.memory_space<vmem>>) target(%dma_start3A_155 : memref<800x16xf32, #tpu.memory_space<vmem_shared>>) target_semaphore(%run_scoped3A_147 : memref<!tpu.dma_semaphore, #tpu.memory_space<semaphore_mem>>)
      %dma_wait3A_160 = arith.constant 0 : i32
      %dma_wait3A_161 = arith.constant 0 : i32
      %dma_wait3A_162 = tpu.memref_slice %arg8[%run_scoped3A_13, %dma_wait3A_160, %dma_wait3A_161] : memref<2x800x16xf32, #tpu.memory_space<vmem>> -> memref<1x800x16xf32, #tpu.memory_space<vmem>>
      %dma_wait3A_163 = tpu.memref_squeeze %dma_wait3A_162 : memref<1x800x16xf32, #tpu.memory_space<vmem>> -> memref<800x16xf32, #tpu.memory_space<vmem>>
      %dma_wait3A_164 = arith.constant 0 : i32
      %dma_wait3A_165 = tpu.memref_slice %arg9[%add3A_12, %dma_wait3A_164] : memref<100096x16xf32, #tpu.memory_space<vmem_shared>> -> memref<800x16xf32, #tpu.memory_space<vmem_shared>>
      %dma_wait3A_166 = arith.constant 0 : i32
      %dma_wait3A_167 = tpu.memref_slice %arg9[%add3A_12, %dma_wait3A_166] : memref<100096x16xf32, #tpu.memory_space<vmem_shared>> -> memref<800x16xf32, #tpu.memory_space<vmem_shared>>
      %dma_wait3A_168 = arith.constant 0 : i32
      %dma_wait3A_169 = arith.constant 0 : i32
      %dma_wait3A_170 = tpu.memref_slice %arg8[%run_scoped3A_13, %dma_wait3A_168, %dma_wait3A_169] : memref<2x800x16xf32, #tpu.memory_space<vmem>> -> memref<1x800x16xf32, #tpu.memory_space<vmem>>
      %dma_wait3A_171 = tpu.memref_squeeze %dma_wait3A_170 : memref<1x800x16xf32, #tpu.memory_space<vmem>> -> memref<800x16xf32, #tpu.memory_space<vmem>>
      tpu.wait_dma2 semaphore(%run_scoped3A_147 : memref<!tpu.dma_semaphore, #tpu.memory_space<semaphore_mem>>) src(%dma_wait3A_171 : memref<800x16xf32, #tpu.memory_space<vmem>>) dst(%dma_wait3A_167 : memref<800x16xf32, #tpu.memory_space<vmem_shared>>)
      tpu.yield
    }) : () -> ()
    %mul3A_14 = arith.constant 6256 : i32
    %mul3A_15 = arith.muli %arg1, %mul3A_14 : i32
    %add3A_16 = arith.constant 1600 : i32
    %add3A_17 = arith.addi %mul3A_15, %add3A_16 : i32
    %run_scoped3A_18 = arith.constant 0 : i32
    "tpu.region"() ({
      %run_scoped3A_147 = tpu.sem_alloc : memref<!tpu.dma_semaphore, #tpu.memory_space<semaphore_mem>>
      %dma_start3A_148 = arith.constant 0 : i32
      %dma_start3A_149 = arith.constant 0 : i32
      %dma_start3A_150 = tpu.memref_slice %arg8[%run_scoped3A_18, %dma_start3A_148, %dma_start3A_149] : memref<2x800x16xf32, #tpu.memory_space<vmem>> -> memref<1x800x16xf32, #tpu.memory_space<vmem>>
      %dma_start3A_151 = tpu.memref_squeeze %dma_start3A_150 : memref<1x800x16xf32, #tpu.memory_space<vmem>> -> memref<800x16xf32, #tpu.memory_space<vmem>>
      %dma_start3A_152 = arith.constant 0 : i32
      %dma_start3A_153 = tpu.memref_slice %arg9[%add3A_17, %dma_start3A_152] : memref<100096x16xf32, #tpu.memory_space<vmem_shared>> -> memref<800x16xf32, #tpu.memory_space<vmem_shared>>
      %dma_start3A_154 = arith.constant 0 : i32
      %dma_start3A_155 = tpu.memref_slice %arg9[%add3A_17, %dma_start3A_154] : memref<100096x16xf32, #tpu.memory_space<vmem_shared>> -> memref<800x16xf32, #tpu.memory_space<vmem_shared>>
      %dma_start3A_156 = arith.constant 0 : i32
      %dma_start3A_157 = arith.constant 0 : i32
      %dma_start3A_158 = tpu.memref_slice %arg8[%run_scoped3A_18, %dma_start3A_156, %dma_start3A_157] : memref<2x800x16xf32, #tpu.memory_space<vmem>> -> memref<1x800x16xf32, #tpu.memory_space<vmem>>
      %dma_start3A_159 = tpu.memref_squeeze %dma_start3A_158 : memref<1x800x16xf32, #tpu.memory_space<vmem>> -> memref<800x16xf32, #tpu.memory_space<vmem>>
      tpu.enqueue_dma source(%dma_start3A_159 : memref<800x16xf32, #tpu.memory_space<vmem>>) target(%dma_start3A_155 : memref<800x16xf32, #tpu.memory_space<vmem_shared>>) target_semaphore(%run_scoped3A_147 : memref<!tpu.dma_semaphore, #tpu.memory_space<semaphore_mem>>)
      %dma_wait3A_160 = arith.constant 0 : i32
      %dma_wait3A_161 = arith.constant 0 : i32
      %dma_wait3A_162 = tpu.memref_slice %arg8[%run_scoped3A_18, %dma_wait3A_160, %dma_wait3A_161] : memref<2x800x16xf32, #tpu.memory_space<vmem>> -> memref<1x800x16xf32, #tpu.memory_space<vmem>>
      %dma_wait3A_163 = tpu.memref_squeeze %dma_wait3A_162 : memref<1x800x16xf32, #tpu.memory_space<vmem>> -> memref<800x16xf32, #tpu.memory_space<vmem>>
      %dma_wait3A_164 = arith.constant 0 : i32
      %dma_wait3A_165 = tpu.memref_slice %arg9[%add3A_17, %dma_wait3A_164] : memref<100096x16xf32, #tpu.memory_space<vmem_shared>> -> memref<800x16xf32, #tpu.memory_space<vmem_shared>>
      %dma_wait3A_166 = arith.constant 0 : i32
      %dma_wait3A_167 = tpu.memref_slice %arg9[%add3A_17, %dma_wait3A_166] : memref<100096x16xf32, #tpu.memory_space<vmem_shared>> -> memref<800x16xf32, #tpu.memory_space<vmem_shared>>
      %dma_wait3A_168 = arith.constant 0 : i32
      %dma_wait3A_169 = arith.constant 0 : i32
      %dma_wait3A_170 = tpu.memref_slice %arg8[%run_scoped3A_18, %dma_wait3A_168, %dma_wait3A_169] : memref<2x800x16xf32, #tpu.memory_space<vmem>> -> memref<1x800x16xf32, #tpu.memory_space<vmem>>
      %dma_wait3A_171 = tpu.memref_squeeze %dma_wait3A_170 : memref<1x800x16xf32, #tpu.memory_space<vmem>> -> memref<800x16xf32, #tpu.memory_space<vmem>>
      tpu.wait_dma2 semaphore(%run_scoped3A_147 : memref<!tpu.dma_semaphore, #tpu.memory_space<semaphore_mem>>) src(%dma_wait3A_171 : memref<800x16xf32, #tpu.memory_space<vmem>>) dst(%dma_wait3A_167 : memref<800x16xf32, #tpu.memory_space<vmem_shared>>)
      tpu.yield
    }) : () -> ()
    %mul3A_19 = arith.constant 6256 : i32
    %mul3A_20 = arith.muli %arg1, %mul3A_19 : i32
    %add3A_21 = arith.constant 2400 : i32
    %add3A_22 = arith.addi %mul3A_20, %add3A_21 : i32
    %run_scoped3A_23 = arith.constant 0 : i32
    "tpu.region"() ({
      %run_scoped3A_147 = tpu.sem_alloc : memref<!tpu.dma_semaphore, #tpu.memory_space<semaphore_mem>>
      %dma_start3A_148 = arith.constant 0 : i32
      %dma_start3A_149 = arith.constant 0 : i32
      %dma_start3A_150 = tpu.memref_slice %arg8[%run_scoped3A_23, %dma_start3A_148, %dma_start3A_149] : memref<2x800x16xf32, #tpu.memory_space<vmem>> -> memref<1x800x16xf32, #tpu.memory_space<vmem>>
      %dma_start3A_151 = tpu.memref_squeeze %dma_start3A_150 : memref<1x800x16xf32, #tpu.memory_space<vmem>> -> memref<800x16xf32, #tpu.memory_space<vmem>>
      %dma_start3A_152 = arith.constant 0 : i32
      %dma_start3A_153 = tpu.memref_slice %arg9[%add3A_22, %dma_start3A_152] : memref<100096x16xf32, #tpu.memory_space<vmem_shared>> -> memref<800x16xf32, #tpu.memory_space<vmem_shared>>
      %dma_start3A_154 = arith.constant 0 : i32
      %dma_start3A_155 = tpu.memref_slice %arg9[%add3A_22, %dma_start3A_154] : memref<100096x16xf32, #tpu.memory_space<vmem_shared>> -> memref<800x16xf32, #tpu.memory_space<vmem_shared>>
      %dma_start3A_156 = arith.constant 0 : i32
      %dma_start3A_157 = arith.constant 0 : i32
      %dma_start3A_158 = tpu.memref_slice %arg8[%run_scoped3A_23, %dma_start3A_156, %dma_start3A_157] : memref<2x800x16xf32, #tpu.memory_space<vmem>> -> memref<1x800x16xf32, #tpu.memory_space<vmem>>
      %dma_start3A_159 = tpu.memref_squeeze %dma_start3A_158 : memref<1x800x16xf32, #tpu.memory_space<vmem>> -> memref<800x16xf32, #tpu.memory_space<vmem>>
      tpu.enqueue_dma source(%dma_start3A_159 : memref<800x16xf32, #tpu.memory_space<vmem>>) target(%dma_start3A_155 : memref<800x16xf32, #tpu.memory_space<vmem_shared>>) target_semaphore(%run_scoped3A_147 : memref<!tpu.dma_semaphore, #tpu.memory_space<semaphore_mem>>)
      %dma_wait3A_160 = arith.constant 0 : i32
      %dma_wait3A_161 = arith.constant 0 : i32
      %dma_wait3A_162 = tpu.memref_slice %arg8[%run_scoped3A_23, %dma_wait3A_160, %dma_wait3A_161] : memref<2x800x16xf32, #tpu.memory_space<vmem>> -> memref<1x800x16xf32, #tpu.memory_space<vmem>>
      %dma_wait3A_163 = tpu.memref_squeeze %dma_wait3A_162 : memref<1x800x16xf32, #tpu.memory_space<vmem>> -> memref<800x16xf32, #tpu.memory_space<vmem>>
      %dma_wait3A_164 = arith.constant 0 : i32
      %dma_wait3A_165 = tpu.memref_slice %arg9[%add3A_22, %dma_wait3A_164] : memref<100096x16xf32, #tpu.memory_space<vmem_shared>> -> memref<800x16xf32, #tpu.memory_space<vmem_shared>>
      %dma_wait3A_166 = arith.constant 0 : i32
      %dma_wait3A_167 = tpu.memref_slice %arg9[%add3A_22, %dma_wait3A_166] : memref<100096x16xf32, #tpu.memory_space<vmem_shared>> -> memref<800x16xf32, #tpu.memory_space<vmem_shared>>
      %dma_wait3A_168 = arith.constant 0 : i32
      %dma_wait3A_169 = arith.constant 0 : i32
      %dma_wait3A_170 = tpu.memref_slice %arg8[%run_scoped3A_23, %dma_wait3A_168, %dma_wait3A_169] : memref<2x800x16xf32, #tpu.memory_space<vmem>> -> memref<1x800x16xf32, #tpu.memory_space<vmem>>
      %dma_wait3A_171 = tpu.memref_squeeze %dma_wait3A_170 : memref<1x800x16xf32, #tpu.memory_space<vmem>> -> memref<800x16xf32, #tpu.memory_space<vmem>>
      tpu.wait_dma2 semaphore(%run_scoped3A_147 : memref<!tpu.dma_semaphore, #tpu.memory_space<semaphore_mem>>) src(%dma_wait3A_171 : memref<800x16xf32, #tpu.memory_space<vmem>>) dst(%dma_wait3A_167 : memref<800x16xf32, #tpu.memory_space<vmem_shared>>)
      tpu.yield
    }) : () -> ()
    %mul3A_24 = arith.constant 6256 : i32
    %mul3A_25 = arith.muli %arg1, %mul3A_24 : i32
    %add3A_26 = arith.constant 3200 : i32
    %add3A_27 = arith.addi %mul3A_25, %add3A_26 : i32
    %run_scoped3A_28 = arith.constant 0 : i32
    "tpu.region"() ({
      %run_scoped3A_147 = tpu.sem_alloc : memref<!tpu.dma_semaphore, #tpu.memory_space<semaphore_mem>>
      %dma_start3A_148 = arith.constant 0 : i32
      %dma_start3A_149 = arith.constant 0 : i32
      %dma_start3A_150 = tpu.memref_slice %arg8[%run_scoped3A_28, %dma_start3A_148, %dma_start3A_149] : memref<2x800x16xf32, #tpu.memory_space<vmem>> -> memref<1x800x16xf32, #tpu.memory_space<vmem>>
      %dma_start3A_151 = tpu.memref_squeeze %dma_start3A_150 : memref<1x800x16xf32, #tpu.memory_space<vmem>> -> memref<800x16xf32, #tpu.memory_space<vmem>>
      %dma_start3A_152 = arith.constant 0 : i32
      %dma_start3A_153 = tpu.memref_slice %arg9[%add3A_27, %dma_start3A_152] : memref<100096x16xf32, #tpu.memory_space<vmem_shared>> -> memref<800x16xf32, #tpu.memory_space<vmem_shared>>
      %dma_start3A_154 = arith.constant 0 : i32
      %dma_start3A_155 = tpu.memref_slice %arg9[%add3A_27, %dma_start3A_154] : memref<100096x16xf32, #tpu.memory_space<vmem_shared>> -> memref<800x16xf32, #tpu.memory_space<vmem_shared>>
      %dma_start3A_156 = arith.constant 0 : i32
      %dma_start3A_157 = arith.constant 0 : i32
      %dma_start3A_158 = tpu.memref_slice %arg8[%run_scoped3A_28, %dma_start3A_156, %dma_start3A_157] : memref<2x800x16xf32, #tpu.memory_space<vmem>> -> memref<1x800x16xf32, #tpu.memory_space<vmem>>
      %dma_start3A_159 = tpu.memref_squeeze %dma_start3A_158 : memref<1x800x16xf32, #tpu.memory_space<vmem>> -> memref<800x16xf32, #tpu.memory_space<vmem>>
      tpu.enqueue_dma source(%dma_start3A_159 : memref<800x16xf32, #tpu.memory_space<vmem>>) target(%dma_start3A_155 : memref<800x16xf32, #tpu.memory_space<vmem_shared>>) target_semaphore(%run_scoped3A_147 : memref<!tpu.dma_semaphore, #tpu.memory_space<semaphore_mem>>)
      %dma_wait3A_160 = arith.constant 0 : i32
      %dma_wait3A_161 = arith.constant 0 : i32
      %dma_wait3A_162 = tpu.memref_slice %arg8[%run_scoped3A_28, %dma_wait3A_160, %dma_wait3A_161] : memref<2x800x16xf32, #tpu.memory_space<vmem>> -> memref<1x800x16xf32, #tpu.memory_space<vmem>>
      %dma_wait3A_163 = tpu.memref_squeeze %dma_wait3A_162 : memref<1x800x16xf32, #tpu.memory_space<vmem>> -> memref<800x16xf32, #tpu.memory_space<vmem>>
      %dma_wait3A_164 = arith.constant 0 : i32
      %dma_wait3A_165 = tpu.memref_slice %arg9[%add3A_27, %dma_wait3A_164] : memref<100096x16xf32, #tpu.memory_space<vmem_shared>> -> memref<800x16xf32, #tpu.memory_space<vmem_shared>>
      %dma_wait3A_166 = arith.constant 0 : i32
      %dma_wait3A_167 = tpu.memref_slice %arg9[%add3A_27, %dma_wait3A_166] : memref<100096x16xf32, #tpu.memory_space<vmem_shared>> -> memref<800x16xf32, #tpu.memory_space<vmem_shared>>
      %dma_wait3A_168 = arith.constant 0 : i32
      %dma_wait3A_169 = arith.constant 0 : i32
      %dma_wait3A_170 = tpu.memref_slice %arg8[%run_scoped3A_28, %dma_wait3A_168, %dma_wait3A_169] : memref<2x800x16xf32, #tpu.memory_space<vmem>> -> memref<1x800x16xf32, #tpu.memory_space<vmem>>
      %dma_wait3A_171 = tpu.memref_squeeze %dma_wait3A_170 : memref<1x800x16xf32, #tpu.memory_space<vmem>> -> memref<800x16xf32, #tpu.memory_space<vmem>>
      tpu.wait_dma2 semaphore(%run_scoped3A_147 : memref<!tpu.dma_semaphore, #tpu.memory_space<semaphore_mem>>) src(%dma_wait3A_171 : memref<800x16xf32, #tpu.memory_space<vmem>>) dst(%dma_wait3A_167 : memref<800x16xf32, #tpu.memory_space<vmem_shared>>)
      tpu.yield
    }) : () -> ()
    %mul3A_29 = arith.constant 6256 : i32
    %mul3A_30 = arith.muli %arg1, %mul3A_29 : i32
    %add3A_31 = arith.constant 4000 : i32
    %add3A_32 = arith.addi %mul3A_30, %add3A_31 : i32
    %run_scoped3A_33 = arith.constant 0 : i32
    "tpu.region"() ({
      %run_scoped3A_147 = tpu.sem_alloc : memref<!tpu.dma_semaphore, #tpu.memory_space<semaphore_mem>>
      %dma_start3A_148 = arith.constant 0 : i32
      %dma_start3A_149 = arith.constant 0 : i32
      %dma_start3A_150 = tpu.memref_slice %arg8[%run_scoped3A_33, %dma_start3A_148, %dma_start3A_149] : memref<2x800x16xf32, #tpu.memory_space<vmem>> -> memref<1x800x16xf32, #tpu.memory_space<vmem>>
      %dma_start3A_151 = tpu.memref_squeeze %dma_start3A_150 : memref<1x800x16xf32, #tpu.memory_space<vmem>> -> memref<800x16xf32, #tpu.memory_space<vmem>>
      %dma_start3A_152 = arith.constant 0 : i32
      %dma_start3A_153 = tpu.memref_slice %arg9[%add3A_32, %dma_start3A_152] : memref<100096x16xf32, #tpu.memory_space<vmem_shared>> -> memref<800x16xf32, #tpu.memory_space<vmem_shared>>
      %dma_start3A_154 = arith.constant 0 : i32
      %dma_start3A_155 = tpu.memref_slice %arg9[%add3A_32, %dma_start3A_154] : memref<100096x16xf32, #tpu.memory_space<vmem_shared>> -> memref<800x16xf32, #tpu.memory_space<vmem_shared>>
      %dma_start3A_156 = arith.constant 0 : i32
      %dma_start3A_157 = arith.constant 0 : i32
      %dma_start3A_158 = tpu.memref_slice %arg8[%run_scoped3A_33, %dma_start3A_156, %dma_start3A_157] : memref<2x800x16xf32, #tpu.memory_space<vmem>> -> memref<1x800x16xf32, #tpu.memory_space<vmem>>
      %dma_start3A_159 = tpu.memref_squeeze %dma_start3A_158 : memref<1x800x16xf32, #tpu.memory_space<vmem>> -> memref<800x16xf32, #tpu.memory_space<vmem>>
      tpu.enqueue_dma source(%dma_start3A_159 : memref<800x16xf32, #tpu.memory_space<vmem>>) target(%dma_start3A_155 : memref<800x16xf32, #tpu.memory_space<vmem_shared>>) target_semaphore(%run_scoped3A_147 : memref<!tpu.dma_semaphore, #tpu.memory_space<semaphore_mem>>)
      %dma_wait3A_160 = arith.constant 0 : i32
      %dma_wait3A_161 = arith.constant 0 : i32
      %dma_wait3A_162 = tpu.memref_slice %arg8[%run_scoped3A_33, %dma_wait3A_160, %dma_wait3A_161] : memref<2x800x16xf32, #tpu.memory_space<vmem>> -> memref<1x800x16xf32, #tpu.memory_space<vmem>>
      %dma_wait3A_163 = tpu.memref_squeeze %dma_wait3A_162 : memref<1x800x16xf32, #tpu.memory_space<vmem>> -> memref<800x16xf32, #tpu.memory_space<vmem>>
      %dma_wait3A_164 = arith.constant 0 : i32
      %dma_wait3A_165 = tpu.memref_slice %arg9[%add3A_32, %dma_wait3A_164] : memref<100096x16xf32, #tpu.memory_space<vmem_shared>> -> memref<800x16xf32, #tpu.memory_space<vmem_shared>>
      %dma_wait3A_166 = arith.constant 0 : i32
      %dma_wait3A_167 = tpu.memref_slice %arg9[%add3A_32, %dma_wait3A_166] : memref<100096x16xf32, #tpu.memory_space<vmem_shared>> -> memref<800x16xf32, #tpu.memory_space<vmem_shared>>
      %dma_wait3A_168 = arith.constant 0 : i32
      %dma_wait3A_169 = arith.constant 0 : i32
      %dma_wait3A_170 = tpu.memref_slice %arg8[%run_scoped3A_33, %dma_wait3A_168, %dma_wait3A_169] : memref<2x800x16xf32, #tpu.memory_space<vmem>> -> memref<1x800x16xf32, #tpu.memory_space<vmem>>
      %dma_wait3A_171 = tpu.memref_squeeze %dma_wait3A_170 : memref<1x800x16xf32, #tpu.memory_space<vmem>> -> memref<800x16xf32, #tpu.memory_space<vmem>>
      tpu.wait_dma2 semaphore(%run_scoped3A_147 : memref<!tpu.dma_semaphore, #tpu.memory_space<semaphore_mem>>) src(%dma_wait3A_171 : memref<800x16xf32, #tpu.memory_space<vmem>>) dst(%dma_wait3A_167 : memref<800x16xf32, #tpu.memory_space<vmem_shared>>)
      tpu.yield
    }) : () -> ()
    %mul3A_34 = arith.constant 6256 : i32
    %mul3A_35 = arith.muli %arg1, %mul3A_34 : i32
    %add3A_36 = arith.constant 4800 : i32
    %add3A_37 = arith.addi %mul3A_35, %add3A_36 : i32
    %run_scoped3A_38 = arith.constant 0 : i32
    "tpu.region"() ({
      %run_scoped3A_147 = tpu.sem_alloc : memref<!tpu.dma_semaphore, #tpu.memory_space<semaphore_mem>>
      %dma_start3A_148 = arith.constant 0 : i32
      %dma_start3A_149 = arith.constant 0 : i32
      %dma_start3A_150 = tpu.memref_slice %arg8[%run_scoped3A_38, %dma_start3A_148, %dma_start3A_149] : memref<2x800x16xf32, #tpu.memory_space<vmem>> -> memref<1x800x16xf32, #tpu.memory_space<vmem>>
      %dma_start3A_151 = tpu.memref_squeeze %dma_start3A_150 : memref<1x800x16xf32, #tpu.memory_space<vmem>> -> memref<800x16xf32, #tpu.memory_space<vmem>>
      %dma_start3A_152 = arith.constant 0 : i32
      %dma_start3A_153 = tpu.memref_slice %arg9[%add3A_37, %dma_start3A_152] : memref<100096x16xf32, #tpu.memory_space<vmem_shared>> -> memref<800x16xf32, #tpu.memory_space<vmem_shared>>
      %dma_start3A_154 = arith.constant 0 : i32
      %dma_start3A_155 = tpu.memref_slice %arg9[%add3A_37, %dma_start3A_154] : memref<100096x16xf32, #tpu.memory_space<vmem_shared>> -> memref<800x16xf32, #tpu.memory_space<vmem_shared>>
      %dma_start3A_156 = arith.constant 0 : i32
      %dma_start3A_157 = arith.constant 0 : i32
      %dma_start3A_158 = tpu.memref_slice %arg8[%run_scoped3A_38, %dma_start3A_156, %dma_start3A_157] : memref<2x800x16xf32, #tpu.memory_space<vmem>> -> memref<1x800x16xf32, #tpu.memory_space<vmem>>
      %dma_start3A_159 = tpu.memref_squeeze %dma_start3A_158 : memref<1x800x16xf32, #tpu.memory_space<vmem>> -> memref<800x16xf32, #tpu.memory_space<vmem>>
      tpu.enqueue_dma source(%dma_start3A_159 : memref<800x16xf32, #tpu.memory_space<vmem>>) target(%dma_start3A_155 : memref<800x16xf32, #tpu.memory_space<vmem_shared>>) target_semaphore(%run_scoped3A_147 : memref<!tpu.dma_semaphore, #tpu.memory_space<semaphore_mem>>)
      %dma_wait3A_160 = arith.constant 0 : i32
      %dma_wait3A_161 = arith.constant 0 : i32
      %dma_wait3A_162 = tpu.memref_slice %arg8[%run_scoped3A_38, %dma_wait3A_160, %dma_wait3A_161] : memref<2x800x16xf32, #tpu.memory_space<vmem>> -> memref<1x800x16xf32, #tpu.memory_space<vmem>>
      %dma_wait3A_163 = tpu.memref_squeeze %dma_wait3A_162 : memref<1x800x16xf32, #tpu.memory_space<vmem>> -> memref<800x16xf32, #tpu.memory_space<vmem>>
      %dma_wait3A_164 = arith.constant 0 : i32
      %dma_wait3A_165 = tpu.memref_slice %arg9[%add3A_37, %dma_wait3A_164] : memref<100096x16xf32, #tpu.memory_space<vmem_shared>> -> memref<800x16xf32, #tpu.memory_space<vmem_shared>>
      %dma_wait3A_166 = arith.constant 0 : i32
      %dma_wait3A_167 = tpu.memref_slice %arg9[%add3A_37, %dma_wait3A_166] : memref<100096x16xf32, #tpu.memory_space<vmem_shared>> -> memref<800x16xf32, #tpu.memory_space<vmem_shared>>
      %dma_wait3A_168 = arith.constant 0 : i32
      %dma_wait3A_169 = arith.constant 0 : i32
      %dma_wait3A_170 = tpu.memref_slice %arg8[%run_scoped3A_38, %dma_wait3A_168, %dma_wait3A_169] : memref<2x800x16xf32, #tpu.memory_space<vmem>> -> memref<1x800x16xf32, #tpu.memory_space<vmem>>
      %dma_wait3A_171 = tpu.memref_squeeze %dma_wait3A_170 : memref<1x800x16xf32, #tpu.memory_space<vmem>> -> memref<800x16xf32, #tpu.memory_space<vmem>>
      tpu.wait_dma2 semaphore(%run_scoped3A_147 : memref<!tpu.dma_semaphore, #tpu.memory_space<semaphore_mem>>) src(%dma_wait3A_171 : memref<800x16xf32, #tpu.memory_space<vmem>>) dst(%dma_wait3A_167 : memref<800x16xf32, #tpu.memory_space<vmem_shared>>)
      tpu.yield
    }) : () -> ()
    %mul3A_39 = arith.constant 6256 : i32
    %mul3A_40 = arith.muli %arg1, %mul3A_39 : i32
    %add3A_41 = arith.constant 5600 : i32
    %add3A_42 = arith.addi %mul3A_40, %add3A_41 : i32
    %run_scoped3A_43 = arith.constant 0 : i32
    "tpu.region"() ({
      %run_scoped3A_147 = tpu.sem_alloc : memref<!tpu.dma_semaphore, #tpu.memory_space<semaphore_mem>>
      %dma_start3A_148 = arith.constant 0 : i32
      %dma_start3A_149 = arith.constant 0 : i32
      %dma_start3A_150 = tpu.memref_slice %arg8[%run_scoped3A_43, %dma_start3A_148, %dma_start3A_149] : memref<2x800x16xf32, #tpu.memory_space<vmem>> -> memref<1x656x16xf32, #tpu.memory_space<vmem>>
      %dma_start3A_151 = tpu.memref_squeeze %dma_start3A_150 : memref<1x656x16xf32, #tpu.memory_space<vmem>> -> memref<656x16xf32, #tpu.memory_space<vmem>>
      %dma_start3A_152 = arith.constant 0 : i32
      %dma_start3A_153 = tpu.memref_slice %arg9[%add3A_42, %dma_start3A_152] : memref<100096x16xf32, #tpu.memory_space<vmem_shared>> -> memref<656x16xf32, #tpu.memory_space<vmem_shared>>
      %dma_start3A_154 = arith.constant 0 : i32
      %dma_start3A_155 = tpu.memref_slice %arg9[%add3A_42, %dma_start3A_154] : memref<100096x16xf32, #tpu.memory_space<vmem_shared>> -> memref<656x16xf32, #tpu.memory_space<vmem_shared>>
      %dma_start3A_156 = arith.constant 0 : i32
      %dma_start3A_157 = arith.constant 0 : i32
      %dma_start3A_158 = tpu.memref_slice %arg8[%run_scoped3A_43, %dma_start3A_156, %dma_start3A_157] : memref<2x800x16xf32, #tpu.memory_space<vmem>> -> memref<1x656x16xf32, #tpu.memory_space<vmem>>
      %dma_start3A_159 = tpu.memref_squeeze %dma_start3A_158 : memref<1x656x16xf32, #tpu.memory_space<vmem>> -> memref<656x16xf32, #tpu.memory_space<vmem>>
      tpu.enqueue_dma source(%dma_start3A_159 : memref<656x16xf32, #tpu.memory_space<vmem>>) target(%dma_start3A_155 : memref<656x16xf32, #tpu.memory_space<vmem_shared>>) target_semaphore(%run_scoped3A_147 : memref<!tpu.dma_semaphore, #tpu.memory_space<semaphore_mem>>)
      %dma_wait3A_160 = arith.constant 0 : i32
      %dma_wait3A_161 = arith.constant 0 : i32
      %dma_wait3A_162 = tpu.memref_slice %arg8[%run_scoped3A_43, %dma_wait3A_160, %dma_wait3A_161] : memref<2x800x16xf32, #tpu.memory_space<vmem>> -> memref<1x656x16xf32, #tpu.memory_space<vmem>>
      %dma_wait3A_163 = tpu.memref_squeeze %dma_wait3A_162 : memref<1x656x16xf32, #tpu.memory_space<vmem>> -> memref<656x16xf32, #tpu.memory_space<vmem>>
      %dma_wait3A_164 = arith.constant 0 : i32
      %dma_wait3A_165 = tpu.memref_slice %arg9[%add3A_42, %dma_wait3A_164] : memref<100096x16xf32, #tpu.memory_space<vmem_shared>> -> memref<656x16xf32, #tpu.memory_space<vmem_shared>>
      %dma_wait3A_166 = arith.constant 0 : i32
      %dma_wait3A_167 = tpu.memref_slice %arg9[%add3A_42, %dma_wait3A_166] : memref<100096x16xf32, #tpu.memory_space<vmem_shared>> -> memref<656x16xf32, #tpu.memory_space<vmem_shared>>
      %dma_wait3A_168 = arith.constant 0 : i32
      %dma_wait3A_169 = arith.constant 0 : i32
      %dma_wait3A_170 = tpu.memref_slice %arg8[%run_scoped3A_43, %dma_wait3A_168, %dma_wait3A_169] : memref<2x800x16xf32, #tpu.memory_space<vmem>> -> memref<1x656x16xf32, #tpu.memory_space<vmem>>
      %dma_wait3A_171 = tpu.memref_squeeze %dma_wait3A_170 : memref<1x656x16xf32, #tpu.memory_space<vmem>> -> memref<656x16xf32, #tpu.memory_space<vmem>>
      tpu.wait_dma2 semaphore(%run_scoped3A_147 : memref<!tpu.dma_semaphore, #tpu.memory_space<semaphore_mem>>) src(%dma_wait3A_171 : memref<656x16xf32, #tpu.memory_space<vmem>>) dst(%dma_wait3A_167 : memref<656x16xf32, #tpu.memory_space<vmem_shared>>)
      tpu.yield
    }) : () -> ()
    %barrier3A = arith.constant 0 : index
    tpu.barrier barrier_id(%barrier3A)
    %mul3A_44 = arith.constant 100000 : i32
    %mul3A_45 = arith.muli %arg1, %mul3A_44 : i32
    %add3A_46 = arith.constant 0 : i32
    %add3A_47 = arith.addi %mul3A_45, %add3A_46 : i32
    %dma_start3A = arith.constant 0 : i32
    %dma_start3A_48 = arith.constant 0 : i32
    %dma_start3A_49 = tpu.memref_slice %arg6[%dma_start3A, %dma_start3A_48] : memref<3x800xi32, #tpu.memory_space<vmem>> -> memref<1x800xi32, #tpu.memory_space<vmem>>
    %dma_start3A_50 = tpu.memref_squeeze %dma_start3A_49 : memref<1x800xi32, #tpu.memory_space<vmem>> -> memref<800xi32, #tpu.memory_space<vmem>>
    %dma_start3A_51 = tpu.memref_slice %arg3[%add3A_47] : memref<1600000xi32, #tpu.memory_space<hbm>> -> memref<800xi32, #tpu.memory_space<hbm>>
    %dma_start3A_52 = arith.constant 0 : i32
    %dma_start3A_53 = tpu.memref_slice %arg6[%dma_start3A, %dma_start3A_52] : memref<3x800xi32, #tpu.memory_space<vmem>> -> memref<1x800xi32, #tpu.memory_space<vmem>>
    %dma_start3A_54 = tpu.memref_squeeze %dma_start3A_53 : memref<1x800xi32, #tpu.memory_space<vmem>> -> memref<800xi32, #tpu.memory_space<vmem>>
    %dma_start3A_55 = tpu.memref_slice %arg3[%add3A_47] : memref<1600000xi32, #tpu.memory_space<hbm>> -> memref<800xi32, #tpu.memory_space<hbm>>
    tpu.enqueue_dma source(%dma_start3A_55 : memref<800xi32, #tpu.memory_space<hbm>>) target(%dma_start3A_54 : memref<800xi32, #tpu.memory_space<vmem>>) target_semaphore(%arg10 : memref<!tpu.dma_semaphore, #tpu.memory_space<semaphore_mem>>)
    %add3A_56 = arith.constant 0 : i32
    %add3A_57 = arith.addi %mul3A_45, %add3A_56 : i32
    %dma_start3A_58 = arith.constant 0 : i32
    %dma_start3A_59 = arith.constant 0 : i32
    %dma_start3A_60 = tpu.memref_slice %arg7[%dma_start3A_58, %dma_start3A_59] : memref<3x800xi32, #tpu.memory_space<vmem>> -> memref<1x800xi32, #tpu.memory_space<vmem>>
    %dma_start3A_61 = tpu.memref_squeeze %dma_start3A_60 : memref<1x800xi32, #tpu.memory_space<vmem>> -> memref<800xi32, #tpu.memory_space<vmem>>
    %dma_start3A_62 = tpu.memref_slice %arg4[%add3A_57] : memref<1600000xi32, #tpu.memory_space<hbm>> -> memref<800xi32, #tpu.memory_space<hbm>>
    %dma_start3A_63 = arith.constant 0 : i32
    %dma_start3A_64 = tpu.memref_slice %arg7[%dma_start3A_58, %dma_start3A_63] : memref<3x800xi32, #tpu.memory_space<vmem>> -> memref<1x800xi32, #tpu.memory_space<vmem>>
    %dma_start3A_65 = tpu.memref_squeeze %dma_start3A_64 : memref<1x800xi32, #tpu.memory_space<vmem>> -> memref<800xi32, #tpu.memory_space<vmem>>
    %dma_start3A_66 = tpu.memref_slice %arg4[%add3A_57] : memref<1600000xi32, #tpu.memory_space<hbm>> -> memref<800xi32, #tpu.memory_space<hbm>>
    tpu.enqueue_dma source(%dma_start3A_66 : memref<800xi32, #tpu.memory_space<hbm>>) target(%dma_start3A_65 : memref<800xi32, #tpu.memory_space<vmem>>) target_semaphore(%arg10 : memref<!tpu.dma_semaphore, #tpu.memory_space<semaphore_mem>>)
    %dma_wait3A = arith.constant 0 : i32
    %dma_wait3A_67 = arith.constant 0 : i32
    %dma_wait3A_68 = tpu.memref_slice %arg6[%dma_wait3A, %dma_wait3A_67] : memref<3x800xi32, #tpu.memory_space<vmem>> -> memref<1x800xi32, #tpu.memory_space<vmem>>
    %dma_wait3A_69 = tpu.memref_squeeze %dma_wait3A_68 : memref<1x800xi32, #tpu.memory_space<vmem>> -> memref<800xi32, #tpu.memory_space<vmem>>
    %dma_wait3A_70 = tpu.memref_slice %arg3[%mul3A_45] : memref<1600000xi32, #tpu.memory_space<hbm>> -> memref<800xi32, #tpu.memory_space<hbm>>
    %dma_wait3A_71 = arith.constant 0 : i32
    %dma_wait3A_72 = tpu.memref_slice %arg6[%dma_wait3A, %dma_wait3A_71] : memref<3x800xi32, #tpu.memory_space<vmem>> -> memref<1x800xi32, #tpu.memory_space<vmem>>
    %dma_wait3A_73 = tpu.memref_squeeze %dma_wait3A_72 : memref<1x800xi32, #tpu.memory_space<vmem>> -> memref<800xi32, #tpu.memory_space<vmem>>
    %dma_wait3A_74 = tpu.memref_slice %arg3[%mul3A_45] : memref<1600000xi32, #tpu.memory_space<hbm>> -> memref<800xi32, #tpu.memory_space<hbm>>
    tpu.wait_dma2 semaphore(%arg10 : memref<!tpu.dma_semaphore, #tpu.memory_space<semaphore_mem>>) src(%dma_wait3A_74 : memref<800xi32, #tpu.memory_space<hbm>>) dst(%dma_wait3A_73 : memref<800xi32, #tpu.memory_space<vmem>>)
    %dma_wait3A_75 = arith.constant 0 : i32
    %dma_wait3A_76 = arith.constant 0 : i32
    %dma_wait3A_77 = tpu.memref_slice %arg7[%dma_wait3A_75, %dma_wait3A_76] : memref<3x800xi32, #tpu.memory_space<vmem>> -> memref<1x800xi32, #tpu.memory_space<vmem>>
    %dma_wait3A_78 = tpu.memref_squeeze %dma_wait3A_77 : memref<1x800xi32, #tpu.memory_space<vmem>> -> memref<800xi32, #tpu.memory_space<vmem>>
    %dma_wait3A_79 = tpu.memref_slice %arg4[%mul3A_45] : memref<1600000xi32, #tpu.memory_space<hbm>> -> memref<800xi32, #tpu.memory_space<hbm>>
    %dma_wait3A_80 = arith.constant 0 : i32
    %dma_wait3A_81 = tpu.memref_slice %arg7[%dma_wait3A_75, %dma_wait3A_80] : memref<3x800xi32, #tpu.memory_space<vmem>> -> memref<1x800xi32, #tpu.memory_space<vmem>>
    %dma_wait3A_82 = tpu.memref_squeeze %dma_wait3A_81 : memref<1x800xi32, #tpu.memory_space<vmem>> -> memref<800xi32, #tpu.memory_space<vmem>>
    %dma_wait3A_83 = tpu.memref_slice %arg4[%mul3A_45] : memref<1600000xi32, #tpu.memory_space<hbm>> -> memref<800xi32, #tpu.memory_space<hbm>>
    tpu.wait_dma2 semaphore(%arg10 : memref<!tpu.dma_semaphore, #tpu.memory_space<semaphore_mem>>) src(%dma_wait3A_83 : memref<800xi32, #tpu.memory_space<hbm>>) dst(%dma_wait3A_82 : memref<800xi32, #tpu.memory_space<vmem>>)
    %add3A_84 = arith.constant 800 : i32
    %add3A_85 = arith.addi %mul3A_45, %add3A_84 : i32
    %dma_start3A_86 = arith.constant 1 : i32
    %dma_start3A_87 = arith.constant 0 : i32
    %dma_start3A_88 = tpu.memref_slice %arg6[%dma_start3A_86, %dma_start3A_87] : memref<3x800xi32, #tpu.memory_space<vmem>> -> memref<1x800xi32, #tpu.memory_space<vmem>>
    %dma_start3A_89 = tpu.memref_squeeze %dma_start3A_88 : memref<1x800xi32, #tpu.memory_space<vmem>> -> memref<800xi32, #tpu.memory_space<vmem>>
    %dma_start3A_90 = tpu.memref_slice %arg3[%add3A_85] : memref<1600000xi32, #tpu.memory_space<hbm>> -> memref<800xi32, #tpu.memory_space<hbm>>
    %dma_start3A_91 = arith.constant 0 : i32
    %dma_start3A_92 = tpu.memref_slice %arg6[%dma_start3A_86, %dma_start3A_91] : memref<3x800xi32, #tpu.memory_space<vmem>> -> memref<1x800xi32, #tpu.memory_space<vmem>>
    %dma_start3A_93 = tpu.memref_squeeze %dma_start3A_92 : memref<1x800xi32, #tpu.memory_space<vmem>> -> memref<800xi32, #tpu.memory_space<vmem>>
    %dma_start3A_94 = tpu.memref_slice %arg3[%add3A_85] : memref<1600000xi32, #tpu.memory_space<hbm>> -> memref<800xi32, #tpu.memory_space<hbm>>
    tpu.enqueue_dma source(%dma_start3A_94 : memref<800xi32, #tpu.memory_space<hbm>>) target(%dma_start3A_93 : memref<800xi32, #tpu.memory_space<vmem>>) target_semaphore(%arg10 : memref<!tpu.dma_semaphore, #tpu.memory_space<semaphore_mem>>)
    %add3A_95 = arith.constant 800 : i32
    %add3A_96 = arith.addi %mul3A_45, %add3A_95 : i32
    %dma_start3A_97 = arith.constant 1 : i32
    %dma_start3A_98 = arith.constant 0 : i32
    %dma_start3A_99 = tpu.memref_slice %arg7[%dma_start3A_97, %dma_start3A_98] : memref<3x800xi32, #tpu.memory_space<vmem>> -> memref<1x800xi32, #tpu.memory_space<vmem>>
    %dma_start3A_100 = tpu.memref_squeeze %dma_start3A_99 : memref<1x800xi32, #tpu.memory_space<vmem>> -> memref<800xi32, #tpu.memory_space<vmem>>
    %dma_start3A_101 = tpu.memref_slice %arg4[%add3A_96] : memref<1600000xi32, #tpu.memory_space<hbm>> -> memref<800xi32, #tpu.memory_space<hbm>>
    %dma_start3A_102 = arith.constant 0 : i32
    %dma_start3A_103 = tpu.memref_slice %arg7[%dma_start3A_97, %dma_start3A_102] : memref<3x800xi32, #tpu.memory_space<vmem>> -> memref<1x800xi32, #tpu.memory_space<vmem>>
    %dma_start3A_104 = tpu.memref_squeeze %dma_start3A_103 : memref<1x800xi32, #tpu.memory_space<vmem>> -> memref<800xi32, #tpu.memory_space<vmem>>
    %dma_start3A_105 = tpu.memref_slice %arg4[%add3A_96] : memref<1600000xi32, #tpu.memory_space<hbm>> -> memref<800xi32, #tpu.memory_space<hbm>>
    tpu.enqueue_dma source(%dma_start3A_105 : memref<800xi32, #tpu.memory_space<hbm>>) target(%dma_start3A_104 : memref<800xi32, #tpu.memory_space<vmem>>) target_semaphore(%arg10 : memref<!tpu.dma_semaphore, #tpu.memory_space<semaphore_mem>>)
    %dma_start3A_106 = arith.constant 0 : i32
    %dma_start3A_107 = arith.constant 0 : i32
    %dma_start3A_108 = arith.constant 0 : i32
    %dma_start3A_109 = arith.constant 0 : i32
    %dma_start3A_110 = arith.constant 0 : i32
    %dma_start3A_111 = tpu.memref_slice %arg8[%dma_start3A_107, %dma_start3A_109, %dma_start3A_110] : memref<2x800x16xf32, #tpu.memory_space<vmem>> -> memref<1x800x16xf32, #tpu.memory_space<vmem>>
    %dma_start3A_112 = tpu.memref_squeeze %dma_start3A_111 : memref<1x800x16xf32, #tpu.memory_space<vmem>> -> memref<800x16xf32, #tpu.memory_space<vmem>>
    %dma_start3A_113 = arith.constant 0 : i32
    %dma_start3A_114 = tpu.memref_slice %arg6[%dma_start3A_106, %dma_start3A_113] : memref<3x800xi32, #tpu.memory_space<vmem>> -> memref<1x800xi32, #tpu.memory_space<vmem>>
    %dma_start3A_115 = tpu.memref_squeeze %dma_start3A_114 : memref<1x800xi32, #tpu.memory_space<vmem>> -> memref<800xi32, #tpu.memory_space<vmem>>
    %dma_start3A_116 = arith.constant 0 : i32
    %dma_start3A_117 = arith.constant 0 : i32
    %dma_start3A_118 = tpu.memref_slice %arg2[%arg0, %dma_start3A_116, %dma_start3A_117] : memref<2x100096x16xf32, #tpu.memory_space<hbm>> -> memref<1x100096x16xf32, #tpu.memory_space<hbm>>
    %dma_start3A_119 = tpu.memref_squeeze %dma_start3A_118 : memref<1x100096x16xf32, #tpu.memory_space<hbm>> -> memref<100096x16xf32, #tpu.memory_space<hbm>>
    %dma_start3A_120 = arith.constant 0 : i32
    %dma_start3A_121 = arith.constant 0 : i32
    %dma_start3A_122 = tpu.memref_slice %dma_start3A_119[%dma_start3A_120, %dma_start3A_121] : memref<100096x16xf32, #tpu.memory_space<hbm>> -> memref<100096x16xf32, #tpu.memory_space<hbm>>
    %dma_start3A_123 = tpu.memref_slice %arg11[%dma_start3A_108] : memref<2x!tpu.dma_semaphore, #tpu.memory_space<semaphore_mem>> -> memref<1x!tpu.dma_semaphore, #tpu.memory_space<semaphore_mem>>
    %dma_start3A_124 = tpu.memref_squeeze %dma_start3A_123 : memref<1x!tpu.dma_semaphore, #tpu.memory_space<semaphore_mem>> -> memref<!tpu.dma_semaphore, #tpu.memory_space<semaphore_mem>>
    tpu.enqueue_indirect_dma source(%dma_start3A_122 : memref<100096x16xf32, #tpu.memory_space<hbm>>) target(%dma_start3A_112 : memref<800x16xf32, #tpu.memory_space<vmem>>) offsets(%dma_start3A_115 : memref<800xi32, #tpu.memory_space<vmem>>) semaphore(%dma_start3A_124 : memref<!tpu.dma_semaphore, #tpu.memory_space<semaphore_mem>>)
    %scan3A_125 = arith.constant 0 : i32
    %scan3A_126 = arith.constant 0 : i32
    %scan3A_127 = arith.constant 125 : i32
    %scan3A_128 = arith.addi %scan3A_126, %scan3A_127 : i32
    %scan3A_129 = arith.constant 1 : i32
    scf.for %scan3A_147 = %scan3A_126 to %scan3A_128 step %scan3A_129  : i32 {
      %rem3A_148 = arith.constant 2 : i32
      %rem3A_149 = arith.remsi %scan3A_147, %rem3A_148 : i32
      %sub3A = arith.constant 1 : i32
      %sub3A_150 = arith.subi %sub3A, %rem3A_149 : i32
      %rem3A_151 = arith.constant 3 : i32
      %rem3A_152 = arith.remsi %scan3A_147, %rem3A_151 : i32
      %add3A_153 = arith.constant 1 : i32
      %add3A_154 = arith.addi %scan3A_147, %add3A_153 : i32
      %rem3A_155 = arith.constant 3 : i32
      %rem3A_156 = arith.remsi %add3A_154, %rem3A_155 : i32
      %add3A_157 = arith.constant 2 : i32
      %add3A_158 = arith.addi %scan3A_147, %add3A_157 : i32
      %rem3A_159 = arith.constant 3 : i32
      %rem3A_160 = arith.remsi %add3A_158, %rem3A_159 : i32
      %ge3A = arith.constant 1 : i32
      %ge3A_161 = arith.cmpi sge, %scan3A_147, %ge3A : i32
      %convert_element_type3A = arith.extui %ge3A_161 : i1 to i32
      %cond3A = arith.constant 0 : i32
      %cond3A_162 = arith.cmpi ne, %convert_element_type3A, %cond3A : i32
      scf.if %cond3A_162 {
        %dma_wait3A_202 = arith.constant 0 : i32
        %dma_wait3A_203 = arith.constant 0 : i32
        %dma_wait3A_204 = tpu.memref_slice %arg8[%sub3A_150, %dma_wait3A_202, %dma_wait3A_203] : memref<2x800x16xf32, #tpu.memory_space<vmem>> -> memref<1x800x16xf32, #tpu.memory_space<vmem>>
        %dma_wait3A_205 = tpu.memref_squeeze %dma_wait3A_204 : memref<1x800x16xf32, #tpu.memory_space<vmem>> -> memref<800x16xf32, #tpu.memory_space<vmem>>
        %dma_wait3A_206 = arith.constant 0 : i32
        %dma_wait3A_207 = tpu.memref_slice %arg7[%rem3A_160, %dma_wait3A_206] : memref<3x800xi32, #tpu.memory_space<vmem>> -> memref<1x800xi32, #tpu.memory_space<vmem>>
        %dma_wait3A_208 = tpu.memref_squeeze %dma_wait3A_207 : memref<1x800xi32, #tpu.memory_space<vmem>> -> memref<800xi32, #tpu.memory_space<vmem>>
        %dma_wait3A_209 = arith.constant 0 : i32
        %dma_wait3A_210 = arith.constant 0 : i32
        %dma_wait3A_211 = tpu.memref_slice %arg9[%dma_wait3A_209, %dma_wait3A_210] : memref<100096x16xf32, #tpu.memory_space<vmem_shared>> -> memref<100096x16xf32, #tpu.memory_space<vmem_shared>>
        tpu.wait_indirect_dma semaphore(%arg12 : memref<!tpu.dma_semaphore, #tpu.memory_space<semaphore_mem>>) src(%dma_wait3A_205 : memref<800x16xf32, #tpu.memory_space<vmem>>) dst(%dma_wait3A_211 : memref<100096x16xf32, #tpu.memory_space<vmem_shared>>)
      } else {
      }
      %add3A_163 = arith.constant 1 : i32
      %add3A_164 = arith.addi %scan3A_147, %add3A_163 : i32
      %lt3A = arith.constant 125 : i32
      %lt3A_165 = arith.cmpi slt, %add3A_164, %lt3A : i32
      %convert_element_type3A_166 = arith.extui %lt3A_165 : i1 to i32
      %cond3A_167 = arith.constant 0 : i32
      %cond3A_168 = arith.cmpi ne, %convert_element_type3A_166, %cond3A_167 : i32
      scf.if %cond3A_168 {
        %dma_wait3A_202 = arith.constant 0 : i32
        %dma_wait3A_203 = tpu.memref_slice %arg6[%rem3A_156, %dma_wait3A_202] : memref<3x800xi32, #tpu.memory_space<vmem>> -> memref<1x800xi32, #tpu.memory_space<vmem>>
        %dma_wait3A_204 = tpu.memref_squeeze %dma_wait3A_203 : memref<1x800xi32, #tpu.memory_space<vmem>> -> memref<800xi32, #tpu.memory_space<vmem>>
        %dma_wait3A_205 = tpu.memref_slice %arg3[%mul3A_45] : memref<1600000xi32, #tpu.memory_space<hbm>> -> memref<800xi32, #tpu.memory_space<hbm>>
        %dma_wait3A_206 = arith.constant 0 : i32
        %dma_wait3A_207 = tpu.memref_slice %arg6[%rem3A_156, %dma_wait3A_206] : memref<3x800xi32, #tpu.memory_space<vmem>> -> memref<1x800xi32, #tpu.memory_space<vmem>>
        %dma_wait3A_208 = tpu.memref_squeeze %dma_wait3A_207 : memref<1x800xi32, #tpu.memory_space<vmem>> -> memref<800xi32, #tpu.memory_space<vmem>>
        %dma_wait3A_209 = tpu.memref_slice %arg3[%mul3A_45] : memref<1600000xi32, #tpu.memory_space<hbm>> -> memref<800xi32, #tpu.memory_space<hbm>>
        tpu.wait_dma2 semaphore(%arg10 : memref<!tpu.dma_semaphore, #tpu.memory_space<semaphore_mem>>) src(%dma_wait3A_209 : memref<800xi32, #tpu.memory_space<hbm>>) dst(%dma_wait3A_208 : memref<800xi32, #tpu.memory_space<vmem>>)
        %dma_wait3A_210 = arith.constant 0 : i32
        %dma_wait3A_211 = tpu.memref_slice %arg7[%rem3A_156, %dma_wait3A_210] : memref<3x800xi32, #tpu.memory_space<vmem>> -> memref<1x800xi32, #tpu.memory_space<vmem>>
        %dma_wait3A_212 = tpu.memref_squeeze %dma_wait3A_211 : memref<1x800xi32, #tpu.memory_space<vmem>> -> memref<800xi32, #tpu.memory_space<vmem>>
        %dma_wait3A_213 = tpu.memref_slice %arg4[%mul3A_45] : memref<1600000xi32, #tpu.memory_space<hbm>> -> memref<800xi32, #tpu.memory_space<hbm>>
        %dma_wait3A_214 = arith.constant 0 : i32
        %dma_wait3A_215 = tpu.memref_slice %arg7[%rem3A_156, %dma_wait3A_214] : memref<3x800xi32, #tpu.memory_space<vmem>> -> memref<1x800xi32, #tpu.memory_space<vmem>>
        %dma_wait3A_216 = tpu.memref_squeeze %dma_wait3A_215 : memref<1x800xi32, #tpu.memory_space<vmem>> -> memref<800xi32, #tpu.memory_space<vmem>>
        %dma_wait3A_217 = tpu.memref_slice %arg4[%mul3A_45] : memref<1600000xi32, #tpu.memory_space<hbm>> -> memref<800xi32, #tpu.memory_space<hbm>>
        tpu.wait_dma2 semaphore(%arg10 : memref<!tpu.dma_semaphore, #tpu.memory_space<semaphore_mem>>) src(%dma_wait3A_217 : memref<800xi32, #tpu.memory_space<hbm>>) dst(%dma_wait3A_216 : memref<800xi32, #tpu.memory_space<vmem>>)
        %dma_start3A_218 = arith.constant 0 : i32
        %dma_start3A_219 = arith.constant 0 : i32
        %dma_start3A_220 = tpu.memref_slice %arg8[%sub3A_150, %dma_start3A_218, %dma_start3A_219] : memref<2x800x16xf32, #tpu.memory_space<vmem>> -> memref<1x800x16xf32, #tpu.memory_space<vmem>>
        %dma_start3A_221 = tpu.memref_squeeze %dma_start3A_220 : memref<1x800x16xf32, #tpu.memory_space<vmem>> -> memref<800x16xf32, #tpu.memory_space<vmem>>
        %dma_start3A_222 = arith.constant 0 : i32
        %dma_start3A_223 = tpu.memref_slice %arg6[%rem3A_156, %dma_start3A_222] : memref<3x800xi32, #tpu.memory_space<vmem>> -> memref<1x800xi32, #tpu.memory_space<vmem>>
        %dma_start3A_224 = tpu.memref_squeeze %dma_start3A_223 : memref<1x800xi32, #tpu.memory_space<vmem>> -> memref<800xi32, #tpu.memory_space<vmem>>
        %dma_start3A_225 = arith.constant 0 : i32
        %dma_start3A_226 = arith.constant 0 : i32
        %dma_start3A_227 = tpu.memref_slice %arg2[%arg0, %dma_start3A_225, %dma_start3A_226] : memref<2x100096x16xf32, #tpu.memory_space<hbm>> -> memref<1x100096x16xf32, #tpu.memory_space<hbm>>
        %dma_start3A_228 = tpu.memref_squeeze %dma_start3A_227 : memref<1x100096x16xf32, #tpu.memory_space<hbm>> -> memref<100096x16xf32, #tpu.memory_space<hbm>>
        %dma_start3A_229 = arith.constant 0 : i32
        %dma_start3A_230 = arith.constant 0 : i32
        %dma_start3A_231 = tpu.memref_slice %dma_start3A_228[%dma_start3A_229, %dma_start3A_230] : memref<100096x16xf32, #tpu.memory_space<hbm>> -> memref<100096x16xf32, #tpu.memory_space<hbm>>
        %dma_start3A_232 = tpu.memref_slice %arg11[%sub3A_150] : memref<2x!tpu.dma_semaphore, #tpu.memory_space<semaphore_mem>> -> memref<1x!tpu.dma_semaphore, #tpu.memory_space<semaphore_mem>>
        %dma_start3A_233 = tpu.memref_squeeze %dma_start3A_232 : memref<1x!tpu.dma_semaphore, #tpu.memory_space<semaphore_mem>> -> memref<!tpu.dma_semaphore, #tpu.memory_space<semaphore_mem>>
        tpu.enqueue_indirect_dma source(%dma_start3A_231 : memref<100096x16xf32, #tpu.memory_space<hbm>>) target(%dma_start3A_221 : memref<800x16xf32, #tpu.memory_space<vmem>>) offsets(%dma_start3A_224 : memref<800xi32, #tpu.memory_space<vmem>>) semaphore(%dma_start3A_233 : memref<!tpu.dma_semaphore, #tpu.memory_space<semaphore_mem>>)
      } else {
      }
      %dma_wait3A_169 = arith.constant 0 : i32
      %dma_wait3A_170 = arith.constant 0 : i32
      %dma_wait3A_171 = tpu.memref_slice %arg8[%rem3A_149, %dma_wait3A_169, %dma_wait3A_170] : memref<2x800x16xf32, #tpu.memory_space<vmem>> -> memref<1x800x16xf32, #tpu.memory_space<vmem>>
      %dma_wait3A_172 = tpu.memref_squeeze %dma_wait3A_171 : memref<1x800x16xf32, #tpu.memory_space<vmem>> -> memref<800x16xf32, #tpu.memory_space<vmem>>
      %dma_wait3A_173 = arith.constant 0 : i32
      %dma_wait3A_174 = tpu.memref_slice %arg6[%rem3A_152, %dma_wait3A_173] : memref<3x800xi32, #tpu.memory_space<vmem>> -> memref<1x800xi32, #tpu.memory_space<vmem>>
      %dma_wait3A_175 = tpu.memref_squeeze %dma_wait3A_174 : memref<1x800xi32, #tpu.memory_space<vmem>> -> memref<800xi32, #tpu.memory_space<vmem>>
      %dma_wait3A_176 = arith.constant 0 : i32
      %dma_wait3A_177 = arith.constant 0 : i32
      %dma_wait3A_178 = tpu.memref_slice %arg2[%arg0, %dma_wait3A_176, %dma_wait3A_177] : memref<2x100096x16xf32, #tpu.memory_space<hbm>> -> memref<1x100096x16xf32, #tpu.memory_space<hbm>>
      %dma_wait3A_179 = tpu.memref_squeeze %dma_wait3A_178 : memref<1x100096x16xf32, #tpu.memory_space<hbm>> -> memref<100096x16xf32, #tpu.memory_space<hbm>>
      %dma_wait3A_180 = arith.constant 0 : i32
      %dma_wait3A_181 = arith.constant 0 : i32
      %dma_wait3A_182 = tpu.memref_slice %dma_wait3A_179[%dma_wait3A_180, %dma_wait3A_181] : memref<100096x16xf32, #tpu.memory_space<hbm>> -> memref<100096x16xf32, #tpu.memory_space<hbm>>
      %dma_wait3A_183 = tpu.memref_slice %arg11[%rem3A_149] : memref<2x!tpu.dma_semaphore, #tpu.memory_space<semaphore_mem>> -> memref<1x!tpu.dma_semaphore, #tpu.memory_space<semaphore_mem>>
      %dma_wait3A_184 = tpu.memref_squeeze %dma_wait3A_183 : memref<1x!tpu.dma_semaphore, #tpu.memory_space<semaphore_mem>> -> memref<!tpu.dma_semaphore, #tpu.memory_space<semaphore_mem>>
      tpu.wait_indirect_dma semaphore(%dma_wait3A_184 : memref<!tpu.dma_semaphore, #tpu.memory_space<semaphore_mem>>) src(%dma_wait3A_182 : memref<100096x16xf32, #tpu.memory_space<hbm>>) dst(%dma_wait3A_172 : memref<800x16xf32, #tpu.memory_space<vmem>>)
      %dma_start3A_185 = arith.constant 0 : i32
      %dma_start3A_186 = arith.constant 0 : i32
      %dma_start3A_187 = tpu.memref_slice %arg8[%rem3A_149, %dma_start3A_185, %dma_start3A_186] : memref<2x800x16xf32, #tpu.memory_space<vmem>> -> memref<1x800x16xf32, #tpu.memory_space<vmem>>
      %dma_start3A_188 = tpu.memref_squeeze %dma_start3A_187 : memref<1x800x16xf32, #tpu.memory_space<vmem>> -> memref<800x16xf32, #tpu.memory_space<vmem>>
      %dma_start3A_189 = arith.constant 0 : i32
      %dma_start3A_190 = tpu.memref_slice %arg7[%rem3A_152, %dma_start3A_189] : memref<3x800xi32, #tpu.memory_space<vmem>> -> memref<1x800xi32, #tpu.memory_space<vmem>>
      %dma_start3A_191 = tpu.memref_squeeze %dma_start3A_190 : memref<1x800xi32, #tpu.memory_space<vmem>> -> memref<800xi32, #tpu.memory_space<vmem>>
      %dma_start3A_192 = arith.constant 0 : i32
      %dma_start3A_193 = arith.constant 0 : i32
      %dma_start3A_194 = tpu.memref_slice %arg9[%dma_start3A_192, %dma_start3A_193] : memref<100096x16xf32, #tpu.memory_space<vmem_shared>> -> memref<100096x16xf32, #tpu.memory_space<vmem_shared>>
      tpu.enqueue_indirect_dma source(%dma_start3A_188 : memref<800x16xf32, #tpu.memory_space<vmem>>) target(%dma_start3A_194 : memref<100096x16xf32, #tpu.memory_space<vmem_shared>>) offsets(%dma_start3A_191 : memref<800xi32, #tpu.memory_space<vmem>>) semaphore(%arg12 : memref<!tpu.dma_semaphore, #tpu.memory_space<semaphore_mem>>) {add = true}
      %add3A_195 = arith.constant 2 : i32
      %add3A_196 = arith.addi %scan3A_147, %add3A_195 : i32
      %lt3A_197 = arith.constant 125 : i32
      %lt3A_198 = arith.cmpi slt, %add3A_196, %lt3A_197 : i32
      %convert_element_type3A_199 = arith.extui %lt3A_198 : i1 to i32
      %cond3A_200 = arith.constant 0 : i32
      %cond3A_201 = arith.cmpi ne, %convert_element_type3A_199, %cond3A_200 : i32
      scf.if %cond3A_201 {
        %add3A_202 = arith.constant 2 : i32
        %add3A_203 = arith.addi %scan3A_147, %add3A_202 : i32
        %mul3A_204 = arith.constant 800 : i32
        %mul3A_205 = arith.muli %add3A_203, %mul3A_204 : i32
        %add3A_206 = arith.addi %mul3A_45, %mul3A_205 : i32
        %dma_start3A_207 = arith.constant 0 : i32
        %dma_start3A_208 = tpu.memref_slice %arg6[%rem3A_160, %dma_start3A_207] : memref<3x800xi32, #tpu.memory_space<vmem>> -> memref<1x800xi32, #tpu.memory_space<vmem>>
        %dma_start3A_209 = tpu.memref_squeeze %dma_start3A_208 : memref<1x800xi32, #tpu.memory_space<vmem>> -> memref<800xi32, #tpu.memory_space<vmem>>
        %dma_start3A_210 = tpu.memref_slice %arg3[%add3A_206] : memref<1600000xi32, #tpu.memory_space<hbm>> -> memref<800xi32, #tpu.memory_space<hbm>>
        %dma_start3A_211 = arith.constant 0 : i32
        %dma_start3A_212 = tpu.memref_slice %arg6[%rem3A_160, %dma_start3A_211] : memref<3x800xi32, #tpu.memory_space<vmem>> -> memref<1x800xi32, #tpu.memory_space<vmem>>
        %dma_start3A_213 = tpu.memref_squeeze %dma_start3A_212 : memref<1x800xi32, #tpu.memory_space<vmem>> -> memref<800xi32, #tpu.memory_space<vmem>>
        %dma_start3A_214 = tpu.memref_slice %arg3[%add3A_206] : memref<1600000xi32, #tpu.memory_space<hbm>> -> memref<800xi32, #tpu.memory_space<hbm>>
        tpu.enqueue_dma source(%dma_start3A_214 : memref<800xi32, #tpu.memory_space<hbm>>) target(%dma_start3A_213 : memref<800xi32, #tpu.memory_space<vmem>>) target_semaphore(%arg10 : memref<!tpu.dma_semaphore, #tpu.memory_space<semaphore_mem>>)
        %mul3A_215 = arith.constant 800 : i32
        %mul3A_216 = arith.muli %add3A_203, %mul3A_215 : i32
        %add3A_217 = arith.addi %mul3A_45, %mul3A_216 : i32
        %dma_start3A_218 = arith.constant 0 : i32
        %dma_start3A_219 = tpu.memref_slice %arg7[%rem3A_160, %dma_start3A_218] : memref<3x800xi32, #tpu.memory_space<vmem>> -> memref<1x800xi32, #tpu.memory_space<vmem>>
        %dma_start3A_220 = tpu.memref_squeeze %dma_start3A_219 : memref<1x800xi32, #tpu.memory_space<vmem>> -> memref<800xi32, #tpu.memory_space<vmem>>
        %dma_start3A_221 = tpu.memref_slice %arg4[%add3A_217] : memref<1600000xi32, #tpu.memory_space<hbm>> -> memref<800xi32, #tpu.memory_space<hbm>>
        %dma_start3A_222 = arith.constant 0 : i32
        %dma_start3A_223 = tpu.memref_slice %arg7[%rem3A_160, %dma_start3A_222] : memref<3x800xi32, #tpu.memory_space<vmem>> -> memref<1x800xi32, #tpu.memory_space<vmem>>
        %dma_start3A_224 = tpu.memref_squeeze %dma_start3A_223 : memref<1x800xi32, #tpu.memory_space<vmem>> -> memref<800xi32, #tpu.memory_space<vmem>>
        %dma_start3A_225 = tpu.memref_slice %arg4[%add3A_217] : memref<1600000xi32, #tpu.memory_space<hbm>> -> memref<800xi32, #tpu.memory_space<hbm>>
        tpu.enqueue_dma source(%dma_start3A_225 : memref<800xi32, #tpu.memory_space<hbm>>) target(%dma_start3A_224 : memref<800xi32, #tpu.memory_space<vmem>>) target_semaphore(%arg10 : memref<!tpu.dma_semaphore, #tpu.memory_space<semaphore_mem>>)
      } else {
      }
    }
    %scan3A_130 = arith.constant 125 : i32
    %rem3A = arith.constant 124 : i32
    %rem3A_131 = arith.constant 2 : i32
    %rem3A_132 = arith.remsi %rem3A, %rem3A_131 : i32
    %rem3A_133 = arith.constant 124 : i32
    %rem3A_134 = arith.constant 3 : i32
    %rem3A_135 = arith.remsi %rem3A_133, %rem3A_134 : i32
    %dma_wait3A_136 = arith.constant 0 : i32
    %dma_wait3A_137 = arith.constant 0 : i32
    %dma_wait3A_138 = tpu.memref_slice %arg8[%rem3A_132, %dma_wait3A_136, %dma_wait3A_137] : memref<2x800x16xf32, #tpu.memory_space<vmem>> -> memref<1x800x16xf32, #tpu.memory_space<vmem>>
    %dma_wait3A_139 = tpu.memref_squeeze %dma_wait3A_138 : memref<1x800x16xf32, #tpu.memory_space<vmem>> -> memref<800x16xf32, #tpu.memory_space<vmem>>
    %dma_wait3A_140 = arith.constant 0 : i32
    %dma_wait3A_141 = tpu.memref_slice %arg7[%rem3A_135, %dma_wait3A_140] : memref<3x800xi32, #tpu.memory_space<vmem>> -> memref<1x800xi32, #tpu.memory_space<vmem>>
    %dma_wait3A_142 = tpu.memref_squeeze %dma_wait3A_141 : memref<1x800xi32, #tpu.memory_space<vmem>> -> memref<800xi32, #tpu.memory_space<vmem>>
    %dma_wait3A_143 = arith.constant 0 : i32
    %dma_wait3A_144 = arith.constant 0 : i32
    %dma_wait3A_145 = tpu.memref_slice %arg9[%dma_wait3A_143, %dma_wait3A_144] : memref<100096x16xf32, #tpu.memory_space<vmem_shared>> -> memref<100096x16xf32, #tpu.memory_space<vmem_shared>>
    tpu.wait_indirect_dma semaphore(%arg12 : memref<!tpu.dma_semaphore, #tpu.memory_space<semaphore_mem>>) src(%dma_wait3A_139 : memref<800x16xf32, #tpu.memory_space<vmem>>) dst(%dma_wait3A_145 : memref<100096x16xf32, #tpu.memory_space<vmem_shared>>)
    %barrier3A_146 = arith.constant 0 : index
    tpu.barrier barrier_id(%barrier3A_146)
    "tpu.region"() ({
      %run_scoped3A_147 = tpu.sem_alloc : memref<!tpu.dma_semaphore, #tpu.memory_space<semaphore_mem>>
      %dma_start3A_148 = arith.constant 0 : i32
      %dma_start3A_149 = tpu.memref_slice %arg5[%arg0, %mul3A_0, %dma_start3A_148] : memref<2x100096x16xf32, #tpu.memory_space<hbm>> -> memref<1x6256x16xf32, #tpu.memory_space<hbm>>
      %dma_start3A_150 = tpu.memref_squeeze %dma_start3A_149 : memref<1x6256x16xf32, #tpu.memory_space<hbm>> -> memref<6256x16xf32, #tpu.memory_space<hbm>>
      %dma_start3A_151 = arith.constant 0 : i32
      %dma_start3A_152 = tpu.memref_slice %arg9[%mul3A_0, %dma_start3A_151] : memref<100096x16xf32, #tpu.memory_space<vmem_shared>> -> memref<6256x16xf32, #tpu.memory_space<vmem_shared>>
      tpu.enqueue_dma source(%dma_start3A_152 : memref<6256x16xf32, #tpu.memory_space<vmem_shared>>) target(%dma_start3A_150 : memref<6256x16xf32, #tpu.memory_space<hbm>>) target_semaphore(%run_scoped3A_147 : memref<!tpu.dma_semaphore, #tpu.memory_space<semaphore_mem>>)
      %dma_wait3A_153 = arith.constant 0 : i32
      %dma_wait3A_154 = tpu.memref_slice %arg5[%arg0, %mul3A_0, %dma_wait3A_153] : memref<2x100096x16xf32, #tpu.memory_space<hbm>> -> memref<1x6256x16xf32, #tpu.memory_space<hbm>>
      %dma_wait3A_155 = tpu.memref_squeeze %dma_wait3A_154 : memref<1x6256x16xf32, #tpu.memory_space<hbm>> -> memref<6256x16xf32, #tpu.memory_space<hbm>>
      %dma_wait3A_156 = arith.constant 0 : i32
      %dma_wait3A_157 = tpu.memref_slice %arg9[%mul3A_0, %dma_wait3A_156] : memref<100096x16xf32, #tpu.memory_space<vmem_shared>> -> memref<6256x16xf32, #tpu.memory_space<vmem_shared>>
      tpu.wait_dma2 semaphore(%run_scoped3A_147 : memref<!tpu.dma_semaphore, #tpu.memory_space<semaphore_mem>>) src(%dma_wait3A_157 : memref<6256x16xf32, #tpu.memory_space<vmem_shared>>) dst(%dma_wait3A_155 : memref<6256x16xf32, #tpu.memory_space<hbm>>)
      tpu.yield
    }) : () -> ()
    return
  }
}

module attributes {stable_mosaic.version = 14 : i64} {
  func.func @_tc_body(%arg0: i32, %arg1: memref<2x3128x128xf32, #tpu.memory_space<vmem>>, %arg2: memref<2x3128x128xf32, #tpu.memory_space<vmem>>, %arg3: memref<2x3128x128xf32, #tpu.memory_space<vmem>>, %arg4: memref<2x2x128x128xf32, #tpu.memory_space<vmem>>, %arg5: memref<2x3128x128xf32, #tpu.memory_space<vmem>>) attributes {dimension_semantics = [#tpu.dimension_semantics<arbitrary>], iteration_bounds = array<i64: 4>, scalar_prefetch = 0 : i64, scratch_operands = 0 : i64, tpu.core_type = #tpu.core_type<tc>, window_params = [{transform_indices = @transform_0, window_bounds = array<i64: 2, 3128, 128>}, {transform_indices = @transform_1, window_bounds = array<i64: 2, 3128, 128>}, {transform_indices = @transform_2, window_bounds = array<i64: 2, 3128, 128>}, {pipeline_mode = #tpu.pipeline_mode<synchronous>, transform_indices = @transform_3, window_bounds = array<i64: 2, 2, 128, 128>}, {transform_indices = @transform_4, window_bounds = array<i64: 2, 3128, 128>}]} {
    %get3A = arith.constant 0 : index
    %get3A_0 = arith.constant 0 : index
    %get3A_1 = arith.constant 0 : index
    %get3A_2 = vector.load %arg3[%get3A, %get3A_0, %get3A_1] : memref<2x3128x128xf32, #tpu.memory_space<vmem>>, vector<1x3128x128xf32>
    %get3A_3 = vector.shape_cast %get3A_2 : vector<1x3128x128xf32> to vector<3128x128xf32>
    %get3A_4 = arith.constant 1 : index
    %get3A_5 = arith.constant 0 : index
    %get3A_6 = arith.constant 0 : index
    %get3A_7 = vector.load %arg3[%get3A_4, %get3A_5, %get3A_6] : memref<2x3128x128xf32, #tpu.memory_space<vmem>>, vector<1x3128x128xf32>
    %get3A_8 = vector.shape_cast %get3A_7 : vector<1x3128x128xf32> to vector<3128x128xf32>
    %add3A = arith.addf %get3A_3, %get3A_8 : vector<3128x128xf32>
    %add3A_9 = arith.constant 1.000000e-07 : f32
    %add3A_10 = vector.broadcast %add3A_9 : f32 to vector<3128x128xf32>
    %add3A_11 = arith.addf %add3A, %add3A_10 : vector<3128x128xf32>
    %div3A = arith.constant 1.000000e+00 : f32
    %div3A_12 = vector.broadcast %div3A : f32 to vector<3128x128xf32>
    %div3A_13 = arith.divf %div3A_12, %add3A_11 : vector<3128x128xf32>
    %get3A_14 = arith.constant 0 : index
    %get3A_15 = arith.constant 0 : index
    %get3A_16 = arith.constant 0 : index
    %get3A_17 = vector.load %arg1[%get3A_14, %get3A_15, %get3A_16] : memref<2x3128x128xf32, #tpu.memory_space<vmem>>, vector<1x3128x128xf32>
    %get3A_18 = vector.shape_cast %get3A_17 : vector<1x3128x128xf32> to vector<3128x128xf32>
    %mul3A = arith.constant 2.000000e+00 : f32
    %mul3A_19 = vector.broadcast %mul3A : f32 to vector<3128x128xf32>
    %mul3A_20 = arith.mulf %mul3A_19, %get3A_18 : vector<3128x128xf32>
    %get3A_21 = arith.constant 0 : index
    %get3A_22 = arith.constant 0 : index
    %get3A_23 = arith.constant 0 : index
    %get3A_24 = vector.load %arg2[%get3A_21, %get3A_22, %get3A_23] : memref<2x3128x128xf32, #tpu.memory_space<vmem>>, vector<1x3128x128xf32>
    %get3A_25 = vector.shape_cast %get3A_24 : vector<1x3128x128xf32> to vector<3128x128xf32>
    %mul3A_26 = arith.mulf %get3A_25, %div3A_13 : vector<3128x128xf32>
    %sub3A = arith.subf %mul3A_20, %mul3A_26 : vector<3128x128xf32>
    %get3A_27 = arith.constant 1 : index
    %get3A_28 = arith.constant 0 : index
    %get3A_29 = arith.constant 0 : index
    %get3A_30 = vector.load %arg1[%get3A_27, %get3A_28, %get3A_29] : memref<2x3128x128xf32, #tpu.memory_space<vmem>>, vector<1x3128x128xf32>
    %get3A_31 = vector.shape_cast %get3A_30 : vector<1x3128x128xf32> to vector<3128x128xf32>
    %mul3A_32 = arith.constant 2.000000e+00 : f32
    %mul3A_33 = vector.broadcast %mul3A_32 : f32 to vector<3128x128xf32>
    %mul3A_34 = arith.mulf %mul3A_33, %get3A_31 : vector<3128x128xf32>
    %get3A_35 = arith.constant 1 : index
    %get3A_36 = arith.constant 0 : index
    %get3A_37 = arith.constant 0 : index
    %get3A_38 = vector.load %arg2[%get3A_35, %get3A_36, %get3A_37] : memref<2x3128x128xf32, #tpu.memory_space<vmem>>, vector<1x3128x128xf32>
    %get3A_39 = vector.shape_cast %get3A_38 : vector<1x3128x128xf32> to vector<3128x128xf32>
    %mul3A_40 = arith.mulf %get3A_39, %div3A_13 : vector<3128x128xf32>
    %sub3A_41 = arith.subf %mul3A_34, %mul3A_40 : vector<3128x128xf32>
    %get3A_42 = arith.constant 0 : index
    %get3A_43 = arith.constant 0 : index
    %get3A_44 = arith.constant 0 : index
    %get3A_45 = arith.constant 0 : index
    %get3A_46 = vector.load %arg4[%get3A_42, %get3A_43, %get3A_44, %get3A_45] : memref<2x2x128x128xf32, #tpu.memory_space<vmem>>, vector<1x1x128x128xf32>
    %get3A_47 = vector.shape_cast %get3A_46 : vector<1x1x128x128xf32> to vector<128x128xf32>
    %dot_general3A = arith.constant dense<0.000000e+00> : vector<3128x128xf32>
    %dot_general3A_48 = tpu.matmul %sub3A, %get3A_47, %dot_general3A {dimension_numbers = #tpu.dot_dimension_numbers<[1], [0], [0], [1], [0, 0, 1, 1], [], []>, transpose_lhs_hint = false} : vector<3128x128xf32>, vector<128x128xf32>, vector<3128x128xf32> -> vector<3128x128xf32>
    %get3A_49 = arith.constant 1 : index
    %get3A_50 = arith.constant 0 : index
    %get3A_51 = arith.constant 0 : index
    %get3A_52 = arith.constant 0 : index
    %get3A_53 = vector.load %arg4[%get3A_49, %get3A_50, %get3A_51, %get3A_52] : memref<2x2x128x128xf32, #tpu.memory_space<vmem>>, vector<1x1x128x128xf32>
    %get3A_54 = vector.shape_cast %get3A_53 : vector<1x1x128x128xf32> to vector<128x128xf32>
    %dot_general3A_55 = arith.constant dense<0.000000e+00> : vector<3128x128xf32>
    %dot_general3A_56 = tpu.matmul %sub3A_41, %get3A_54, %dot_general3A_55 {dimension_numbers = #tpu.dot_dimension_numbers<[1], [0], [0], [1], [0, 0, 1, 1], [], []>, transpose_lhs_hint = false} : vector<3128x128xf32>, vector<128x128xf32>, vector<3128x128xf32> -> vector<3128x128xf32>
    %add3A_57 = arith.addf %dot_general3A_48, %dot_general3A_56 : vector<3128x128xf32>
    %logistic3A = arith.negf %add3A_57 : vector<3128x128xf32>
    %logistic3A_58 = math.exp %logistic3A : vector<3128x128xf32>
    %logistic3A_59 = arith.constant 1.000000e+00 : f32
    %logistic3A_60 = vector.broadcast %logistic3A_59 : f32 to vector<3128x128xf32>
    %logistic3A_61 = arith.addf %logistic3A_60, %logistic3A_58 : vector<3128x128xf32>
    %logistic3A_62 = arith.divf %logistic3A_60, %logistic3A_61 : vector<3128x128xf32>
    %get3A_63 = arith.constant 0 : index
    %get3A_64 = arith.constant 1 : index
    %get3A_65 = arith.constant 0 : index
    %get3A_66 = arith.constant 0 : index
    %get3A_67 = vector.load %arg4[%get3A_63, %get3A_64, %get3A_65, %get3A_66] : memref<2x2x128x128xf32, #tpu.memory_space<vmem>>, vector<1x1x128x128xf32>
    %get3A_68 = vector.shape_cast %get3A_67 : vector<1x1x128x128xf32> to vector<128x128xf32>
    %dot_general3A_69 = arith.constant dense<0.000000e+00> : vector<3128x128xf32>
    %dot_general3A_70 = tpu.matmul %sub3A, %get3A_68, %dot_general3A_69 {dimension_numbers = #tpu.dot_dimension_numbers<[1], [0], [0], [1], [0, 0, 1, 1], [], []>, transpose_lhs_hint = false} : vector<3128x128xf32>, vector<128x128xf32>, vector<3128x128xf32> -> vector<3128x128xf32>
    %get3A_71 = arith.constant 1 : index
    %get3A_72 = arith.constant 1 : index
    %get3A_73 = arith.constant 0 : index
    %get3A_74 = arith.constant 0 : index
    %get3A_75 = vector.load %arg4[%get3A_71, %get3A_72, %get3A_73, %get3A_74] : memref<2x2x128x128xf32, #tpu.memory_space<vmem>>, vector<1x1x128x128xf32>
    %get3A_76 = vector.shape_cast %get3A_75 : vector<1x1x128x128xf32> to vector<128x128xf32>
    %dot_general3A_77 = arith.constant dense<0.000000e+00> : vector<3128x128xf32>
    %dot_general3A_78 = tpu.matmul %sub3A_41, %get3A_76, %dot_general3A_77 {dimension_numbers = #tpu.dot_dimension_numbers<[1], [0], [0], [1], [0, 0, 1, 1], [], []>, transpose_lhs_hint = false} : vector<3128x128xf32>, vector<128x128xf32>, vector<3128x128xf32> -> vector<3128x128xf32>
    %add3A_79 = arith.addf %dot_general3A_70, %dot_general3A_78 : vector<3128x128xf32>
    %logistic3A_80 = arith.negf %add3A_79 : vector<3128x128xf32>
    %logistic3A_81 = math.exp %logistic3A_80 : vector<3128x128xf32>
    %logistic3A_82 = arith.constant 1.000000e+00 : f32
    %logistic3A_83 = vector.broadcast %logistic3A_82 : f32 to vector<3128x128xf32>
    %logistic3A_84 = arith.addf %logistic3A_83, %logistic3A_81 : vector<3128x128xf32>
    %logistic3A_85 = arith.divf %logistic3A_83, %logistic3A_84 : vector<3128x128xf32>
    %swap3A = arith.constant 0 : index
    %swap3A_86 = arith.constant 0 : index
    %swap3A_87 = arith.constant 0 : index
    %swap3A_88 = vector.load %arg5[%swap3A, %swap3A_86, %swap3A_87] : memref<2x3128x128xf32, #tpu.memory_space<vmem>>, vector<1x3128x128xf32>
    %swap3A_89 = vector.shape_cast %swap3A_88 : vector<1x3128x128xf32> to vector<3128x128xf32>
    %swap3A_90 = vector.shape_cast %logistic3A_62 : vector<3128x128xf32> to vector<1x3128x128xf32>
    tpu.vector_store %arg5[%swap3A, %swap3A_86, %swap3A_87], %swap3A_90 {strides = array<i32>} : memref<2x3128x128xf32, #tpu.memory_space<vmem>>, vector<1x3128x128xf32>,
    %swap3A_91 = arith.constant 1 : index
    %swap3A_92 = arith.constant 0 : index
    %swap3A_93 = arith.constant 0 : index
    %swap3A_94 = vector.load %arg5[%swap3A_91, %swap3A_92, %swap3A_93] : memref<2x3128x128xf32, #tpu.memory_space<vmem>>, vector<1x3128x128xf32>
    %swap3A_95 = vector.shape_cast %swap3A_94 : vector<1x3128x128xf32> to vector<3128x128xf32>
    %swap3A_96 = vector.shape_cast %logistic3A_85 : vector<3128x128xf32> to vector<1x3128x128xf32>
    tpu.vector_store %arg5[%swap3A_91, %swap3A_92, %swap3A_93], %swap3A_96 {strides = array<i32>} : memref<2x3128x128xf32, #tpu.memory_space<vmem>>, vector<1x3128x128xf32>,
    return
  }
  func.func @transform_0(%arg0: i32) -> (i32, i32, i32) {
    %c0_i32 = arith.constant 0 : i32
    %c0_i32_0 = arith.constant 0 : i32
    %c0_i32_1 = arith.constant 0 : i32
    return %c0_i32, %arg0, %c0_i32_0 : i32, i32, i32
  }
  func.func @transform_1(%arg0: i32) -> (i32, i32, i32) {
    %c0_i32 = arith.constant 0 : i32
    %c0_i32_0 = arith.constant 0 : i32
    %c0_i32_1 = arith.constant 0 : i32
    return %c0_i32, %arg0, %c0_i32_0 : i32, i32, i32
  }
  func.func @transform_2(%arg0: i32) -> (i32, i32, i32) {
    %c0_i32 = arith.constant 0 : i32
    %c0_i32_0 = arith.constant 0 : i32
    %c0_i32_1 = arith.constant 0 : i32
    return %c0_i32, %arg0, %c0_i32_0 : i32, i32, i32
  }
  func.func @transform_3(%arg0: i32) -> (i32, i32, i32, i32) {
    %c0_i32 = arith.constant 0 : i32
    %c0_i32_0 = arith.constant 0 : i32
    %c0_i32_1 = arith.constant 0 : i32
    %c0_i32_2 = arith.constant 0 : i32
    %c0_i32_3 = arith.constant 0 : i32
    return %c0_i32, %c0_i32_0, %c0_i32_1, %c0_i32_2 : i32, i32, i32, i32
  }
  func.func @transform_4(%arg0: i32) -> (i32, i32, i32) {
    %c0_i32 = arith.constant 0 : i32
    %c0_i32_0 = arith.constant 0 : i32
    %c0_i32_1 = arith.constant 0 : i32
    return %c0_i32, %arg0, %c0_i32_0 : i32, i32, i32
  }
}

</mosaic_0001>

<sc_bundles>
// kernel: kernel.12.cloned.1.call-start
scs
__scs_entry_jumppad:
0x0: {  	(pc) =	sbr.rel $0x88, $3  }
0x1: {  	(tag) =	ssettag $0x0;
	lr =	simm.s32 $0x1  }
0x2: {  	[smem:$0x3F9D] =	sst lr;
	_ =	strace $0xD0000000  }
0x3: {  	_ = 	snop  }
0x4: {  	_ = 	snop  }
0x5: {  	_ = 	snop  }
0x6: {  	_ = 	snop  }
0x7: {  	_ = 	snop  }
__scs_overlays_trampoline_lowered:
0x8: {  	[smem:$0x3FAC] =	sst s0  }
0x9: {  	[smem:$0x3FAD] =	sst s1  }
0xa: {  	[smem:$0x3FAE] =	sst s2  }
0xb: {  	[smem:$0x3FAF] =	sst s3  }
0xc: {  	[smem:$0x3FB0] =	sst s4  }
0xd: {  	[smem:$0x3FB1] =	sst s5  }
0xe: {  	[smem:$0x3FB2] =	sst s6  }
0xf: {  	[smem:$0x3FB3] =	sst s7  }
0x10: {  	[smem:$0x3FB4] =	sst s8  }
0x11: {  	[smem:$0x3FB5] =	sst s9;
	s0 =	simm.s32 @!p0 $0x0  }
0x12: {  	s1 =	sld [smem:$0x3F9B];
	s0 =	simm.s32 @p0 $0x1  }
0x13: {  	[smem:$0x3FB6] =	sst s0;
	s0 =	simm.s32 @!p1 $0x0  }
0x14: {  	s2 =	sld [smem:$0x3F9A];
	s0 =	simm.s32 @p1 $0x1  }
0x15: {  	[smem:$0x3FB7] =	sst s0;
	s0 =	simm.s32 @!p2 $0x0  }
0x16: {  	s3 =	sld [smem:$0x3FDB];
	s0 =	simm.s32 @p2 $0x1  }
0x17: {  	s4 =	simm.s32 $0x1BF5;
	[smem:$0x3FB9] =	sst s0  }
0x18: {  	s0 =	sld [smem:$0x3F9C];
	_ =	swait.ge [sflag:s4], $0x0  }
0x19: {  	s7 =	sld [smem:$0x3F9D]  }
0x1a: {  	s8 =	sadd.s32 $0xFFFFE003, lr  }
0x1b: {  	s9 =	sadd.s32 $0xFFFFFEF7, lr;
	s5 =	simm.s32 $0xFFFFFFFF;
	p2 =	slt.u32 s8, $0xFFFFF086  }
0x1c: {  	p1 =	slt.u32 s9, $0xF7A;
	s5 =	simm.s32 @!p2 $0x0  }
0x1d: {  	s5 =	simm.s32 @p1 $0x1;
	p0 =	seq.s32 s7, s2  }
0x1e: {  	s7 =	smul.u32 @!p0 $0xF7A, s2;
	p2 =	seq.s32 @!p0 s5, $0x0  }
0x1f: {  	s9 =	smul.u32 $0xF7A, s1;
	s8 =	simm.s32 @!p0 $0x1BF5;
	p2 =	por !p2, p0  }
0x20: {  	[sflag:s8] =	ssyncset.s32 @!p0 $0xFFFFF086;
	s6 =	sadd.s32 @!p0 s3, s7;
	s7 =	simm.s32 @!p0 $0x108  }
0x21: {  	s3 =	sadd.s32 s3, s9;
	s6 =	sadd.s32 @!p0 $0x88, s6;
	s7 =	simm.s32 @p2 $0x1082  }
0x22: {  	[simem:s7], [sflag:s8] =	dma.local @!p0 [hbm:s6], $0xF7A  }
0x23: {  	s9 =	sor.u32 $0xD0000000, s2;
	s6 =	simm.s32 $0x108;
	_ =	swait.ge @!p0 [sflag:s8], $0x0  }
0x24: {  	s3 =	sadd.s32 $0x88, s3;
	s6 =	simm.s32 @!p1 $0x1082;
	[sflag:s4] =	ssyncset.s32 $0xFFFFF086  }
0x25: {  	[simem:s6], [sflag:s4] =	dma.local [hbm:s3], $0xF7A  }
0x26: {  	[smem:$0x3F9D] =	sst s1;
	(tag) =	ssettag s2;
	_ =	strace s9  }
0x27: {  	s1 =	sld [smem:$0x3FAD]  }
0x28: {  	s2 =	sld [smem:$0x3FAE]  }
0x29: {  	s4 =	sld [smem:$0x3FB0]  }
0x2a: {  	p0 =	seq.s32 s5, $0x0;
	s5 =	sld [smem:$0x3FB1]  }
0x2b: {  	s6 =	sld [smem:$0x3FB2]  }
0x2c: {  	s7 =	sld [smem:$0x3FB3]  }
0x2d: {  	s3 =	simm.s32 $0x108;
	s8 =	sld [smem:$0x3FB4]  }
0x2e: {  	s3 =	simm.s32 @!p0 $0x1082;
	s9 =	sld [smem:$0x3FB5]  }
0x2f: {  	lr =	sadd.s32 s0, s3;
	s0 =	sld [smem:$0x3FAC]  }
0x30: {  	s3 =	sld [smem:$0x3FAF]  }
0x31: {  	[smem:$0x3FB8] =	sst s10  }
0x32: {  	s10 =	sld [smem:$0x3FB6];
	_ =	sdelay $0x3  }
0x33: {  	p0 =	seq.s32 s10, $0x1;
	s10 =	sld [smem:$0x3FB8];
	_ =	sdelay $0x3  }
0x34: {  	[smem:$0x3FB8] =	sst s10  }
0x35: {  	s10 =	sld [smem:$0x3FB7];
	_ =	sdelay $0x3  }
0x36: {  	p1 =	seq.s32 s10, $0x1;
	s10 =	sld [smem:$0x3FB8];
	_ =	sdelay $0x3  }
0x37: {  	[smem:$0x3FB8] =	sst s10  }
0x38: {  	s10 =	sld [smem:$0x3FB9]  }
0x39: {  	_ = 	snop;
	(pc) =	sbr.ind lr, $3  }
0x3a: {  	_ = 	snop  }
0x3b: {  	_ = 	snop  }
0x3c: {  	p2 =	seq.s32 s10, $0x1;
	s10 =	sld [smem:$0x3FB8]  }
0x3d: {  	_ =	shalt  }
0x3e: {  	_ =	shalt  }
0x3f: {  	_ =	shalt  }
0x40: {  	_ =	shalt  }
0x41: {  	_ =	shalt  }
0x42: {  	_ =	shalt  }
0x43: {  	_ =	shalt  }
0x44: {  	_ =	shalt  }
0x45: {  	_ =	shalt  }
0x46: {  	_ =	shalt  }
0x47: {  	_ =	shalt  }
0x48: {  	_ =	shalt  }
0x49: {  	_ =	shalt  }
0x4a: {  	_ =	shalt  }
0x4b: {  	_ =	shalt  }
0x4c: {  	_ =	shalt  }
0x4d: {  	_ =	shalt  }
0x4e: {  	_ =	shalt  }
0x4f: {  	_ =	shalt  }
0x50: {  	_ =	shalt  }
0x51: {  	_ =	shalt  }
0x52: {  	_ =	shalt  }
0x53: {  	_ =	shalt  }
0x54: {  	_ =	shalt  }
0x55: {  	_ =	shalt  }
0x56: {  	_ =	shalt  }
0x57: {  	_ =	shalt  }
0x58: {  	_ =	shalt  }
0x59: {  	_ =	shalt  }
0x5a: {  	_ =	shalt  }
0x5b: {  	_ =	shalt  }
0x5c: {  	_ =	shalt  }
0x5d: {  	_ =	shalt  }
0x5e: {  	_ =	shalt  }
0x5f: {  	_ =	shalt  }
0x60: {  	_ =	shalt  }
0x61: {  	_ =	shalt  }
0x62: {  	_ =	shalt  }
0x63: {  	_ =	shalt  }
0x64: {  	_ =	shalt  }
0x65: {  	_ =	shalt  }
0x66: {  	_ =	shalt  }
0x67: {  	_ =	shalt  }
0x68: {  	_ =	shalt  }
0x69: {  	_ =	shalt  }
0x6a: {  	_ =	shalt  }
0x6b: {  	_ =	shalt  }
0x6c: {  	_ =	shalt  }
0x6d: {  	_ =	shalt  }
0x6e: {  	_ =	shalt  }
0x6f: {  	_ =	shalt  }
0x70: {  	_ =	shalt  }
0x71: {  	_ =	shalt  }
0x72: {  	_ =	shalt  }
0x73: {  	_ =	shalt  }
0x74: {  	_ =	shalt  }
0x75: {  	_ =	shalt  }
0x76: {  	_ =	shalt  }
0x77: {  	_ =	shalt  }
0x78: {  	_ =	shalt  }
0x79: {  	_ =	shalt  }
0x7a: {  	_ =	shalt  }
0x7b: {  	_ =	shalt  }
0x7c: {  	_ =	shalt  }
0x7d: {  	_ =	shalt  }
0x7e: {  	_ =	shalt  }
0x7f: {  	_ =	shalt  }
0x80: {  	_ =	shalt  }
0x81: {  	_ =	shalt  }
0x82: {  	_ =	shalt  }
0x83: {  	_ =	shalt  }
0x84: {  	_ =	shalt  }
0x85: {  	_ =	shalt  }
0x86: {  	_ =	shalt  }
0x87: {  	_ =	shalt  }
.Lfunc_end0:
.L_simem_size_0:
called_computation.1_lowered:
.L_overlay_start_0:
0x88: {  	s2 =	sld [smem:$0x3FD9]  }
0x89: {  	s3 =	sld [smem:$0x3FFE];
	_ =	sdelay $0x1  }
0x8a: {  	s1 =	srdreg.scid  }
0x8b: {  	s0 =	sand.u32 $0x1, s1  }
0x8c: {  	s14 =	sshll.u32 s0, $0xA;
	s2 =	sadd.s32 s3, s2  }
0x8d: {  	s2 =	sadd.s32 s2, s14  }
0x8e: {  	[smem:$0x3FC4] =	sst s2  }
0x8f: {  	_ = 	snop  }
0x90: {  	s2 =	sld [smem:$0x3FD0];
	_ =	sdelay $0x2  }
0x91: {  	s15 =	simm.s32 $0xB;
	s4 =	simm.s32 $0x10  }
0x92: {  	[smem:s4], [sflag:s15] =	dma.local [hbm:s2], $0x1  }
0x93: {  	_ =	swait.eq [sflag:s15], $0x1  }
0x94: {  	[sflag:s15] =	ssyncset.done $0x0  }
0x95: {  	[sflag:s15] =	ssyncadd.s32 $0xFFFFFFFF  }
0x96: {  	s16 =	sld [smem:$0x10];
	(tm) =	ssettm $0x1  }
0x97: {  	s17 =	sld [smem:$0x3FFB];
	_ =	sdelay $0x3  }
0x98: {  	_ =	strace s17  }
0x99: {  	s3 =	sld [smem:$0x3FFC];
	_ =	sdelay $0x3  }
0x9a: {  	_ =	strace s3  }
0x9b: {  	s3 =	sld [smem:$0x3FFD];
	_ =	sdelay $0x3  }
0x9c: {  	_ =	strace s3  }
0x9d: {  	_ =	strace $0x8FFFFFFF  }
0x9e: {  	s18 =	sld [smem:$0x3FDB];
	_ =	sdelay $0x1  }
0x9f: {  	s19 =	simm.s32 $_scs_section_size  }
0xa0: {  	s5 =	simm.s32 $_size__tile_overlayer_lowered;
	s6 =	simm.s32 $_tile_overlayer_lowered  }
0xa1: {  	s22 =	simm.s32 $0x1BFF;
	s21 =	sshll.u32 s6, $0x1;
	s3 =	sadd.s32 s19, s18  }
0xa2: {  	s7 =	simm.s32 $0x0;
	s20 =	sshll.u32 s5, $0x1;
	s5 =	sadd.s32 s21, s3  }
0xa3: {  	[timem:s7], [sflag:s22] =	dma.local [hbm:s5], s20  }
0xa4: {  	_ =	swait.ge [sflag:s22], s20  }
0xa5: {  	s4 =	ssub.s32 $0x0, s20;
	[sflag:s22] =	ssyncset.done $0x0  }
0xa6: {  	[sflag:s22] =	ssyncadd.s32 s4;
	_ =	sdelay $0x1  }
0xa7: {  	s23 =	simm.s32 $0x1B8B  }
0xa8: {  	_ =	swait.ge [sflag:s23], $0x1  }
0xa9: {  	[sflag:s23] =	ssyncset.done $0x0  }
0xaa: {  	s25 =	simm.s32 $0x1B8E;
	s24 =	sld [smem:$0x3FFE];
	[sflag:s23] =	ssyncadd.s32 $0xFFFFFFFF  }
0xab: {  	s26 =	simm.s32 $execute0_lowered;
	[smem:$0x3FD2] =	sst s25  }
0xac: {  	s5 =	sshll.u32 s26, $0x1;
	_ =	strace $0x80000046;
	[dreg:$0x1] =	wrdreg $0xFFFFFFFF  }
0xad: {  	s28 =	simm.s32 $_size_execute0_lowered;
	s3 =	sadd.s32 s3, s5;
	[dreg:$0x0] =	wrdreg $0x0  }
0xae: {  	s5 =	sshll.u32 s28, $0x1;
	[dreg:$0x2] =	wrdreg s3  }
0xaf: {  	[dreg:$0x3] =	wrdreg s5  }
0xb0: {  	[dreg:$0x4] =	wrdreg $0xC0  }
0xb1: {  	_ =	task [dreg:s7], $0x5FFFF  }
0xb2: {  	[dreg:$0x1] =	wrdreg $0xFFFFFFFF  }
0xb3: {  	[dreg:$0x0] =	wrdreg $0x60  }
0xb4: {  	[dreg:$0x2] =	wrdreg s16  }
0xb5: {  	[dreg:$0x3] =	wrdreg s24  }
0xb6: {  	[dreg:$0x4] =	wrdreg $0x76C00  }
0xb7: {  	[dreg:$0x5] =	wrdreg $0xA  }
0xb8: {  	_ =	task.clear_ibuf [dreg:s7], $0x6FFFF;
	_ =	strace $0x90000046  }
0xb9: {  	s29 =	simm.s32 $0xA;
	_ =	strace $0x80000048  }
0xba: {  	_ =	swait.ge [sflag:s29], $0x1  }
0xbb: {  	[sflag:s29] =	ssyncadd.s32 $0xFFFFFFFF  }
0xbc: {  	_ =	strace $0x90000048  }
0xbd: {  	_ =	sfence  }
0xbe: {  	s30 =	sld [smem:$0x0];
	_ =	sdelay $0x2  }
0xbf: {  	s31 =	sshll.u32 s1, $0xD;
	s1 =	sshrl.u32 s1, $0x2  }
0xc0: {  	s3 =	sand.u32 $0x4000, s31;
	s1 =	sadd.s32 s1, s30  }
0xc1: {  	s0 =	sor.u32 s3, s0;
	s1 =	sshll.u32 s1, $0x11  }
0xc2: {  	s0 =	sor.u32 s1, s0  }
0xc3: {  	s0 =	sadd.s32 $0x8F2B, s0  }
0xc4: {  	[sflag:s0] =	ssyncadd.remote.s32 $0x1  }
0xc5: {  	_ =	sfence.sel $0xFFFF  }
0xc6: {  	[dreg:$0x0] =	wrdreg $0xFFFFFFFF;
	(pc) =	sbr.abs _section_cstart, $3  }
0xc7: {  	[dreg:$0x1] =	wrdreg $0xFFFFFFFF  }
0xc8: {  	_ =	task.clear_ibuf [dreg:s7], $0x2FFFF;
	_ =	strace $0x9FFFFFFF  }
0xc9: {  	(tm) =	ssettm $0x7FFFFFFF  }
tec
execute0_lowered:
.L_overlay_start_1:
0x0: {  	(tag) =	ssettag $0x1  }
0x1: {  	s0 =	rddreg [dreg:$0x0]  }
0x2: {  	s1 =	rddreg [dreg:$0x1]  }
0x3: {  	s2 =	rddreg [dreg:$0x2];
	s17 =	stileid.u32  }
0x4: {  	s4 =	srdreg.scid;
	s3 =	simm.s32 $0x0;
	s5 =	smul.u32 $0x18700, s17  }
0x5: {  	s22 =	simm.s32 $0x5;
	s28 =	simm.s32 $0x4;
	s7 =	smul.u32 $0x61C00, s17  }
0x6: {  	s29 =	simm.s32 $0x0;
	s4 =	sand.u32 $0x1, s4;
	s10 =	smul.u32 $0x186A0, s17  }
0x7: {  	[smem:$0x7FF] =	sst s3;
	s19 =	sadd.s32 $0x69C00, s1;
	s21 =	smul.u32 $0x30D4, s17  }
0x8: {  	s18 =	sadd.s32 $0x38E00, s1;
	s16 =	smul.u32 $0x187000, s4;
	s4 =	ssub.s32 $0x2, s4  }
0x9: {  	_ =	strace $0x80000047;
	s8 =	sshrl.u32 s4, $0x1;
	s23 =	sshrl.u32 s7, $0x2  }
0xa: {  	s14 =	sshrl.u32 s10, $0x3;
	s30 =	sadd.s32 s21, s18;
	s31 =	sadd.s32 s21, s19  }
0xb: {  	s21 =	simm.s32 $0x12C0;
	s6 =	sadd.s32 s5, s16;
	s20 =	ssub.s32 s4, s8  }
0xc: {  	s4 =	sadd.s32 s5, s2;
	s11 =	sadd.s32 s23, s2;
	s12 =	sadd.s32 s19, s14  }
0xd: {  	s13 =	sadd.s32 s18, s14;
	s15 =	sadd.s32 $0x64, s14;
	s16 =	sshrl.u32 s16, $0x3  }
0xe: {  	s6 =	sshrl.u32 s6, $0x3;
	s24 =	sadd.s32 $0x3200, s11;
	s25 =	sadd.s32 $0x6400, s11  }
0xf: {  	s26 =	sadd.s32 $0x9600, s11;
	s8 =	sadd.s32 $0xC800, s11;
	s9 =	sadd.s32 $0xFA00, s11  }
0x10: {  	s10 =	sadd.s32 $0x12C00, s11;
	s11 =	sadd.s32 $0x15E00, s11;
	s14 =	sadd.s32 s19, s15  }
0x11: {  	s15 =	sadd.s32 s18, s15;
	s16 =	sadd.s32 s0, s16;
	[dreg:$0x4] =	wrdreg s24  }
0x12: {  	s18 =	smax.u32 s20, $0x1;
	s0 =	sadd.s32 $0xC8, s30;
	[dreg:$0x5] =	wrdreg s25  }
0x13: {  	s20 =	sadd.s32 $0xC8, s31;
	s1 =	sadd.s32 s6, s1;
	[dreg:$0x6] =	wrdreg s26  }
0x14: {  	v0 =	vimm.f32 $0.0e+00;
	s24 =	simm.s32 $0x1;
	s25 =	simm.s32 $0x320;
	s17 =	sadd.s32 $0x9AA00, s1  }
.LBB2_1:
0x15: {  	s1 =	simm.s32 $0x40;
	s19 =	simm.s32 $0x0  }
.LBB2_2:
0x16: {  	p0 =	sne.s32 s1, $0xC7C0;
	[tilespmem:s19+$0x12C0] =	vst v0;
	s19 =	smov.u32 s1;
	s1 =	sadd.s32 $0x40, s1  }
.Ltmp0:
0x17: {  	(pc) =	sbr.rel @p0 .LBB2_2-.Ltmp0, $2  }
0x18: {  	_ =	sdelay $0x2  }
0x19: {  	s19 =	sshra.s32 s19, $0x2  }
0x1a: {  	[tilespmem:s19+$0x12C0] =	vst v0  }
0x1b: {  	[spmem:s4] =	stream.linear.scatter [tilespmem:s21], [sflag:$0x5], $0x3200, $0x38;
	[tilespmem:$0x1FDC0] =	vst v63  }
0x1c: {  	_ =	swait.ge [sflag:s22], $0x3200  }
0x1d: {  	[sflag:s22] =	ssyncset.done $0x0  }
0x1e: {  	s1 =	rddreg [dreg:$0x4];
	[sflag:s22] =	ssyncadd.s32 $0xFFFFCE00  }
0x1f: {  	[spmem:s1] =	stream.linear.scatter [tilespmem:s21], [sflag:$0x5], $0x3200, $0x38;
	[tilespmem:$0x1FDC0] =	vst v63  }
0x20: {  	_ =	swait.ge [sflag:s22], $0x3200  }
0x21: {  	[sflag:s22] =	ssyncset.done $0x0  }
0x22: {  	s7 =	rddreg [dreg:$0x5];
	[sflag:s22] =	ssyncadd.s32 $0xFFFFCE00  }
0x23: {  	[spmem:s7] =	stream.linear.scatter [tilespmem:s21], [sflag:$0x5], $0x3200, $0x38;
	[tilespmem:$0x1FDC0] =	vst v63  }
0x24: {  	_ =	swait.ge [sflag:s22], $0x3200  }
0x25: {  	[sflag:s22] =	ssyncset.done $0x0  }
0x26: {  	s19 =	rddreg [dreg:$0x6];
	[sflag:s22] =	ssyncadd.s32 $0xFFFFCE00  }
0x27: {  	[spmem:s19] =	stream.linear.scatter [tilespmem:s21], [sflag:$0x5], $0x3200, $0x38;
	[tilespmem:$0x1FDC0] =	vst v63  }
0x28: {  	_ =	swait.ge [sflag:s22], $0x3200  }
0x29: {  	[sflag:s22] =	ssyncset.done $0x0  }
0x2a: {  	[sflag:s22] =	ssyncadd.s32 $0xFFFFCE00  }
0x2b: {  	[spmem:s8] =	stream.linear.scatter [tilespmem:s21], [sflag:$0x5], $0x3200, $0x38;
	[tilespmem:$0x1FDC0] =	vst v63  }
0x2c: {  	_ =	swait.ge [sflag:s22], $0x3200  }
0x2d: {  	[sflag:s22] =	ssyncset.done $0x0  }
0x2e: {  	[sflag:s22] =	ssyncadd.s32 $0xFFFFCE00  }
0x2f: {  	[spmem:s9] =	stream.linear.scatter [tilespmem:s21], [sflag:$0x5], $0x3200, $0x38;
	[tilespmem:$0x1FDC0] =	vst v63  }
0x30: {  	_ =	swait.ge [sflag:s22], $0x3200  }
0x31: {  	[sflag:s22] =	ssyncset.done $0x0  }
0x32: {  	[sflag:s22] =	ssyncadd.s32 $0xFFFFCE00  }
0x33: {  	[spmem:s10] =	stream.linear.scatter [tilespmem:s21], [sflag:$0x5], $0x3200, $0x38;
	[tilespmem:$0x1FDC0] =	vst v63  }
0x34: {  	_ =	swait.ge [sflag:s22], $0x3200  }
0x35: {  	[sflag:s22] =	ssyncset.done $0x0  }
0x36: {  	[sflag:s22] =	ssyncadd.s32 $0xFFFFCE00  }
0x37: {  	[spmem:s11] =	stream.linear.scatter [tilespmem:s21], [sflag:$0x5], $0x2900, $0x38;
	[tilespmem:$0x1FDC0] =	vst v63  }
0x38: {  	_ =	swait.ge [sflag:s22], $0x2900  }
0x39: {  	[sflag:s22] =	ssyncset.done $0x0  }
0x3a: {  	[sflag:s22] =	ssyncadd.s32 $0xFFFFD700  }
0x3b: {  	[bflag:$0x0] =	sbarrier.arrive $0xFFFF  }
0x3c: {  	[tilespmem:s3], [sflag:$0x1] =	stream.linear.gather [hbm4b:s12+s3], $0x320, $0x38;
	[tilespmem:$0x1FDC0] =	vst v63  }
0x3d: {  	s23 =	simm.s32 $0x960  }
0x3e: {  	[tilespmem:s23], [sflag:$0x1] =	stream.linear.gather [hbm4b:s13+s3], $0x320, $0x38;
	[tilespmem:$0x1FDC0] =	vst v63  }
0x3f: {  	_ =	swait.ge [sflag:s24], $0x320  }
0x40: {  	[sflag:s24] =	ssyncset.done $0x0  }
0x41: {  	[sflag:s24] =	ssyncadd.s32 $0xFFFFFCE0  }
0x42: {  	_ =	swait.ge [sflag:s24], $0x320  }
0x43: {  	[sflag:s24] =	ssyncset.done $0x0  }
0x44: {  	[sflag:s24] =	ssyncadd.s32 $0xFFFFFCE0  }
0x45: {  	[tilespmem:s25], [sflag:$0x1] =	stream.linear.gather [hbm4b:s14+s3], $0x320, $0x38;
	[tilespmem:$0x1FDC0] =	vst v63  }
0x46: {  	s26 =	simm.s32 $0xC80  }
0x47: {  	[tilespmem:s26], [sflag:$0x1] =	stream.linear.gather [hbm4b:s15+s3], $0x320, $0x38;
	[tilespmem:$0x1FDC0] =	vst v63  }
0x48: {  	s30 =	simm.s32 $0x2;
	s31 =	smov.u32 s20;
	s19 =	smov.u32 s0  }
0x49: {  	[tilespmem:s21], [sflag:$0x2] =	stream.indirect.gather [hbm4b:s16+s25], $0x10, s3, s25, $0xb8;
	[tilespmem:$0x1FDC0] =	vst v63  }
.LBB2_4:
0x4a: {  	p0 =	seq.s32 s30, $0x2  }
0x4b: {  	s5 =	simm.s32 @!p0 $0x4  }
0x4c: {  	s26 =	smul.u32 $0xAB, s30;
	p1 =	seq.s32 @!p0 s30, $0x7E;
	_ =	swait.ge @!p0 [sflag:s5], $0x3200  }
0x4d: {  	p1 =	por p0, !p1;
	[sflag:s5] =	ssyncset.done @!p0 $0x0  }
0x4e: {  	[sflag:s5] =	ssyncadd.s32 @!p0 $0xFFFFCE00;
	s5 =	sadd.s32 @p1 $0xFFFFFF55, s26  }
0x4f: {  	s5 =	sshrl.u32 @p1 s5, $0x9  }
0x50: {  	s5 =	sand.u32 @p1 $0x7F, s5  }
0x51: {  	s5 =	smul.u32 @p1 $0x3, s5  }
0x52: {  	s1 =	sadd.s32 $0xFFFFFFFE, s30  }
0x53: {  	s23 =	sand.u32 $0x1, s1;
	_ =	swait.ge @p1 [sflag:s24], $0x320;
	s5 =	sxor.u32 @p1 $0xFFFFFFFF, s5  }
0x54: {  	s6 =	sxor.u32 @p1 $0x1, s23;
	[sflag:s24] =	ssyncset.done @p1 $0x0;
	s5 =	sadd.s32 @p1 s30, s5  }
0x55: {  	s7 =	smul.u32 @p1 $0xC800, s6;
	[sflag:s24] =	ssyncadd.s32 @p1 $0xFFFFFCE0;
	s5 =	sand.u32 @p1 $0xFF, s5  }
0x56: {  	_ =	swait.ge @p1 [sflag:s24], $0x320;
	s5 =	smul.u32 @p1 $0xC80, s5  }
0x57: {  	s6 =	sor.u32 @p1 $0x2, s6;
	s7 =	sshrl.u32 @p1 s7, $0x2;
	[sflag:s24] =	ssyncset.done @p1 $0x0  }
0x58: {  	s7 =	sadd.s32 @p1 $0x12C0, s7;
	[sflag:s24] =	ssyncadd.s32 @p1 $0xFFFFFCE0;
	s5 =	sshrl.u32 @p1 s5, $0x2  }
0x59: {  	[tilespmem:s7], [sflag:s6] =	stream.indirect.gather @p1 [hbm4b:s16+s25], $0x10, s5, s25, $0xb8;
	[tilespmem:$0x1FDC0] =	vst v63  }
0x5a: {  	s6 =	sadd.s32 $0xFFFFFEAA, s26  }
0x5b: {  	s5 =	sshrl.u32 s6, $0x9  }
0x5c: {  	s5 =	sand.u32 $0x7F, s5  }
0x5d: {  	s5 =	smul.u32 $0x3, s5;
	_ =	sdelay $0x1  }
0x5e: {  	s5 =	ssub.s32 s1, s5  }
0x5f: {  	s7 =	sshrl.u32 s26, $0x9;
	s26 =	smul.u32 $0xC800, s23;
	s5 =	sand.u32 $0xFF, s5  }
0x60: {  	s23 =	sor.u32 $0x2, s23;
	s6 =	sand.u32 $0x7F, s7;
	s5 =	smul.u32 $0xC80, s5  }
0x61: {  	_ =	swait.ge [sflag:s23], $0x3200;
	s6 =	smul.u32 $0x3, s6;
	s7 =	sshrl.u32 s26, $0x2  }
0x62: {  	[sflag:s23] =	ssyncset.done $0x0;
	s7 =	sadd.s32 $0x12C0, s7;
	s5 =	sshrl.u32 s5, $0x2  }
0x63: {  	[sflag:s23] =	ssyncadd.s32 $0xFFFFCE00;
	s6 =	ssub.s32 s30, s6;
	s5 =	sadd.s32 $0x960, s5  }
0x64: {  	[spmem:s2] =	stream.indirect.scatter.add.f32 [tilespmem:s7], [sflag:$0x4], $0x10, s5, s25, $0xb8;
	[tilespmem:$0x1FDC0] =	vst v63  }
0x65: {  	p0 =	sgt.u32 s1, $0x7A;
	s5 =	sand.u32 $0xFF, s6  }
0x66: {  	s1 =	smul.u32 @!p0 $0x320, s5  }
0x67: {  	s5 =	simm.s32 @!p0 $0x0  }
0x68: {  	[tilespmem:s1], [sflag:$0x1] =	stream.linear.gather @!p0 [hbm4b:s31+s5], $0x320, $0x38;
	[tilespmem:$0x1FDC0] =	vst v63  }
0x69: {  	s30 =	sadd.s32 $0x1, s30;
	s1 =	sadd.s32 @!p0 $0x960, s1  }
0x6a: {  	[tilespmem:s1], [sflag:$0x1] =	stream.linear.gather @!p0 [hbm4b:s19+s5], $0x320, $0x38;
	[tilespmem:$0x1FDC0] =	vst v63  }
0x6b: {  	p0 =	sne.s32 s30, $0x7F  }
.Ltmp1:
0x6c: {  	_ = 	snop;
	(pc) =	sbr.rel @p0 .LBB2_4-.Ltmp1, $2  }
0x6d: {  	_ =	sdelay $0x2  }
0x6e: {  	s31 =	sadd.s32 $0x64, s31;
	s19 =	sadd.s32 $0x64, s19  }
0x6f: {  	_ =	swait.ge [sflag:s28], $0x3200;
	s1 =	stileid.u32  }
0x70: {  	s5 =	sshrl.u32 s4, $0x3;
	s29 =	sadd.s32 $0x1, s29;
	[sflag:s28] =	ssyncset.done $0x0  }
0x71: {  	s1 =	sshll.u32 s1, $0x6;
	p0 =	sne.s32 s29, s18;
	[sflag:s28] =	ssyncadd.s32 $0xFFFFCE00  }
.Ltmp2:
0x72: {  	s1 =	sor.u32 $0x1C05, s1;
	[bflag:$0x0] =	sbarrier.arrive $0xFFFF;
	(pc) =	sbr.rel @p0 .LBB2_1-.Ltmp2, $4  }
0x73: {  	[hbm:s17], [sflag:s1] =	dma.local [spmem:s5], $0x30E0  }
0x74: {  	_ =	swait.ge [sflag:s22], $0x30E0  }
0x75: {  	[sflag:s22] =	ssyncset.done $0x0  }
0x76: {  	[sflag:s22] =	ssyncadd.s32 $0xFFFFCF20  }
0x77: {  	_ =	sfence.sel $0x180000  }
0x78: {  	[bflag:$0x0] =	sbarrier.arrive $0xFFFF  }
0x79: {  	_ =	strace $0x90000047  }
0x7a: {  	s0 =	stileid.u32;
	[bflag:$0x2] =	sbarrier.arrive $0xFFFF  }
0x7b: {  	p0 =	sne.s32 s0, $0x0;
	s0 =	rddreg [dreg:$0x3]  }
0x7c: {  	s0 =	sadd.s32 @!p0 $0x100000, s0  }
0x7d: {  	[sflag:s0] =	ssyncadd.tile.s32 @!p0 $0x1;
	_ =	shalt  }
.Lfunc_end2:
_tile_overlayer_lowered:
.L_overlay_start_2:
0x7e: {  	(tag) =	ssettag $0x2  }
0x7f: {  	s0 =	rddreg [dreg:$0x0];
	s2 =	stileid.u32  }
0x80: {  	s1 =	rddreg [dreg:$0x1];
	p0 =	sne.s32 s2, $0x0  }
0x81: {  	s3 =	rddreg [dreg:$0x2];
	[bflag:$0x3] =	sbarrier.arrive $0xFFFF;
	s2 =	simm.s32 @!p0 $0x1C05  }
0x82: {  	[timem:s3], [sflag:s2] =	dma.local @!p0 [hbm:s0], s1  }
0x83: {  	s0 =	simm.s32 @!p0 $0x5  }
0x84: {  	_ =	swait.ge @!p0 [sflag:s0], s1  }
0x85: {  	s1 =	ssub.s32 @!p0 $0x0, s1;
	[sflag:s0] =	ssyncset.done @!p0 $0x0  }
0x86: {  	[sflag:s0] =	ssyncadd.s32 @!p0 s1  }
0x87: {  	[bflag:$0x3] =	sbarrier.arrive $0xFFFF  }
0x88: {  	_ =	shalt  }

// kernel: kernel.15.cloned.1.call-start
scs
__scs_entry_jumppad:
0x0: {  	(pc) =	sbr.rel $0x88, $3  }
0x1: {  	(tag) =	ssettag $0x0;
	lr =	simm.s32 $0x1  }
0x2: {  	[smem:$0x3F9D] =	sst lr;
	_ =	strace $0xD0000000  }
0x3: {  	_ = 	snop  }
0x4: {  	_ = 	snop  }
0x5: {  	_ = 	snop  }
0x6: {  	_ = 	snop  }
0x7: {  	_ = 	snop  }
__scs_overlays_trampoline_lowered:
0x8: {  	[smem:$0x3FAC] =	sst s0  }
0x9: {  	[smem:$0x3FAD] =	sst s1  }
0xa: {  	[smem:$0x3FAE] =	sst s2  }
0xb: {  	[smem:$0x3FAF] =	sst s3  }
0xc: {  	[smem:$0x3FB0] =	sst s4  }
0xd: {  	[smem:$0x3FB1] =	sst s5  }
0xe: {  	[smem:$0x3FB2] =	sst s6  }
0xf: {  	[smem:$0x3FB3] =	sst s7  }
0x10: {  	[smem:$0x3FB4] =	sst s8  }
0x11: {  	[smem:$0x3FB5] =	sst s9;
	s0 =	simm.s32 @!p0 $0x0  }
0x12: {  	s1 =	sld [smem:$0x3F9B];
	s0 =	simm.s32 @p0 $0x1  }
0x13: {  	[smem:$0x3FB6] =	sst s0;
	s0 =	simm.s32 @!p1 $0x0  }
0x14: {  	s2 =	sld [smem:$0x3F9A];
	s0 =	simm.s32 @p1 $0x1  }
0x15: {  	[smem:$0x3FB7] =	sst s0;
	s0 =	simm.s32 @!p2 $0x0  }
0x16: {  	s3 =	sld [smem:$0x3FDB];
	s0 =	simm.s32 @p2 $0x1  }
0x17: {  	s4 =	simm.s32 $0x1BF5;
	[smem:$0x3FB9] =	sst s0  }
0x18: {  	s0 =	sld [smem:$0x3F9C];
	_ =	swait.ge [sflag:s4], $0x0  }
0x19: {  	s7 =	sld [smem:$0x3F9D]  }
0x1a: {  	s8 =	sadd.s32 $0xFFFFE003, lr  }
0x1b: {  	s9 =	sadd.s32 $0xFFFFFEF7, lr;
	s5 =	simm.s32 $0xFFFFFFFF;
	p2 =	slt.u32 s8, $0xFFFFF086  }
0x1c: {  	p1 =	slt.u32 s9, $0xF7A;
	s5 =	simm.s32 @!p2 $0x0  }
0x1d: {  	s5 =	simm.s32 @p1 $0x1;
	p0 =	seq.s32 s7, s2  }
0x1e: {  	s7 =	smul.u32 @!p0 $0xF7A, s2;
	p2 =	seq.s32 @!p0 s5, $0x0  }
0x1f: {  	s9 =	smul.u32 $0xF7A, s1;
	s8 =	simm.s32 @!p0 $0x1BF5;
	p2 =	por !p2, p0  }
0x20: {  	[sflag:s8] =	ssyncset.s32 @!p0 $0xFFFFF086;
	s6 =	sadd.s32 @!p0 s3, s7;
	s7 =	simm.s32 @!p0 $0x108  }
0x21: {  	s3 =	sadd.s32 s3, s9;
	s6 =	sadd.s32 @!p0 $0x88, s6;
	s7 =	simm.s32 @p2 $0x1082  }
0x22: {  	[simem:s7], [sflag:s8] =	dma.local @!p0 [hbm:s6], $0xF7A  }
0x23: {  	s9 =	sor.u32 $0xD0000000, s2;
	s6 =	simm.s32 $0x108;
	_ =	swait.ge @!p0 [sflag:s8], $0x0  }
0x24: {  	s3 =	sadd.s32 $0x88, s3;
	s6 =	simm.s32 @!p1 $0x1082;
	[sflag:s4] =	ssyncset.s32 $0xFFFFF086  }
0x25: {  	[simem:s6], [sflag:s4] =	dma.local [hbm:s3], $0xF7A  }
0x26: {  	[smem:$0x3F9D] =	sst s1;
	(tag) =	ssettag s2;
	_ =	strace s9  }
0x27: {  	s1 =	sld [smem:$0x3FAD]  }
0x28: {  	s2 =	sld [smem:$0x3FAE]  }
0x29: {  	s4 =	sld [smem:$0x3FB0]  }
0x2a: {  	p0 =	seq.s32 s5, $0x0;
	s5 =	sld [smem:$0x3FB1]  }
0x2b: {  	s6 =	sld [smem:$0x3FB2]  }
0x2c: {  	s7 =	sld [smem:$0x3FB3]  }
0x2d: {  	s3 =	simm.s32 $0x108;
	s8 =	sld [smem:$0x3FB4]  }
0x2e: {  	s3 =	simm.s32 @!p0 $0x1082;
	s9 =	sld [smem:$0x3FB5]  }
0x2f: {  	lr =	sadd.s32 s0, s3;
	s0 =	sld [smem:$0x3FAC]  }
0x30: {  	s3 =	sld [smem:$0x3FAF]  }
0x31: {  	[smem:$0x3FB8] =	sst s10  }
0x32: {  	s10 =	sld [smem:$0x3FB6];
	_ =	sdelay $0x3  }
0x33: {  	p0 =	seq.s32 s10, $0x1;
	s10 =	sld [smem:$0x3FB8];
	_ =	sdelay $0x3  }
0x34: {  	[smem:$0x3FB8] =	sst s10  }
0x35: {  	s10 =	sld [smem:$0x3FB7];
	_ =	sdelay $0x3  }
0x36: {  	p1 =	seq.s32 s10, $0x1;
	s10 =	sld [smem:$0x3FB8];
	_ =	sdelay $0x3  }
0x37: {  	[smem:$0x3FB8] =	sst s10  }
0x38: {  	s10 =	sld [smem:$0x3FB9]  }
0x39: {  	_ = 	snop;
	(pc) =	sbr.ind lr, $3  }
0x3a: {  	_ = 	snop  }
0x3b: {  	_ = 	snop  }
0x3c: {  	p2 =	seq.s32 s10, $0x1;
	s10 =	sld [smem:$0x3FB8]  }
0x3d: {  	_ =	shalt  }
0x3e: {  	_ =	shalt  }
0x3f: {  	_ =	shalt  }
0x40: {  	_ =	shalt  }
0x41: {  	_ =	shalt  }
0x42: {  	_ =	shalt  }
0x43: {  	_ =	shalt  }
0x44: {  	_ =	shalt  }
0x45: {  	_ =	shalt  }
0x46: {  	_ =	shalt  }
0x47: {  	_ =	shalt  }
0x48: {  	_ =	shalt  }
0x49: {  	_ =	shalt  }
0x4a: {  	_ =	shalt  }
0x4b: {  	_ =	shalt  }
0x4c: {  	_ =	shalt  }
0x4d: {  	_ =	shalt  }
0x4e: {  	_ =	shalt  }
0x4f: {  	_ =	shalt  }
0x50: {  	_ =	shalt  }
0x51: {  	_ =	shalt  }
0x52: {  	_ =	shalt  }
0x53: {  	_ =	shalt  }
0x54: {  	_ =	shalt  }
0x55: {  	_ =	shalt  }
0x56: {  	_ =	shalt  }
0x57: {  	_ =	shalt  }
0x58: {  	_ =	shalt  }
0x59: {  	_ =	shalt  }
0x5a: {  	_ =	shalt  }
0x5b: {  	_ =	shalt  }
0x5c: {  	_ =	shalt  }
0x5d: {  	_ =	shalt  }
0x5e: {  	_ =	shalt  }
0x5f: {  	_ =	shalt  }
0x60: {  	_ =	shalt  }
0x61: {  	_ =	shalt  }
0x62: {  	_ =	shalt  }
0x63: {  	_ =	shalt  }
0x64: {  	_ =	shalt  }
0x65: {  	_ =	shalt  }
0x66: {  	_ =	shalt  }
0x67: {  	_ =	shalt  }
0x68: {  	_ =	shalt  }
0x69: {  	_ =	shalt  }
0x6a: {  	_ =	shalt  }
0x6b: {  	_ =	shalt  }
0x6c: {  	_ =	shalt  }
0x6d: {  	_ =	shalt  }
0x6e: {  	_ =	shalt  }
0x6f: {  	_ =	shalt  }
0x70: {  	_ =	shalt  }
0x71: {  	_ =	shalt  }
0x72: {  	_ =	shalt  }
0x73: {  	_ =	shalt  }
0x74: {  	_ =	shalt  }
0x75: {  	_ =	shalt  }
0x76: {  	_ =	shalt  }
0x77: {  	_ =	shalt  }
0x78: {  	_ =	shalt  }
0x79: {  	_ =	shalt  }
0x7a: {  	_ =	shalt  }
0x7b: {  	_ =	shalt  }
0x7c: {  	_ =	shalt  }
0x7d: {  	_ =	shalt  }
0x7e: {  	_ =	shalt  }
0x7f: {  	_ =	shalt  }
0x80: {  	_ =	shalt  }
0x81: {  	_ =	shalt  }
0x82: {  	_ =	shalt  }
0x83: {  	_ =	shalt  }
0x84: {  	_ =	shalt  }
0x85: {  	_ =	shalt  }
0x86: {  	_ =	shalt  }
0x87: {  	_ =	shalt  }
.Lfunc_end0:
.L_simem_size_0:
called_computation.2_lowered:
.L_overlay_start_0:
0x88: {  	s2 =	sld [smem:$0x3FD9]  }
0x89: {  	s3 =	sld [smem:$0x3FFE];
	_ =	sdelay $0x1  }
0x8a: {  	s1 =	srdreg.scid  }
0x8b: {  	s0 =	sand.u32 $0x1, s1  }
0x8c: {  	s14 =	sshll.u32 s0, $0xA;
	s2 =	sadd.s32 s3, s2  }
0x8d: {  	s2 =	sadd.s32 s2, s14  }
0x8e: {  	[smem:$0x3FC4] =	sst s2  }
0x8f: {  	_ = 	snop  }
0x90: {  	s2 =	sld [smem:$0x3FD0];
	_ =	sdelay $0x2  }
0x91: {  	s15 =	simm.s32 $0xB;
	s4 =	simm.s32 $0x10  }
0x92: {  	[smem:s4], [sflag:s15] =	dma.local [hbm:s2], $0x1  }
0x93: {  	_ =	swait.eq [sflag:s15], $0x1  }
0x94: {  	[sflag:s15] =	ssyncset.done $0x0  }
0x95: {  	s16 =	sld [smem:$0x10];
	[sflag:s15] =	ssyncadd.s32 $0xFFFFFFFF  }
0x96: {  	s17 =	sld [smem:$0x11];
	(tm) =	ssettm $0x1  }
0x97: {  	s18 =	sld [smem:$0x3FFB];
	_ =	sdelay $0x3  }
0x98: {  	_ =	strace s18  }
0x99: {  	s4 =	sld [smem:$0x3FFC];
	_ =	sdelay $0x3  }
0x9a: {  	_ =	strace s4  }
0x9b: {  	s4 =	sld [smem:$0x3FFD];
	_ =	sdelay $0x3  }
0x9c: {  	_ =	strace s4  }
0x9d: {  	_ =	strace $0x8FFFFFFF  }
0x9e: {  	s19 =	sld [smem:$0x3FDB];
	_ =	sdelay $0x1  }
0x9f: {  	s5 =	simm.s32 $_scs_section_size  }
0xa0: {  	s6 =	simm.s32 $_size__tile_overlayer_lowered;
	s7 =	simm.s32 $_tile_overlayer_lowered  }
0xa1: {  	s22 =	simm.s32 $0x1BFF;
	s21 =	sshll.u32 s7, $0x1;
	s4 =	sadd.s32 s5, s19  }
0xa2: {  	s8 =	simm.s32 $0x0;
	s20 =	sshll.u32 s6, $0x1;
	s6 =	sadd.s32 s21, s4  }
0xa3: {  	[timem:s8], [sflag:s22] =	dma.local [hbm:s6], s20  }
0xa4: {  	_ =	swait.ge [sflag:s22], s20  }
0xa5: {  	s5 =	ssub.s32 $0x0, s20;
	[sflag:s22] =	ssyncset.done $0x0  }
0xa6: {  	[sflag:s22] =	ssyncadd.s32 s5;
	_ =	sdelay $0x1  }
0xa7: {  	s23 =	simm.s32 $0x1B8B  }
0xa8: {  	_ =	swait.ge [sflag:s23], $0x1  }
0xa9: {  	[sflag:s23] =	ssyncset.done $0x0  }
0xaa: {  	s25 =	simm.s32 $0x1B8E;
	s24 =	sld [smem:$0x3FFE];
	[sflag:s23] =	ssyncadd.s32 $0xFFFFFFFF  }
0xab: {  	s26 =	simm.s32 $execute0_lowered;
	[smem:$0x3FD2] =	sst s25  }
0xac: {  	s6 =	sshll.u32 s26, $0x1;
	_ =	strace $0x8000004C;
	[dreg:$0x1] =	wrdreg $0xFFFFFFFF  }
0xad: {  	s28 =	simm.s32 $_size_execute0_lowered;
	s4 =	sadd.s32 s4, s6;
	[dreg:$0x0] =	wrdreg $0x0  }
0xae: {  	s6 =	sshll.u32 s28, $0x1;
	[dreg:$0x2] =	wrdreg s4  }
0xaf: {  	[dreg:$0x3] =	wrdreg s6  }
0xb0: {  	[dreg:$0x4] =	wrdreg $0xC0  }
0xb1: {  	_ =	task [dreg:s8], $0x5FFFF  }
0xb2: {  	[dreg:$0x1] =	wrdreg $0xFFFFFFFF  }
0xb3: {  	[dreg:$0x0] =	wrdreg $0x60  }
0xb4: {  	[dreg:$0x2] =	wrdreg s17  }
0xb5: {  	[dreg:$0x3] =	wrdreg s24  }
0xb6: {  	[dreg:$0x4] =	wrdreg s16  }
0xb7: {  	[dreg:$0x5] =	wrdreg $0x76C00  }
0xb8: {  	[dreg:$0x6] =	wrdreg $0x9  }
0xb9: {  	_ =	task.clear_ibuf [dreg:s8], $0x7FFFF;
	_ =	strace $0x9000004C  }
0xba: {  	s29 =	simm.s32 $0x9;
	_ =	strace $0x8000004E  }
0xbb: {  	_ =	swait.ge [sflag:s29], $0x1  }
0xbc: {  	[sflag:s29] =	ssyncadd.s32 $0xFFFFFFFF  }
0xbd: {  	_ =	strace $0x9000004E  }
0xbe: {  	_ =	sfence  }
0xbf: {  	s30 =	sld [smem:$0x0];
	_ =	sdelay $0x2  }
0xc0: {  	s31 =	sshll.u32 s1, $0xD;
	s1 =	sshrl.u32 s1, $0x2  }
0xc1: {  	s3 =	sand.u32 $0x4000, s31;
	s1 =	sadd.s32 s1, s30  }
0xc2: {  	s0 =	sor.u32 s3, s0;
	s1 =	sshll.u32 s1, $0x11  }
0xc3: {  	s0 =	sor.u32 s1, s0  }
0xc4: {  	s0 =	sadd.s32 $0x8F2B, s0  }
0xc5: {  	[sflag:s0] =	ssyncadd.remote.s32 $0x1  }
0xc6: {  	_ =	sfence.sel $0xFFFF  }
0xc7: {  	[dreg:$0x0] =	wrdreg $0xFFFFFFFF;
	(pc) =	sbr.abs _section_cstart, $3  }
0xc8: {  	[dreg:$0x1] =	wrdreg $0xFFFFFFFF  }
0xc9: {  	_ =	task.clear_ibuf [dreg:s8], $0x2FFFF;
	_ =	strace $0x9FFFFFFF  }
0xca: {  	(tm) =	ssettm $0x7FFFFFFF  }
0xcb: {  	_ =	shalt  }
tec
execute0_lowered:
.L_overlay_start_1:
0x0: {  	(tag) =	ssettag $0x1  }
0x1: {  	s0 =	rddreg [dreg:$0x0]  }
0x2: {  	s1 =	rddreg [dreg:$0x1]  }
0x3: {  	s17 =	rddreg [dreg:$0x2]  }
0x4: {  	s2 =	rddreg [dreg:$0x3]  }
0x5: {  	s3 =	simm.s32 $0x0;
	s7 =	stileid.u32;
	s4 =	srdreg.scid  }
0x6: {  	s28 =	simm.s32 $0x4;
	s29 =	simm.s32 $0x0;
	s5 =	smul.u32 $0x61C00, s7  }
0x7: {  	[smem:$0x7FF] =	sst s3;
	s19 =	sadd.s32 $0x69C00, s1;
	s15 =	smul.u32 $0x18700, s7  }
0x8: {  	s12 =	sand.u32 $0x1, s4;
	s1 =	sadd.s32 $0x38E00, s1;
	s13 =	smul.u32 $0x186A0, s7  }
0x9: {  	s22 =	smul.u32 $0x30D4, s7;
	_ =	strace $0x8000004D;
	s4 =	ssub.s32 $0x2, s12  }
0xa: {  	s16 =	smul.u32 $0x187000, s12;
	s5 =	sshrl.u32 s5, $0x2;
	s6 =	sshrl.u32 s4, $0x1  }
0xb: {  	s14 =	sshrl.u32 s13, $0x3;
	s30 =	sadd.s32 s22, s1;
	s31 =	sadd.s32 s22, s19  }
0xc: {  	s22 =	simm.s32 $0x5;
	s11 =	sadd.s32 s5, s2;
	s18 =	ssub.s32 s4, s6  }
0xd: {  	s4 =	sadd.s32 s15, s2;
	s12 =	sadd.s32 s19, s14;
	s13 =	sadd.s32 s1, s14  }
0xe: {  	s20 =	sadd.s32 $0x64, s14;
	s21 =	sadd.s32 s15, s16;
	s16 =	sshrl.u32 s16, $0x3  }
0xf: {  	s5 =	sadd.s32 $0x3200, s11;
	s24 =	sadd.s32 $0x6400, s11;
	s25 =	sadd.s32 $0x9600, s11  }
0x10: {  	s8 =	sadd.s32 $0xC800, s11;
	s9 =	sadd.s32 $0xFA00, s11;
	s10 =	sadd.s32 $0x12C00, s11  }
0x11: {  	s11 =	sadd.s32 $0x15E00, s11;
	s14 =	sadd.s32 s19, s20;
	s15 =	sadd.s32 s1, s20  }
0x12: {  	s26 =	sshrl.u32 s21, $0x3;
	s16 =	sadd.s32 s0, s16;
	[dreg:$0x5] =	wrdreg s5  }
0x13: {  	s18 =	smax.u32 s18, $0x1;
	s0 =	sadd.s32 $0xC8, s30;
	[dreg:$0x6] =	wrdreg s24  }
0x14: {  	s20 =	sadd.s32 $0xC8, s31;
	s21 =	simm.s32 $0x12C0;
	[dreg:$0x7] =	wrdreg s25  }
0x15: {  	v0 =	vimm.f32 $0.0e+00;
	s17 =	sadd.s32 s17, s26;
	s24 =	simm.s32 $0x1;
	s25 =	simm.s32 $0x320  }
.LBB2_1:
0x16: {  	s1 =	simm.s32 $0x40;
	s19 =	simm.s32 $0x0  }
.LBB2_2:
0x17: {  	p0 =	sne.s32 s1, $0xC7C0;
	[tilespmem:s19+$0x12C0] =	vst v0;
	s19 =	smov.u32 s1;
	s1 =	sadd.s32 $0x40, s1  }
.Ltmp0:
0x18: {  	(pc) =	sbr.rel @p0 .LBB2_2-.Ltmp0, $2  }
0x19: {  	_ =	sdelay $0x2  }
0x1a: {  	s19 =	sshra.s32 s19, $0x2  }
0x1b: {  	[tilespmem:s19+$0x12C0] =	vst v0  }
0x1c: {  	[spmem:s4] =	stream.linear.scatter [tilespmem:s21], [sflag:$0x5], $0x3200, $0x38;
	[tilespmem:$0x1FDC0] =	vst v63  }
0x1d: {  	_ =	swait.ge [sflag:s22], $0x3200  }
0x1e: {  	[sflag:s22] =	ssyncset.done $0x0  }
0x1f: {  	s1 =	rddreg [dreg:$0x5];
	[sflag:s22] =	ssyncadd.s32 $0xFFFFCE00  }
0x20: {  	[spmem:s1] =	stream.linear.scatter [tilespmem:s21], [sflag:$0x5], $0x3200, $0x38;
	[tilespmem:$0x1FDC0] =	vst v63  }
0x21: {  	_ =	swait.ge [sflag:s22], $0x3200  }
0x22: {  	[sflag:s22] =	ssyncset.done $0x0  }
0x23: {  	s7 =	rddreg [dreg:$0x6];
	[sflag:s22] =	ssyncadd.s32 $0xFFFFCE00  }
0x24: {  	[spmem:s7] =	stream.linear.scatter [tilespmem:s21], [sflag:$0x5], $0x3200, $0x38;
	[tilespmem:$0x1FDC0] =	vst v63  }
0x25: {  	_ =	swait.ge [sflag:s22], $0x3200  }
0x26: {  	[sflag:s22] =	ssyncset.done $0x0  }
0x27: {  	s19 =	rddreg [dreg:$0x7];
	[sflag:s22] =	ssyncadd.s32 $0xFFFFCE00  }
0x28: {  	[spmem:s19] =	stream.linear.scatter [tilespmem:s21], [sflag:$0x5], $0x3200, $0x38;
	[tilespmem:$0x1FDC0] =	vst v63  }
0x29: {  	_ =	swait.ge [sflag:s22], $0x3200  }
0x2a: {  	[sflag:s22] =	ssyncset.done $0x0  }
0x2b: {  	[sflag:s22] =	ssyncadd.s32 $0xFFFFCE00  }
0x2c: {  	[spmem:s8] =	stream.linear.scatter [tilespmem:s21], [sflag:$0x5], $0x3200, $0x38;
	[tilespmem:$0x1FDC0] =	vst v63  }
0x2d: {  	_ =	swait.ge [sflag:s22], $0x3200  }
0x2e: {  	[sflag:s22] =	ssyncset.done $0x0  }
0x2f: {  	[sflag:s22] =	ssyncadd.s32 $0xFFFFCE00  }
0x30: {  	[spmem:s9] =	stream.linear.scatter [tilespmem:s21], [sflag:$0x5], $0x3200, $0x38;
	[tilespmem:$0x1FDC0] =	vst v63  }
0x31: {  	_ =	swait.ge [sflag:s22], $0x3200  }
0x32: {  	[sflag:s22] =	ssyncset.done $0x0  }
0x33: {  	[sflag:s22] =	ssyncadd.s32 $0xFFFFCE00  }
0x34: {  	[spmem:s10] =	stream.linear.scatter [tilespmem:s21], [sflag:$0x5], $0x3200, $0x38;
	[tilespmem:$0x1FDC0] =	vst v63  }
0x35: {  	_ =	swait.ge [sflag:s22], $0x3200  }
0x36: {  	[sflag:s22] =	ssyncset.done $0x0  }
0x37: {  	[sflag:s22] =	ssyncadd.s32 $0xFFFFCE00  }
0x38: {  	[spmem:s11] =	stream.linear.scatter [tilespmem:s21], [sflag:$0x5], $0x2900, $0x38;
	[tilespmem:$0x1FDC0] =	vst v63  }
0x39: {  	_ =	swait.ge [sflag:s22], $0x2900  }
0x3a: {  	[sflag:s22] =	ssyncset.done $0x0  }
0x3b: {  	[sflag:s22] =	ssyncadd.s32 $0xFFFFD700  }
0x3c: {  	[bflag:$0x0] =	sbarrier.arrive $0xFFFF  }
0x3d: {  	[tilespmem:s3], [sflag:$0x1] =	stream.linear.gather [hbm4b:s12+s3], $0x320, $0x38;
	[tilespmem:$0x1FDC0] =	vst v63  }
0x3e: {  	s23 =	simm.s32 $0x960  }
0x3f: {  	[tilespmem:s23], [sflag:$0x1] =	stream.linear.gather [hbm4b:s13+s3], $0x320, $0x38;
	[tilespmem:$0x1FDC0] =	vst v63  }
0x40: {  	_ =	swait.ge [sflag:s24], $0x320  }
0x41: {  	[sflag:s24] =	ssyncset.done $0x0  }
0x42: {  	[sflag:s24] =	ssyncadd.s32 $0xFFFFFCE0  }
0x43: {  	_ =	swait.ge [sflag:s24], $0x320  }
0x44: {  	[sflag:s24] =	ssyncset.done $0x0  }
0x45: {  	[sflag:s24] =	ssyncadd.s32 $0xFFFFFCE0  }
0x46: {  	[tilespmem:s25], [sflag:$0x1] =	stream.linear.gather [hbm4b:s14+s3], $0x320, $0x38;
	[tilespmem:$0x1FDC0] =	vst v63  }
0x47: {  	s26 =	simm.s32 $0xC80  }
0x48: {  	[tilespmem:s26], [sflag:$0x1] =	stream.linear.gather [hbm4b:s15+s3], $0x320, $0x38;
	[tilespmem:$0x1FDC0] =	vst v63  }
0x49: {  	s30 =	simm.s32 $0x2;
	s31 =	smov.u32 s20;
	s19 =	smov.u32 s0  }
0x4a: {  	[tilespmem:s21], [sflag:$0x2] =	stream.indirect.gather [hbm4b:s16+s25], $0x10, s3, s25, $0xb8;
	[tilespmem:$0x1FDC0] =	vst v63  }
.LBB2_4:
0x4b: {  	p0 =	seq.s32 s30, $0x2  }
0x4c: {  	s5 =	simm.s32 @!p0 $0x4  }
0x4d: {  	s26 =	smul.u32 $0xAB, s30;
	p1 =	seq.s32 @!p0 s30, $0x7E;
	_ =	swait.ge @!p0 [sflag:s5], $0x3200  }
0x4e: {  	p1 =	por p0, !p1;
	[sflag:s5] =	ssyncset.done @!p0 $0x0  }
0x4f: {  	[sflag:s5] =	ssyncadd.s32 @!p0 $0xFFFFCE00;
	s5 =	sadd.s32 @p1 $0xFFFFFF55, s26  }
0x50: {  	s5 =	sshrl.u32 @p1 s5, $0x9  }
0x51: {  	s5 =	sand.u32 @p1 $0x7F, s5  }
0x52: {  	s5 =	smul.u32 @p1 $0x3, s5  }
0x53: {  	s1 =	sadd.s32 $0xFFFFFFFE, s30  }
0x54: {  	s23 =	sand.u32 $0x1, s1;
	_ =	swait.ge @p1 [sflag:s24], $0x320;
	s5 =	sxor.u32 @p1 $0xFFFFFFFF, s5  }
0x55: {  	s6 =	sxor.u32 @p1 $0x1, s23;
	[sflag:s24] =	ssyncset.done @p1 $0x0;
	s5 =	sadd.s32 @p1 s30, s5  }
0x56: {  	s7 =	smul.u32 @p1 $0xC800, s6;
	[sflag:s24] =	ssyncadd.s32 @p1 $0xFFFFFCE0;
	s5 =	sand.u32 @p1 $0xFF, s5  }
0x57: {  	_ =	swait.ge @p1 [sflag:s24], $0x320;
	s5 =	smul.u32 @p1 $0xC80, s5  }
0x58: {  	s6 =	sor.u32 @p1 $0x2, s6;
	s7 =	sshrl.u32 @p1 s7, $0x2;
	[sflag:s24] =	ssyncset.done @p1 $0x0  }
0x59: {  	s7 =	sadd.s32 @p1 $0x12C0, s7;
	[sflag:s24] =	ssyncadd.s32 @p1 $0xFFFFFCE0;
	s5 =	sshrl.u32 @p1 s5, $0x2  }
0x5a: {  	[tilespmem:s7], [sflag:s6] =	stream.indirect.gather @p1 [hbm4b:s16+s25], $0x10, s5, s25, $0xb8;
	[tilespmem:$0x1FDC0] =	vst v63  }
0x5b: {  	s6 =	sadd.s32 $0xFFFFFEAA, s26  }
0x5c: {  	s5 =	sshrl.u32 s6, $0x9  }
0x5d: {  	s5 =	sand.u32 $0x7F, s5  }
0x5e: {  	s5 =	smul.u32 $0x3, s5;
	_ =	sdelay $0x1  }
0x5f: {  	s5 =	ssub.s32 s1, s5  }
0x60: {  	s7 =	sshrl.u32 s26, $0x9;
	s26 =	smul.u32 $0xC800, s23;
	s5 =	sand.u32 $0xFF, s5  }
0x61: {  	s23 =	sor.u32 $0x2, s23;
	s6 =	sand.u32 $0x7F, s7;
	s5 =	smul.u32 $0xC80, s5  }
0x62: {  	_ =	swait.ge [sflag:s23], $0x3200;
	s6 =	smul.u32 $0x3, s6;
	s7 =	sshrl.u32 s26, $0x2  }
0x63: {  	[sflag:s23] =	ssyncset.done $0x0;
	s7 =	sadd.s32 $0x12C0, s7;
	s5 =	sshrl.u32 s5, $0x2  }
0x64: {  	[sflag:s23] =	ssyncadd.s32 $0xFFFFCE00;
	s6 =	ssub.s32 s30, s6;
	s5 =	sadd.s32 $0x960, s5  }
0x65: {  	[spmem:s2] =	stream.indirect.scatter.add.f32 [tilespmem:s7], [sflag:$0x4], $0x10, s5, s25, $0xb8;
	[tilespmem:$0x1FDC0] =	vst v63  }
0x66: {  	p0 =	sgt.u32 s1, $0x7A;
	s5 =	sand.u32 $0xFF, s6  }
0x67: {  	s1 =	smul.u32 @!p0 $0x320, s5  }
0x68: {  	s5 =	simm.s32 @!p0 $0x0  }
0x69: {  	[tilespmem:s1], [sflag:$0x1] =	stream.linear.gather @!p0 [hbm4b:s31+s5], $0x320, $0x38;
	[tilespmem:$0x1FDC0] =	vst v63  }
0x6a: {  	s30 =	sadd.s32 $0x1, s30;
	s1 =	sadd.s32 @!p0 $0x960, s1  }
0x6b: {  	[tilespmem:s1], [sflag:$0x1] =	stream.linear.gather @!p0 [hbm4b:s19+s5], $0x320, $0x38;
	[tilespmem:$0x1FDC0] =	vst v63  }
0x6c: {  	p0 =	sne.s32 s30, $0x7F  }
.Ltmp1:
0x6d: {  	_ = 	snop;
	(pc) =	sbr.rel @p0 .LBB2_4-.Ltmp1, $2  }
0x6e: {  	_ =	sdelay $0x2  }
0x6f: {  	s31 =	sadd.s32 $0x64, s31;
	s19 =	sadd.s32 $0x64, s19  }
0x70: {  	_ =	swait.ge [sflag:s28], $0x3200;
	s1 =	stileid.u32  }
0x71: {  	s5 =	sshrl.u32 s4, $0x3;
	s29 =	sadd.s32 $0x1, s29;
	[sflag:s28] =	ssyncset.done $0x0  }
0x72: {  	s1 =	sshll.u32 s1, $0x6;
	p0 =	sne.s32 s29, s18;
	[sflag:s28] =	ssyncadd.s32 $0xFFFFCE00  }
.Ltmp2:
0x73: {  	s1 =	sor.u32 $0x1C05, s1;
	[bflag:$0x0] =	sbarrier.arrive $0xFFFF;
	(pc) =	sbr.rel @p0 .LBB2_1-.Ltmp2, $4  }
0x74: {  	[hbm:s17], [sflag:s1] =	dma.local [spmem:s5], $0x30E0  }
0x75: {  	_ =	swait.ge [sflag:s22], $0x30E0  }
0x76: {  	[sflag:s22] =	ssyncset.done $0x0  }
0x77: {  	[sflag:s22] =	ssyncadd.s32 $0xFFFFCF20  }
0x78: {  	_ =	sfence.sel $0x180000  }
0x79: {  	[bflag:$0x0] =	sbarrier.arrive $0xFFFF  }
0x7a: {  	_ =	strace $0x9000004D  }
0x7b: {  	s0 =	stileid.u32;
	[bflag:$0x2] =	sbarrier.arrive $0xFFFF  }
0x7c: {  	p0 =	sne.s32 s0, $0x0;
	s0 =	rddreg [dreg:$0x4]  }
0x7d: {  	s0 =	sadd.s32 @!p0 $0x100000, s0  }
0x7e: {  	[sflag:s0] =	ssyncadd.tile.s32 @!p0 $0x1;
	_ =	shalt  }
.Lfunc_end2:
_tile_overlayer_lowered:
.L_overlay_start_2:
0x7f: {  	(tag) =	ssettag $0x2  }
0x80: {  	s0 =	rddreg [dreg:$0x0];
	s2 =	stileid.u32  }
0x81: {  	s1 =	rddreg [dreg:$0x1];
	p0 =	sne.s32 s2, $0x0  }
0x82: {  	s3 =	rddreg [dreg:$0x2];
	[bflag:$0x3] =	sbarrier.arrive $0xFFFF;
	s2 =	simm.s32 @!p0 $0x1C05  }
0x83: {  	[timem:s3], [sflag:s2] =	dma.local @!p0 [hbm:s0], s1  }
0x84: {  	s0 =	simm.s32 @!p0 $0x5  }
0x85: {  	_ =	swait.ge @!p0 [sflag:s0], s1  }
0x86: {  	s1 =	ssub.s32 @!p0 $0x0, s1;
	[sflag:s0] =	ssyncset.done @!p0 $0x0  }
0x87: {  	[sflag:s0] =	ssyncadd.s32 @!p0 s1  }
0x88: {  	[bflag:$0x3] =	sbarrier.arrive $0xFFFF  }
0x89: {  	_ =	shalt  }

// kernel: kernel.18.cloned.1.call-start
scs
__scs_entry_jumppad:
0x0: {  	(pc) =	sbr.rel $0x88, $3  }
0x1: {  	(tag) =	ssettag $0x0;
	lr =	simm.s32 $0x1  }
0x2: {  	[smem:$0x3F9D] =	sst lr;
	_ =	strace $0xD0000000  }
0x3: {  	_ = 	snop  }
0x4: {  	_ = 	snop  }
0x5: {  	_ = 	snop  }
0x6: {  	_ = 	snop  }
0x7: {  	_ = 	snop  }
__scs_overlays_trampoline_lowered:
0x8: {  	[smem:$0x3FAC] =	sst s0  }
0x9: {  	[smem:$0x3FAD] =	sst s1  }
0xa: {  	[smem:$0x3FAE] =	sst s2  }
0xb: {  	[smem:$0x3FAF] =	sst s3  }
0xc: {  	[smem:$0x3FB0] =	sst s4  }
0xd: {  	[smem:$0x3FB1] =	sst s5  }
0xe: {  	[smem:$0x3FB2] =	sst s6  }
0xf: {  	[smem:$0x3FB3] =	sst s7  }
0x10: {  	[smem:$0x3FB4] =	sst s8  }
0x11: {  	[smem:$0x3FB5] =	sst s9;
	s0 =	simm.s32 @!p0 $0x0  }
0x12: {  	s1 =	sld [smem:$0x3F9B];
	s0 =	simm.s32 @p0 $0x1  }
0x13: {  	[smem:$0x3FB6] =	sst s0;
	s0 =	simm.s32 @!p1 $0x0  }
0x14: {  	s2 =	sld [smem:$0x3F9A];
	s0 =	simm.s32 @p1 $0x1  }
0x15: {  	[smem:$0x3FB7] =	sst s0;
	s0 =	simm.s32 @!p2 $0x0  }
0x16: {  	s3 =	sld [smem:$0x3FDB];
	s0 =	simm.s32 @p2 $0x1  }
0x17: {  	s4 =	simm.s32 $0x1BF5;
	[smem:$0x3FB9] =	sst s0  }
0x18: {  	s0 =	sld [smem:$0x3F9C];
	_ =	swait.ge [sflag:s4], $0x0  }
0x19: {  	s7 =	sld [smem:$0x3F9D]  }
0x1a: {  	s8 =	sadd.s32 $0xFFFFE003, lr  }
0x1b: {  	s9 =	sadd.s32 $0xFFFFFEF7, lr;
	s5 =	simm.s32 $0xFFFFFFFF;
	p2 =	slt.u32 s8, $0xFFFFF086  }
0x1c: {  	p1 =	slt.u32 s9, $0xF7A;
	s5 =	simm.s32 @!p2 $0x0  }
0x1d: {  	s5 =	simm.s32 @p1 $0x1;
	p0 =	seq.s32 s7, s2  }
0x1e: {  	s7 =	smul.u32 @!p0 $0xF7A, s2;
	p2 =	seq.s32 @!p0 s5, $0x0  }
0x1f: {  	s9 =	smul.u32 $0xF7A, s1;
	s8 =	simm.s32 @!p0 $0x1BF5;
	p2 =	por !p2, p0  }
0x20: {  	[sflag:s8] =	ssyncset.s32 @!p0 $0xFFFFF086;
	s6 =	sadd.s32 @!p0 s3, s7;
	s7 =	simm.s32 @!p0 $0x108  }
0x21: {  	s3 =	sadd.s32 s3, s9;
	s6 =	sadd.s32 @!p0 $0x88, s6;
	s7 =	simm.s32 @p2 $0x1082  }
0x22: {  	[simem:s7], [sflag:s8] =	dma.local @!p0 [hbm:s6], $0xF7A  }
0x23: {  	s9 =	sor.u32 $0xD0000000, s2;
	s6 =	simm.s32 $0x108;
	_ =	swait.ge @!p0 [sflag:s8], $0x0  }
0x24: {  	s3 =	sadd.s32 $0x88, s3;
	s6 =	simm.s32 @!p1 $0x1082;
	[sflag:s4] =	ssyncset.s32 $0xFFFFF086  }
0x25: {  	[simem:s6], [sflag:s4] =	dma.local [hbm:s3], $0xF7A  }
0x26: {  	[smem:$0x3F9D] =	sst s1;
	(tag) =	ssettag s2;
	_ =	strace s9  }
0x27: {  	s1 =	sld [smem:$0x3FAD]  }
0x28: {  	s2 =	sld [smem:$0x3FAE]  }
0x29: {  	s4 =	sld [smem:$0x3FB0]  }
0x2a: {  	p0 =	seq.s32 s5, $0x0;
	s5 =	sld [smem:$0x3FB1]  }
0x2b: {  	s6 =	sld [smem:$0x3FB2]  }
0x2c: {  	s7 =	sld [smem:$0x3FB3]  }
0x2d: {  	s3 =	simm.s32 $0x108;
	s8 =	sld [smem:$0x3FB4]  }
0x2e: {  	s3 =	simm.s32 @!p0 $0x1082;
	s9 =	sld [smem:$0x3FB5]  }
0x2f: {  	lr =	sadd.s32 s0, s3;
	s0 =	sld [smem:$0x3FAC]  }
0x30: {  	s3 =	sld [smem:$0x3FAF]  }
0x31: {  	[smem:$0x3FB8] =	sst s10  }
0x32: {  	s10 =	sld [smem:$0x3FB6];
	_ =	sdelay $0x3  }
0x33: {  	p0 =	seq.s32 s10, $0x1;
	s10 =	sld [smem:$0x3FB8];
	_ =	sdelay $0x3  }
0x34: {  	[smem:$0x3FB8] =	sst s10  }
0x35: {  	s10 =	sld [smem:$0x3FB7];
	_ =	sdelay $0x3  }
0x36: {  	p1 =	seq.s32 s10, $0x1;
	s10 =	sld [smem:$0x3FB8];
	_ =	sdelay $0x3  }
0x37: {  	[smem:$0x3FB8] =	sst s10  }
0x38: {  	s10 =	sld [smem:$0x3FB9]  }
0x39: {  	_ = 	snop;
	(pc) =	sbr.ind lr, $3  }
0x3a: {  	_ = 	snop  }
0x3b: {  	_ = 	snop  }
0x3c: {  	p2 =	seq.s32 s10, $0x1;
	s10 =	sld [smem:$0x3FB8]  }
0x3d: {  	_ =	shalt  }
0x3e: {  	_ =	shalt  }
0x3f: {  	_ =	shalt  }
0x40: {  	_ =	shalt  }
0x41: {  	_ =	shalt  }
0x42: {  	_ =	shalt  }
0x43: {  	_ =	shalt  }
0x44: {  	_ =	shalt  }
0x45: {  	_ =	shalt  }
0x46: {  	_ =	shalt  }
0x47: {  	_ =	shalt  }
0x48: {  	_ =	shalt  }
0x49: {  	_ =	shalt  }
0x4a: {  	_ =	shalt  }
0x4b: {  	_ =	shalt  }
0x4c: {  	_ =	shalt  }
0x4d: {  	_ =	shalt  }
0x4e: {  	_ =	shalt  }
0x4f: {  	_ =	shalt  }
0x50: {  	_ =	shalt  }
0x51: {  	_ =	shalt  }
0x52: {  	_ =	shalt  }
0x53: {  	_ =	shalt  }
0x54: {  	_ =	shalt  }
0x55: {  	_ =	shalt  }
0x56: {  	_ =	shalt  }
0x57: {  	_ =	shalt  }
0x58: {  	_ =	shalt  }
0x59: {  	_ =	shalt  }
0x5a: {  	_ =	shalt  }
0x5b: {  	_ =	shalt  }
0x5c: {  	_ =	shalt  }
0x5d: {  	_ =	shalt  }
0x5e: {  	_ =	shalt  }
0x5f: {  	_ =	shalt  }
0x60: {  	_ =	shalt  }
0x61: {  	_ =	shalt  }
0x62: {  	_ =	shalt  }
0x63: {  	_ =	shalt  }
0x64: {  	_ =	shalt  }
0x65: {  	_ =	shalt  }
0x66: {  	_ =	shalt  }
0x67: {  	_ =	shalt  }
0x68: {  	_ =	shalt  }
0x69: {  	_ =	shalt  }
0x6a: {  	_ =	shalt  }
0x6b: {  	_ =	shalt  }
0x6c: {  	_ =	shalt  }
0x6d: {  	_ =	shalt  }
0x6e: {  	_ =	shalt  }
0x6f: {  	_ =	shalt  }
0x70: {  	_ =	shalt  }
0x71: {  	_ =	shalt  }
0x72: {  	_ =	shalt  }
0x73: {  	_ =	shalt  }
0x74: {  	_ =	shalt  }
0x75: {  	_ =	shalt  }
0x76: {  	_ =	shalt  }
0x77: {  	_ =	shalt  }
0x78: {  	_ =	shalt  }
0x79: {  	_ =	shalt  }
0x7a: {  	_ =	shalt  }
0x7b: {  	_ =	shalt  }
0x7c: {  	_ =	shalt  }
0x7d: {  	_ =	shalt  }
0x7e: {  	_ =	shalt  }
0x7f: {  	_ =	shalt  }
0x80: {  	_ =	shalt  }
0x81: {  	_ =	shalt  }
0x82: {  	_ =	shalt  }
0x83: {  	_ =	shalt  }
0x84: {  	_ =	shalt  }
0x85: {  	_ =	shalt  }
0x86: {  	_ =	shalt  }
0x87: {  	_ =	shalt  }
.Lfunc_end0:
.L_simem_size_0:
called_computation.3_lowered:
.L_overlay_start_0:
0x88: {  	s2 =	sld [smem:$0x3FD9]  }
0x89: {  	s3 =	sld [smem:$0x3FFE];
	_ =	sdelay $0x1  }
0x8a: {  	s1 =	srdreg.scid  }
0x8b: {  	s0 =	sand.u32 $0x1, s1  }
0x8c: {  	s14 =	sshll.u32 s0, $0xA;
	s2 =	sadd.s32 s3, s2  }
0x8d: {  	s2 =	sadd.s32 s2, s14  }
0x8e: {  	[smem:$0x3FC4] =	sst s2  }
0x8f: {  	_ = 	snop  }
0x90: {  	s2 =	sld [smem:$0x3FD0];
	_ =	sdelay $0x2  }
0x91: {  	s15 =	simm.s32 $0xB;
	s4 =	simm.s32 $0x10  }
0x92: {  	[smem:s4], [sflag:s15] =	dma.local [hbm:s2], $0x1  }
0x93: {  	_ =	swait.eq [sflag:s15], $0x1  }
0x94: {  	[sflag:s15] =	ssyncset.done $0x0  }
0x95: {  	[sflag:s15] =	ssyncadd.s32 $0xFFFFFFFF  }
0x96: {  	s16 =	sld [smem:$0x10];
	(tm) =	ssettm $0x1  }
0x97: {  	s17 =	sld [smem:$0x3FFB];
	_ =	sdelay $0x3  }
0x98: {  	_ =	strace s17  }
0x99: {  	s3 =	sld [smem:$0x3FFC];
	_ =	sdelay $0x3  }
0x9a: {  	_ =	strace s3  }
0x9b: {  	s3 =	sld [smem:$0x3FFD];
	_ =	sdelay $0x3  }
0x9c: {  	_ =	strace s3  }
0x9d: {  	_ =	strace $0x8FFFFFFF  }
0x9e: {  	s18 =	sld [smem:$0x3FDB];
	_ =	sdelay $0x1  }
0x9f: {  	s19 =	simm.s32 $_scs_section_size  }
0xa0: {  	s5 =	simm.s32 $_size__tile_overlayer_lowered;
	s6 =	simm.s32 $_tile_overlayer_lowered  }
0xa1: {  	s22 =	simm.s32 $0x1BFF;
	s21 =	sshll.u32 s6, $0x1;
	s3 =	sadd.s32 s19, s18  }
0xa2: {  	s7 =	simm.s32 $0x0;
	s20 =	sshll.u32 s5, $0x1;
	s5 =	sadd.s32 s21, s3  }
0xa3: {  	[timem:s7], [sflag:s22] =	dma.local [hbm:s5], s20  }
0xa4: {  	_ =	swait.ge [sflag:s22], s20  }
0xa5: {  	s4 =	ssub.s32 $0x0, s20;
	[sflag:s22] =	ssyncset.done $0x0  }
0xa6: {  	[sflag:s22] =	ssyncadd.s32 s4;
	_ =	sdelay $0x1  }
0xa7: {  	s23 =	simm.s32 $0x1B8B  }
0xa8: {  	_ =	swait.ge [sflag:s23], $0x1  }
0xa9: {  	[sflag:s23] =	ssyncset.done $0x0  }
0xaa: {  	s25 =	simm.s32 $0x1B8E;
	s24 =	sld [smem:$0x3FFE];
	[sflag:s23] =	ssyncadd.s32 $0xFFFFFFFF  }
0xab: {  	s26 =	simm.s32 $execute0_lowered;
	[smem:$0x3FD2] =	sst s25  }
0xac: {  	s5 =	sshll.u32 s26, $0x1;
	_ =	strace $0x8000004F;
	[dreg:$0x1] =	wrdreg $0xFFFFFFFF  }
0xad: {  	s28 =	simm.s32 $_size_execute0_lowered;
	s3 =	sadd.s32 s3, s5;
	[dreg:$0x0] =	wrdreg $0x0  }
0xae: {  	s5 =	sshll.u32 s28, $0x1;
	[dreg:$0x2] =	wrdreg s3  }
0xaf: {  	[dreg:$0x3] =	wrdreg s5  }
0xb0: {  	[dreg:$0x4] =	wrdreg $0xC0  }
0xb1: {  	_ =	task [dreg:s7], $0x5FFFF  }
0xb2: {  	[dreg:$0x1] =	wrdreg $0xFFFFFFFF  }
0xb3: {  	[dreg:$0x0] =	wrdreg $0x60  }
0xb4: {  	[dreg:$0x2] =	wrdreg s16  }
0xb5: {  	[dreg:$0x3] =	wrdreg s24  }
0xb6: {  	[dreg:$0x4] =	wrdreg $0x76C00  }
0xb7: {  	[dreg:$0x5] =	wrdreg $0x9  }
0xb8: {  	_ =	task.clear_ibuf [dreg:s7], $0x6FFFF;
	_ =	strace $0x9000004F  }
0xb9: {  	s29 =	simm.s32 $0x9;
	_ =	strace $0x80000051  }
0xba: {  	_ =	swait.ge [sflag:s29], $0x1  }
0xbb: {  	[sflag:s29] =	ssyncadd.s32 $0xFFFFFFFF  }
0xbc: {  	_ =	strace $0x90000051  }
0xbd: {  	_ =	sfence  }
0xbe: {  	s30 =	sld [smem:$0x0];
	_ =	sdelay $0x2  }
0xbf: {  	s31 =	sshll.u32 s1, $0xD;
	s1 =	sshrl.u32 s1, $0x2  }
0xc0: {  	s3 =	sand.u32 $0x4000, s31;
	s1 =	sadd.s32 s1, s30  }
0xc1: {  	s0 =	sor.u32 s3, s0;
	s1 =	sshll.u32 s1, $0x11  }
0xc2: {  	s0 =	sor.u32 s1, s0  }
0xc3: {  	s0 =	sadd.s32 $0x8F2B, s0  }
0xc4: {  	[sflag:s0] =	ssyncadd.remote.s32 $0x1  }
0xc5: {  	_ =	sfence.sel $0xFFFF  }
0xc6: {  	[dreg:$0x0] =	wrdreg $0xFFFFFFFF;
	(pc) =	sbr.abs _section_cstart, $3  }
0xc7: {  	[dreg:$0x1] =	wrdreg $0xFFFFFFFF  }
0xc8: {  	_ =	task.clear_ibuf [dreg:s7], $0x2FFFF;
	_ =	strace $0x9FFFFFFF  }
0xc9: {  	(tm) =	ssettm $0x7FFFFFFF  }
tec
execute0_lowered:
.L_overlay_start_1:
0x0: {  	(tag) =	ssettag $0x1  }
0x1: {  	s0 =	rddreg [dreg:$0x0]  }
0x2: {  	s1 =	rddreg [dreg:$0x1]  }
0x3: {  	s2 =	rddreg [dreg:$0x2];
	s17 =	stileid.u32  }
0x4: {  	s4 =	srdreg.scid;
	s3 =	simm.s32 $0x0;
	s5 =	smul.u32 $0x18700, s17  }
0x5: {  	s22 =	simm.s32 $0x5;
	s28 =	simm.s32 $0x4;
	s7 =	smul.u32 $0x61C00, s17  }
0x6: {  	s29 =	simm.s32 $0x0;
	s4 =	sand.u32 $0x1, s4;
	s10 =	smul.u32 $0x186A0, s17  }
0x7: {  	[smem:$0x7FF] =	sst s3;
	s19 =	sadd.s32 $0x69C00, s1;
	s21 =	smul.u32 $0x30D4, s17  }
0x8: {  	s18 =	sadd.s32 $0x38E00, s1;
	s16 =	smul.u32 $0x187000, s4;
	s4 =	ssub.s32 $0x2, s4  }
0x9: {  	_ =	strace $0x80000050;
	s8 =	sshrl.u32 s4, $0x1;
	s23 =	sshrl.u32 s7, $0x2  }
0xa: {  	s14 =	sshrl.u32 s10, $0x3;
	s30 =	sadd.s32 s21, s18;
	s31 =	sadd.s32 s21, s19  }
0xb: {  	s21 =	simm.s32 $0x12C0;
	s6 =	sadd.s32 s5, s16;
	s20 =	ssub.s32 s4, s8  }
0xc: {  	s4 =	sadd.s32 s5, s2;
	s11 =	sadd.s32 s23, s2;
	s12 =	sadd.s32 s19, s14  }
0xd: {  	s13 =	sadd.s32 s18, s14;
	s15 =	sadd.s32 $0x64, s14;
	s16 =	sshrl.u32 s16, $0x3  }
0xe: {  	s6 =	sshrl.u32 s6, $0x3;
	s24 =	sadd.s32 $0x3200, s11;
	s25 =	sadd.s32 $0x6400, s11  }
0xf: {  	s26 =	sadd.s32 $0x9600, s11;
	s8 =	sadd.s32 $0xC800, s11;
	s9 =	sadd.s32 $0xFA00, s11  }
0x10: {  	s10 =	sadd.s32 $0x12C00, s11;
	s11 =	sadd.s32 $0x15E00, s11;
	s14 =	sadd.s32 s19, s15  }
0x11: {  	s15 =	sadd.s32 s18, s15;
	s16 =	sadd.s32 s0, s16;
	[dreg:$0x4] =	wrdreg s24  }
0x12: {  	s18 =	smax.u32 s20, $0x1;
	s0 =	sadd.s32 $0xC8, s30;
	[dreg:$0x5] =	wrdreg s25  }
0x13: {  	s20 =	sadd.s32 $0xC8, s31;
	s1 =	sadd.s32 s6, s1;
	[dreg:$0x6] =	wrdreg s26  }
0x14: {  	v0 =	vimm.f32 $0.0e+00;
	s24 =	simm.s32 $0x1;
	s25 =	simm.s32 $0x320;
	s17 =	sadd.s32 $0x9AA00, s1  }
.LBB2_1:
0x15: {  	s1 =	simm.s32 $0x40;
	s19 =	simm.s32 $0x0  }
.LBB2_2:
0x16: {  	p0 =	sne.s32 s1, $0xC7C0;
	[tilespmem:s19+$0x12C0] =	vst v0;
	s19 =	smov.u32 s1;
	s1 =	sadd.s32 $0x40, s1  }
.Ltmp0:
0x17: {  	(pc) =	sbr.rel @p0 .LBB2_2-.Ltmp0, $2  }
0x18: {  	_ =	sdelay $0x2  }
0x19: {  	s19 =	sshra.s32 s19, $0x2  }
0x1a: {  	[tilespmem:s19+$0x12C0] =	vst v0  }
0x1b: {  	[spmem:s4] =	stream.linear.scatter [tilespmem:s21], [sflag:$0x5], $0x3200, $0x38;
	[tilespmem:$0x1FDC0] =	vst v63  }
0x1c: {  	_ =	swait.ge [sflag:s22], $0x3200  }
0x1d: {  	[sflag:s22] =	ssyncset.done $0x0  }
0x1e: {  	s1 =	rddreg [dreg:$0x4];
	[sflag:s22] =	ssyncadd.s32 $0xFFFFCE00  }
0x1f: {  	[spmem:s1] =	stream.linear.scatter [tilespmem:s21], [sflag:$0x5], $0x3200, $0x38;
	[tilespmem:$0x1FDC0] =	vst v63  }
0x20: {  	_ =	swait.ge [sflag:s22], $0x3200  }
0x21: {  	[sflag:s22] =	ssyncset.done $0x0  }
0x22: {  	s7 =	rddreg [dreg:$0x5];
	[sflag:s22] =	ssyncadd.s32 $0xFFFFCE00  }
0x23: {  	[spmem:s7] =	stream.linear.scatter [tilespmem:s21], [sflag:$0x5], $0x3200, $0x38;
	[tilespmem:$0x1FDC0] =	vst v63  }
0x24: {  	_ =	swait.ge [sflag:s22], $0x3200  }
0x25: {  	[sflag:s22] =	ssyncset.done $0x0  }
0x26: {  	s19 =	rddreg [dreg:$0x6];
	[sflag:s22] =	ssyncadd.s32 $0xFFFFCE00  }
0x27: {  	[spmem:s19] =	stream.linear.scatter [tilespmem:s21], [sflag:$0x5], $0x3200, $0x38;
	[tilespmem:$0x1FDC0] =	vst v63  }
0x28: {  	_ =	swait.ge [sflag:s22], $0x3200  }
0x29: {  	[sflag:s22] =	ssyncset.done $0x0  }
0x2a: {  	[sflag:s22] =	ssyncadd.s32 $0xFFFFCE00  }
0x2b: {  	[spmem:s8] =	stream.linear.scatter [tilespmem:s21], [sflag:$0x5], $0x3200, $0x38;
	[tilespmem:$0x1FDC0] =	vst v63  }
0x2c: {  	_ =	swait.ge [sflag:s22], $0x3200  }
0x2d: {  	[sflag:s22] =	ssyncset.done $0x0  }
0x2e: {  	[sflag:s22] =	ssyncadd.s32 $0xFFFFCE00  }
0x2f: {  	[spmem:s9] =	stream.linear.scatter [tilespmem:s21], [sflag:$0x5], $0x3200, $0x38;
	[tilespmem:$0x1FDC0] =	vst v63  }
0x30: {  	_ =	swait.ge [sflag:s22], $0x3200  }
0x31: {  	[sflag:s22] =	ssyncset.done $0x0  }
0x32: {  	[sflag:s22] =	ssyncadd.s32 $0xFFFFCE00  }
0x33: {  	[spmem:s10] =	stream.linear.scatter [tilespmem:s21], [sflag:$0x5], $0x3200, $0x38;
	[tilespmem:$0x1FDC0] =	vst v63  }
0x34: {  	_ =	swait.ge [sflag:s22], $0x3200  }
0x35: {  	[sflag:s22] =	ssyncset.done $0x0  }
0x36: {  	[sflag:s22] =	ssyncadd.s32 $0xFFFFCE00  }
0x37: {  	[spmem:s11] =	stream.linear.scatter [tilespmem:s21], [sflag:$0x5], $0x2900, $0x38;
	[tilespmem:$0x1FDC0] =	vst v63  }
0x38: {  	_ =	swait.ge [sflag:s22], $0x2900  }
0x39: {  	[sflag:s22] =	ssyncset.done $0x0  }
0x3a: {  	[sflag:s22] =	ssyncadd.s32 $0xFFFFD700  }
0x3b: {  	[bflag:$0x0] =	sbarrier.arrive $0xFFFF  }
0x3c: {  	[tilespmem:s3], [sflag:$0x1] =	stream.linear.gather [hbm4b:s12+s3], $0x320, $0x38;
	[tilespmem:$0x1FDC0] =	vst v63  }
0x3d: {  	s23 =	simm.s32 $0x960  }
0x3e: {  	[tilespmem:s23], [sflag:$0x1] =	stream.linear.gather [hbm4b:s13+s3], $0x320, $0x38;
	[tilespmem:$0x1FDC0] =	vst v63  }
0x3f: {  	_ =	swait.ge [sflag:s24], $0x320  }
0x40: {  	[sflag:s24] =	ssyncset.done $0x0  }
0x41: {  	[sflag:s24] =	ssyncadd.s32 $0xFFFFFCE0  }
0x42: {  	_ =	swait.ge [sflag:s24], $0x320  }
0x43: {  	[sflag:s24] =	ssyncset.done $0x0  }
0x44: {  	[sflag:s24] =	ssyncadd.s32 $0xFFFFFCE0  }
0x45: {  	[tilespmem:s25], [sflag:$0x1] =	stream.linear.gather [hbm4b:s14+s3], $0x320, $0x38;
	[tilespmem:$0x1FDC0] =	vst v63  }
0x46: {  	s26 =	simm.s32 $0xC80  }
0x47: {  	[tilespmem:s26], [sflag:$0x1] =	stream.linear.gather [hbm4b:s15+s3], $0x320, $0x38;
	[tilespmem:$0x1FDC0] =	vst v63  }
0x48: {  	s30 =	simm.s32 $0x2;
	s31 =	smov.u32 s20;
	s19 =	smov.u32 s0  }
0x49: {  	[tilespmem:s21], [sflag:$0x2] =	stream.indirect.gather [hbm4b:s16+s25], $0x10, s3, s25, $0xb8;
	[tilespmem:$0x1FDC0] =	vst v63  }
.LBB2_4:
0x4a: {  	p0 =	seq.s32 s30, $0x2  }
0x4b: {  	s5 =	simm.s32 @!p0 $0x4  }
0x4c: {  	s26 =	smul.u32 $0xAB, s30;
	p1 =	seq.s32 @!p0 s30, $0x7E;
	_ =	swait.ge @!p0 [sflag:s5], $0x3200  }
0x4d: {  	p1 =	por p0, !p1;
	[sflag:s5] =	ssyncset.done @!p0 $0x0  }
0x4e: {  	[sflag:s5] =	ssyncadd.s32 @!p0 $0xFFFFCE00;
	s5 =	sadd.s32 @p1 $0xFFFFFF55, s26  }
0x4f: {  	s5 =	sshrl.u32 @p1 s5, $0x9  }
0x50: {  	s5 =	sand.u32 @p1 $0x7F, s5  }
0x51: {  	s5 =	smul.u32 @p1 $0x3, s5  }
0x52: {  	s1 =	sadd.s32 $0xFFFFFFFE, s30  }
0x53: {  	s23 =	sand.u32 $0x1, s1;
	_ =	swait.ge @p1 [sflag:s24], $0x320;
	s5 =	sxor.u32 @p1 $0xFFFFFFFF, s5  }
0x54: {  	s6 =	sxor.u32 @p1 $0x1, s23;
	[sflag:s24] =	ssyncset.done @p1 $0x0;
	s5 =	sadd.s32 @p1 s30, s5  }
0x55: {  	s7 =	smul.u32 @p1 $0xC800, s6;
	[sflag:s24] =	ssyncadd.s32 @p1 $0xFFFFFCE0;
	s5 =	sand.u32 @p1 $0xFF, s5  }
0x56: {  	_ =	swait.ge @p1 [sflag:s24], $0x320;
	s5 =	smul.u32 @p1 $0xC80, s5  }
0x57: {  	s6 =	sor.u32 @p1 $0x2, s6;
	s7 =	sshrl.u32 @p1 s7, $0x2;
	[sflag:s24] =	ssyncset.done @p1 $0x0  }
0x58: {  	s7 =	sadd.s32 @p1 $0x12C0, s7;
	[sflag:s24] =	ssyncadd.s32 @p1 $0xFFFFFCE0;
	s5 =	sshrl.u32 @p1 s5, $0x2  }
0x59: {  	[tilespmem:s7], [sflag:s6] =	stream.indirect.gather @p1 [hbm4b:s16+s25], $0x10, s5, s25, $0xb8;
	[tilespmem:$0x1FDC0] =	vst v63  }
0x5a: {  	s6 =	sadd.s32 $0xFFFFFEAA, s26  }
0x5b: {  	s5 =	sshrl.u32 s6, $0x9  }
0x5c: {  	s5 =	sand.u32 $0x7F, s5  }
0x5d: {  	s5 =	smul.u32 $0x3, s5;
	_ =	sdelay $0x1  }
0x5e: {  	s5 =	ssub.s32 s1, s5  }
0x5f: {  	s7 =	sshrl.u32 s26, $0x9;
	s26 =	smul.u32 $0xC800, s23;
	s5 =	sand.u32 $0xFF, s5  }
0x60: {  	s23 =	sor.u32 $0x2, s23;
	s6 =	sand.u32 $0x7F, s7;
	s5 =	smul.u32 $0xC80, s5  }
0x61: {  	_ =	swait.ge [sflag:s23], $0x3200;
	s6 =	smul.u32 $0x3, s6;
	s7 =	sshrl.u32 s26, $0x2  }
0x62: {  	[sflag:s23] =	ssyncset.done $0x0;
	s7 =	sadd.s32 $0x12C0, s7;
	s5 =	sshrl.u32 s5, $0x2  }
0x63: {  	[sflag:s23] =	ssyncadd.s32 $0xFFFFCE00;
	s6 =	ssub.s32 s30, s6;
	s5 =	sadd.s32 $0x960, s5  }
0x64: {  	[spmem:s2] =	stream.indirect.scatter.add.f32 [tilespmem:s7], [sflag:$0x4], $0x10, s5, s25, $0xb8;
	[tilespmem:$0x1FDC0] =	vst v63  }
0x65: {  	p0 =	sgt.u32 s1, $0x7A;
	s5 =	sand.u32 $0xFF, s6  }
0x66: {  	s1 =	smul.u32 @!p0 $0x320, s5  }
0x67: {  	s5 =	simm.s32 @!p0 $0x0  }
0x68: {  	[tilespmem:s1], [sflag:$0x1] =	stream.linear.gather @!p0 [hbm4b:s31+s5], $0x320, $0x38;
	[tilespmem:$0x1FDC0] =	vst v63  }
0x69: {  	s30 =	sadd.s32 $0x1, s30;
	s1 =	sadd.s32 @!p0 $0x960, s1  }
0x6a: {  	[tilespmem:s1], [sflag:$0x1] =	stream.linear.gather @!p0 [hbm4b:s19+s5], $0x320, $0x38;
	[tilespmem:$0x1FDC0] =	vst v63  }
0x6b: {  	p0 =	sne.s32 s30, $0x7F  }
.Ltmp1:
0x6c: {  	_ = 	snop;
	(pc) =	sbr.rel @p0 .LBB2_4-.Ltmp1, $2  }
0x6d: {  	_ =	sdelay $0x2  }
0x6e: {  	s31 =	sadd.s32 $0x64, s31;
	s19 =	sadd.s32 $0x64, s19  }
0x6f: {  	_ =	swait.ge [sflag:s28], $0x3200;
	s1 =	stileid.u32  }
0x70: {  	s5 =	sshrl.u32 s4, $0x3;
	s29 =	sadd.s32 $0x1, s29;
	[sflag:s28] =	ssyncset.done $0x0  }
0x71: {  	s1 =	sshll.u32 s1, $0x6;
	p0 =	sne.s32 s29, s18;
	[sflag:s28] =	ssyncadd.s32 $0xFFFFCE00  }
.Ltmp2:
0x72: {  	s1 =	sor.u32 $0x1C05, s1;
	[bflag:$0x0] =	sbarrier.arrive $0xFFFF;
	(pc) =	sbr.rel @p0 .LBB2_1-.Ltmp2, $4  }
0x73: {  	[hbm:s17], [sflag:s1] =	dma.local [spmem:s5], $0x30E0  }
0x74: {  	_ =	swait.ge [sflag:s22], $0x30E0  }
0x75: {  	[sflag:s22] =	ssyncset.done $0x0  }
0x76: {  	[sflag:s22] =	ssyncadd.s32 $0xFFFFCF20  }
0x77: {  	_ =	sfence.sel $0x180000  }
0x78: {  	[bflag:$0x0] =	sbarrier.arrive $0xFFFF  }
0x79: {  	_ =	strace $0x90000050  }
0x7a: {  	s0 =	stileid.u32;
	[bflag:$0x2] =	sbarrier.arrive $0xFFFF  }
0x7b: {  	p0 =	sne.s32 s0, $0x0;
	s0 =	rddreg [dreg:$0x3]  }
0x7c: {  	s0 =	sadd.s32 @!p0 $0x100000, s0  }
0x7d: {  	[sflag:s0] =	ssyncadd.tile.s32 @!p0 $0x1;
	_ =	shalt  }
.Lfunc_end2:
_tile_overlayer_lowered:
.L_overlay_start_2:
0x7e: {  	(tag) =	ssettag $0x2  }
0x7f: {  	s0 =	rddreg [dreg:$0x0];
	s2 =	stileid.u32  }
0x80: {  	s1 =	rddreg [dreg:$0x1];
	p0 =	sne.s32 s2, $0x0  }
0x81: {  	s3 =	rddreg [dreg:$0x2];
	[bflag:$0x3] =	sbarrier.arrive $0xFFFF;
	s2 =	simm.s32 @!p0 $0x1C05  }
0x82: {  	[timem:s3], [sflag:s2] =	dma.local @!p0 [hbm:s0], s1  }
0x83: {  	s0 =	simm.s32 @!p0 $0x5  }
0x84: {  	_ =	swait.ge @!p0 [sflag:s0], s1  }
0x85: {  	s1 =	ssub.s32 @!p0 $0x0, s1;
	[sflag:s0] =	ssyncset.done @!p0 $0x0  }
0x86: {  	[sflag:s0] =	ssyncadd.s32 @!p0 s1  }
0x87: {  	[bflag:$0x3] =	sbarrier.arrive $0xFFFF  }
0x88: {  	_ =	shalt  }

// kernel: kernel.9.cloned.1.call-start
scs
__scs_entry_jumppad:
0x0: {  	(pc) =	sbr.rel $0x88, $3  }
0x1: {  	(tag) =	ssettag $0x0;
	lr =	simm.s32 $0x1  }
0x2: {  	[smem:$0x3F9D] =	sst lr;
	_ =	strace $0xD0000000  }
0x3: {  	_ = 	snop  }
0x4: {  	_ = 	snop  }
0x5: {  	_ = 	snop  }
0x6: {  	_ = 	snop  }
0x7: {  	_ = 	snop  }
__scs_overlays_trampoline_lowered:
0x8: {  	[smem:$0x3FAC] =	sst s0  }
0x9: {  	[smem:$0x3FAD] =	sst s1  }
0xa: {  	[smem:$0x3FAE] =	sst s2  }
0xb: {  	[smem:$0x3FAF] =	sst s3  }
0xc: {  	[smem:$0x3FB0] =	sst s4  }
0xd: {  	[smem:$0x3FB1] =	sst s5  }
0xe: {  	[smem:$0x3FB2] =	sst s6  }
0xf: {  	[smem:$0x3FB3] =	sst s7  }
0x10: {  	[smem:$0x3FB4] =	sst s8  }
0x11: {  	[smem:$0x3FB5] =	sst s9;
	s0 =	simm.s32 @!p0 $0x0  }
0x12: {  	s1 =	sld [smem:$0x3F9B];
	s0 =	simm.s32 @p0 $0x1  }
0x13: {  	[smem:$0x3FB6] =	sst s0;
	s0 =	simm.s32 @!p1 $0x0  }
0x14: {  	s2 =	sld [smem:$0x3F9A];
	s0 =	simm.s32 @p1 $0x1  }
0x15: {  	[smem:$0x3FB7] =	sst s0;
	s0 =	simm.s32 @!p2 $0x0  }
0x16: {  	s3 =	sld [smem:$0x3FDB];
	s0 =	simm.s32 @p2 $0x1  }
0x17: {  	s4 =	simm.s32 $0x1BF5;
	[smem:$0x3FB9] =	sst s0  }
0x18: {  	s0 =	sld [smem:$0x3F9C];
	_ =	swait.ge [sflag:s4], $0x0  }
0x19: {  	s7 =	sld [smem:$0x3F9D]  }
0x1a: {  	s8 =	sadd.s32 $0xFFFFE003, lr  }
0x1b: {  	s9 =	sadd.s32 $0xFFFFFEF7, lr;
	s5 =	simm.s32 $0xFFFFFFFF;
	p2 =	slt.u32 s8, $0xFFFFF086  }
0x1c: {  	p1 =	slt.u32 s9, $0xF7A;
	s5 =	simm.s32 @!p2 $0x0  }
0x1d: {  	s5 =	simm.s32 @p1 $0x1;
	p0 =	seq.s32 s7, s2  }
0x1e: {  	s7 =	smul.u32 @!p0 $0xF7A, s2;
	p2 =	seq.s32 @!p0 s5, $0x0  }
0x1f: {  	s9 =	smul.u32 $0xF7A, s1;
	s8 =	simm.s32 @!p0 $0x1BF5;
	p2 =	por !p2, p0  }
0x20: {  	[sflag:s8] =	ssyncset.s32 @!p0 $0xFFFFF086;
	s6 =	sadd.s32 @!p0 s3, s7;
	s7 =	simm.s32 @!p0 $0x108  }
0x21: {  	s3 =	sadd.s32 s3, s9;
	s6 =	sadd.s32 @!p0 $0x88, s6;
	s7 =	simm.s32 @p2 $0x1082  }
0x22: {  	[simem:s7], [sflag:s8] =	dma.local @!p0 [hbm:s6], $0xF7A  }
0x23: {  	s9 =	sor.u32 $0xD0000000, s2;
	s6 =	simm.s32 $0x108;
	_ =	swait.ge @!p0 [sflag:s8], $0x0  }
0x24: {  	s3 =	sadd.s32 $0x88, s3;
	s6 =	simm.s32 @!p1 $0x1082;
	[sflag:s4] =	ssyncset.s32 $0xFFFFF086  }
0x25: {  	[simem:s6], [sflag:s4] =	dma.local [hbm:s3], $0xF7A  }
0x26: {  	[smem:$0x3F9D] =	sst s1;
	(tag) =	ssettag s2;
	_ =	strace s9  }
0x27: {  	s1 =	sld [smem:$0x3FAD]  }
0x28: {  	s2 =	sld [smem:$0x3FAE]  }
0x29: {  	s4 =	sld [smem:$0x3FB0]  }
0x2a: {  	p0 =	seq.s32 s5, $0x0;
	s5 =	sld [smem:$0x3FB1]  }
0x2b: {  	s6 =	sld [smem:$0x3FB2]  }
0x2c: {  	s7 =	sld [smem:$0x3FB3]  }
0x2d: {  	s3 =	simm.s32 $0x108;
	s8 =	sld [smem:$0x3FB4]  }
0x2e: {  	s3 =	simm.s32 @!p0 $0x1082;
	s9 =	sld [smem:$0x3FB5]  }
0x2f: {  	lr =	sadd.s32 s0, s3;
	s0 =	sld [smem:$0x3FAC]  }
0x30: {  	s3 =	sld [smem:$0x3FAF]  }
0x31: {  	[smem:$0x3FB8] =	sst s10  }
0x32: {  	s10 =	sld [smem:$0x3FB6];
	_ =	sdelay $0x3  }
0x33: {  	p0 =	seq.s32 s10, $0x1;
	s10 =	sld [smem:$0x3FB8];
	_ =	sdelay $0x3  }
0x34: {  	[smem:$0x3FB8] =	sst s10  }
0x35: {  	s10 =	sld [smem:$0x3FB7];
	_ =	sdelay $0x3  }
0x36: {  	p1 =	seq.s32 s10, $0x1;
	s10 =	sld [smem:$0x3FB8];
	_ =	sdelay $0x3  }
0x37: {  	[smem:$0x3FB8] =	sst s10  }
0x38: {  	s10 =	sld [smem:$0x3FB9]  }
0x39: {  	_ = 	snop;
	(pc) =	sbr.ind lr, $3  }
0x3a: {  	_ = 	snop  }
0x3b: {  	_ = 	snop  }
0x3c: {  	p2 =	seq.s32 s10, $0x1;
	s10 =	sld [smem:$0x3FB8]  }
0x3d: {  	_ =	shalt  }
0x3e: {  	_ =	shalt  }
0x3f: {  	_ =	shalt  }
0x40: {  	_ =	shalt  }
0x41: {  	_ =	shalt  }
0x42: {  	_ =	shalt  }
0x43: {  	_ =	shalt  }
0x44: {  	_ =	shalt  }
0x45: {  	_ =	shalt  }
0x46: {  	_ =	shalt  }
0x47: {  	_ =	shalt  }
0x48: {  	_ =	shalt  }
0x49: {  	_ =	shalt  }
0x4a: {  	_ =	shalt  }
0x4b: {  	_ =	shalt  }
0x4c: {  	_ =	shalt  }
0x4d: {  	_ =	shalt  }
0x4e: {  	_ =	shalt  }
0x4f: {  	_ =	shalt  }
0x50: {  	_ =	shalt  }
0x51: {  	_ =	shalt  }
0x52: {  	_ =	shalt  }
0x53: {  	_ =	shalt  }
0x54: {  	_ =	shalt  }
0x55: {  	_ =	shalt  }
0x56: {  	_ =	shalt  }
0x57: {  	_ =	shalt  }
0x58: {  	_ =	shalt  }
0x59: {  	_ =	shalt  }
0x5a: {  	_ =	shalt  }
0x5b: {  	_ =	shalt  }
0x5c: {  	_ =	shalt  }
0x5d: {  	_ =	shalt  }
0x5e: {  	_ =	shalt  }
0x5f: {  	_ =	shalt  }
0x60: {  	_ =	shalt  }
0x61: {  	_ =	shalt  }
0x62: {  	_ =	shalt  }
0x63: {  	_ =	shalt  }
0x64: {  	_ =	shalt  }
0x65: {  	_ =	shalt  }
0x66: {  	_ =	shalt  }
0x67: {  	_ =	shalt  }
0x68: {  	_ =	shalt  }
0x69: {  	_ =	shalt  }
0x6a: {  	_ =	shalt  }
0x6b: {  	_ =	shalt  }
0x6c: {  	_ =	shalt  }
0x6d: {  	_ =	shalt  }
0x6e: {  	_ =	shalt  }
0x6f: {  	_ =	shalt  }
0x70: {  	_ =	shalt  }
0x71: {  	_ =	shalt  }
0x72: {  	_ =	shalt  }
0x73: {  	_ =	shalt  }
0x74: {  	_ =	shalt  }
0x75: {  	_ =	shalt  }
0x76: {  	_ =	shalt  }
0x77: {  	_ =	shalt  }
0x78: {  	_ =	shalt  }
0x79: {  	_ =	shalt  }
0x7a: {  	_ =	shalt  }
0x7b: {  	_ =	shalt  }
0x7c: {  	_ =	shalt  }
0x7d: {  	_ =	shalt  }
0x7e: {  	_ =	shalt  }
0x7f: {  	_ =	shalt  }
0x80: {  	_ =	shalt  }
0x81: {  	_ =	shalt  }
0x82: {  	_ =	shalt  }
0x83: {  	_ =	shalt  }
0x84: {  	_ =	shalt  }
0x85: {  	_ =	shalt  }
0x86: {  	_ =	shalt  }
0x87: {  	_ =	shalt  }
.Lfunc_end0:
.L_simem_size_0:
called_computation_lowered:
.L_overlay_start_0:
0x88: {  	s2 =	sld [smem:$0x3FD9]  }
0x89: {  	s3 =	sld [smem:$0x3FFE];
	_ =	sdelay $0x1  }
0x8a: {  	s1 =	srdreg.scid  }
0x8b: {  	s0 =	sand.u32 $0x1, s1  }
0x8c: {  	s17 =	sshll.u32 s0, $0xA;
	s2 =	sadd.s32 s3, s2  }
0x8d: {  	s2 =	sadd.s32 s2, s17  }
0x8e: {  	[smem:$0x3FC4] =	sst s2  }
0x8f: {  	_ = 	snop  }
0x90: {  	(tm) =	ssettm $0x1  }
0x91: {  	s18 =	sld [smem:$0x3FFB];
	_ =	sdelay $0x3  }
0x92: {  	_ =	strace s18  }
0x93: {  	s2 =	sld [smem:$0x3FFC];
	_ =	sdelay $0x3  }
0x94: {  	_ =	strace s2  }
0x95: {  	s2 =	sld [smem:$0x3FFD];
	_ =	sdelay $0x3  }
0x96: {  	_ =	strace s2  }
0x97: {  	_ =	strace $0x8FFFFFFF  }
0x98: {  	s19 =	sld [smem:$0x3FDB];
	_ =	sdelay $0x1  }
0x99: {  	s20 =	simm.s32 $_scs_section_size  }
0x9a: {  	s4 =	simm.s32 $_size__tile_overlayer_lowered;
	s5 =	simm.s32 $_tile_overlayer_lowered  }
0x9b: {  	s6 =	simm.s32 $0x1BFF;
	s21 =	sshll.u32 s5, $0x1;
	s3 =	sadd.s32 s20, s19  }
0x9c: {  	s22 =	simm.s32 $0x0;
	s4 =	sshll.u32 s4, $0x1;
	s5 =	sadd.s32 s21, s3  }
0x9d: {  	[timem:s22], [sflag:s6] =	dma.local [hbm:s5], s4  }
0x9e: {  	_ =	swait.ge [sflag:s6], s4  }
0x9f: {  	s4 =	ssub.s32 $0x0, s4;
	[sflag:s6] =	ssyncset.done $0x0  }
0xa0: {  	[sflag:s6] =	ssyncadd.s32 s4;
	_ =	sdelay $0x1  }
0xa1: {  	s23 =	simm.s32 $0x1B8B  }
0xa2: {  	_ =	swait.ge [sflag:s23], $0x1  }
0xa3: {  	[sflag:s23] =	ssyncset.done $0x0  }
0xa4: {  	[sflag:s23] =	ssyncadd.s32 $0xFFFFFFFF  }
0xa5: {  	s4 =	sld [smem:$0x0]  }
0xa6: {  	s5 =	sand.u32 $0xFFFFFFFE, s1  }
0xa7: {  	p0 =	sne.s32 s1, s5  }
0xa8: {  	s5 =	sshll.u32 @p0 s5, $0xE  }
0xa9: {  	s5 =	sadd.s32 @p0 $0x11B8D, s5;
	s6 =	sshll.u32 @p0 s4, $0x11  }
0xaa: {  	s5 =	sor.u32 @p0 s6, s5  }
0xab: {  	[sflag:s5] =	ssyncadd.remote.s32 @p0 $0x1;
	_ =	sdelay $0x1  }
0xac: {  	s5 =	simm.s32 @p0 $0x1B8D  }
0xad: {  	_ =	swait.eq @p0 [sflag:s5], $0x1  }
0xae: {  	[sflag:s5] =	ssyncadd.s32 @p0 $0xFFFFFFFF  }
0xaf: {  	s6 =	sshll.u32 @!p0 s1, $0xE  }
0xb0: {  	s6 =	sor.u32 @!p0 $0x4000, s6;
	s5 =	simm.s32 @!p0 $0x1B8D  }
0xb1: {  	s4 =	sshll.u32 @!p0 s4, $0x11;
	s6 =	sadd.s32 @!p0 $0x11B8D, s6;
	_ =	swait.eq @!p0 [sflag:s5], $0x1  }
0xb2: {  	s4 =	sor.u32 @!p0 s4, s6;
	[sflag:s5] =	ssyncadd.s32 @!p0 $0xFFFFFFFF  }
0xb3: {  	s25 =	simm.s32 $0x1B8E;
	s24 =	sld [smem:$0x3FFE];
	[sflag:s4] =	ssyncadd.remote.s32 @!p0 $0x1  }
0xb4: {  	s26 =	simm.s32 $execute0_lowered;
	[smem:$0x3FD2] =	sst s25  }
0xb5: {  	s5 =	sshll.u32 s26, $0x1;
	_ =	strace $0x80000049;
	[dreg:$0x1] =	wrdreg $0xFFFFFFFF  }
0xb6: {  	s28 =	simm.s32 $_size_execute0_lowered;
	s3 =	sadd.s32 s3, s5;
	[dreg:$0x0] =	wrdreg $0x0  }
0xb7: {  	s5 =	sshll.u32 s28, $0x1;
	[dreg:$0x2] =	wrdreg s3  }
0xb8: {  	[dreg:$0x3] =	wrdreg s5  }
0xb9: {  	[dreg:$0x4] =	wrdreg $0xC0  }
0xba: {  	_ =	task [dreg:s22], $0x5FFFF  }
0xbb: {  	[dreg:$0x1] =	wrdreg $0xFFFFFFFF  }
0xbc: {  	[dreg:$0x0] =	wrdreg $0x60  }
0xbd: {  	[dreg:$0x2] =	wrdreg s24  }
0xbe: {  	[dreg:$0x3] =	wrdreg $0x4E200  }
0xbf: {  	[dreg:$0x4] =	wrdreg $0x9  }
0xc0: {  	_ =	task.clear_ibuf [dreg:s22], $0x5FFFF;
	_ =	strace $0x90000049  }
0xc1: {  	s29 =	simm.s32 $0x9;
	_ =	strace $0x8000004B  }
0xc2: {  	_ =	swait.ge [sflag:s29], $0x1  }
0xc3: {  	[sflag:s29] =	ssyncadd.s32 $0xFFFFFFFF  }
0xc4: {  	_ =	strace $0x9000004B  }
0xc5: {  	_ =	sfence  }
0xc6: {  	s30 =	sld [smem:$0x0];
	_ =	sdelay $0x2  }
0xc7: {  	s31 =	sshll.u32 s1, $0xD;
	s1 =	sshrl.u32 s1, $0x2  }
0xc8: {  	s4 =	sand.u32 $0x4000, s31;
	s1 =	sadd.s32 s1, s30  }
0xc9: {  	s0 =	sor.u32 s4, s0;
	s1 =	sshll.u32 s1, $0x11  }
0xca: {  	s0 =	sor.u32 s1, s0  }
0xcb: {  	s0 =	sadd.s32 $0x8F2B, s0  }
0xcc: {  	[sflag:s0] =	ssyncadd.remote.s32 $0x1  }
0xcd: {  	_ =	sfence.sel $0xFFFF  }
0xce: {  	[dreg:$0x0] =	wrdreg $0xFFFFFFFF;
	(pc) =	sbr.abs _section_cstart, $3  }
0xcf: {  	[dreg:$0x1] =	wrdreg $0xFFFFFFFF  }
0xd0: {  	_ =	task.clear_ibuf [dreg:s22], $0x2FFFF;
	_ =	strace $0x9FFFFFFF  }
0xd1: {  	(tm) =	ssettm $0x7FFFFFFF  }
tec
execute0_lowered:
.L_overlay_start_1:
0x0: {  	(tag) =	ssettag $0x1  }
0x1: {  	s0 =	rddreg [dreg:$0x0];
	s1 =	srdreg.scid  }
0x2: {  	s12 =	stileid.u32;
	s2 =	rddreg [dreg:$0x1];
	s3 =	simm.s32 $0x0  }
0x3: {  	s18 =	simm.s32 $0xFA0;
	s19 =	simm.s32 $0x4;
	s4 =	smul.u32 $0x18700, s12  }
0x4: {  	s20 =	simm.s32 $0x3E8;
	s21 =	simm.s32 $0x1;
	s7 =	smul.u32 $0x61C00, s12  }
0x5: {  	s1 =	sand.u32 $0x1, s1;
	[smem:$0x7FF] =	sst s3;
	s13 =	smul.u32 $0xC350, s12  }
0x6: {  	s17 =	sadd.s32 $0x38E00, s0;
	s5 =	smul.u32 $0x187000, s1;
	_ =	strace $0x8000004A  }
0x7: {  	s6 =	ssub.s32 $0x2, s1;
	s26 =	sshll.u32 s1, $0x4;
	s1 =	smul.u32 $0xC3500, s1  }
0x8: {  	s24 =	sshrl.u32 s6, $0x1;
	s25 =	sshrl.u32 s7, $0x2;
	s28 =	sor.u32 s12, s26  }
0x9: {  	s26 =	simm.s32 $0x0;
	s5 =	sadd.s32 s4, s5;
	s14 =	ssub.s32 s6, s24  }
0xa: {  	s4 =	sadd.s32 s4, s2;
	s10 =	sadd.s32 s25, s2;
	s15 =	smul.u32 $0xC350, s28  }
0xb: {  	s1 =	sadd.s32 s13, s1;
	s24 =	simm.s32 $0x2;
	s25 =	simm.s32 $0x3  }
0xc: {  	s5 =	sshrl.u32 s5, $0x3;
	s29 =	sadd.s32 $0x7D00, s10;
	s7 =	sadd.s32 $0xBB80, s10  }
0xd: {  	s8 =	sadd.s32 $0xFA00, s10;
	s9 =	sadd.s32 $0x13880, s10;
	s1 =	sadd.s32 $0xFA0, s1  }
0xe: {  	s14 =	smax.u32 s14, $0x1;
	s0 =	sadd.s32 s5, s0;
	s5 =	sadd.s32 $0x3E80, s10  }
0xf: {  	[dreg:$0x4] =	wrdreg s29;
	s11 =	sadd.s32 $0x3E8, s15;
	s10 =	sadd.s32 $0x17700, s10  }
0x10: {  	s30 =	sshrl.u32 s15, $0x3;
	s31 =	sadd.s32 $0xBB8, s15;
	s1 =	sshrl.u32 s1, $0x3  }
0x11: {  	[dreg:$0x3] =	wrdreg s5;
	s16 =	sshrl.u32 s11, $0x3;
	s11 =	sadd.s32 s17, s30  }
0x12: {  	s13 =	sadd.s32 $0xFC600, s0;
	s0 =	sshrl.u32 s31, $0x3;
	s1 =	sadd.s32 s1, s17  }
0x13: {  	v0 =	vimm.f32 $0.0e+00;
	v1 =	vimm.f32 $1.000000000e+00;
	s12 =	sadd.s32 s17, s16;
	s15 =	sadd.s32 $0xFA, s11;
	s16 =	sadd.s32 s17, s0  }
.LBB2_1:
0x14: {  	s0 =	simm.s32 $0x40;
	s17 =	simm.s32 $0x0  }
.LBB2_2:
0x15: {  	p0 =	sne.s32 s0, $0xF9C0;
	[tilespmem:s17+$0xFA0] =	vst v0;
	s17 =	smov.u32 s0;
	s0 =	sadd.s32 $0x40, s0  }
.Ltmp0:
0x16: {  	(pc) =	sbr.rel @p0 .LBB2_2-.Ltmp0, $2  }
0x17: {  	_ =	sdelay $0x2  }
0x18: {  	s17 =	sshra.s32 s17, $0x2  }
0x19: {  	[tilespmem:s17+$0xFA0] =	vst v0  }
0x1a: {  	[spmem:s4] =	stream.linear.scatter [tilespmem:s18], [sflag:$0x4], $0x3E80, $0x38;
	[tilespmem:$0x1D520] =	vst v63  }
0x1b: {  	_ =	swait.ge [sflag:s19], $0x3E80  }
0x1c: {  	[sflag:s19] =	ssyncset.done $0x0  }
0x1d: {  	s0 =	rddreg [dreg:$0x3];
	[sflag:s19] =	ssyncadd.s32 $0xFFFFC180  }
0x1e: {  	[spmem:s0] =	stream.linear.scatter [tilespmem:s18], [sflag:$0x4], $0x3E80, $0x38;
	[tilespmem:$0x1D520] =	vst v63  }
0x1f: {  	_ =	swait.ge [sflag:s19], $0x3E80  }
0x20: {  	[sflag:s19] =	ssyncset.done $0x0  }
0x21: {  	s31 =	rddreg [dreg:$0x4];
	[sflag:s19] =	ssyncadd.s32 $0xFFFFC180  }
0x22: {  	[spmem:s31] =	stream.linear.scatter [tilespmem:s18], [sflag:$0x4], $0x3E80, $0x38;
	[tilespmem:$0x1D520] =	vst v63  }
0x23: {  	_ =	swait.ge [sflag:s19], $0x3E80  }
0x24: {  	[sflag:s19] =	ssyncset.done $0x0  }
0x25: {  	[sflag:s19] =	ssyncadd.s32 $0xFFFFC180  }
0x26: {  	[spmem:s7] =	stream.linear.scatter [tilespmem:s18], [sflag:$0x4], $0x3E80, $0x38;
	[tilespmem:$0x1D520] =	vst v63  }
0x27: {  	_ =	swait.ge [sflag:s19], $0x3E80  }
0x28: {  	[sflag:s19] =	ssyncset.done $0x0  }
0x29: {  	[sflag:s19] =	ssyncadd.s32 $0xFFFFC180  }
0x2a: {  	[spmem:s8] =	stream.linear.scatter [tilespmem:s18], [sflag:$0x4], $0x3E80, $0x38;
	[tilespmem:$0x1D520] =	vst v63  }
0x2b: {  	_ =	swait.ge [sflag:s19], $0x3E80  }
0x2c: {  	[sflag:s19] =	ssyncset.done $0x0  }
0x2d: {  	[sflag:s19] =	ssyncadd.s32 $0xFFFFC180  }
0x2e: {  	[spmem:s9] =	stream.linear.scatter [tilespmem:s18], [sflag:$0x4], $0x3E80, $0x38;
	[tilespmem:$0x1D520] =	vst v63  }
0x2f: {  	_ =	swait.ge [sflag:s19], $0x3E80  }
0x30: {  	[sflag:s19] =	ssyncset.done $0x0  }
0x31: {  	[sflag:s19] =	ssyncadd.s32 $0xFFFFC180  }
0x32: {  	[spmem:s10] =	stream.linear.scatter [tilespmem:s18], [sflag:$0x4], $0x1000, $0x38;
	[tilespmem:$0x1D520] =	vst v63  }
0x33: {  	_ =	swait.ge [sflag:s19], $0x1000  }
0x34: {  	[sflag:s19] =	ssyncset.done $0x0  }
0x35: {  	s17 =	simm.s32 $0x0;
	s0 =	simm.s32 $0x40;
	[sflag:s19] =	ssyncadd.s32 $0xFFFFF000  }
.LBB2_4:
0x36: {  	p0 =	sne.s32 s0, $0xF9C0;
	[tilespmem:s17+$0xFA0] =	vst v1;
	s17 =	smov.u32 s0;
	s0 =	sadd.s32 $0x40, s0  }
.Ltmp1:
0x37: {  	(pc) =	sbr.rel @p0 .LBB2_4-.Ltmp1, $2  }
0x38: {  	_ =	sdelay $0x2  }
0x39: {  	s17 =	sshra.s32 s17, $0x2  }
0x3a: {  	[tilespmem:s17+$0xFA0] =	vst v1  }
0x3b: {  	[bflag:$0x0] =	sbarrier.arrive $0xFFFF  }
0x3c: {  	[tilespmem:s3], [sflag:$0x1] =	stream.linear.gather [hbm4b:s11+s3], $0x3E8, $0x38;
	[tilespmem:$0x1D520] =	vst v63  }
0x3d: {  	_ = 	snop  }
0x3e: {  	[tilespmem:s20], [sflag:$0x1] =	stream.linear.gather [hbm4b:s12+s3], $0x3E8, $0x38;
	[tilespmem:$0x1D520] =	vst v63  }
0x3f: {  	_ =	swait.ge [sflag:s21], $0x3E8  }
0x40: {  	[sflag:s21] =	ssyncset.done $0x0  }
0x41: {  	[sflag:s21] =	ssyncadd.s32 $0xFFFFFC18  }
0x42: {  	[spmem:s2] =	stream.indirect.scatter.add.f32 [tilespmem:s18], [sflag:$0x2], $0x10, s3, s20, $0xb8;
	[tilespmem:$0x1D520] =	vst v63  }
0x43: {  	s0 =	simm.s32 $0x7D0  }
0x44: {  	[tilespmem:s0], [sflag:$0x1] =	stream.linear.gather [hbm4b:s15+s3], $0x3E8, $0x38;
	[tilespmem:$0x1D520] =	vst v63  }
0x45: {  	_ =	swait.ge [sflag:s21], $0x3E8  }
0x46: {  	[sflag:s21] =	ssyncset.done $0x0  }
0x47: {  	s22 =	simm.s32 $0x2;
	[sflag:s21] =	ssyncadd.s32 $0xFFFFFC18  }
0x48: {  	[spmem:s2] =	stream.indirect.scatter.add.f32 [tilespmem:s18], [sflag:$0x3], $0x10, s20, s20, $0xb8;
	[tilespmem:$0x1D520] =	vst v63  }
0x49: {  	s17 =	simm.s32 $0xBB8;
	s23 =	sand.u32 $0x1, s22  }
0x4a: {  	[tilespmem:s17], [sflag:$0x1] =	stream.linear.gather [hbm4b:s16+s3], $0x3E8, $0x38;
	[tilespmem:$0x1D520] =	vst v63  }
0x4b: {  	s17 =	sor.u32 $0x2, s23  }
0x4c: {  	_ =	swait.ge [sflag:s17], $0x3E80  }
0x4d: {  	[sflag:s17] =	ssyncset.done $0x0  }
0x4e: {  	s0 =	sand.u32 $0x3, s22;
	[sflag:s17] =	ssyncadd.s32 $0xFFFFC180  }
0x4f: {  	s29 =	simm.s32 $0x5;
	s0 =	smul.u32 $0xFA0, s0;
	_ =	swait.ge [sflag:s21], $0x3E8  }
0x50: {  	p0 =	por $0x0, $0x0;
	s31 =	simm.s32 $0x6;
	[sflag:s21] =	ssyncset.done $0x0  }
0x51: {  	s22 =	simm.s32 $0x4;
	s0 =	sshrl.u32 s0, $0x2;
	[sflag:s21] =	ssyncadd.s32 $0xFFFFFC18  }
0x52: {  	[spmem:s2] =	stream.indirect.scatter.add.f32 [tilespmem:s18], [sflag:s17], $0x10, s0, s20, $0xb8;
	[tilespmem:$0x1D520] =	vst v63  }
0x53: {  	s28 =	sadd.s32 $0x7D, s1;
	s30 =	simm.s32 $0x3;
	s17 =	sand.u32 @!p0 $0x3, s22  }
0x54: {  	s0 =	simm.s32 @!p0 $0x0;
	s22 =	smul.u32 @!p0 $0xFA0, s17;
	s17 =	smov.u32 s1  }
.LBB2_6:
0x55: {  	s23 =	sand.u32 $0x1, s30;
	s5 =	sand.u32 $0x3, s30  }
0x56: {  	s22 =	sshrl.u32 @!p0 s22, $0x2;
	s6 =	smov.u32 s29;
	s29 =	smov.u32 s31  }
0x57: {  	s31 =	sadd.s32 $0x1, s31;
	s23 =	sor.u32 $0x2, s23;
	s5 =	smul.u32 $0xFA0, s5  }
0x58: {  	[tilespmem:s22], [sflag:$0x1] =	stream.linear.gather @!p0 [hbm4b:s17+s0], $0x3E8, $0x38;
	[tilespmem:$0x1D520] =	vst v63  }
0x59: {  	p1 =	sne.s32 s31, $0x34;
	s17 =	smov.u32 s28;
	_ =	swait.ge [sflag:s23], $0x3E80  }
0x5a: {  	[sflag:s23] =	ssyncset.done $0x0  }
.Ltmp2:
0x5b: {  	s28 =	sadd.s32 $0x7D, s28;
	[sflag:s23] =	ssyncadd.s32 $0xFFFFC180;
	(pc) =	sbr.rel @p1 .LBB2_6-.Ltmp2, $4  }
0x5c: {  	p0 =	sgt.u32 s30, $0x2F;
	s5 =	sshrl.u32 s5, $0x2;
	_ =	swait.ge [sflag:s21], $0x3E8  }
0x5d: {  	s6 =	sand.u32 @!p0 $0x3, s6;
	s0 =	simm.s32 @!p0 $0x0;
	[sflag:s21] =	ssyncset.done $0x0  }
0x5e: {  	s30 =	sadd.s32 $0xFFFFFFFE, s29;
	s22 =	smul.u32 @!p0 $0xFA0, s6;
	[sflag:s21] =	ssyncadd.s32 $0xFFFFFC18  }
0x5f: {  	[spmem:s2] =	stream.indirect.scatter.add.f32 [tilespmem:s18], [sflag:s23], $0x10, s5, s20, $0xb8;
	[tilespmem:$0x1D520] =	vst v63  }
0x60: {  	s5 =	sand.u32 $0x1, s30  }
0x61: {  	s6 =	sshrl.u32 @!p0 s22, $0x2;
	s5 =	sor.u32 $0x2, s5  }
0x62: {  	[tilespmem:s6], [sflag:$0x1] =	stream.linear.gather @!p0 [hbm4b:s17+s0], $0x3E8, $0x38;
	[tilespmem:$0x1D520] =	vst v63  }
0x63: {  	_ =	swait.ge [sflag:s5], $0x3E80  }
0x64: {  	[sflag:s5] =	ssyncset.done $0x0  }
0x65: {  	s23 =	sand.u32 $0x3, s30;
	[sflag:s5] =	ssyncadd.s32 $0xFFFFC180  }
0x66: {  	s0 =	smul.u32 $0xFA0, s23;
	p0 =	sgt.u32 s30, $0x2F;
	_ =	swait.ge [sflag:s21], $0x3E8  }
0x67: {  	s6 =	sand.u32 @!p0 $0x3, s29;
	[sflag:s21] =	ssyncset.done $0x0  }
0x68: {  	s0 =	sshrl.u32 s0, $0x2;
	s6 =	smul.u32 @!p0 $0xFA0, s6;
	[sflag:s21] =	ssyncadd.s32 $0xFFFFFC18  }
0x69: {  	[spmem:s2] =	stream.indirect.scatter.add.f32 [tilespmem:s18], [sflag:s5], $0x10, s0, s20, $0xb8;
	[tilespmem:$0x1D520] =	vst v63  }
0x6a: {  	s0 =	simm.s32 @!p0 $0x0;
	s5 =	sshrl.u32 @!p0 s6, $0x2  }
0x6b: {  	[tilespmem:s5], [sflag:$0x1] =	stream.linear.gather @!p0 [hbm4b:s28+s0], $0x3E8, $0x38;
	[tilespmem:$0x1D520] =	vst v63  }
0x6c: {  	_ =	swait.ge [sflag:s24], $0x3E80  }
0x6d: {  	[sflag:s24] =	ssyncset.done $0x0  }
0x6e: {  	[sflag:s24] =	ssyncadd.s32 $0xFFFFC180  }
0x6f: {  	s31 =	sshrl.u32 s4, $0x3;
	_ =	swait.ge [sflag:s25], $0x3E80  }
0x70: {  	s26 =	sadd.s32 $0x1, s26;
	s30 =	stileid.u32;
	[sflag:s25] =	ssyncset.done $0x0  }
0x71: {  	s0 =	sshll.u32 s30, $0x6;
	p0 =	sne.s32 s26, s14;
	[sflag:s25] =	ssyncadd.s32 $0xFFFFC180  }
.Ltmp3:
0x72: {  	s0 =	sor.u32 $0x1C04, s0;
	[bflag:$0x0] =	sbarrier.arrive $0xFFFF;
	(pc) =	sbr.rel @p0 .LBB2_1-.Ltmp3, $4  }
0x73: {  	[hbm:s13], [sflag:s0] =	dma.local [spmem:s31], $0x30E0  }
0x74: {  	_ =	swait.ge [sflag:s19], $0x30E0  }
0x75: {  	[sflag:s19] =	ssyncset.done $0x0  }
0x76: {  	[sflag:s19] =	ssyncadd.s32 $0xFFFFCF20  }
0x77: {  	_ =	sfence.sel $0x180000  }
0x78: {  	[bflag:$0x0] =	sbarrier.arrive $0xFFFF  }
0x79: {  	_ =	strace $0x9000004A  }
0x7a: {  	s0 =	stileid.u32;
	[bflag:$0x2] =	sbarrier.arrive $0xFFFF  }
0x7b: {  	p0 =	sne.s32 s0, $0x0;
	s0 =	rddreg [dreg:$0x2]  }
0x7c: {  	s0 =	sadd.s32 @!p0 $0x100000, s0  }
0x7d: {  	[sflag:s0] =	ssyncadd.tile.s32 @!p0 $0x1;
	_ =	shalt  }
.Lfunc_end2:
_tile_overlayer_lowered:
.L_overlay_start_2:
0x7e: {  	(tag) =	ssettag $0x2  }
0x7f: {  	s0 =	rddreg [dreg:$0x0];
	s2 =	stileid.u32  }
0x80: {  	s1 =	rddreg [dreg:$0x1];
	p0 =	sne.s32 s2, $0x0  }
0x81: {  	s3 =	rddreg [dreg:$0x2];
	[bflag:$0x3] =	sbarrier.arrive $0xFFFF;
	s2 =	simm.s32 @!p0 $0x1C04  }
0x82: {  	[timem:s3], [sflag:s2] =	dma.local @!p0 [hbm:s0], s1  }
0x83: {  	s0 =	simm.s32 @!p0 $0x4  }
0x84: {  	_ =	swait.ge @!p0 [sflag:s0], s1  }
0x85: {  	s1 =	ssub.s32 @!p0 $0x0, s1;
	[sflag:s0] =	ssyncset.done @!p0 $0x0  }
0x86: {  	[sflag:s0] =	ssyncadd.s32 @!p0 s1  }
0x87: {  	[bflag:$0x3] =	sbarrier.arrive $0xFFFF  }
0x88: {  	_ =	shalt  }

</sc_bundles>
